<compile_context>
chip_gen: v7x
topology: tpu7x:2x2x1
jax: 0.10.2.dev20260603
libtpu: 0.0.44.dev20260713+nightly
codegen_flags: <defaults>
</compile_context>

<pallas_src>
import functools

import jax
import jax.numpy as jnp
from jax import lax
from jax.experimental import pallas as pl
from jax.experimental.pallas import tpu as pltpu
from jax.experimental.pallas import tpu_sc as plsc

N_NODES = 10000
N_EDGES = 160000
CH = 256
N_REL = 8
N_BASES = 2

NC, NS = 2, 16
NW = NC * NS
E_PAD = 163840
EBLK = 1280
N_EBLK = E_PAD // EBLK
CHUNK = 64
LCAP = EBLK + 2 * CHUNK + 16
OWN = 320
ACC_ROWS = 328
LAST_OWN = N_NODES - (NW - 1) * OWN

ROW_BLK = 1000


def _mm_kernel(x_ref, sw_ref, bases_ref, bw_ref, self_ref, u_ref):
    xb = x_ref[...]
    self_ref[...] = jnp.dot(xb, sw_ref[...], preferred_element_type=jnp.float32)
    b0 = bases_ref[0]
    b1 = bases_ref[1]
    for r in range(N_REL):
        wr = bw_ref[r, 0] * b0 + bw_ref[r, 1] * b1
        u_ref[:, r, :] = jnp.dot(xb, wr, preferred_element_type=jnp.float32)


def _transform(x, self_weight, bases, base_weights):
    grid = N_NODES // ROW_BLK
    return pl.pallas_call(
        _mm_kernel,
        grid=(grid,),
        in_specs=[
            pl.BlockSpec((ROW_BLK, CH), lambda i: (i, 0)),
            pl.BlockSpec((CH, CH), lambda i: (0, 0)),
            pl.BlockSpec((N_BASES, CH, CH), lambda i: (0, 0, 0)),
            pl.BlockSpec(memory_space=pltpu.SMEM),
        ],
        out_specs=[
            pl.BlockSpec((ROW_BLK, CH), lambda i: (i, 0)),
            pl.BlockSpec((ROW_BLK, N_REL, CH), lambda i: (i, 0, 0)),
        ],
        out_shape=[
            jax.ShapeDtypeStruct((N_NODES, CH), jnp.float32),
            jax.ShapeDtypeStruct((N_NODES, N_REL, CH), jnp.float32),
        ],
    )(x, self_weight, bases, base_weights)


def _sc_body(u_hbm, self_hbm, src_hbm, dst_hbm, et_hbm, out_hbm,
             src_a, dst_a, et_a, src_b, dst_b, et_b, gl_v, ll_v,
             row_a, row_b, sem_a, sem_b, sem_c, sem_d, acc):
    w = lax.axis_index("c") * NS + lax.axis_index("s")
    row0 = w * OWN
    lane = lax.iota(jnp.int32, 16)

    @pl.when(w < NW - 1)
    def _seed():
        pltpu.sync_copy(self_hbm.at[pl.ds(row0, OWN)], acc.at[pl.ds(0, OWN)])

    @pl.when(w == NW - 1)
    def _seed_last():
        pltpu.sync_copy(self_hbm.at[pl.ds((NW - 1) * OWN, LAST_OWN)],
                        acc.at[pl.ds(0, LAST_OWN)])

    def _gather(j, buf, s):
        pltpu.async_copy(u_hbm.at[gl_v.at[pl.ds(j * CHUNK, CHUNK)]], buf, s)

    def _wait(buf, s):
        pltpu.make_async_copy(u_hbm.at[gl_v.at[pl.ds(0, CHUNK)]], buf, s).wait()

    def _accum(j, buf, nrows):
        def _row(i, _):
            r = ll_v[pl.ds(j * CHUNK + i, 16)][0]
            for k2 in range(CH // 16):
                sl = pl.ds(k2 * 16, 16)
                acc[r, sl] = acc[r, sl] + buf[i, sl]
            return _

        lax.fori_loop(0, nrows, _row, None)

    def _shift(off, length):
        def _mv(t, _):
            gl_v[pl.ds(t * 16, 16)] = gl_v[pl.ds(t * 16 + off, 16)]
            ll_v[pl.ds(t * 16, 16)] = ll_v[pl.ds(t * 16 + off, 16)]
            return _

        lax.fori_loop(0, (length + 15) // 16, _mv, None)

    def _stage(b, sv, dv, ev, s):
        base = b * EBLK
        pltpu.async_copy(src_hbm.at[pl.ds(base, EBLK)], sv, s)
        pltpu.async_copy(dst_hbm.at[pl.ds(base, EBLK)], dv, s)
        pltpu.async_copy(et_hbm.at[pl.ds(base, EBLK)], ev, s)

    def _wait_stage(sv, dv, ev, s):
        pltpu.make_async_copy(src_hbm.at[pl.ds(0, EBLK)], sv, s).wait()
        pltpu.make_async_copy(dst_hbm.at[pl.ds(0, EBLK)], dv, s).wait()
        pltpu.make_async_copy(et_hbm.at[pl.ds(0, EBLK)], ev, s).wait()

    def _process(sv, dv, ev, state):
        cnt, pend = state

        def _compact(i, pos):
            for u in range(2):
                off = i * 32 + u * 16
                s16 = sv[pl.ds(off, 16)]
                e16 = ev[pl.ds(off, 16)]
                d16 = dv[pl.ds(off, 16)]
                ld = d16 - row0
                ok = (ld >= 0) & (ld < OWN)
                plsc.store_compressed(gl_v.at[pl.ds(pos, 16)],
                                      s16 * N_REL + e16, mask=ok)
                plsc.store_compressed(ll_v.at[pl.ds(pos, 16)], ld, mask=ok)
                pos = pos + plsc.all_reduce_population_count(ok)[0]
            return pos

        cnt2 = lax.fori_loop(0, EBLK // 32, _compact, cnt)

        @pl.when(pend == 1)
        def _consume():
            _wait(row_a, sem_a)
            _accum(0, row_a, CHUNK)
            _shift(CHUNK, cnt2 - CHUNK)

        cnt3 = cnt2 - pend * CHUNK

        def _drain(s):
            c = s
            _gather(0, row_b, sem_b)
            _wait(row_b, sem_b)
            _accum(0, row_b, CHUNK)
            _shift(CHUNK, c - CHUNK)
            return c - CHUNK

        cnt4 = lax.while_loop(lambda c: c >= 2 * CHUNK, _drain, cnt3)

        newpend = (cnt4 >= CHUNK).astype(jnp.int32)

        @pl.when(newpend == 1)
        def _fire():
            _gather(0, row_a, sem_a)

        return cnt4, newpend

    _stage(0, src_a, dst_a, et_a, sem_c)

    def _block_pair(q, state):
        b0 = 2 * q
        _stage(b0 + 1, src_b, dst_b, et_b, sem_d)
        _wait_stage(src_a, dst_a, et_a, sem_c)
        state = _process(src_a, dst_a, et_a, state)

        @pl.when(q < N_EBLK // 2 - 1)
        def _next():
            _stage(b0 + 2, src_a, dst_a, et_a, sem_c)

        _wait_stage(src_b, dst_b, et_b, sem_d)
        state = _process(src_b, dst_b, et_b, state)
        return state

    cnt_f, pend_f = lax.fori_loop(0, N_EBLK // 2, _block_pair,
                                  (jnp.int32(0), jnp.int32(0)))

    @pl.when(pend_f == 1)
    def _consume_last():
        _wait(row_a, sem_a)
        _accum(0, row_a, CHUNK)
        _shift(CHUNK, cnt_f - CHUNK)

    rest = cnt_f - pend_f * CHUNK

    @pl.when(rest > 0)
    def _flush():
        for t in range(CHUNK // 16):
            gl_v[pl.ds(rest + t * 16, 16)] = lane * 64 + t * 16
        _gather(0, row_a, sem_a)
        _wait(row_a, sem_a)
        _accum(0, row_a, rest)

    @pl.when(w < NW - 1)
    def _out():
        pltpu.sync_copy(acc.at[pl.ds(0, OWN)], out_hbm.at[pl.ds(row0, OWN)])

    @pl.when(w == NW - 1)
    def _out_last():
        pltpu.sync_copy(acc.at[pl.ds(0, LAST_OWN)],
                        out_hbm.at[pl.ds((NW - 1) * OWN, LAST_OWN)])


_sc_kernel = functools.partial(
    pl.kernel,
    out_type=jax.ShapeDtypeStruct((N_NODES, CH), jnp.float32),
    mesh=plsc.VectorSubcoreMesh(core_axis_name="c", subcore_axis_name="s",
                                num_cores=NC, num_subcores=NS),
    compiler_params=pltpu.CompilerParams(needs_layout_passes=False),
    scratch_types=[
        pltpu.VMEM((EBLK,), jnp.int32),
        pltpu.VMEM((EBLK,), jnp.int32),
        pltpu.VMEM((EBLK,), jnp.int32),
        pltpu.VMEM((EBLK,), jnp.int32),
        pltpu.VMEM((EBLK,), jnp.int32),
        pltpu.VMEM((EBLK,), jnp.int32),
        pltpu.VMEM((LCAP,), jnp.int32),
        pltpu.VMEM((LCAP,), jnp.int32),
        pltpu.VMEM((CHUNK, CH), jnp.float32),
        pltpu.VMEM((CHUNK, CH), jnp.float32),
        pltpu.SemaphoreType.DMA,
        pltpu.SemaphoreType.DMA,
        pltpu.SemaphoreType.DMA,
        pltpu.SemaphoreType.DMA,
        pltpu.VMEM((ACC_ROWS, CH), jnp.float32),
    ],
)(_sc_body)


def kernel(x, edge_idx, edge_type, self_weight, bases, base_weights):
    self_out, u3 = _transform(x, self_weight, bases, base_weights)
    u = u3.reshape(N_NODES * N_REL, CH)

    src = edge_idx[0].astype(jnp.int32)
    dst = edge_idx[1].astype(jnp.int32)
    et = edge_type.astype(jnp.int32)
    npad = E_PAD - N_EDGES
    pad_src = (jnp.arange(npad, dtype=jnp.int32) * 13) % N_NODES
    src_p = jnp.concatenate([src, pad_src])
    dst_p = jnp.concatenate([dst, jnp.full((npad,), N_NODES, jnp.int32)])
    et_p = jnp.concatenate([et, jnp.zeros((npad,), jnp.int32)])

    return _sc_kernel(u, self_out, src_p, dst_p, et_p)

# --- scband reference (transcript-rebuilt; emitter-appended) ---
"""Pipeline reference for scband-fast-rgcnconv-33500744909322 (READ-ONLY COPY).

The authoritative reference and input builder live on the scoring server;
editing this copy changes nothing except your own understanding.
"""

import jax, jax.numpy as jnp
import numpy as np

N_NODES = 10000
N_EDGES = 160000
IN_CH = 256
OUT_CH = 256
N_REL = 8
N_BASES = 2


def setup_inputs(seed: int = 0) -> dict:
    key = jax.random.key(seed)
    k_x, k_ei, k_et, k_sw, k_b, k_bw = jax.random.split(key, 6)
    x = jax.random.normal(k_x, (N_NODES, IN_CH), dtype=jnp.float32)
    edge_idx = jax.random.randint(k_ei, (2, N_EDGES), 0, N_NODES, dtype=jnp.int64 if jax.config.jax_enable_x64 else jnp.int32)
    edge_type = jax.random.randint(k_et, (N_EDGES,), 0, N_REL, dtype=jnp.int64 if jax.config.jax_enable_x64 else jnp.int32)
    he = jax.nn.initializers.he_normal()
    glorot = jax.nn.initializers.glorot_uniform()
    self_weight = he(k_sw, (IN_CH, OUT_CH), jnp.float32)
    bases = glorot(k_b, (N_BASES, IN_CH, OUT_CH))
    base_weights = glorot(k_bw, (N_REL, N_BASES))
    return {"x": x, "edge_idx": edge_idx, "edge_type": edge_type,
            "self_weight": self_weight, "bases": bases, "base_weights": base_weights}


def reference(x, edge_idx, edge_type, self_weight, bases, base_weights):
    # self transform (x @ W_self)
    out = jnp.matmul(x, self_weight)

    src = edge_idx[0, :]
    dst = edge_idx[1, :]

    def work_relation(rel, state):
        rel_mask = (edge_type == rel)
        gathered = x[src]  # [E, in]
        masked = jnp.where(rel_mask[:, None], gathered, 0.0)
        scattered_to = jnp.zeros_like(x).at[dst].add(masked)  # [N, in]
        # basis-decomposed relation weight: W_rel = sum_b a[rel,b] * bases[b]
        w_rel = jnp.einsum('b,bio->io', base_weights[rel], bases)
        return state + jnp.matmul(scattered_to, w_rel)

    acc_dtype = jnp.result_type(x.dtype, base_weights.dtype, bases.dtype)
    rel_out = jax.lax.fori_loop(0, N_REL, work_relation,
                                jnp.zeros((x.shape[0], OUT_CH), dtype=acc_dtype))
    return out + rel_out

if __name__ == "__main__":
    import jax
    _d = setup_inputs()
    print(jax.jit(kernel)(*tuple(_d.values())))

</pallas_src>

<mosaic_0001>
#map = affine_map<(d0, d1) -> (0, 0)>
#map1 = affine_map<(d0, d1) -> (0)>
module attributes {stable_mosaic.version = 14 : i64} {
  func.func @_sc_body(%arg0: i32, %arg1: i32, %arg2: memref<80000x256xf32, #tpu.memory_space<hbm>>, %arg3: memref<10000x256xf32, #tpu.memory_space<hbm>>, %arg4: memref<163840xi32, #tpu.memory_space<hbm>>, %arg5: memref<163840xi32, #tpu.memory_space<hbm>>, %arg6: memref<163840xi32, #tpu.memory_space<hbm>>, %arg7: memref<10000x256xf32, #tpu.memory_space<hbm>>, %arg8: memref<1280xi32, #tpu.memory_space<vmem>>, %arg9: memref<1280xi32, #tpu.memory_space<vmem>>, %arg10: memref<1280xi32, #tpu.memory_space<vmem>>, %arg11: memref<1280xi32, #tpu.memory_space<vmem>>, %arg12: memref<1280xi32, #tpu.memory_space<vmem>>, %arg13: memref<1280xi32, #tpu.memory_space<vmem>>, %arg14: memref<1424xi32, #tpu.memory_space<vmem>>, %arg15: memref<1424xi32, #tpu.memory_space<vmem>>, %arg16: memref<64x256xf32, #tpu.memory_space<vmem>>, %arg17: memref<64x256xf32, #tpu.memory_space<vmem>>, %arg18: memref<!tpu.dma_semaphore, #tpu.memory_space<semaphore_mem>>, %arg19: memref<!tpu.dma_semaphore, #tpu.memory_space<semaphore_mem>>, %arg20: memref<!tpu.dma_semaphore, #tpu.memory_space<semaphore_mem>>, %arg21: memref<!tpu.dma_semaphore, #tpu.memory_space<semaphore_mem>>, %arg22: memref<328x256xf32, #tpu.memory_space<vmem>>) attributes {dimension_semantics = [#tpu.dimension_semantics<core_parallel>, #tpu.dimension_semantics<subcore_parallel>], iteration_bounds = array<i64: 2, 16>, scalar_prefetch = 0 : i64, scratch_operands = 15 : i64, tpu.core_type = #tpu.core_type<sc_vector_subcore>, window_params = [{transform_indices = #map}, {transform_indices = #map}, {transform_indices = #map1}, {transform_indices = #map1}, {transform_indices = #map1}, {transform_indices = #map}]} {
    %mul3A = arith.constant 16 : i32
    %mul3A_0 = arith.muli %arg0, %mul3A : i32
    %add3A = arith.addi %mul3A_0, %arg1 : i32
    %mul3A_1 = arith.constant 320 : i32
    %mul3A_2 = arith.muli %add3A, %mul3A_1 : i32
    %iota3A = tpu.iota {dimensions = array<i32: 0>} : vector<16xi32>
    %lt3A = arith.constant 31 : i32
    %lt3A_3 = arith.cmpi slt, %add3A, %lt3A : i32
    %convert_element_type3A = arith.extui %lt3A_3 : i1 to i32
    %cond3A = arith.constant 0 : i32
    %cond3A_4 = arith.cmpi ne, %convert_element_type3A, %cond3A : i32
    scf.if %cond3A_4 {
      "tpu.region"() ({
        %run_scoped3A = tpu.sem_alloc : memref<!tpu.dma_semaphore, #tpu.memory_space<semaphore_mem>>
        %dma_start3A_48 = arith.constant 0 : i32
        %dma_start3A_49 = arith.constant 0 : i32
        %dma_start3A_50 = tpu.memref_slice %arg22[%dma_start3A_48, %dma_start3A_49] : memref<328x256xf32, #tpu.memory_space<vmem>> -> memref<320x256xf32, #tpu.memory_space<vmem>>
        %dma_start3A_51 = arith.constant 0 : i32
        %dma_start3A_52 = tpu.memref_slice %arg3[%mul3A_2, %dma_start3A_51] : memref<10000x256xf32, #tpu.memory_space<hbm>> -> memref<320x256xf32, #tpu.memory_space<hbm>>
        %dma_start3A_53 = arith.constant 0 : i32
        %dma_start3A_54 = arith.constant 0 : i32
        %dma_start3A_55 = tpu.memref_slice %arg22[%dma_start3A_53, %dma_start3A_54] : memref<328x256xf32, #tpu.memory_space<vmem>> -> memref<320x256xf32, #tpu.memory_space<vmem>>
        %dma_start3A_56 = arith.constant 0 : i32
        %dma_start3A_57 = tpu.memref_slice %arg3[%mul3A_2, %dma_start3A_56] : memref<10000x256xf32, #tpu.memory_space<hbm>> -> memref<320x256xf32, #tpu.memory_space<hbm>>
        tpu.enqueue_dma source(%dma_start3A_57 : memref<320x256xf32, #tpu.memory_space<hbm>>) target(%dma_start3A_55 : memref<320x256xf32, #tpu.memory_space<vmem>>) target_semaphore(%run_scoped3A : memref<!tpu.dma_semaphore, #tpu.memory_space<semaphore_mem>>)
        %dma_wait3A = arith.constant 0 : i32
        %dma_wait3A_58 = arith.constant 0 : i32
        %dma_wait3A_59 = tpu.memref_slice %arg22[%dma_wait3A, %dma_wait3A_58] : memref<328x256xf32, #tpu.memory_space<vmem>> -> memref<320x256xf32, #tpu.memory_space<vmem>>
        %dma_wait3A_60 = arith.constant 0 : i32
        %dma_wait3A_61 = tpu.memref_slice %arg3[%mul3A_2, %dma_wait3A_60] : memref<10000x256xf32, #tpu.memory_space<hbm>> -> memref<320x256xf32, #tpu.memory_space<hbm>>
        %dma_wait3A_62 = arith.constant 0 : i32
        %dma_wait3A_63 = arith.constant 0 : i32
        %dma_wait3A_64 = tpu.memref_slice %arg22[%dma_wait3A_62, %dma_wait3A_63] : memref<328x256xf32, #tpu.memory_space<vmem>> -> memref<320x256xf32, #tpu.memory_space<vmem>>
        %dma_wait3A_65 = arith.constant 0 : i32
        %dma_wait3A_66 = tpu.memref_slice %arg3[%mul3A_2, %dma_wait3A_65] : memref<10000x256xf32, #tpu.memory_space<hbm>> -> memref<320x256xf32, #tpu.memory_space<hbm>>
        tpu.wait_dma2 semaphore(%run_scoped3A : memref<!tpu.dma_semaphore, #tpu.memory_space<semaphore_mem>>) src(%dma_wait3A_66 : memref<320x256xf32, #tpu.memory_space<hbm>>) dst(%dma_wait3A_64 : memref<320x256xf32, #tpu.memory_space<vmem>>)
        tpu.yield
      }) : () -> ()
    } else {
    }
    %eq3A = arith.constant 31 : i32
    %eq3A_5 = arith.cmpi eq, %add3A, %eq3A : i32
    %convert_element_type3A_6 = arith.extui %eq3A_5 : i1 to i32
    %cond3A_7 = arith.constant 0 : i32
    %cond3A_8 = arith.cmpi ne, %convert_element_type3A_6, %cond3A_7 : i32
    scf.if %cond3A_8 {
      "tpu.region"() ({
        %run_scoped3A = tpu.sem_alloc : memref<!tpu.dma_semaphore, #tpu.memory_space<semaphore_mem>>
        %dma_start3A_48 = arith.constant 0 : i32
        %dma_start3A_49 = arith.constant 0 : i32
        %dma_start3A_50 = tpu.memref_slice %arg22[%dma_start3A_48, %dma_start3A_49] : memref<328x256xf32, #tpu.memory_space<vmem>> -> memref<80x256xf32, #tpu.memory_space<vmem>>
        %dma_start3A_51 = arith.constant 9920 : i32
        %dma_start3A_52 = arith.constant 0 : i32
        %dma_start3A_53 = tpu.memref_slice %arg3[%dma_start3A_51, %dma_start3A_52] : memref<10000x256xf32, #tpu.memory_space<hbm>> -> memref<80x256xf32, #tpu.memory_space<hbm>>
        %dma_start3A_54 = arith.constant 0 : i32
        %dma_start3A_55 = arith.constant 0 : i32
        %dma_start3A_56 = tpu.memref_slice %arg22[%dma_start3A_54, %dma_start3A_55] : memref<328x256xf32, #tpu.memory_space<vmem>> -> memref<80x256xf32, #tpu.memory_space<vmem>>
        %dma_start3A_57 = arith.constant 9920 : i32
        %dma_start3A_58 = arith.constant 0 : i32
        %dma_start3A_59 = tpu.memref_slice %arg3[%dma_start3A_57, %dma_start3A_58] : memref<10000x256xf32, #tpu.memory_space<hbm>> -> memref<80x256xf32, #tpu.memory_space<hbm>>
        tpu.enqueue_dma source(%dma_start3A_59 : memref<80x256xf32, #tpu.memory_space<hbm>>) target(%dma_start3A_56 : memref<80x256xf32, #tpu.memory_space<vmem>>) target_semaphore(%run_scoped3A : memref<!tpu.dma_semaphore, #tpu.memory_space<semaphore_mem>>)
        %dma_wait3A = arith.constant 0 : i32
        %dma_wait3A_60 = arith.constant 0 : i32
        %dma_wait3A_61 = tpu.memref_slice %arg22[%dma_wait3A, %dma_wait3A_60] : memref<328x256xf32, #tpu.memory_space<vmem>> -> memref<80x256xf32, #tpu.memory_space<vmem>>
        %dma_wait3A_62 = arith.constant 9920 : i32
        %dma_wait3A_63 = arith.constant 0 : i32
        %dma_wait3A_64 = tpu.memref_slice %arg3[%dma_wait3A_62, %dma_wait3A_63] : memref<10000x256xf32, #tpu.memory_space<hbm>> -> memref<80x256xf32, #tpu.memory_space<hbm>>
        %dma_wait3A_65 = arith.constant 0 : i32
        %dma_wait3A_66 = arith.constant 0 : i32
        %dma_wait3A_67 = tpu.memref_slice %arg22[%dma_wait3A_65, %dma_wait3A_66] : memref<328x256xf32, #tpu.memory_space<vmem>> -> memref<80x256xf32, #tpu.memory_space<vmem>>
        %dma_wait3A_68 = arith.constant 9920 : i32
        %dma_wait3A_69 = arith.constant 0 : i32
        %dma_wait3A_70 = tpu.memref_slice %arg3[%dma_wait3A_68, %dma_wait3A_69] : memref<10000x256xf32, #tpu.memory_space<hbm>> -> memref<80x256xf32, #tpu.memory_space<hbm>>
        tpu.wait_dma2 semaphore(%run_scoped3A : memref<!tpu.dma_semaphore, #tpu.memory_space<semaphore_mem>>) src(%dma_wait3A_70 : memref<80x256xf32, #tpu.memory_space<hbm>>) dst(%dma_wait3A_67 : memref<80x256xf32, #tpu.memory_space<vmem>>)
        tpu.yield
      }) : () -> ()
    } else {
    }
    %dma_start3A = arith.constant 0 : i32
    %dma_start3A_9 = tpu.memref_slice %arg4[%dma_start3A] : memref<163840xi32, #tpu.memory_space<hbm>> -> memref<1280xi32, #tpu.memory_space<hbm>>
    %dma_start3A_10 = arith.constant 0 : i32
    %dma_start3A_11 = tpu.memref_slice %arg4[%dma_start3A_10] : memref<163840xi32, #tpu.memory_space<hbm>> -> memref<1280xi32, #tpu.memory_space<hbm>>
    tpu.enqueue_dma source(%dma_start3A_11 : memref<1280xi32, #tpu.memory_space<hbm>>) target(%arg8 : memref<1280xi32, #tpu.memory_space<vmem>>) target_semaphore(%arg20 : memref<!tpu.dma_semaphore, #tpu.memory_space<semaphore_mem>>)
    %dma_start3A_12 = arith.constant 0 : i32
    %dma_start3A_13 = tpu.memref_slice %arg5[%dma_start3A_12] : memref<163840xi32, #tpu.memory_space<hbm>> -> memref<1280xi32, #tpu.memory_space<hbm>>
    %dma_start3A_14 = arith.constant 0 : i32
    %dma_start3A_15 = tpu.memref_slice %arg5[%dma_start3A_14] : memref<163840xi32, #tpu.memory_space<hbm>> -> memref<1280xi32, #tpu.memory_space<hbm>>
    tpu.enqueue_dma source(%dma_start3A_15 : memref<1280xi32, #tpu.memory_space<hbm>>) target(%arg9 : memref<1280xi32, #tpu.memory_space<vmem>>) target_semaphore(%arg20 : memref<!tpu.dma_semaphore, #tpu.memory_space<semaphore_mem>>)
    %dma_start3A_16 = arith.constant 0 : i32
    %dma_start3A_17 = tpu.memref_slice %arg6[%dma_start3A_16] : memref<163840xi32, #tpu.memory_space<hbm>> -> memref<1280xi32, #tpu.memory_space<hbm>>
    %dma_start3A_18 = arith.constant 0 : i32
    %dma_start3A_19 = tpu.memref_slice %arg6[%dma_start3A_18] : memref<163840xi32, #tpu.memory_space<hbm>> -> memref<1280xi32, #tpu.memory_space<hbm>>
    tpu.enqueue_dma source(%dma_start3A_19 : memref<1280xi32, #tpu.memory_space<hbm>>) target(%arg10 : memref<1280xi32, #tpu.memory_space<vmem>>) target_semaphore(%arg20 : memref<!tpu.dma_semaphore, #tpu.memory_space<semaphore_mem>>)
    %scan3A = arith.constant 0 : i32
    %scan3A_20 = arith.constant 0 : i32
    %scan3A_21 = arith.constant 0 : i32
    %scan3A_22 = arith.constant 64 : i32
    %scan3A_23 = arith.addi %scan3A_21, %scan3A_22 : i32
    %scan3A_24 = arith.constant 1 : i32
    %scan3A_25:2 = scf.for %scan3A_48 = %scan3A_21 to %scan3A_23 step %scan3A_24 iter_args(%scan3A_49 = %scan3A, %scan3A_50 = %scan3A_20) -> (i32, i32)  : i32 {
      %mul3A_51 = arith.constant 2 : i32
      %mul3A_52 = arith.muli %mul3A_51, %scan3A_48 : i32
      %add3A_53 = arith.constant 1 : i32
      %add3A_54 = arith.addi %mul3A_52, %add3A_53 : i32
      %mul3A_55 = arith.constant 1280 : i32
      %mul3A_56 = arith.muli %add3A_54, %mul3A_55 : i32
      %dma_start3A_57 = tpu.memref_slice %arg4[%mul3A_56] : memref<163840xi32, #tpu.memory_space<hbm>> -> memref<1280xi32, #tpu.memory_space<hbm>>
      %dma_start3A_58 = tpu.memref_slice %arg4[%mul3A_56] : memref<163840xi32, #tpu.memory_space<hbm>> -> memref<1280xi32, #tpu.memory_space<hbm>>
      tpu.enqueue_dma source(%dma_start3A_58 : memref<1280xi32, #tpu.memory_space<hbm>>) target(%arg11 : memref<1280xi32, #tpu.memory_space<vmem>>) target_semaphore(%arg21 : memref<!tpu.dma_semaphore, #tpu.memory_space<semaphore_mem>>)
      %dma_start3A_59 = tpu.memref_slice %arg5[%mul3A_56] : memref<163840xi32, #tpu.memory_space<hbm>> -> memref<1280xi32, #tpu.memory_space<hbm>>
      %dma_start3A_60 = tpu.memref_slice %arg5[%mul3A_56] : memref<163840xi32, #tpu.memory_space<hbm>> -> memref<1280xi32, #tpu.memory_space<hbm>>
      tpu.enqueue_dma source(%dma_start3A_60 : memref<1280xi32, #tpu.memory_space<hbm>>) target(%arg12 : memref<1280xi32, #tpu.memory_space<vmem>>) target_semaphore(%arg21 : memref<!tpu.dma_semaphore, #tpu.memory_space<semaphore_mem>>)
      %dma_start3A_61 = tpu.memref_slice %arg6[%mul3A_56] : memref<163840xi32, #tpu.memory_space<hbm>> -> memref<1280xi32, #tpu.memory_space<hbm>>
      %dma_start3A_62 = tpu.memref_slice %arg6[%mul3A_56] : memref<163840xi32, #tpu.memory_space<hbm>> -> memref<1280xi32, #tpu.memory_space<hbm>>
      tpu.enqueue_dma source(%dma_start3A_62 : memref<1280xi32, #tpu.memory_space<hbm>>) target(%arg13 : memref<1280xi32, #tpu.memory_space<vmem>>) target_semaphore(%arg21 : memref<!tpu.dma_semaphore, #tpu.memory_space<semaphore_mem>>)
      %dma_wait3A = arith.constant 0 : i32
      %dma_wait3A_63 = tpu.memref_slice %arg4[%dma_wait3A] : memref<163840xi32, #tpu.memory_space<hbm>> -> memref<1280xi32, #tpu.memory_space<hbm>>
      %dma_wait3A_64 = arith.constant 0 : i32
      %dma_wait3A_65 = tpu.memref_slice %arg4[%dma_wait3A_64] : memref<163840xi32, #tpu.memory_space<hbm>> -> memref<1280xi32, #tpu.memory_space<hbm>>
      tpu.wait_dma2 semaphore(%arg20 : memref<!tpu.dma_semaphore, #tpu.memory_space<semaphore_mem>>) src(%dma_wait3A_65 : memref<1280xi32, #tpu.memory_space<hbm>>) dst(%arg8 : memref<1280xi32, #tpu.memory_space<vmem>>)
      %dma_wait3A_66 = arith.constant 0 : i32
      %dma_wait3A_67 = tpu.memref_slice %arg5[%dma_wait3A_66] : memref<163840xi32, #tpu.memory_space<hbm>> -> memref<1280xi32, #tpu.memory_space<hbm>>
      %dma_wait3A_68 = arith.constant 0 : i32
      %dma_wait3A_69 = tpu.memref_slice %arg5[%dma_wait3A_68] : memref<163840xi32, #tpu.memory_space<hbm>> -> memref<1280xi32, #tpu.memory_space<hbm>>
      tpu.wait_dma2 semaphore(%arg20 : memref<!tpu.dma_semaphore, #tpu.memory_space<semaphore_mem>>) src(%dma_wait3A_69 : memref<1280xi32, #tpu.memory_space<hbm>>) dst(%arg9 : memref<1280xi32, #tpu.memory_space<vmem>>)
      %dma_wait3A_70 = arith.constant 0 : i32
      %dma_wait3A_71 = tpu.memref_slice %arg6[%dma_wait3A_70] : memref<163840xi32, #tpu.memory_space<hbm>> -> memref<1280xi32, #tpu.memory_space<hbm>>
      %dma_wait3A_72 = arith.constant 0 : i32
      %dma_wait3A_73 = tpu.memref_slice %arg6[%dma_wait3A_72] : memref<163840xi32, #tpu.memory_space<hbm>> -> memref<1280xi32, #tpu.memory_space<hbm>>
      tpu.wait_dma2 semaphore(%arg20 : memref<!tpu.dma_semaphore, #tpu.memory_space<semaphore_mem>>) src(%dma_wait3A_73 : memref<1280xi32, #tpu.memory_space<hbm>>) dst(%arg10 : memref<1280xi32, #tpu.memory_space<vmem>>)
      %scan3A_74 = arith.constant 0 : i32
      %scan3A_75 = arith.constant 40 : i32
      %scan3A_76 = arith.addi %scan3A_74, %scan3A_75 : i32
      %scan3A_77 = arith.constant 1 : i32
      %scan3A_78 = scf.for %scan3A_135 = %scan3A_74 to %scan3A_76 step %scan3A_77 iter_args(%scan3A_136 = %scan3A_49) -> (i32)  : i32 {
        %mul3A_137 = arith.constant 32 : i32
        %mul3A_138 = arith.muli %scan3A_135, %mul3A_137 : i32
        %add3A_139 = arith.constant 0 : i32
        %add3A_140 = arith.addi %mul3A_138, %add3A_139 : i32
        %get3A = arith.index_cast %add3A_140 : i32 to index
        %get3A_141 = tpu.vector_load %arg8[%get3A] {strides = array<i32>} : memref<1280xi32, #tpu.memory_space<vmem>>, vector<16xi32>,
        %get3A_142 = arith.index_cast %add3A_140 : i32 to index
        %get3A_143 = tpu.vector_load %arg10[%get3A_142] {strides = array<i32>} : memref<1280xi32, #tpu.memory_space<vmem>>, vector<16xi32>,
        %get3A_144 = arith.index_cast %add3A_140 : i32 to index
        %get3A_145 = tpu.vector_load %arg9[%get3A_144] {strides = array<i32>} : memref<1280xi32, #tpu.memory_space<vmem>>, vector<16xi32>,
        %sub3A_146 = vector.broadcast %mul3A_2 : i32 to vector<16xi32>
        %sub3A_147 = arith.subi %get3A_145, %sub3A_146 : vector<16xi32>
        %ge3A_148 = arith.constant 0 : i32
        %ge3A_149 = vector.broadcast %ge3A_148 : i32 to vector<16xi32>
        %ge3A_150 = arith.cmpi sge, %sub3A_147, %ge3A_149 : vector<16xi32>
        %lt3A_151 = arith.constant 320 : i32
        %lt3A_152 = vector.broadcast %lt3A_151 : i32 to vector<16xi32>
        %lt3A_153 = arith.cmpi slt, %sub3A_147, %lt3A_152 : vector<16xi32>
        %and3A = arith.andi %ge3A_150, %lt3A_153 : vector<16xi1>
        %mul3A_154 = arith.constant 8 : i32
        %mul3A_155 = vector.broadcast %mul3A_154 : i32 to vector<16xi32>
        %mul3A_156 = arith.muli %get3A_141, %mul3A_155 : vector<16xi32>
        %add3A_157 = arith.addi %mul3A_156, %get3A_143 : vector<16xi32>
        %swap3A = arith.index_cast %scan3A_136 : i32 to index
        %swap3A_158 = tpu.vector_load %arg14[%swap3A] masked %and3A {strides = array<i32>} : memref<1424xi32, #tpu.memory_space<vmem>>, vector<16xi32>, vector<16xi1>
        tpu.vector_store %arg14[%swap3A], %add3A_157 masked %and3A {strides = array<i32>} : memref<1424xi32, #tpu.memory_space<vmem>>, vector<16xi32>, vector<16xi1>
        %swap3A_159 = arith.index_cast %scan3A_136 : i32 to index
        %swap3A_160 = tpu.vector_load %arg15[%swap3A_159] masked %and3A {strides = array<i32>} : memref<1424xi32, #tpu.memory_space<vmem>>, vector<16xi32>, vector<16xi1>
        tpu.vector_store %arg15[%swap3A_159], %sub3A_147 masked %and3A {strides = array<i32>} : memref<1424xi32, #tpu.memory_space<vmem>>, vector<16xi32>, vector<16xi1>
        %all_reduce_population_count3A = tpu.all_reduce %and3A {dim = 0 : i64, kind = #tpu.reduction_kind<sum>} : vector<16xi1> -> vector<16xi32>
        %slice3A = vector.extract_strided_slice %all_reduce_population_count3A {offsets = [0], sizes = [1], strides = [1]} : vector<16xi32> to vector<1xi32>
        %squeeze3A = vector.extract %slice3A[0] : i32 from vector<1xi32>
        %add3A_161 = arith.addi %scan3A_136, %squeeze3A : i32
        %mul3A_162 = arith.constant 32 : i32
        %mul3A_163 = arith.muli %scan3A_135, %mul3A_162 : i32
        %add3A_164 = arith.constant 16 : i32
        %add3A_165 = arith.addi %mul3A_163, %add3A_164 : i32
        %get3A_166 = arith.index_cast %add3A_165 : i32 to index
        %get3A_167 = tpu.vector_load %arg8[%get3A_166] {strides = array<i32>} : memref<1280xi32, #tpu.memory_space<vmem>>, vector<16xi32>,
        %get3A_168 = arith.index_cast %add3A_165 : i32 to index
        %get3A_169 = tpu.vector_load %arg10[%get3A_168] {strides = array<i32>} : memref<1280xi32, #tpu.memory_space<vmem>>, vector<16xi32>,
        %get3A_170 = arith.index_cast %add3A_165 : i32 to index
        %get3A_171 = tpu.vector_load %arg9[%get3A_170] {strides = array<i32>} : memref<1280xi32, #tpu.memory_space<vmem>>, vector<16xi32>,
        %sub3A_172 = vector.broadcast %mul3A_2 : i32 to vector<16xi32>
        %sub3A_173 = arith.subi %get3A_171, %sub3A_172 : vector<16xi32>
        %ge3A_174 = arith.constant 0 : i32
        %ge3A_175 = vector.broadcast %ge3A_174 : i32 to vector<16xi32>
        %ge3A_176 = arith.cmpi sge, %sub3A_173, %ge3A_175 : vector<16xi32>
        %lt3A_177 = arith.constant 320 : i32
        %lt3A_178 = vector.broadcast %lt3A_177 : i32 to vector<16xi32>
        %lt3A_179 = arith.cmpi slt, %sub3A_173, %lt3A_178 : vector<16xi32>
        %and3A_180 = arith.andi %ge3A_176, %lt3A_179 : vector<16xi1>
        %mul3A_181 = arith.constant 8 : i32
        %mul3A_182 = vector.broadcast %mul3A_181 : i32 to vector<16xi32>
        %mul3A_183 = arith.muli %get3A_167, %mul3A_182 : vector<16xi32>
        %add3A_184 = arith.addi %mul3A_183, %get3A_169 : vector<16xi32>
        %swap3A_185 = arith.index_cast %add3A_161 : i32 to index
        %swap3A_186 = tpu.vector_load %arg14[%swap3A_185] masked %and3A_180 {strides = array<i32>} : memref<1424xi32, #tpu.memory_space<vmem>>, vector<16xi32>, vector<16xi1>
        tpu.vector_store %arg14[%swap3A_185], %add3A_184 masked %and3A_180 {strides = array<i32>} : memref<1424xi32, #tpu.memory_space<vmem>>, vector<16xi32>, vector<16xi1>
        %swap3A_187 = arith.index_cast %add3A_161 : i32 to index
        %swap3A_188 = tpu.vector_load %arg15[%swap3A_187] masked %and3A_180 {strides = array<i32>} : memref<1424xi32, #tpu.memory_space<vmem>>, vector<16xi32>, vector<16xi1>
        tpu.vector_store %arg15[%swap3A_187], %sub3A_173 masked %and3A_180 {strides = array<i32>} : memref<1424xi32, #tpu.memory_space<vmem>>, vector<16xi32>, vector<16xi1>
        %all_reduce_population_count3A_189 = tpu.all_reduce %and3A_180 {dim = 0 : i64, kind = #tpu.reduction_kind<sum>} : vector<16xi1> -> vector<16xi32>
        %slice3A_190 = vector.extract_strided_slice %all_reduce_population_count3A_189 {offsets = [0], sizes = [1], strides = [1]} : vector<16xi32> to vector<1xi32>
        %squeeze3A_191 = vector.extract %slice3A_190[0] : i32 from vector<1xi32>
        %add3A_192 = arith.addi %add3A_161, %squeeze3A_191 : i32
        scf.yield %add3A_192 : i32
      }
      %scan3A_79 = arith.constant 40 : i32
      %eq3A_80 = arith.constant 1 : i32
      %eq3A_81 = arith.cmpi eq, %scan3A_50, %eq3A_80 : i32
      %convert_element_type3A_82 = arith.extui %eq3A_81 : i1 to i32
      %cond3A_83 = arith.constant 0 : i32
      %cond3A_84 = arith.cmpi ne, %convert_element_type3A_82, %cond3A_83 : i32
      scf.if %cond3A_84 {
        %dma_wait3A_135 = arith.constant 0 : i32
        %dma_wait3A_136 = tpu.memref_slice %arg14[%dma_wait3A_135] : memref<1424xi32, #tpu.memory_space<vmem>> -> memref<64xi32, #tpu.memory_space<vmem>>
        %dma_wait3A_137 = arith.constant 0 : i32
        %dma_wait3A_138 = arith.constant 0 : i32
        %dma_wait3A_139 = tpu.memref_slice %arg2[%dma_wait3A_137, %dma_wait3A_138] : memref<80000x256xf32, #tpu.memory_space<hbm>> -> memref<80000x256xf32, #tpu.memory_space<hbm>>
        tpu.wait_indirect_dma semaphore(%arg18 : memref<!tpu.dma_semaphore, #tpu.memory_space<semaphore_mem>>) src(%dma_wait3A_139 : memref<80000x256xf32, #tpu.memory_space<hbm>>) dst(%arg16 : memref<64x256xf32, #tpu.memory_space<vmem>>)
        %scan3A_140 = arith.constant 0 : i32
        %scan3A_141 = arith.constant 64 : i32
        %scan3A_142 = arith.addi %scan3A_140, %scan3A_141 : i32
        %scan3A_143 = arith.constant 1 : i32
        scf.for %scan3A_175 = %scan3A_140 to %scan3A_142 step %scan3A_143  : i32 {
          %add3A_176 = arith.constant 0 : i32
          %add3A_177 = arith.addi %add3A_176, %scan3A_175 : i32
          %get3A = arith.index_cast %add3A_177 : i32 to index
          %get3A_178 = tpu.vector_load %arg15[%get3A] {strides = array<i32>} : memref<1424xi32, #tpu.memory_space<vmem>>, vector<16xi32>,
          %slice3A = vector.extract_strided_slice %get3A_178 {offsets = [0], sizes = [1], strides = [1]} : vector<16xi32> to vector<1xi32>
          %squeeze3A = vector.extract %slice3A[0] : i32 from vector<1xi32>
          %get3A_179 = arith.index_cast %squeeze3A : i32 to index
          %get3A_180 = arith.constant 0 : index
          %get3A_181 = tpu.vector_load %arg22[%get3A_179, %get3A_180] {strides = array<i32>} : memref<328x256xf32, #tpu.memory_space<vmem>>, vector<16xf32>,
          %get3A_182 = arith.index_cast %scan3A_175 : i32 to index
          %get3A_183 = arith.constant 0 : index
          %get3A_184 = tpu.vector_load %arg16[%get3A_182, %get3A_183] {strides = array<i32>} : memref<64x256xf32, #tpu.memory_space<vmem>>, vector<16xf32>,
          %add3A_185 = arith.addf %get3A_181, %get3A_184 : vector<16xf32>
          %swap3A = arith.index_cast %squeeze3A : i32 to index
          %swap3A_186 = arith.constant 0 : index
          %swap3A_187 = tpu.vector_load %arg22[%swap3A, %swap3A_186] {strides = array<i32>} : memref<328x256xf32, #tpu.memory_space<vmem>>, vector<16xf32>,
          tpu.vector_store %arg22[%swap3A, %swap3A_186], %add3A_185 {strides = array<i32>} : memref<328x256xf32, #tpu.memory_space<vmem>>, vector<16xf32>,
          %get3A_188 = arith.index_cast %squeeze3A : i32 to index
          %get3A_189 = arith.constant 16 : index
          %get3A_190 = tpu.vector_load %arg22[%get3A_188, %get3A_189] {strides = array<i32>} : memref<328x256xf32, #tpu.memory_space<vmem>>, vector<16xf32>,
          %get3A_191 = arith.index_cast %scan3A_175 : i32 to index
          %get3A_192 = arith.constant 16 : index
          %get3A_193 = tpu.vector_load %arg16[%get3A_191, %get3A_192] {strides = array<i32>} : memref<64x256xf32, #tpu.memory_space<vmem>>, vector<16xf32>,
          %add3A_194 = arith.addf %get3A_190, %get3A_193 : vector<16xf32>
          %swap3A_195 = arith.index_cast %squeeze3A : i32 to index
          %swap3A_196 = arith.constant 16 : index
          %swap3A_197 = tpu.vector_load %arg22[%swap3A_195, %swap3A_196] {strides = array<i32>} : memref<328x256xf32, #tpu.memory_space<vmem>>, vector<16xf32>,
          tpu.vector_store %arg22[%swap3A_195, %swap3A_196], %add3A_194 {strides = array<i32>} : memref<328x256xf32, #tpu.memory_space<vmem>>, vector<16xf32>,
          %get3A_198 = arith.index_cast %squeeze3A : i32 to index
          %get3A_199 = arith.constant 32 : index
          %get3A_200 = tpu.vector_load %arg22[%get3A_198, %get3A_199] {strides = array<i32>} : memref<328x256xf32, #tpu.memory_space<vmem>>, vector<16xf32>,
          %get3A_201 = arith.index_cast %scan3A_175 : i32 to index
          %get3A_202 = arith.constant 32 : index
          %get3A_203 = tpu.vector_load %arg16[%get3A_201, %get3A_202] {strides = array<i32>} : memref<64x256xf32, #tpu.memory_space<vmem>>, vector<16xf32>,
          %add3A_204 = arith.addf %get3A_200, %get3A_203 : vector<16xf32>
          %swap3A_205 = arith.index_cast %squeeze3A : i32 to index
          %swap3A_206 = arith.constant 32 : index
          %swap3A_207 = tpu.vector_load %arg22[%swap3A_205, %swap3A_206] {strides = array<i32>} : memref<328x256xf32, #tpu.memory_space<vmem>>, vector<16xf32>,
          tpu.vector_store %arg22[%swap3A_205, %swap3A_206], %add3A_204 {strides = array<i32>} : memref<328x256xf32, #tpu.memory_space<vmem>>, vector<16xf32>,
          %get3A_208 = arith.index_cast %squeeze3A : i32 to index
          %get3A_209 = arith.constant 48 : index
          %get3A_210 = tpu.vector_load %arg22[%get3A_208, %get3A_209] {strides = array<i32>} : memref<328x256xf32, #tpu.memory_space<vmem>>, vector<16xf32>,
          %get3A_211 = arith.index_cast %scan3A_175 : i32 to index
          %get3A_212 = arith.constant 48 : index
          %get3A_213 = tpu.vector_load %arg16[%get3A_211, %get3A_212] {strides = array<i32>} : memref<64x256xf32, #tpu.memory_space<vmem>>, vector<16xf32>,
          %add3A_214 = arith.addf %get3A_210, %get3A_213 : vector<16xf32>
          %swap3A_215 = arith.index_cast %squeeze3A : i32 to index
          %swap3A_216 = arith.constant 48 : index
          %swap3A_217 = tpu.vector_load %arg22[%swap3A_215, %swap3A_216] {strides = array<i32>} : memref<328x256xf32, #tpu.memory_space<vmem>>, vector<16xf32>,
          tpu.vector_store %arg22[%swap3A_215, %swap3A_216], %add3A_214 {strides = array<i32>} : memref<328x256xf32, #tpu.memory_space<vmem>>, vector<16xf32>,
          %get3A_218 = arith.index_cast %squeeze3A : i32 to index
          %get3A_219 = arith.constant 64 : index
          %get3A_220 = tpu.vector_load %arg22[%get3A_218, %get3A_219] {strides = array<i32>} : memref<328x256xf32, #tpu.memory_space<vmem>>, vector<16xf32>,
          %get3A_221 = arith.index_cast %scan3A_175 : i32 to index
          %get3A_222 = arith.constant 64 : index
          %get3A_223 = tpu.vector_load %arg16[%get3A_221, %get3A_222] {strides = array<i32>} : memref<64x256xf32, #tpu.memory_space<vmem>>, vector<16xf32>,
          %add3A_224 = arith.addf %get3A_220, %get3A_223 : vector<16xf32>
          %swap3A_225 = arith.index_cast %squeeze3A : i32 to index
          %swap3A_226 = arith.constant 64 : index
          %swap3A_227 = tpu.vector_load %arg22[%swap3A_225, %swap3A_226] {strides = array<i32>} : memref<328x256xf32, #tpu.memory_space<vmem>>, vector<16xf32>,
          tpu.vector_store %arg22[%swap3A_225, %swap3A_226], %add3A_224 {strides = array<i32>} : memref<328x256xf32, #tpu.memory_space<vmem>>, vector<16xf32>,
          %get3A_228 = arith.index_cast %squeeze3A : i32 to index
          %get3A_229 = arith.constant 80 : index
          %get3A_230 = tpu.vector_load %arg22[%get3A_228, %get3A_229] {strides = array<i32>} : memref<328x256xf32, #tpu.memory_space<vmem>>, vector<16xf32>,
          %get3A_231 = arith.index_cast %scan3A_175 : i32 to index
          %get3A_232 = arith.constant 80 : index
          %get3A_233 = tpu.vector_load %arg16[%get3A_231, %get3A_232] {strides = array<i32>} : memref<64x256xf32, #tpu.memory_space<vmem>>, vector<16xf32>,
          %add3A_234 = arith.addf %get3A_230, %get3A_233 : vector<16xf32>
          %swap3A_235 = arith.index_cast %squeeze3A : i32 to index
          %swap3A_236 = arith.constant 80 : index
          %swap3A_237 = tpu.vector_load %arg22[%swap3A_235, %swap3A_236] {strides = array<i32>} : memref<328x256xf32, #tpu.memory_space<vmem>>, vector<16xf32>,
          tpu.vector_store %arg22[%swap3A_235, %swap3A_236], %add3A_234 {strides = array<i32>} : memref<328x256xf32, #tpu.memory_space<vmem>>, vector<16xf32>,
          %get3A_238 = arith.index_cast %squeeze3A : i32 to index
          %get3A_239 = arith.constant 96 : index
          %get3A_240 = tpu.vector_load %arg22[%get3A_238, %get3A_239] {strides = array<i32>} : memref<328x256xf32, #tpu.memory_space<vmem>>, vector<16xf32>,
          %get3A_241 = arith.index_cast %scan3A_175 : i32 to index
          %get3A_242 = arith.constant 96 : index
          %get3A_243 = tpu.vector_load %arg16[%get3A_241, %get3A_242] {strides = array<i32>} : memref<64x256xf32, #tpu.memory_space<vmem>>, vector<16xf32>,
          %add3A_244 = arith.addf %get3A_240, %get3A_243 : vector<16xf32>
          %swap3A_245 = arith.index_cast %squeeze3A : i32 to index
          %swap3A_246 = arith.constant 96 : index
          %swap3A_247 = tpu.vector_load %arg22[%swap3A_245, %swap3A_246] {strides = array<i32>} : memref<328x256xf32, #tpu.memory_space<vmem>>, vector<16xf32>,
          tpu.vector_store %arg22[%swap3A_245, %swap3A_246], %add3A_244 {strides = array<i32>} : memref<328x256xf32, #tpu.memory_space<vmem>>, vector<16xf32>,
          %get3A_248 = arith.index_cast %squeeze3A : i32 to index
          %get3A_249 = arith.constant 112 : index
          %get3A_250 = tpu.vector_load %arg22[%get3A_248, %get3A_249] {strides = array<i32>} : memref<328x256xf32, #tpu.memory_space<vmem>>, vector<16xf32>,
          %get3A_251 = arith.index_cast %scan3A_175 : i32 to index
          %get3A_252 = arith.constant 112 : index
          %get3A_253 = tpu.vector_load %arg16[%get3A_251, %get3A_252] {strides = array<i32>} : memref<64x256xf32, #tpu.memory_space<vmem>>, vector<16xf32>,
          %add3A_254 = arith.addf %get3A_250, %get3A_253 : vector<16xf32>
          %swap3A_255 = arith.index_cast %squeeze3A : i32 to index
          %swap3A_256 = arith.constant 112 : index
          %swap3A_257 = tpu.vector_load %arg22[%swap3A_255, %swap3A_256] {strides = array<i32>} : memref<328x256xf32, #tpu.memory_space<vmem>>, vector<16xf32>,
          tpu.vector_store %arg22[%swap3A_255, %swap3A_256], %add3A_254 {strides = array<i32>} : memref<328x256xf32, #tpu.memory_space<vmem>>, vector<16xf32>,
          %get3A_258 = arith.index_cast %squeeze3A : i32 to index
          %get3A_259 = arith.constant 128 : index
          %get3A_260 = tpu.vector_load %arg22[%get3A_258, %get3A_259] {strides = array<i32>} : memref<328x256xf32, #tpu.memory_space<vmem>>, vector<16xf32>,
          %get3A_261 = arith.index_cast %scan3A_175 : i32 to index
          %get3A_262 = arith.constant 128 : index
          %get3A_263 = tpu.vector_load %arg16[%get3A_261, %get3A_262] {strides = array<i32>} : memref<64x256xf32, #tpu.memory_space<vmem>>, vector<16xf32>,
          %add3A_264 = arith.addf %get3A_260, %get3A_263 : vector<16xf32>
          %swap3A_265 = arith.index_cast %squeeze3A : i32 to index
          %swap3A_266 = arith.constant 128 : index
          %swap3A_267 = tpu.vector_load %arg22[%swap3A_265, %swap3A_266] {strides = array<i32>} : memref<328x256xf32, #tpu.memory_space<vmem>>, vector<16xf32>,
          tpu.vector_store %arg22[%swap3A_265, %swap3A_266], %add3A_264 {strides = array<i32>} : memref<328x256xf32, #tpu.memory_space<vmem>>, vector<16xf32>,
          %get3A_268 = arith.index_cast %squeeze3A : i32 to index
          %get3A_269 = arith.constant 144 : index
          %get3A_270 = tpu.vector_load %arg22[%get3A_268, %get3A_269] {strides = array<i32>} : memref<328x256xf32, #tpu.memory_space<vmem>>, vector<16xf32>,
          %get3A_271 = arith.index_cast %scan3A_175 : i32 to index
          %get3A_272 = arith.constant 144 : index
          %get3A_273 = tpu.vector_load %arg16[%get3A_271, %get3A_272] {strides = array<i32>} : memref<64x256xf32, #tpu.memory_space<vmem>>, vector<16xf32>,
          %add3A_274 = arith.addf %get3A_270, %get3A_273 : vector<16xf32>
          %swap3A_275 = arith.index_cast %squeeze3A : i32 to index
          %swap3A_276 = arith.constant 144 : index
          %swap3A_277 = tpu.vector_load %arg22[%swap3A_275, %swap3A_276] {strides = array<i32>} : memref<328x256xf32, #tpu.memory_space<vmem>>, vector<16xf32>,
          tpu.vector_store %arg22[%swap3A_275, %swap3A_276], %add3A_274 {strides = array<i32>} : memref<328x256xf32, #tpu.memory_space<vmem>>, vector<16xf32>,
          %get3A_278 = arith.index_cast %squeeze3A : i32 to index
          %get3A_279 = arith.constant 160 : index
          %get3A_280 = tpu.vector_load %arg22[%get3A_278, %get3A_279] {strides = array<i32>} : memref<328x256xf32, #tpu.memory_space<vmem>>, vector<16xf32>,
          %get3A_281 = arith.index_cast %scan3A_175 : i32 to index
          %get3A_282 = arith.constant 160 : index
          %get3A_283 = tpu.vector_load %arg16[%get3A_281, %get3A_282] {strides = array<i32>} : memref<64x256xf32, #tpu.memory_space<vmem>>, vector<16xf32>,
          %add3A_284 = arith.addf %get3A_280, %get3A_283 : vector<16xf32>
          %swap3A_285 = arith.index_cast %squeeze3A : i32 to index
          %swap3A_286 = arith.constant 160 : index
          %swap3A_287 = tpu.vector_load %arg22[%swap3A_285, %swap3A_286] {strides = array<i32>} : memref<328x256xf32, #tpu.memory_space<vmem>>, vector<16xf32>,
          tpu.vector_store %arg22[%swap3A_285, %swap3A_286], %add3A_284 {strides = array<i32>} : memref<328x256xf32, #tpu.memory_space<vmem>>, vector<16xf32>,
          %get3A_288 = arith.index_cast %squeeze3A : i32 to index
          %get3A_289 = arith.constant 176 : index
          %get3A_290 = tpu.vector_load %arg22[%get3A_288, %get3A_289] {strides = array<i32>} : memref<328x256xf32, #tpu.memory_space<vmem>>, vector<16xf32>,
          %get3A_291 = arith.index_cast %scan3A_175 : i32 to index
          %get3A_292 = arith.constant 176 : index
          %get3A_293 = tpu.vector_load %arg16[%get3A_291, %get3A_292] {strides = array<i32>} : memref<64x256xf32, #tpu.memory_space<vmem>>, vector<16xf32>,
          %add3A_294 = arith.addf %get3A_290, %get3A_293 : vector<16xf32>
          %swap3A_295 = arith.index_cast %squeeze3A : i32 to index
          %swap3A_296 = arith.constant 176 : index
          %swap3A_297 = tpu.vector_load %arg22[%swap3A_295, %swap3A_296] {strides = array<i32>} : memref<328x256xf32, #tpu.memory_space<vmem>>, vector<16xf32>,
          tpu.vector_store %arg22[%swap3A_295, %swap3A_296], %add3A_294 {strides = array<i32>} : memref<328x256xf32, #tpu.memory_space<vmem>>, vector<16xf32>,
          %get3A_298 = arith.index_cast %squeeze3A : i32 to index
          %get3A_299 = arith.constant 192 : index
          %get3A_300 = tpu.vector_load %arg22[%get3A_298, %get3A_299] {strides = array<i32>} : memref<328x256xf32, #tpu.memory_space<vmem>>, vector<16xf32>,
          %get3A_301 = arith.index_cast %scan3A_175 : i32 to index
          %get3A_302 = arith.constant 192 : index
          %get3A_303 = tpu.vector_load %arg16[%get3A_301, %get3A_302] {strides = array<i32>} : memref<64x256xf32, #tpu.memory_space<vmem>>, vector<16xf32>,
          %add3A_304 = arith.addf %get3A_300, %get3A_303 : vector<16xf32>
          %swap3A_305 = arith.index_cast %squeeze3A : i32 to index
          %swap3A_306 = arith.constant 192 : index
          %swap3A_307 = tpu.vector_load %arg22[%swap3A_305, %swap3A_306] {strides = array<i32>} : memref<328x256xf32, #tpu.memory_space<vmem>>, vector<16xf32>,
          tpu.vector_store %arg22[%swap3A_305, %swap3A_306], %add3A_304 {strides = array<i32>} : memref<328x256xf32, #tpu.memory_space<vmem>>, vector<16xf32>,
          %get3A_308 = arith.index_cast %squeeze3A : i32 to index
          %get3A_309 = arith.constant 208 : index
          %get3A_310 = tpu.vector_load %arg22[%get3A_308, %get3A_309] {strides = array<i32>} : memref<328x256xf32, #tpu.memory_space<vmem>>, vector<16xf32>,
          %get3A_311 = arith.index_cast %scan3A_175 : i32 to index
          %get3A_312 = arith.constant 208 : index
          %get3A_313 = tpu.vector_load %arg16[%get3A_311, %get3A_312] {strides = array<i32>} : memref<64x256xf32, #tpu.memory_space<vmem>>, vector<16xf32>,
          %add3A_314 = arith.addf %get3A_310, %get3A_313 : vector<16xf32>
          %swap3A_315 = arith.index_cast %squeeze3A : i32 to index
          %swap3A_316 = arith.constant 208 : index
          %swap3A_317 = tpu.vector_load %arg22[%swap3A_315, %swap3A_316] {strides = array<i32>} : memref<328x256xf32, #tpu.memory_space<vmem>>, vector<16xf32>,
          tpu.vector_store %arg22[%swap3A_315, %swap3A_316], %add3A_314 {strides = array<i32>} : memref<328x256xf32, #tpu.memory_space<vmem>>, vector<16xf32>,
          %get3A_318 = arith.index_cast %squeeze3A : i32 to index
          %get3A_319 = arith.constant 224 : index
          %get3A_320 = tpu.vector_load %arg22[%get3A_318, %get3A_319] {strides = array<i32>} : memref<328x256xf32, #tpu.memory_space<vmem>>, vector<16xf32>,
          %get3A_321 = arith.index_cast %scan3A_175 : i32 to index
          %get3A_322 = arith.constant 224 : index
          %get3A_323 = tpu.vector_load %arg16[%get3A_321, %get3A_322] {strides = array<i32>} : memref<64x256xf32, #tpu.memory_space<vmem>>, vector<16xf32>,
          %add3A_324 = arith.addf %get3A_320, %get3A_323 : vector<16xf32>
          %swap3A_325 = arith.index_cast %squeeze3A : i32 to index
          %swap3A_326 = arith.constant 224 : index
          %swap3A_327 = tpu.vector_load %arg22[%swap3A_325, %swap3A_326] {strides = array<i32>} : memref<328x256xf32, #tpu.memory_space<vmem>>, vector<16xf32>,
          tpu.vector_store %arg22[%swap3A_325, %swap3A_326], %add3A_324 {strides = array<i32>} : memref<328x256xf32, #tpu.memory_space<vmem>>, vector<16xf32>,
          %get3A_328 = arith.index_cast %squeeze3A : i32 to index
          %get3A_329 = arith.constant 240 : index
          %get3A_330 = tpu.vector_load %arg22[%get3A_328, %get3A_329] {strides = array<i32>} : memref<328x256xf32, #tpu.memory_space<vmem>>, vector<16xf32>,
          %get3A_331 = arith.index_cast %scan3A_175 : i32 to index
          %get3A_332 = arith.constant 240 : index
          %get3A_333 = tpu.vector_load %arg16[%get3A_331, %get3A_332] {strides = array<i32>} : memref<64x256xf32, #tpu.memory_space<vmem>>, vector<16xf32>,
          %add3A_334 = arith.addf %get3A_330, %get3A_333 : vector<16xf32>
          %swap3A_335 = arith.index_cast %squeeze3A : i32 to index
          %swap3A_336 = arith.constant 240 : index
          %swap3A_337 = tpu.vector_load %arg22[%swap3A_335, %swap3A_336] {strides = array<i32>} : memref<328x256xf32, #tpu.memory_space<vmem>>, vector<16xf32>,
          tpu.vector_store %arg22[%swap3A_335, %swap3A_336], %add3A_334 {strides = array<i32>} : memref<328x256xf32, #tpu.memory_space<vmem>>, vector<16xf32>,
        }
        %scan3A_144 = arith.constant 64 : i32
        %sub3A_145 = arith.constant 64 : i32
        %sub3A_146 = arith.subi %scan3A_78, %sub3A_145 : i32
        %add3A_147 = arith.constant 15 : i32
        %add3A_148 = arith.addi %sub3A_146, %add3A_147 : i32
        %jit3A = arith.constant 16 : i32
        %div3A = arith.divsi %add3A_148, %jit3A : i32
        %sign3A = arith.constant 0 : i32
        %sign3A_149 = arith.cmpi sgt, %add3A_148, %sign3A : i32
        %sign3A_150 = arith.extui %sign3A_149 : i1 to i32
        %sign3A_151 = arith.constant 0 : i32
        %sign3A_152 = arith.cmpi slt, %add3A_148, %sign3A_151 : i32
        %sign3A_153 = arith.extui %sign3A_152 : i1 to i32
        %sign3A_154 = arith.subi %sign3A_150, %sign3A_153 : i32
        %sign3A_155 = arith.constant 0 : i32
        %sign3A_156 = arith.cmpi sgt, %jit3A, %sign3A_155 : i32
        %sign3A_157 = arith.extui %sign3A_156 : i1 to i32
        %sign3A_158 = arith.constant 0 : i32
        %sign3A_159 = arith.cmpi slt, %jit3A, %sign3A_158 : i32
        %sign3A_160 = arith.extui %sign3A_159 : i1 to i32
        %sign3A_161 = arith.subi %sign3A_157, %sign3A_160 : i32
        %ne3A = arith.cmpi ne, %sign3A_154, %sign3A_161 : i32
        %rem3A = arith.remsi %add3A_148, %jit3A : i32
        %ne3A_162 = arith.constant 0 : i32
        %ne3A_163 = arith.cmpi ne, %rem3A, %ne3A_162 : i32
        %and3A = arith.andi %ne3A, %ne3A_163 : i1
        %sub3A_164 = arith.constant 1 : i32
        %sub3A_165 = arith.subi %div3A, %sub3A_164 : i32
        %select_n3A = arith.select %and3A, %sub3A_165, %div3A : i32
        %while3A_166 = arith.constant 0 : i32
        %while3A_167 = arith.subi %select_n3A, %while3A_166 : i32
        %while3A_168 = arith.addi %while3A_166, %while3A_167 : i32
        %while3A_169 = arith.constant 1 : i32
        %while3A_170 = arith.divsi %while3A_167, %while3A_169 : i32
        %while3A_171 = arith.muli %while3A_170, %while3A_169 : i32
        %while3A_172 = arith.addi %while3A_166, %while3A_171 : i32
        %while3A_173 = arith.constant 1 : i32
        scf.for %while3A_175 = %while3A_166 to %while3A_172 step %while3A_173  : i32 {
          %mul3A_176 = arith.constant 16 : i32
          %mul3A_177 = arith.muli %while3A_175, %mul3A_176 : i32
          %add3A_178 = arith.constant 64 : i32
          %add3A_179 = arith.addi %mul3A_177, %add3A_178 : i32
          %get3A = arith.index_cast %add3A_179 : i32 to index
          %get3A_180 = tpu.vector_load %arg14[%get3A] {strides = array<i32>} : memref<1424xi32, #tpu.memory_space<vmem>>, vector<16xi32>,
          %mul3A_181 = arith.constant 16 : i32
          %mul3A_182 = arith.muli %while3A_175, %mul3A_181 : i32
          %swap3A = arith.index_cast %mul3A_182 : i32 to index
          %swap3A_183 = tpu.vector_load %arg14[%swap3A] {strides = array<i32>} : memref<1424xi32, #tpu.memory_space<vmem>>, vector<16xi32>,
          tpu.vector_store %arg14[%swap3A], %get3A_180 {strides = array<i32>} : memref<1424xi32, #tpu.memory_space<vmem>>, vector<16xi32>,
          %mul3A_184 = arith.constant 16 : i32
          %mul3A_185 = arith.muli %while3A_175, %mul3A_184 : i32
          %add3A_186 = arith.constant 64 : i32
          %add3A_187 = arith.addi %mul3A_185, %add3A_186 : i32
          %get3A_188 = arith.index_cast %add3A_187 : i32 to index
          %get3A_189 = tpu.vector_load %arg15[%get3A_188] {strides = array<i32>} : memref<1424xi32, #tpu.memory_space<vmem>>, vector<16xi32>,
          %mul3A_190 = arith.constant 16 : i32
          %mul3A_191 = arith.muli %while3A_175, %mul3A_190 : i32
          %swap3A_192 = arith.index_cast %mul3A_191 : i32 to index
          %swap3A_193 = tpu.vector_load %arg15[%swap3A_192] {strides = array<i32>} : memref<1424xi32, #tpu.memory_space<vmem>>, vector<16xi32>,
          tpu.vector_store %arg15[%swap3A_192], %get3A_189 {strides = array<i32>} : memref<1424xi32, #tpu.memory_space<vmem>>, vector<16xi32>,
        }
        %while3A_174 = arith.constant 1 : i32
        scf.for %while3A_175 = %while3A_172 to %while3A_168 step %while3A_174  : i32 {
          %mul3A_176 = arith.constant 16 : i32
          %mul3A_177 = arith.muli %while3A_175, %mul3A_176 : i32
          %add3A_178 = arith.constant 64 : i32
          %add3A_179 = arith.addi %mul3A_177, %add3A_178 : i32
          %get3A = arith.index_cast %add3A_179 : i32 to index
          %get3A_180 = tpu.vector_load %arg14[%get3A] {strides = array<i32>} : memref<1424xi32, #tpu.memory_space<vmem>>, vector<16xi32>,
          %mul3A_181 = arith.constant 16 : i32
          %mul3A_182 = arith.muli %while3A_175, %mul3A_181 : i32
          %swap3A = arith.index_cast %mul3A_182 : i32 to index
          %swap3A_183 = tpu.vector_load %arg14[%swap3A] {strides = array<i32>} : memref<1424xi32, #tpu.memory_space<vmem>>, vector<16xi32>,
          tpu.vector_store %arg14[%swap3A], %get3A_180 {strides = array<i32>} : memref<1424xi32, #tpu.memory_space<vmem>>, vector<16xi32>,
          %mul3A_184 = arith.constant 16 : i32
          %mul3A_185 = arith.muli %while3A_175, %mul3A_184 : i32
          %add3A_186 = arith.constant 64 : i32
          %add3A_187 = arith.addi %mul3A_185, %add3A_186 : i32
          %get3A_188 = arith.index_cast %add3A_187 : i32 to index
          %get3A_189 = tpu.vector_load %arg15[%get3A_188] {strides = array<i32>} : memref<1424xi32, #tpu.memory_space<vmem>>, vector<16xi32>,
          %mul3A_190 = arith.constant 16 : i32
          %mul3A_191 = arith.muli %while3A_175, %mul3A_190 : i32
          %swap3A_192 = arith.index_cast %mul3A_191 : i32 to index
          %swap3A_193 = tpu.vector_load %arg15[%swap3A_192] {strides = array<i32>} : memref<1424xi32, #tpu.memory_space<vmem>>, vector<16xi32>,
          tpu.vector_store %arg15[%swap3A_192], %get3A_189 {strides = array<i32>} : memref<1424xi32, #tpu.memory_space<vmem>>, vector<16xi32>,
        }
      } else {
      }
      %mul3A_85 = arith.constant 64 : i32
      %mul3A_86 = arith.muli %scan3A_50, %mul3A_85 : i32
      %sub3A_87 = arith.subi %scan3A_78, %mul3A_86 : i32
      %while3A = scf.while (%while3A_135 = %sub3A_87) : (i32) -> i32 {
        %ge3A_136 = arith.constant 128 : i32
        %ge3A_137 = arith.cmpi sge, %while3A_135, %ge3A_136 : i32
        scf.condition(%ge3A_137) %while3A_135 : i32
      } do {
      ^bb0(%while3A_135: i32):
        %dma_start3A_136 = arith.constant 0 : i32
        %dma_start3A_137 = tpu.memref_slice %arg14[%dma_start3A_136] : memref<1424xi32, #tpu.memory_space<vmem>> -> memref<64xi32, #tpu.memory_space<vmem>>
        %dma_start3A_138 = arith.constant 0 : i32
        %dma_start3A_139 = arith.constant 0 : i32
        %dma_start3A_140 = tpu.memref_slice %arg2[%dma_start3A_138, %dma_start3A_139] : memref<80000x256xf32, #tpu.memory_space<hbm>> -> memref<80000x256xf32, #tpu.memory_space<hbm>>
        tpu.enqueue_indirect_dma source(%dma_start3A_140 : memref<80000x256xf32, #tpu.memory_space<hbm>>) target(%arg17 : memref<64x256xf32, #tpu.memory_space<vmem>>) offsets(%dma_start3A_137 : memref<64xi32, #tpu.memory_space<vmem>>) semaphore(%arg19 : memref<!tpu.dma_semaphore, #tpu.memory_space<semaphore_mem>>)
        %dma_wait3A_141 = arith.constant 0 : i32
        %dma_wait3A_142 = tpu.memref_slice %arg14[%dma_wait3A_141] : memref<1424xi32, #tpu.memory_space<vmem>> -> memref<64xi32, #tpu.memory_space<vmem>>
        %dma_wait3A_143 = arith.constant 0 : i32
        %dma_wait3A_144 = arith.constant 0 : i32
        %dma_wait3A_145 = tpu.memref_slice %arg2[%dma_wait3A_143, %dma_wait3A_144] : memref<80000x256xf32, #tpu.memory_space<hbm>> -> memref<80000x256xf32, #tpu.memory_space<hbm>>
        tpu.wait_indirect_dma semaphore(%arg19 : memref<!tpu.dma_semaphore, #tpu.memory_space<semaphore_mem>>) src(%dma_wait3A_145 : memref<80000x256xf32, #tpu.memory_space<hbm>>) dst(%arg17 : memref<64x256xf32, #tpu.memory_space<vmem>>)
        %scan3A_146 = arith.constant 0 : i32
        %scan3A_147 = arith.constant 64 : i32
        %scan3A_148 = arith.addi %scan3A_146, %scan3A_147 : i32
        %scan3A_149 = arith.constant 1 : i32
        scf.for %scan3A_183 = %scan3A_146 to %scan3A_148 step %scan3A_149  : i32 {
          %add3A_184 = arith.constant 0 : i32
          %add3A_185 = arith.addi %add3A_184, %scan3A_183 : i32
          %get3A = arith.index_cast %add3A_185 : i32 to index
          %get3A_186 = tpu.vector_load %arg15[%get3A] {strides = array<i32>} : memref<1424xi32, #tpu.memory_space<vmem>>, vector<16xi32>,
          %slice3A = vector.extract_strided_slice %get3A_186 {offsets = [0], sizes = [1], strides = [1]} : vector<16xi32> to vector<1xi32>
          %squeeze3A = vector.extract %slice3A[0] : i32 from vector<1xi32>
          %get3A_187 = arith.index_cast %squeeze3A : i32 to index
          %get3A_188 = arith.constant 0 : index
          %get3A_189 = tpu.vector_load %arg22[%get3A_187, %get3A_188] {strides = array<i32>} : memref<328x256xf32, #tpu.memory_space<vmem>>, vector<16xf32>,
          %get3A_190 = arith.index_cast %scan3A_183 : i32 to index
          %get3A_191 = arith.constant 0 : index
          %get3A_192 = tpu.vector_load %arg17[%get3A_190, %get3A_191] {strides = array<i32>} : memref<64x256xf32, #tpu.memory_space<vmem>>, vector<16xf32>,
          %add3A_193 = arith.addf %get3A_189, %get3A_192 : vector<16xf32>
          %swap3A = arith.index_cast %squeeze3A : i32 to index
          %swap3A_194 = arith.constant 0 : index
          %swap3A_195 = tpu.vector_load %arg22[%swap3A, %swap3A_194] {strides = array<i32>} : memref<328x256xf32, #tpu.memory_space<vmem>>, vector<16xf32>,
          tpu.vector_store %arg22[%swap3A, %swap3A_194], %add3A_193 {strides = array<i32>} : memref<328x256xf32, #tpu.memory_space<vmem>>, vector<16xf32>,
          %get3A_196 = arith.index_cast %squeeze3A : i32 to index
          %get3A_197 = arith.constant 16 : index
          %get3A_198 = tpu.vector_load %arg22[%get3A_196, %get3A_197] {strides = array<i32>} : memref<328x256xf32, #tpu.memory_space<vmem>>, vector<16xf32>,
          %get3A_199 = arith.index_cast %scan3A_183 : i32 to index
          %get3A_200 = arith.constant 16 : index
          %get3A_201 = tpu.vector_load %arg17[%get3A_199, %get3A_200] {strides = array<i32>} : memref<64x256xf32, #tpu.memory_space<vmem>>, vector<16xf32>,
          %add3A_202 = arith.addf %get3A_198, %get3A_201 : vector<16xf32>
          %swap3A_203 = arith.index_cast %squeeze3A : i32 to index
          %swap3A_204 = arith.constant 16 : index
          %swap3A_205 = tpu.vector_load %arg22[%swap3A_203, %swap3A_204] {strides = array<i32>} : memref<328x256xf32, #tpu.memory_space<vmem>>, vector<16xf32>,
          tpu.vector_store %arg22[%swap3A_203, %swap3A_204], %add3A_202 {strides = array<i32>} : memref<328x256xf32, #tpu.memory_space<vmem>>, vector<16xf32>,
          %get3A_206 = arith.index_cast %squeeze3A : i32 to index
          %get3A_207 = arith.constant 32 : index
          %get3A_208 = tpu.vector_load %arg22[%get3A_206, %get3A_207] {strides = array<i32>} : memref<328x256xf32, #tpu.memory_space<vmem>>, vector<16xf32>,
          %get3A_209 = arith.index_cast %scan3A_183 : i32 to index
          %get3A_210 = arith.constant 32 : index
          %get3A_211 = tpu.vector_load %arg17[%get3A_209, %get3A_210] {strides = array<i32>} : memref<64x256xf32, #tpu.memory_space<vmem>>, vector<16xf32>,
          %add3A_212 = arith.addf %get3A_208, %get3A_211 : vector<16xf32>
          %swap3A_213 = arith.index_cast %squeeze3A : i32 to index
          %swap3A_214 = arith.constant 32 : index
          %swap3A_215 = tpu.vector_load %arg22[%swap3A_213, %swap3A_214] {strides = array<i32>} : memref<328x256xf32, #tpu.memory_space<vmem>>, vector<16xf32>,
          tpu.vector_store %arg22[%swap3A_213, %swap3A_214], %add3A_212 {strides = array<i32>} : memref<328x256xf32, #tpu.memory_space<vmem>>, vector<16xf32>,
          %get3A_216 = arith.index_cast %squeeze3A : i32 to index
          %get3A_217 = arith.constant 48 : index
          %get3A_218 = tpu.vector_load %arg22[%get3A_216, %get3A_217] {strides = array<i32>} : memref<328x256xf32, #tpu.memory_space<vmem>>, vector<16xf32>,
          %get3A_219 = arith.index_cast %scan3A_183 : i32 to index
          %get3A_220 = arith.constant 48 : index
          %get3A_221 = tpu.vector_load %arg17[%get3A_219, %get3A_220] {strides = array<i32>} : memref<64x256xf32, #tpu.memory_space<vmem>>, vector<16xf32>,
          %add3A_222 = arith.addf %get3A_218, %get3A_221 : vector<16xf32>
          %swap3A_223 = arith.index_cast %squeeze3A : i32 to index
          %swap3A_224 = arith.constant 48 : index
          %swap3A_225 = tpu.vector_load %arg22[%swap3A_223, %swap3A_224] {strides = array<i32>} : memref<328x256xf32, #tpu.memory_space<vmem>>, vector<16xf32>,
          tpu.vector_store %arg22[%swap3A_223, %swap3A_224], %add3A_222 {strides = array<i32>} : memref<328x256xf32, #tpu.memory_space<vmem>>, vector<16xf32>,
          %get3A_226 = arith.index_cast %squeeze3A : i32 to index
          %get3A_227 = arith.constant 64 : index
          %get3A_228 = tpu.vector_load %arg22[%get3A_226, %get3A_227] {strides = array<i32>} : memref<328x256xf32, #tpu.memory_space<vmem>>, vector<16xf32>,
          %get3A_229 = arith.index_cast %scan3A_183 : i32 to index
          %get3A_230 = arith.constant 64 : index
          %get3A_231 = tpu.vector_load %arg17[%get3A_229, %get3A_230] {strides = array<i32>} : memref<64x256xf32, #tpu.memory_space<vmem>>, vector<16xf32>,
          %add3A_232 = arith.addf %get3A_228, %get3A_231 : vector<16xf32>
          %swap3A_233 = arith.index_cast %squeeze3A : i32 to index
          %swap3A_234 = arith.constant 64 : index
          %swap3A_235 = tpu.vector_load %arg22[%swap3A_233, %swap3A_234] {strides = array<i32>} : memref<328x256xf32, #tpu.memory_space<vmem>>, vector<16xf32>,
          tpu.vector_store %arg22[%swap3A_233, %swap3A_234], %add3A_232 {strides = array<i32>} : memref<328x256xf32, #tpu.memory_space<vmem>>, vector<16xf32>,
          %get3A_236 = arith.index_cast %squeeze3A : i32 to index
          %get3A_237 = arith.constant 80 : index
          %get3A_238 = tpu.vector_load %arg22[%get3A_236, %get3A_237] {strides = array<i32>} : memref<328x256xf32, #tpu.memory_space<vmem>>, vector<16xf32>,
          %get3A_239 = arith.index_cast %scan3A_183 : i32 to index
          %get3A_240 = arith.constant 80 : index
          %get3A_241 = tpu.vector_load %arg17[%get3A_239, %get3A_240] {strides = array<i32>} : memref<64x256xf32, #tpu.memory_space<vmem>>, vector<16xf32>,
          %add3A_242 = arith.addf %get3A_238, %get3A_241 : vector<16xf32>
          %swap3A_243 = arith.index_cast %squeeze3A : i32 to index
          %swap3A_244 = arith.constant 80 : index
          %swap3A_245 = tpu.vector_load %arg22[%swap3A_243, %swap3A_244] {strides = array<i32>} : memref<328x256xf32, #tpu.memory_space<vmem>>, vector<16xf32>,
          tpu.vector_store %arg22[%swap3A_243, %swap3A_244], %add3A_242 {strides = array<i32>} : memref<328x256xf32, #tpu.memory_space<vmem>>, vector<16xf32>,
          %get3A_246 = arith.index_cast %squeeze3A : i32 to index
          %get3A_247 = arith.constant 96 : index
          %get3A_248 = tpu.vector_load %arg22[%get3A_246, %get3A_247] {strides = array<i32>} : memref<328x256xf32, #tpu.memory_space<vmem>>, vector<16xf32>,
          %get3A_249 = arith.index_cast %scan3A_183 : i32 to index
          %get3A_250 = arith.constant 96 : index
          %get3A_251 = tpu.vector_load %arg17[%get3A_249, %get3A_250] {strides = array<i32>} : memref<64x256xf32, #tpu.memory_space<vmem>>, vector<16xf32>,
          %add3A_252 = arith.addf %get3A_248, %get3A_251 : vector<16xf32>
          %swap3A_253 = arith.index_cast %squeeze3A : i32 to index
          %swap3A_254 = arith.constant 96 : index
          %swap3A_255 = tpu.vector_load %arg22[%swap3A_253, %swap3A_254] {strides = array<i32>} : memref<328x256xf32, #tpu.memory_space<vmem>>, vector<16xf32>,
          tpu.vector_store %arg22[%swap3A_253, %swap3A_254], %add3A_252 {strides = array<i32>} : memref<328x256xf32, #tpu.memory_space<vmem>>, vector<16xf32>,
          %get3A_256 = arith.index_cast %squeeze3A : i32 to index
          %get3A_257 = arith.constant 112 : index
          %get3A_258 = tpu.vector_load %arg22[%get3A_256, %get3A_257] {strides = array<i32>} : memref<328x256xf32, #tpu.memory_space<vmem>>, vector<16xf32>,
          %get3A_259 = arith.index_cast %scan3A_183 : i32 to index
          %get3A_260 = arith.constant 112 : index
          %get3A_261 = tpu.vector_load %arg17[%get3A_259, %get3A_260] {strides = array<i32>} : memref<64x256xf32, #tpu.memory_space<vmem>>, vector<16xf32>,
          %add3A_262 = arith.addf %get3A_258, %get3A_261 : vector<16xf32>
          %swap3A_263 = arith.index_cast %squeeze3A : i32 to index
          %swap3A_264 = arith.constant 112 : index
          %swap3A_265 = tpu.vector_load %arg22[%swap3A_263, %swap3A_264] {strides = array<i32>} : memref<328x256xf32, #tpu.memory_space<vmem>>, vector<16xf32>,
          tpu.vector_store %arg22[%swap3A_263, %swap3A_264], %add3A_262 {strides = array<i32>} : memref<328x256xf32, #tpu.memory_space<vmem>>, vector<16xf32>,
          %get3A_266 = arith.index_cast %squeeze3A : i32 to index
          %get3A_267 = arith.constant 128 : index
          %get3A_268 = tpu.vector_load %arg22[%get3A_266, %get3A_267] {strides = array<i32>} : memref<328x256xf32, #tpu.memory_space<vmem>>, vector<16xf32>,
          %get3A_269 = arith.index_cast %scan3A_183 : i32 to index
          %get3A_270 = arith.constant 128 : index
          %get3A_271 = tpu.vector_load %arg17[%get3A_269, %get3A_270] {strides = array<i32>} : memref<64x256xf32, #tpu.memory_space<vmem>>, vector<16xf32>,
          %add3A_272 = arith.addf %get3A_268, %get3A_271 : vector<16xf32>
          %swap3A_273 = arith.index_cast %squeeze3A : i32 to index
          %swap3A_274 = arith.constant 128 : index
          %swap3A_275 = tpu.vector_load %arg22[%swap3A_273, %swap3A_274] {strides = array<i32>} : memref<328x256xf32, #tpu.memory_space<vmem>>, vector<16xf32>,
          tpu.vector_store %arg22[%swap3A_273, %swap3A_274], %add3A_272 {strides = array<i32>} : memref<328x256xf32, #tpu.memory_space<vmem>>, vector<16xf32>,
          %get3A_276 = arith.index_cast %squeeze3A : i32 to index
          %get3A_277 = arith.constant 144 : index
          %get3A_278 = tpu.vector_load %arg22[%get3A_276, %get3A_277] {strides = array<i32>} : memref<328x256xf32, #tpu.memory_space<vmem>>, vector<16xf32>,
          %get3A_279 = arith.index_cast %scan3A_183 : i32 to index
          %get3A_280 = arith.constant 144 : index
          %get3A_281 = tpu.vector_load %arg17[%get3A_279, %get3A_280] {strides = array<i32>} : memref<64x256xf32, #tpu.memory_space<vmem>>, vector<16xf32>,
          %add3A_282 = arith.addf %get3A_278, %get3A_281 : vector<16xf32>
          %swap3A_283 = arith.index_cast %squeeze3A : i32 to index
          %swap3A_284 = arith.constant 144 : index
          %swap3A_285 = tpu.vector_load %arg22[%swap3A_283, %swap3A_284] {strides = array<i32>} : memref<328x256xf32, #tpu.memory_space<vmem>>, vector<16xf32>,
          tpu.vector_store %arg22[%swap3A_283, %swap3A_284], %add3A_282 {strides = array<i32>} : memref<328x256xf32, #tpu.memory_space<vmem>>, vector<16xf32>,
          %get3A_286 = arith.index_cast %squeeze3A : i32 to index
          %get3A_287 = arith.constant 160 : index
          %get3A_288 = tpu.vector_load %arg22[%get3A_286, %get3A_287] {strides = array<i32>} : memref<328x256xf32, #tpu.memory_space<vmem>>, vector<16xf32>,
          %get3A_289 = arith.index_cast %scan3A_183 : i32 to index
          %get3A_290 = arith.constant 160 : index
          %get3A_291 = tpu.vector_load %arg17[%get3A_289, %get3A_290] {strides = array<i32>} : memref<64x256xf32, #tpu.memory_space<vmem>>, vector<16xf32>,
          %add3A_292 = arith.addf %get3A_288, %get3A_291 : vector<16xf32>
          %swap3A_293 = arith.index_cast %squeeze3A : i32 to index
          %swap3A_294 = arith.constant 160 : index
          %swap3A_295 = tpu.vector_load %arg22[%swap3A_293, %swap3A_294] {strides = array<i32>} : memref<328x256xf32, #tpu.memory_space<vmem>>, vector<16xf32>,
          tpu.vector_store %arg22[%swap3A_293, %swap3A_294], %add3A_292 {strides = array<i32>} : memref<328x256xf32, #tpu.memory_space<vmem>>, vector<16xf32>,
          %get3A_296 = arith.index_cast %squeeze3A : i32 to index
          %get3A_297 = arith.constant 176 : index
          %get3A_298 = tpu.vector_load %arg22[%get3A_296, %get3A_297] {strides = array<i32>} : memref<328x256xf32, #tpu.memory_space<vmem>>, vector<16xf32>,
          %get3A_299 = arith.index_cast %scan3A_183 : i32 to index
          %get3A_300 = arith.constant 176 : index
          %get3A_301 = tpu.vector_load %arg17[%get3A_299, %get3A_300] {strides = array<i32>} : memref<64x256xf32, #tpu.memory_space<vmem>>, vector<16xf32>,
          %add3A_302 = arith.addf %get3A_298, %get3A_301 : vector<16xf32>
          %swap3A_303 = arith.index_cast %squeeze3A : i32 to index
          %swap3A_304 = arith.constant 176 : index
          %swap3A_305 = tpu.vector_load %arg22[%swap3A_303, %swap3A_304] {strides = array<i32>} : memref<328x256xf32, #tpu.memory_space<vmem>>, vector<16xf32>,
          tpu.vector_store %arg22[%swap3A_303, %swap3A_304], %add3A_302 {strides = array<i32>} : memref<328x256xf32, #tpu.memory_space<vmem>>, vector<16xf32>,
          %get3A_306 = arith.index_cast %squeeze3A : i32 to index
          %get3A_307 = arith.constant 192 : index
          %get3A_308 = tpu.vector_load %arg22[%get3A_306, %get3A_307] {strides = array<i32>} : memref<328x256xf32, #tpu.memory_space<vmem>>, vector<16xf32>,
          %get3A_309 = arith.index_cast %scan3A_183 : i32 to index
          %get3A_310 = arith.constant 192 : index
          %get3A_311 = tpu.vector_load %arg17[%get3A_309, %get3A_310] {strides = array<i32>} : memref<64x256xf32, #tpu.memory_space<vmem>>, vector<16xf32>,
          %add3A_312 = arith.addf %get3A_308, %get3A_311 : vector<16xf32>
          %swap3A_313 = arith.index_cast %squeeze3A : i32 to index
          %swap3A_314 = arith.constant 192 : index
          %swap3A_315 = tpu.vector_load %arg22[%swap3A_313, %swap3A_314] {strides = array<i32>} : memref<328x256xf32, #tpu.memory_space<vmem>>, vector<16xf32>,
          tpu.vector_store %arg22[%swap3A_313, %swap3A_314], %add3A_312 {strides = array<i32>} : memref<328x256xf32, #tpu.memory_space<vmem>>, vector<16xf32>,
          %get3A_316 = arith.index_cast %squeeze3A : i32 to index
          %get3A_317 = arith.constant 208 : index
          %get3A_318 = tpu.vector_load %arg22[%get3A_316, %get3A_317] {strides = array<i32>} : memref<328x256xf32, #tpu.memory_space<vmem>>, vector<16xf32>,
          %get3A_319 = arith.index_cast %scan3A_183 : i32 to index
          %get3A_320 = arith.constant 208 : index
          %get3A_321 = tpu.vector_load %arg17[%get3A_319, %get3A_320] {strides = array<i32>} : memref<64x256xf32, #tpu.memory_space<vmem>>, vector<16xf32>,
          %add3A_322 = arith.addf %get3A_318, %get3A_321 : vector<16xf32>
          %swap3A_323 = arith.index_cast %squeeze3A : i32 to index
          %swap3A_324 = arith.constant 208 : index
          %swap3A_325 = tpu.vector_load %arg22[%swap3A_323, %swap3A_324] {strides = array<i32>} : memref<328x256xf32, #tpu.memory_space<vmem>>, vector<16xf32>,
          tpu.vector_store %arg22[%swap3A_323, %swap3A_324], %add3A_322 {strides = array<i32>} : memref<328x256xf32, #tpu.memory_space<vmem>>, vector<16xf32>,
          %get3A_326 = arith.index_cast %squeeze3A : i32 to index
          %get3A_327 = arith.constant 224 : index
          %get3A_328 = tpu.vector_load %arg22[%get3A_326, %get3A_327] {strides = array<i32>} : memref<328x256xf32, #tpu.memory_space<vmem>>, vector<16xf32>,
          %get3A_329 = arith.index_cast %scan3A_183 : i32 to index
          %get3A_330 = arith.constant 224 : index
          %get3A_331 = tpu.vector_load %arg17[%get3A_329, %get3A_330] {strides = array<i32>} : memref<64x256xf32, #tpu.memory_space<vmem>>, vector<16xf32>,
          %add3A_332 = arith.addf %get3A_328, %get3A_331 : vector<16xf32>
          %swap3A_333 = arith.index_cast %squeeze3A : i32 to index
          %swap3A_334 = arith.constant 224 : index
          %swap3A_335 = tpu.vector_load %arg22[%swap3A_333, %swap3A_334] {strides = array<i32>} : memref<328x256xf32, #tpu.memory_space<vmem>>, vector<16xf32>,
          tpu.vector_store %arg22[%swap3A_333, %swap3A_334], %add3A_332 {strides = array<i32>} : memref<328x256xf32, #tpu.memory_space<vmem>>, vector<16xf32>,
          %get3A_336 = arith.index_cast %squeeze3A : i32 to index
          %get3A_337 = arith.constant 240 : index
          %get3A_338 = tpu.vector_load %arg22[%get3A_336, %get3A_337] {strides = array<i32>} : memref<328x256xf32, #tpu.memory_space<vmem>>, vector<16xf32>,
          %get3A_339 = arith.index_cast %scan3A_183 : i32 to index
          %get3A_340 = arith.constant 240 : index
          %get3A_341 = tpu.vector_load %arg17[%get3A_339, %get3A_340] {strides = array<i32>} : memref<64x256xf32, #tpu.memory_space<vmem>>, vector<16xf32>,
          %add3A_342 = arith.addf %get3A_338, %get3A_341 : vector<16xf32>
          %swap3A_343 = arith.index_cast %squeeze3A : i32 to index
          %swap3A_344 = arith.constant 240 : index
          %swap3A_345 = tpu.vector_load %arg22[%swap3A_343, %swap3A_344] {strides = array<i32>} : memref<328x256xf32, #tpu.memory_space<vmem>>, vector<16xf32>,
          tpu.vector_store %arg22[%swap3A_343, %swap3A_344], %add3A_342 {strides = array<i32>} : memref<328x256xf32, #tpu.memory_space<vmem>>, vector<16xf32>,
        }
        %scan3A_150 = arith.constant 64 : i32
        %sub3A_151 = arith.constant 64 : i32
        %sub3A_152 = arith.subi %while3A_135, %sub3A_151 : i32
        %add3A_153 = arith.constant 15 : i32
        %add3A_154 = arith.addi %sub3A_152, %add3A_153 : i32
        %jit3A = arith.constant 16 : i32
        %div3A = arith.divsi %add3A_154, %jit3A : i32
        %sign3A = arith.constant 0 : i32
        %sign3A_155 = arith.cmpi sgt, %add3A_154, %sign3A : i32
        %sign3A_156 = arith.extui %sign3A_155 : i1 to i32
        %sign3A_157 = arith.constant 0 : i32
        %sign3A_158 = arith.cmpi slt, %add3A_154, %sign3A_157 : i32
        %sign3A_159 = arith.extui %sign3A_158 : i1 to i32
        %sign3A_160 = arith.subi %sign3A_156, %sign3A_159 : i32
        %sign3A_161 = arith.constant 0 : i32
        %sign3A_162 = arith.cmpi sgt, %jit3A, %sign3A_161 : i32
        %sign3A_163 = arith.extui %sign3A_162 : i1 to i32
        %sign3A_164 = arith.constant 0 : i32
        %sign3A_165 = arith.cmpi slt, %jit3A, %sign3A_164 : i32
        %sign3A_166 = arith.extui %sign3A_165 : i1 to i32
        %sign3A_167 = arith.subi %sign3A_163, %sign3A_166 : i32
        %ne3A = arith.cmpi ne, %sign3A_160, %sign3A_167 : i32
        %rem3A = arith.remsi %add3A_154, %jit3A : i32
        %ne3A_168 = arith.constant 0 : i32
        %ne3A_169 = arith.cmpi ne, %rem3A, %ne3A_168 : i32
        %and3A = arith.andi %ne3A, %ne3A_169 : i1
        %sub3A_170 = arith.constant 1 : i32
        %sub3A_171 = arith.subi %div3A, %sub3A_170 : i32
        %select_n3A = arith.select %and3A, %sub3A_171, %div3A : i32
        %while3A_172 = arith.constant 0 : i32
        %while3A_173 = arith.subi %select_n3A, %while3A_172 : i32
        %while3A_174 = arith.addi %while3A_172, %while3A_173 : i32
        %while3A_175 = arith.constant 1 : i32
        %while3A_176 = arith.divsi %while3A_173, %while3A_175 : i32
        %while3A_177 = arith.muli %while3A_176, %while3A_175 : i32
        %while3A_178 = arith.addi %while3A_172, %while3A_177 : i32
        %while3A_179 = arith.constant 1 : i32
        scf.for %while3A_183 = %while3A_172 to %while3A_178 step %while3A_179  : i32 {
          %mul3A_184 = arith.constant 16 : i32
          %mul3A_185 = arith.muli %while3A_183, %mul3A_184 : i32
          %add3A_186 = arith.constant 64 : i32
          %add3A_187 = arith.addi %mul3A_185, %add3A_186 : i32
          %get3A = arith.index_cast %add3A_187 : i32 to index
          %get3A_188 = tpu.vector_load %arg14[%get3A] {strides = array<i32>} : memref<1424xi32, #tpu.memory_space<vmem>>, vector<16xi32>,
          %mul3A_189 = arith.constant 16 : i32
          %mul3A_190 = arith.muli %while3A_183, %mul3A_189 : i32
          %swap3A = arith.index_cast %mul3A_190 : i32 to index
          %swap3A_191 = tpu.vector_load %arg14[%swap3A] {strides = array<i32>} : memref<1424xi32, #tpu.memory_space<vmem>>, vector<16xi32>,
          tpu.vector_store %arg14[%swap3A], %get3A_188 {strides = array<i32>} : memref<1424xi32, #tpu.memory_space<vmem>>, vector<16xi32>,
          %mul3A_192 = arith.constant 16 : i32
          %mul3A_193 = arith.muli %while3A_183, %mul3A_192 : i32
          %add3A_194 = arith.constant 64 : i32
          %add3A_195 = arith.addi %mul3A_193, %add3A_194 : i32
          %get3A_196 = arith.index_cast %add3A_195 : i32 to index
          %get3A_197 = tpu.vector_load %arg15[%get3A_196] {strides = array<i32>} : memref<1424xi32, #tpu.memory_space<vmem>>, vector<16xi32>,
          %mul3A_198 = arith.constant 16 : i32
          %mul3A_199 = arith.muli %while3A_183, %mul3A_198 : i32
          %swap3A_200 = arith.index_cast %mul3A_199 : i32 to index
          %swap3A_201 = tpu.vector_load %arg15[%swap3A_200] {strides = array<i32>} : memref<1424xi32, #tpu.memory_space<vmem>>, vector<16xi32>,
          tpu.vector_store %arg15[%swap3A_200], %get3A_197 {strides = array<i32>} : memref<1424xi32, #tpu.memory_space<vmem>>, vector<16xi32>,
        }
        %while3A_180 = arith.constant 1 : i32
        scf.for %while3A_183 = %while3A_178 to %while3A_174 step %while3A_180  : i32 {
          %mul3A_184 = arith.constant 16 : i32
          %mul3A_185 = arith.muli %while3A_183, %mul3A_184 : i32
          %add3A_186 = arith.constant 64 : i32
          %add3A_187 = arith.addi %mul3A_185, %add3A_186 : i32
          %get3A = arith.index_cast %add3A_187 : i32 to index
          %get3A_188 = tpu.vector_load %arg14[%get3A] {strides = array<i32>} : memref<1424xi32, #tpu.memory_space<vmem>>, vector<16xi32>,
          %mul3A_189 = arith.constant 16 : i32
          %mul3A_190 = arith.muli %while3A_183, %mul3A_189 : i32
          %swap3A = arith.index_cast %mul3A_190 : i32 to index
          %swap3A_191 = tpu.vector_load %arg14[%swap3A] {strides = array<i32>} : memref<1424xi32, #tpu.memory_space<vmem>>, vector<16xi32>,
          tpu.vector_store %arg14[%swap3A], %get3A_188 {strides = array<i32>} : memref<1424xi32, #tpu.memory_space<vmem>>, vector<16xi32>,
          %mul3A_192 = arith.constant 16 : i32
          %mul3A_193 = arith.muli %while3A_183, %mul3A_192 : i32
          %add3A_194 = arith.constant 64 : i32
          %add3A_195 = arith.addi %mul3A_193, %add3A_194 : i32
          %get3A_196 = arith.index_cast %add3A_195 : i32 to index
          %get3A_197 = tpu.vector_load %arg15[%get3A_196] {strides = array<i32>} : memref<1424xi32, #tpu.memory_space<vmem>>, vector<16xi32>,
          %mul3A_198 = arith.constant 16 : i32
          %mul3A_199 = arith.muli %while3A_183, %mul3A_198 : i32
          %swap3A_200 = arith.index_cast %mul3A_199 : i32 to index
          %swap3A_201 = tpu.vector_load %arg15[%swap3A_200] {strides = array<i32>} : memref<1424xi32, #tpu.memory_space<vmem>>, vector<16xi32>,
          tpu.vector_store %arg15[%swap3A_200], %get3A_197 {strides = array<i32>} : memref<1424xi32, #tpu.memory_space<vmem>>, vector<16xi32>,
        }
        %sub3A_181 = arith.constant 64 : i32
        %sub3A_182 = arith.subi %while3A_135, %sub3A_181 : i32
        scf.yield %sub3A_182 : i32
      }
      %ge3A = arith.constant 64 : i32
      %ge3A_88 = arith.cmpi sge, %while3A, %ge3A : i32
      %convert_element_type3A_89 = arith.extui %ge3A_88 : i1 to i32
      %eq3A_90 = arith.constant 1 : i32
      %eq3A_91 = arith.cmpi eq, %convert_element_type3A_89, %eq3A_90 : i32
      %convert_element_type3A_92 = arith.extui %eq3A_91 : i1 to i32
      %cond3A_93 = arith.constant 0 : i32
      %cond3A_94 = arith.cmpi ne, %convert_element_type3A_92, %cond3A_93 : i32
      scf.if %cond3A_94 {
        %dma_start3A_135 = arith.constant 0 : i32
        %dma_start3A_136 = tpu.memref_slice %arg14[%dma_start3A_135] : memref<1424xi32, #tpu.memory_space<vmem>> -> memref<64xi32, #tpu.memory_space<vmem>>
        %dma_start3A_137 = arith.constant 0 : i32
        %dma_start3A_138 = arith.constant 0 : i32
        %dma_start3A_139 = tpu.memref_slice %arg2[%dma_start3A_137, %dma_start3A_138] : memref<80000x256xf32, #tpu.memory_space<hbm>> -> memref<80000x256xf32, #tpu.memory_space<hbm>>
        tpu.enqueue_indirect_dma source(%dma_start3A_139 : memref<80000x256xf32, #tpu.memory_space<hbm>>) target(%arg16 : memref<64x256xf32, #tpu.memory_space<vmem>>) offsets(%dma_start3A_136 : memref<64xi32, #tpu.memory_space<vmem>>) semaphore(%arg18 : memref<!tpu.dma_semaphore, #tpu.memory_space<semaphore_mem>>)
      } else {
      }
      %lt3A_95 = arith.constant 63 : i32
      %lt3A_96 = arith.cmpi slt, %scan3A_48, %lt3A_95 : i32
      %convert_element_type3A_97 = arith.extui %lt3A_96 : i1 to i32
      %cond3A_98 = arith.constant 0 : i32
      %cond3A_99 = arith.cmpi ne, %convert_element_type3A_97, %cond3A_98 : i32
      scf.if %cond3A_99 {
        %add3A_135 = arith.constant 2 : i32
        %add3A_136 = arith.addi %mul3A_52, %add3A_135 : i32
        %mul3A_137 = arith.constant 1280 : i32
        %mul3A_138 = arith.muli %add3A_136, %mul3A_137 : i32
        %dma_start3A_139 = tpu.memref_slice %arg4[%mul3A_138] : memref<163840xi32, #tpu.memory_space<hbm>> -> memref<1280xi32, #tpu.memory_space<hbm>>
        %dma_start3A_140 = tpu.memref_slice %arg4[%mul3A_138] : memref<163840xi32, #tpu.memory_space<hbm>> -> memref<1280xi32, #tpu.memory_space<hbm>>
        tpu.enqueue_dma source(%dma_start3A_140 : memref<1280xi32, #tpu.memory_space<hbm>>) target(%arg8 : memref<1280xi32, #tpu.memory_space<vmem>>) target_semaphore(%arg20 : memref<!tpu.dma_semaphore, #tpu.memory_space<semaphore_mem>>)
        %dma_start3A_141 = tpu.memref_slice %arg5[%mul3A_138] : memref<163840xi32, #tpu.memory_space<hbm>> -> memref<1280xi32, #tpu.memory_space<hbm>>
        %dma_start3A_142 = tpu.memref_slice %arg5[%mul3A_138] : memref<163840xi32, #tpu.memory_space<hbm>> -> memref<1280xi32, #tpu.memory_space<hbm>>
        tpu.enqueue_dma source(%dma_start3A_142 : memref<1280xi32, #tpu.memory_space<hbm>>) target(%arg9 : memref<1280xi32, #tpu.memory_space<vmem>>) target_semaphore(%arg20 : memref<!tpu.dma_semaphore, #tpu.memory_space<semaphore_mem>>)
        %dma_start3A_143 = tpu.memref_slice %arg6[%mul3A_138] : memref<163840xi32, #tpu.memory_space<hbm>> -> memref<1280xi32, #tpu.memory_space<hbm>>
        %dma_start3A_144 = tpu.memref_slice %arg6[%mul3A_138] : memref<163840xi32, #tpu.memory_space<hbm>> -> memref<1280xi32, #tpu.memory_space<hbm>>
        tpu.enqueue_dma source(%dma_start3A_144 : memref<1280xi32, #tpu.memory_space<hbm>>) target(%arg10 : memref<1280xi32, #tpu.memory_space<vmem>>) target_semaphore(%arg20 : memref<!tpu.dma_semaphore, #tpu.memory_space<semaphore_mem>>)
      } else {
      }
      %dma_wait3A_100 = arith.constant 0 : i32
      %dma_wait3A_101 = tpu.memref_slice %arg4[%dma_wait3A_100] : memref<163840xi32, #tpu.memory_space<hbm>> -> memref<1280xi32, #tpu.memory_space<hbm>>
      %dma_wait3A_102 = arith.constant 0 : i32
      %dma_wait3A_103 = tpu.memref_slice %arg4[%dma_wait3A_102] : memref<163840xi32, #tpu.memory_space<hbm>> -> memref<1280xi32, #tpu.memory_space<hbm>>
      tpu.wait_dma2 semaphore(%arg21 : memref<!tpu.dma_semaphore, #tpu.memory_space<semaphore_mem>>) src(%dma_wait3A_103 : memref<1280xi32, #tpu.memory_space<hbm>>) dst(%arg11 : memref<1280xi32, #tpu.memory_space<vmem>>)
      %dma_wait3A_104 = arith.constant 0 : i32
      %dma_wait3A_105 = tpu.memref_slice %arg5[%dma_wait3A_104] : memref<163840xi32, #tpu.memory_space<hbm>> -> memref<1280xi32, #tpu.memory_space<hbm>>
      %dma_wait3A_106 = arith.constant 0 : i32
      %dma_wait3A_107 = tpu.memref_slice %arg5[%dma_wait3A_106] : memref<163840xi32, #tpu.memory_space<hbm>> -> memref<1280xi32, #tpu.memory_space<hbm>>
      tpu.wait_dma2 semaphore(%arg21 : memref<!tpu.dma_semaphore, #tpu.memory_space<semaphore_mem>>) src(%dma_wait3A_107 : memref<1280xi32, #tpu.memory_space<hbm>>) dst(%arg12 : memref<1280xi32, #tpu.memory_space<vmem>>)
      %dma_wait3A_108 = arith.constant 0 : i32
      %dma_wait3A_109 = tpu.memref_slice %arg6[%dma_wait3A_108] : memref<163840xi32, #tpu.memory_space<hbm>> -> memref<1280xi32, #tpu.memory_space<hbm>>
      %dma_wait3A_110 = arith.constant 0 : i32
      %dma_wait3A_111 = tpu.memref_slice %arg6[%dma_wait3A_110] : memref<163840xi32, #tpu.memory_space<hbm>> -> memref<1280xi32, #tpu.memory_space<hbm>>
      tpu.wait_dma2 semaphore(%arg21 : memref<!tpu.dma_semaphore, #tpu.memory_space<semaphore_mem>>) src(%dma_wait3A_111 : memref<1280xi32, #tpu.memory_space<hbm>>) dst(%arg13 : memref<1280xi32, #tpu.memory_space<vmem>>)
      %scan3A_112 = arith.constant 0 : i32
      %scan3A_113 = arith.constant 40 : i32
      %scan3A_114 = arith.addi %scan3A_112, %scan3A_113 : i32
      %scan3A_115 = arith.constant 1 : i32
      %scan3A_116 = scf.for %scan3A_135 = %scan3A_112 to %scan3A_114 step %scan3A_115 iter_args(%scan3A_136 = %while3A) -> (i32)  : i32 {
        %mul3A_137 = arith.constant 32 : i32
        %mul3A_138 = arith.muli %scan3A_135, %mul3A_137 : i32
        %add3A_139 = arith.constant 0 : i32
        %add3A_140 = arith.addi %mul3A_138, %add3A_139 : i32
        %get3A = arith.index_cast %add3A_140 : i32 to index
        %get3A_141 = tpu.vector_load %arg11[%get3A] {strides = array<i32>} : memref<1280xi32, #tpu.memory_space<vmem>>, vector<16xi32>,
        %get3A_142 = arith.index_cast %add3A_140 : i32 to index
        %get3A_143 = tpu.vector_load %arg13[%get3A_142] {strides = array<i32>} : memref<1280xi32, #tpu.memory_space<vmem>>, vector<16xi32>,
        %get3A_144 = arith.index_cast %add3A_140 : i32 to index
        %get3A_145 = tpu.vector_load %arg12[%get3A_144] {strides = array<i32>} : memref<1280xi32, #tpu.memory_space<vmem>>, vector<16xi32>,
        %sub3A_146 = vector.broadcast %mul3A_2 : i32 to vector<16xi32>
        %sub3A_147 = arith.subi %get3A_145, %sub3A_146 : vector<16xi32>
        %ge3A_148 = arith.constant 0 : i32
        %ge3A_149 = vector.broadcast %ge3A_148 : i32 to vector<16xi32>
        %ge3A_150 = arith.cmpi sge, %sub3A_147, %ge3A_149 : vector<16xi32>
        %lt3A_151 = arith.constant 320 : i32
        %lt3A_152 = vector.broadcast %lt3A_151 : i32 to vector<16xi32>
        %lt3A_153 = arith.cmpi slt, %sub3A_147, %lt3A_152 : vector<16xi32>
        %and3A = arith.andi %ge3A_150, %lt3A_153 : vector<16xi1>
        %mul3A_154 = arith.constant 8 : i32
        %mul3A_155 = vector.broadcast %mul3A_154 : i32 to vector<16xi32>
        %mul3A_156 = arith.muli %get3A_141, %mul3A_155 : vector<16xi32>
        %add3A_157 = arith.addi %mul3A_156, %get3A_143 : vector<16xi32>
        %swap3A = arith.index_cast %scan3A_136 : i32 to index
        %swap3A_158 = tpu.vector_load %arg14[%swap3A] masked %and3A {strides = array<i32>} : memref<1424xi32, #tpu.memory_space<vmem>>, vector<16xi32>, vector<16xi1>
        tpu.vector_store %arg14[%swap3A], %add3A_157 masked %and3A {strides = array<i32>} : memref<1424xi32, #tpu.memory_space<vmem>>, vector<16xi32>, vector<16xi1>
        %swap3A_159 = arith.index_cast %scan3A_136 : i32 to index
        %swap3A_160 = tpu.vector_load %arg15[%swap3A_159] masked %and3A {strides = array<i32>} : memref<1424xi32, #tpu.memory_space<vmem>>, vector<16xi32>, vector<16xi1>
        tpu.vector_store %arg15[%swap3A_159], %sub3A_147 masked %and3A {strides = array<i32>} : memref<1424xi32, #tpu.memory_space<vmem>>, vector<16xi32>, vector<16xi1>
        %all_reduce_population_count3A = tpu.all_reduce %and3A {dim = 0 : i64, kind = #tpu.reduction_kind<sum>} : vector<16xi1> -> vector<16xi32>
        %slice3A = vector.extract_strided_slice %all_reduce_population_count3A {offsets = [0], sizes = [1], strides = [1]} : vector<16xi32> to vector<1xi32>
        %squeeze3A = vector.extract %slice3A[0] : i32 from vector<1xi32>
        %add3A_161 = arith.addi %scan3A_136, %squeeze3A : i32
        %mul3A_162 = arith.constant 32 : i32
        %mul3A_163 = arith.muli %scan3A_135, %mul3A_162 : i32
        %add3A_164 = arith.constant 16 : i32
        %add3A_165 = arith.addi %mul3A_163, %add3A_164 : i32
        %get3A_166 = arith.index_cast %add3A_165 : i32 to index
        %get3A_167 = tpu.vector_load %arg11[%get3A_166] {strides = array<i32>} : memref<1280xi32, #tpu.memory_space<vmem>>, vector<16xi32>,
        %get3A_168 = arith.index_cast %add3A_165 : i32 to index
        %get3A_169 = tpu.vector_load %arg13[%get3A_168] {strides = array<i32>} : memref<1280xi32, #tpu.memory_space<vmem>>, vector<16xi32>,
        %get3A_170 = arith.index_cast %add3A_165 : i32 to index
        %get3A_171 = tpu.vector_load %arg12[%get3A_170] {strides = array<i32>} : memref<1280xi32, #tpu.memory_space<vmem>>, vector<16xi32>,
        %sub3A_172 = vector.broadcast %mul3A_2 : i32 to vector<16xi32>
        %sub3A_173 = arith.subi %get3A_171, %sub3A_172 : vector<16xi32>
        %ge3A_174 = arith.constant 0 : i32
        %ge3A_175 = vector.broadcast %ge3A_174 : i32 to vector<16xi32>
        %ge3A_176 = arith.cmpi sge, %sub3A_173, %ge3A_175 : vector<16xi32>
        %lt3A_177 = arith.constant 320 : i32
        %lt3A_178 = vector.broadcast %lt3A_177 : i32 to vector<16xi32>
        %lt3A_179 = arith.cmpi slt, %sub3A_173, %lt3A_178 : vector<16xi32>
        %and3A_180 = arith.andi %ge3A_176, %lt3A_179 : vector<16xi1>
        %mul3A_181 = arith.constant 8 : i32
        %mul3A_182 = vector.broadcast %mul3A_181 : i32 to vector<16xi32>
        %mul3A_183 = arith.muli %get3A_167, %mul3A_182 : vector<16xi32>
        %add3A_184 = arith.addi %mul3A_183, %get3A_169 : vector<16xi32>
        %swap3A_185 = arith.index_cast %add3A_161 : i32 to index
        %swap3A_186 = tpu.vector_load %arg14[%swap3A_185] masked %and3A_180 {strides = array<i32>} : memref<1424xi32, #tpu.memory_space<vmem>>, vector<16xi32>, vector<16xi1>
        tpu.vector_store %arg14[%swap3A_185], %add3A_184 masked %and3A_180 {strides = array<i32>} : memref<1424xi32, #tpu.memory_space<vmem>>, vector<16xi32>, vector<16xi1>
        %swap3A_187 = arith.index_cast %add3A_161 : i32 to index
        %swap3A_188 = tpu.vector_load %arg15[%swap3A_187] masked %and3A_180 {strides = array<i32>} : memref<1424xi32, #tpu.memory_space<vmem>>, vector<16xi32>, vector<16xi1>
        tpu.vector_store %arg15[%swap3A_187], %sub3A_173 masked %and3A_180 {strides = array<i32>} : memref<1424xi32, #tpu.memory_space<vmem>>, vector<16xi32>, vector<16xi1>
        %all_reduce_population_count3A_189 = tpu.all_reduce %and3A_180 {dim = 0 : i64, kind = #tpu.reduction_kind<sum>} : vector<16xi1> -> vector<16xi32>
        %slice3A_190 = vector.extract_strided_slice %all_reduce_population_count3A_189 {offsets = [0], sizes = [1], strides = [1]} : vector<16xi32> to vector<1xi32>
        %squeeze3A_191 = vector.extract %slice3A_190[0] : i32 from vector<1xi32>
        %add3A_192 = arith.addi %add3A_161, %squeeze3A_191 : i32
        scf.yield %add3A_192 : i32
      }
      %scan3A_117 = arith.constant 40 : i32
      %eq3A_118 = arith.constant 1 : i32
      %eq3A_119 = arith.cmpi eq, %convert_element_type3A_89, %eq3A_118 : i32
      %convert_element_type3A_120 = arith.extui %eq3A_119 : i1 to i32
      %cond3A_121 = arith.constant 0 : i32
      %cond3A_122 = arith.cmpi ne, %convert_element_type3A_120, %cond3A_121 : i32
      scf.if %cond3A_122 {
        %dma_wait3A_135 = arith.constant 0 : i32
        %dma_wait3A_136 = tpu.memref_slice %arg14[%dma_wait3A_135] : memref<1424xi32, #tpu.memory_space<vmem>> -> memref<64xi32, #tpu.memory_space<vmem>>
        %dma_wait3A_137 = arith.constant 0 : i32
        %dma_wait3A_138 = arith.constant 0 : i32
        %dma_wait3A_139 = tpu.memref_slice %arg2[%dma_wait3A_137, %dma_wait3A_138] : memref<80000x256xf32, #tpu.memory_space<hbm>> -> memref<80000x256xf32, #tpu.memory_space<hbm>>
        tpu.wait_indirect_dma semaphore(%arg18 : memref<!tpu.dma_semaphore, #tpu.memory_space<semaphore_mem>>) src(%dma_wait3A_139 : memref<80000x256xf32, #tpu.memory_space<hbm>>) dst(%arg16 : memref<64x256xf32, #tpu.memory_space<vmem>>)
        %scan3A_140 = arith.constant 0 : i32
        %scan3A_141 = arith.constant 64 : i32
        %scan3A_142 = arith.addi %scan3A_140, %scan3A_141 : i32
        %scan3A_143 = arith.constant 1 : i32
        scf.for %scan3A_175 = %scan3A_140 to %scan3A_142 step %scan3A_143  : i32 {
          %add3A_176 = arith.constant 0 : i32
          %add3A_177 = arith.addi %add3A_176, %scan3A_175 : i32
          %get3A = arith.index_cast %add3A_177 : i32 to index
          %get3A_178 = tpu.vector_load %arg15[%get3A] {strides = array<i32>} : memref<1424xi32, #tpu.memory_space<vmem>>, vector<16xi32>,
          %slice3A = vector.extract_strided_slice %get3A_178 {offsets = [0], sizes = [1], strides = [1]} : vector<16xi32> to vector<1xi32>
          %squeeze3A = vector.extract %slice3A[0] : i32 from vector<1xi32>
          %get3A_179 = arith.index_cast %squeeze3A : i32 to index
          %get3A_180 = arith.constant 0 : index
          %get3A_181 = tpu.vector_load %arg22[%get3A_179, %get3A_180] {strides = array<i32>} : memref<328x256xf32, #tpu.memory_space<vmem>>, vector<16xf32>,
          %get3A_182 = arith.index_cast %scan3A_175 : i32 to index
          %get3A_183 = arith.constant 0 : index
          %get3A_184 = tpu.vector_load %arg16[%get3A_182, %get3A_183] {strides = array<i32>} : memref<64x256xf32, #tpu.memory_space<vmem>>, vector<16xf32>,
          %add3A_185 = arith.addf %get3A_181, %get3A_184 : vector<16xf32>
          %swap3A = arith.index_cast %squeeze3A : i32 to index
          %swap3A_186 = arith.constant 0 : index
          %swap3A_187 = tpu.vector_load %arg22[%swap3A, %swap3A_186] {strides = array<i32>} : memref<328x256xf32, #tpu.memory_space<vmem>>, vector<16xf32>,
          tpu.vector_store %arg22[%swap3A, %swap3A_186], %add3A_185 {strides = array<i32>} : memref<328x256xf32, #tpu.memory_space<vmem>>, vector<16xf32>,
          %get3A_188 = arith.index_cast %squeeze3A : i32 to index
          %get3A_189 = arith.constant 16 : index
          %get3A_190 = tpu.vector_load %arg22[%get3A_188, %get3A_189] {strides = array<i32>} : memref<328x256xf32, #tpu.memory_space<vmem>>, vector<16xf32>,
          %get3A_191 = arith.index_cast %scan3A_175 : i32 to index
          %get3A_192 = arith.constant 16 : index
          %get3A_193 = tpu.vector_load %arg16[%get3A_191, %get3A_192] {strides = array<i32>} : memref<64x256xf32, #tpu.memory_space<vmem>>, vector<16xf32>,
          %add3A_194 = arith.addf %get3A_190, %get3A_193 : vector<16xf32>
          %swap3A_195 = arith.index_cast %squeeze3A : i32 to index
          %swap3A_196 = arith.constant 16 : index
          %swap3A_197 = tpu.vector_load %arg22[%swap3A_195, %swap3A_196] {strides = array<i32>} : memref<328x256xf32, #tpu.memory_space<vmem>>, vector<16xf32>,
          tpu.vector_store %arg22[%swap3A_195, %swap3A_196], %add3A_194 {strides = array<i32>} : memref<328x256xf32, #tpu.memory_space<vmem>>, vector<16xf32>,
          %get3A_198 = arith.index_cast %squeeze3A : i32 to index
          %get3A_199 = arith.constant 32 : index
          %get3A_200 = tpu.vector_load %arg22[%get3A_198, %get3A_199] {strides = array<i32>} : memref<328x256xf32, #tpu.memory_space<vmem>>, vector<16xf32>,
          %get3A_201 = arith.index_cast %scan3A_175 : i32 to index
          %get3A_202 = arith.constant 32 : index
          %get3A_203 = tpu.vector_load %arg16[%get3A_201, %get3A_202] {strides = array<i32>} : memref<64x256xf32, #tpu.memory_space<vmem>>, vector<16xf32>,
          %add3A_204 = arith.addf %get3A_200, %get3A_203 : vector<16xf32>
          %swap3A_205 = arith.index_cast %squeeze3A : i32 to index
          %swap3A_206 = arith.constant 32 : index
          %swap3A_207 = tpu.vector_load %arg22[%swap3A_205, %swap3A_206] {strides = array<i32>} : memref<328x256xf32, #tpu.memory_space<vmem>>, vector<16xf32>,
          tpu.vector_store %arg22[%swap3A_205, %swap3A_206], %add3A_204 {strides = array<i32>} : memref<328x256xf32, #tpu.memory_space<vmem>>, vector<16xf32>,
          %get3A_208 = arith.index_cast %squeeze3A : i32 to index
          %get3A_209 = arith.constant 48 : index
          %get3A_210 = tpu.vector_load %arg22[%get3A_208, %get3A_209] {strides = array<i32>} : memref<328x256xf32, #tpu.memory_space<vmem>>, vector<16xf32>,
          %get3A_211 = arith.index_cast %scan3A_175 : i32 to index
          %get3A_212 = arith.constant 48 : index
          %get3A_213 = tpu.vector_load %arg16[%get3A_211, %get3A_212] {strides = array<i32>} : memref<64x256xf32, #tpu.memory_space<vmem>>, vector<16xf32>,
          %add3A_214 = arith.addf %get3A_210, %get3A_213 : vector<16xf32>
          %swap3A_215 = arith.index_cast %squeeze3A : i32 to index
          %swap3A_216 = arith.constant 48 : index
          %swap3A_217 = tpu.vector_load %arg22[%swap3A_215, %swap3A_216] {strides = array<i32>} : memref<328x256xf32, #tpu.memory_space<vmem>>, vector<16xf32>,
          tpu.vector_store %arg22[%swap3A_215, %swap3A_216], %add3A_214 {strides = array<i32>} : memref<328x256xf32, #tpu.memory_space<vmem>>, vector<16xf32>,
          %get3A_218 = arith.index_cast %squeeze3A : i32 to index
          %get3A_219 = arith.constant 64 : index
          %get3A_220 = tpu.vector_load %arg22[%get3A_218, %get3A_219] {strides = array<i32>} : memref<328x256xf32, #tpu.memory_space<vmem>>, vector<16xf32>,
          %get3A_221 = arith.index_cast %scan3A_175 : i32 to index
          %get3A_222 = arith.constant 64 : index
          %get3A_223 = tpu.vector_load %arg16[%get3A_221, %get3A_222] {strides = array<i32>} : memref<64x256xf32, #tpu.memory_space<vmem>>, vector<16xf32>,
          %add3A_224 = arith.addf %get3A_220, %get3A_223 : vector<16xf32>
          %swap3A_225 = arith.index_cast %squeeze3A : i32 to index
          %swap3A_226 = arith.constant 64 : index
          %swap3A_227 = tpu.vector_load %arg22[%swap3A_225, %swap3A_226] {strides = array<i32>} : memref<328x256xf32, #tpu.memory_space<vmem>>, vector<16xf32>,
          tpu.vector_store %arg22[%swap3A_225, %swap3A_226], %add3A_224 {strides = array<i32>} : memref<328x256xf32, #tpu.memory_space<vmem>>, vector<16xf32>,
          %get3A_228 = arith.index_cast %squeeze3A : i32 to index
          %get3A_229 = arith.constant 80 : index
          %get3A_230 = tpu.vector_load %arg22[%get3A_228, %get3A_229] {strides = array<i32>} : memref<328x256xf32, #tpu.memory_space<vmem>>, vector<16xf32>,
          %get3A_231 = arith.index_cast %scan3A_175 : i32 to index
          %get3A_232 = arith.constant 80 : index
          %get3A_233 = tpu.vector_load %arg16[%get3A_231, %get3A_232] {strides = array<i32>} : memref<64x256xf32, #tpu.memory_space<vmem>>, vector<16xf32>,
          %add3A_234 = arith.addf %get3A_230, %get3A_233 : vector<16xf32>
          %swap3A_235 = arith.index_cast %squeeze3A : i32 to index
          %swap3A_236 = arith.constant 80 : index
          %swap3A_237 = tpu.vector_load %arg22[%swap3A_235, %swap3A_236] {strides = array<i32>} : memref<328x256xf32, #tpu.memory_space<vmem>>, vector<16xf32>,
          tpu.vector_store %arg22[%swap3A_235, %swap3A_236], %add3A_234 {strides = array<i32>} : memref<328x256xf32, #tpu.memory_space<vmem>>, vector<16xf32>,
          %get3A_238 = arith.index_cast %squeeze3A : i32 to index
          %get3A_239 = arith.constant 96 : index
          %get3A_240 = tpu.vector_load %arg22[%get3A_238, %get3A_239] {strides = array<i32>} : memref<328x256xf32, #tpu.memory_space<vmem>>, vector<16xf32>,
          %get3A_241 = arith.index_cast %scan3A_175 : i32 to index
          %get3A_242 = arith.constant 96 : index
          %get3A_243 = tpu.vector_load %arg16[%get3A_241, %get3A_242] {strides = array<i32>} : memref<64x256xf32, #tpu.memory_space<vmem>>, vector<16xf32>,
          %add3A_244 = arith.addf %get3A_240, %get3A_243 : vector<16xf32>
          %swap3A_245 = arith.index_cast %squeeze3A : i32 to index
          %swap3A_246 = arith.constant 96 : index
          %swap3A_247 = tpu.vector_load %arg22[%swap3A_245, %swap3A_246] {strides = array<i32>} : memref<328x256xf32, #tpu.memory_space<vmem>>, vector<16xf32>,
          tpu.vector_store %arg22[%swap3A_245, %swap3A_246], %add3A_244 {strides = array<i32>} : memref<328x256xf32, #tpu.memory_space<vmem>>, vector<16xf32>,
          %get3A_248 = arith.index_cast %squeeze3A : i32 to index
          %get3A_249 = arith.constant 112 : index
          %get3A_250 = tpu.vector_load %arg22[%get3A_248, %get3A_249] {strides = array<i32>} : memref<328x256xf32, #tpu.memory_space<vmem>>, vector<16xf32>,
          %get3A_251 = arith.index_cast %scan3A_175 : i32 to index
          %get3A_252 = arith.constant 112 : index
          %get3A_253 = tpu.vector_load %arg16[%get3A_251, %get3A_252] {strides = array<i32>} : memref<64x256xf32, #tpu.memory_space<vmem>>, vector<16xf32>,
          %add3A_254 = arith.addf %get3A_250, %get3A_253 : vector<16xf32>
          %swap3A_255 = arith.index_cast %squeeze3A : i32 to index
          %swap3A_256 = arith.constant 112 : index
          %swap3A_257 = tpu.vector_load %arg22[%swap3A_255, %swap3A_256] {strides = array<i32>} : memref<328x256xf32, #tpu.memory_space<vmem>>, vector<16xf32>,
          tpu.vector_store %arg22[%swap3A_255, %swap3A_256], %add3A_254 {strides = array<i32>} : memref<328x256xf32, #tpu.memory_space<vmem>>, vector<16xf32>,
          %get3A_258 = arith.index_cast %squeeze3A : i32 to index
          %get3A_259 = arith.constant 128 : index
          %get3A_260 = tpu.vector_load %arg22[%get3A_258, %get3A_259] {strides = array<i32>} : memref<328x256xf32, #tpu.memory_space<vmem>>, vector<16xf32>,
          %get3A_261 = arith.index_cast %scan3A_175 : i32 to index
          %get3A_262 = arith.constant 128 : index
          %get3A_263 = tpu.vector_load %arg16[%get3A_261, %get3A_262] {strides = array<i32>} : memref<64x256xf32, #tpu.memory_space<vmem>>, vector<16xf32>,
          %add3A_264 = arith.addf %get3A_260, %get3A_263 : vector<16xf32>
          %swap3A_265 = arith.index_cast %squeeze3A : i32 to index
          %swap3A_266 = arith.constant 128 : index
          %swap3A_267 = tpu.vector_load %arg22[%swap3A_265, %swap3A_266] {strides = array<i32>} : memref<328x256xf32, #tpu.memory_space<vmem>>, vector<16xf32>,
          tpu.vector_store %arg22[%swap3A_265, %swap3A_266], %add3A_264 {strides = array<i32>} : memref<328x256xf32, #tpu.memory_space<vmem>>, vector<16xf32>,
          %get3A_268 = arith.index_cast %squeeze3A : i32 to index
          %get3A_269 = arith.constant 144 : index
          %get3A_270 = tpu.vector_load %arg22[%get3A_268, %get3A_269] {strides = array<i32>} : memref<328x256xf32, #tpu.memory_space<vmem>>, vector<16xf32>,
          %get3A_271 = arith.index_cast %scan3A_175 : i32 to index
          %get3A_272 = arith.constant 144 : index
          %get3A_273 = tpu.vector_load %arg16[%get3A_271, %get3A_272] {strides = array<i32>} : memref<64x256xf32, #tpu.memory_space<vmem>>, vector<16xf32>,
          %add3A_274 = arith.addf %get3A_270, %get3A_273 : vector<16xf32>
          %swap3A_275 = arith.index_cast %squeeze3A : i32 to index
          %swap3A_276 = arith.constant 144 : index
          %swap3A_277 = tpu.vector_load %arg22[%swap3A_275, %swap3A_276] {strides = array<i32>} : memref<328x256xf32, #tpu.memory_space<vmem>>, vector<16xf32>,
          tpu.vector_store %arg22[%swap3A_275, %swap3A_276], %add3A_274 {strides = array<i32>} : memref<328x256xf32, #tpu.memory_space<vmem>>, vector<16xf32>,
          %get3A_278 = arith.index_cast %squeeze3A : i32 to index
          %get3A_279 = arith.constant 160 : index
          %get3A_280 = tpu.vector_load %arg22[%get3A_278, %get3A_279] {strides = array<i32>} : memref<328x256xf32, #tpu.memory_space<vmem>>, vector<16xf32>,
          %get3A_281 = arith.index_cast %scan3A_175 : i32 to index
          %get3A_282 = arith.constant 160 : index
          %get3A_283 = tpu.vector_load %arg16[%get3A_281, %get3A_282] {strides = array<i32>} : memref<64x256xf32, #tpu.memory_space<vmem>>, vector<16xf32>,
          %add3A_284 = arith.addf %get3A_280, %get3A_283 : vector<16xf32>
          %swap3A_285 = arith.index_cast %squeeze3A : i32 to index
          %swap3A_286 = arith.constant 160 : index
          %swap3A_287 = tpu.vector_load %arg22[%swap3A_285, %swap3A_286] {strides = array<i32>} : memref<328x256xf32, #tpu.memory_space<vmem>>, vector<16xf32>,
          tpu.vector_store %arg22[%swap3A_285, %swap3A_286], %add3A_284 {strides = array<i32>} : memref<328x256xf32, #tpu.memory_space<vmem>>, vector<16xf32>,
          %get3A_288 = arith.index_cast %squeeze3A : i32 to index
          %get3A_289 = arith.constant 176 : index
          %get3A_290 = tpu.vector_load %arg22[%get3A_288, %get3A_289] {strides = array<i32>} : memref<328x256xf32, #tpu.memory_space<vmem>>, vector<16xf32>,
          %get3A_291 = arith.index_cast %scan3A_175 : i32 to index
          %get3A_292 = arith.constant 176 : index
          %get3A_293 = tpu.vector_load %arg16[%get3A_291, %get3A_292] {strides = array<i32>} : memref<64x256xf32, #tpu.memory_space<vmem>>, vector<16xf32>,
          %add3A_294 = arith.addf %get3A_290, %get3A_293 : vector<16xf32>
          %swap3A_295 = arith.index_cast %squeeze3A : i32 to index
          %swap3A_296 = arith.constant 176 : index
          %swap3A_297 = tpu.vector_load %arg22[%swap3A_295, %swap3A_296] {strides = array<i32>} : memref<328x256xf32, #tpu.memory_space<vmem>>, vector<16xf32>,
          tpu.vector_store %arg22[%swap3A_295, %swap3A_296], %add3A_294 {strides = array<i32>} : memref<328x256xf32, #tpu.memory_space<vmem>>, vector<16xf32>,
          %get3A_298 = arith.index_cast %squeeze3A : i32 to index
          %get3A_299 = arith.constant 192 : index
          %get3A_300 = tpu.vector_load %arg22[%get3A_298, %get3A_299] {strides = array<i32>} : memref<328x256xf32, #tpu.memory_space<vmem>>, vector<16xf32>,
          %get3A_301 = arith.index_cast %scan3A_175 : i32 to index
          %get3A_302 = arith.constant 192 : index
          %get3A_303 = tpu.vector_load %arg16[%get3A_301, %get3A_302] {strides = array<i32>} : memref<64x256xf32, #tpu.memory_space<vmem>>, vector<16xf32>,
          %add3A_304 = arith.addf %get3A_300, %get3A_303 : vector<16xf32>
          %swap3A_305 = arith.index_cast %squeeze3A : i32 to index
          %swap3A_306 = arith.constant 192 : index
          %swap3A_307 = tpu.vector_load %arg22[%swap3A_305, %swap3A_306] {strides = array<i32>} : memref<328x256xf32, #tpu.memory_space<vmem>>, vector<16xf32>,
          tpu.vector_store %arg22[%swap3A_305, %swap3A_306], %add3A_304 {strides = array<i32>} : memref<328x256xf32, #tpu.memory_space<vmem>>, vector<16xf32>,
          %get3A_308 = arith.index_cast %squeeze3A : i32 to index
          %get3A_309 = arith.constant 208 : index
          %get3A_310 = tpu.vector_load %arg22[%get3A_308, %get3A_309] {strides = array<i32>} : memref<328x256xf32, #tpu.memory_space<vmem>>, vector<16xf32>,
          %get3A_311 = arith.index_cast %scan3A_175 : i32 to index
          %get3A_312 = arith.constant 208 : index
          %get3A_313 = tpu.vector_load %arg16[%get3A_311, %get3A_312] {strides = array<i32>} : memref<64x256xf32, #tpu.memory_space<vmem>>, vector<16xf32>,
          %add3A_314 = arith.addf %get3A_310, %get3A_313 : vector<16xf32>
          %swap3A_315 = arith.index_cast %squeeze3A : i32 to index
          %swap3A_316 = arith.constant 208 : index
          %swap3A_317 = tpu.vector_load %arg22[%swap3A_315, %swap3A_316] {strides = array<i32>} : memref<328x256xf32, #tpu.memory_space<vmem>>, vector<16xf32>,
          tpu.vector_store %arg22[%swap3A_315, %swap3A_316], %add3A_314 {strides = array<i32>} : memref<328x256xf32, #tpu.memory_space<vmem>>, vector<16xf32>,
          %get3A_318 = arith.index_cast %squeeze3A : i32 to index
          %get3A_319 = arith.constant 224 : index
          %get3A_320 = tpu.vector_load %arg22[%get3A_318, %get3A_319] {strides = array<i32>} : memref<328x256xf32, #tpu.memory_space<vmem>>, vector<16xf32>,
          %get3A_321 = arith.index_cast %scan3A_175 : i32 to index
          %get3A_322 = arith.constant 224 : index
          %get3A_323 = tpu.vector_load %arg16[%get3A_321, %get3A_322] {strides = array<i32>} : memref<64x256xf32, #tpu.memory_space<vmem>>, vector<16xf32>,
          %add3A_324 = arith.addf %get3A_320, %get3A_323 : vector<16xf32>
          %swap3A_325 = arith.index_cast %squeeze3A : i32 to index
          %swap3A_326 = arith.constant 224 : index
          %swap3A_327 = tpu.vector_load %arg22[%swap3A_325, %swap3A_326] {strides = array<i32>} : memref<328x256xf32, #tpu.memory_space<vmem>>, vector<16xf32>,
          tpu.vector_store %arg22[%swap3A_325, %swap3A_326], %add3A_324 {strides = array<i32>} : memref<328x256xf32, #tpu.memory_space<vmem>>, vector<16xf32>,
          %get3A_328 = arith.index_cast %squeeze3A : i32 to index
          %get3A_329 = arith.constant 240 : index
          %get3A_330 = tpu.vector_load %arg22[%get3A_328, %get3A_329] {strides = array<i32>} : memref<328x256xf32, #tpu.memory_space<vmem>>, vector<16xf32>,
          %get3A_331 = arith.index_cast %scan3A_175 : i32 to index
          %get3A_332 = arith.constant 240 : index
          %get3A_333 = tpu.vector_load %arg16[%get3A_331, %get3A_332] {strides = array<i32>} : memref<64x256xf32, #tpu.memory_space<vmem>>, vector<16xf32>,
          %add3A_334 = arith.addf %get3A_330, %get3A_333 : vector<16xf32>
          %swap3A_335 = arith.index_cast %squeeze3A : i32 to index
          %swap3A_336 = arith.constant 240 : index
          %swap3A_337 = tpu.vector_load %arg22[%swap3A_335, %swap3A_336] {strides = array<i32>} : memref<328x256xf32, #tpu.memory_space<vmem>>, vector<16xf32>,
          tpu.vector_store %arg22[%swap3A_335, %swap3A_336], %add3A_334 {strides = array<i32>} : memref<328x256xf32, #tpu.memory_space<vmem>>, vector<16xf32>,
        }
        %scan3A_144 = arith.constant 64 : i32
        %sub3A_145 = arith.constant 64 : i32
        %sub3A_146 = arith.subi %scan3A_116, %sub3A_145 : i32
        %add3A_147 = arith.constant 15 : i32
        %add3A_148 = arith.addi %sub3A_146, %add3A_147 : i32
        %jit3A = arith.constant 16 : i32
        %div3A = arith.divsi %add3A_148, %jit3A : i32
        %sign3A = arith.constant 0 : i32
        %sign3A_149 = arith.cmpi sgt, %add3A_148, %sign3A : i32
        %sign3A_150 = arith.extui %sign3A_149 : i1 to i32
        %sign3A_151 = arith.constant 0 : i32
        %sign3A_152 = arith.cmpi slt, %add3A_148, %sign3A_151 : i32
        %sign3A_153 = arith.extui %sign3A_152 : i1 to i32
        %sign3A_154 = arith.subi %sign3A_150, %sign3A_153 : i32
        %sign3A_155 = arith.constant 0 : i32
        %sign3A_156 = arith.cmpi sgt, %jit3A, %sign3A_155 : i32
        %sign3A_157 = arith.extui %sign3A_156 : i1 to i32
        %sign3A_158 = arith.constant 0 : i32
        %sign3A_159 = arith.cmpi slt, %jit3A, %sign3A_158 : i32
        %sign3A_160 = arith.extui %sign3A_159 : i1 to i32
        %sign3A_161 = arith.subi %sign3A_157, %sign3A_160 : i32
        %ne3A = arith.cmpi ne, %sign3A_154, %sign3A_161 : i32
        %rem3A = arith.remsi %add3A_148, %jit3A : i32
        %ne3A_162 = arith.constant 0 : i32
        %ne3A_163 = arith.cmpi ne, %rem3A, %ne3A_162 : i32
        %and3A = arith.andi %ne3A, %ne3A_163 : i1
        %sub3A_164 = arith.constant 1 : i32
        %sub3A_165 = arith.subi %div3A, %sub3A_164 : i32
        %select_n3A = arith.select %and3A, %sub3A_165, %div3A : i32
        %while3A_166 = arith.constant 0 : i32
        %while3A_167 = arith.subi %select_n3A, %while3A_166 : i32
        %while3A_168 = arith.addi %while3A_166, %while3A_167 : i32
        %while3A_169 = arith.constant 1 : i32
        %while3A_170 = arith.divsi %while3A_167, %while3A_169 : i32
        %while3A_171 = arith.muli %while3A_170, %while3A_169 : i32
        %while3A_172 = arith.addi %while3A_166, %while3A_171 : i32
        %while3A_173 = arith.constant 1 : i32
        scf.for %while3A_175 = %while3A_166 to %while3A_172 step %while3A_173  : i32 {
          %mul3A_176 = arith.constant 16 : i32
          %mul3A_177 = arith.muli %while3A_175, %mul3A_176 : i32
          %add3A_178 = arith.constant 64 : i32
          %add3A_179 = arith.addi %mul3A_177, %add3A_178 : i32
          %get3A = arith.index_cast %add3A_179 : i32 to index
          %get3A_180 = tpu.vector_load %arg14[%get3A] {strides = array<i32>} : memref<1424xi32, #tpu.memory_space<vmem>>, vector<16xi32>,
          %mul3A_181 = arith.constant 16 : i32
          %mul3A_182 = arith.muli %while3A_175, %mul3A_181 : i32
          %swap3A = arith.index_cast %mul3A_182 : i32 to index
          %swap3A_183 = tpu.vector_load %arg14[%swap3A] {strides = array<i32>} : memref<1424xi32, #tpu.memory_space<vmem>>, vector<16xi32>,
          tpu.vector_store %arg14[%swap3A], %get3A_180 {strides = array<i32>} : memref<1424xi32, #tpu.memory_space<vmem>>, vector<16xi32>,
          %mul3A_184 = arith.constant 16 : i32
          %mul3A_185 = arith.muli %while3A_175, %mul3A_184 : i32
          %add3A_186 = arith.constant 64 : i32
          %add3A_187 = arith.addi %mul3A_185, %add3A_186 : i32
          %get3A_188 = arith.index_cast %add3A_187 : i32 to index
          %get3A_189 = tpu.vector_load %arg15[%get3A_188] {strides = array<i32>} : memref<1424xi32, #tpu.memory_space<vmem>>, vector<16xi32>,
          %mul3A_190 = arith.constant 16 : i32
          %mul3A_191 = arith.muli %while3A_175, %mul3A_190 : i32
          %swap3A_192 = arith.index_cast %mul3A_191 : i32 to index
          %swap3A_193 = tpu.vector_load %arg15[%swap3A_192] {strides = array<i32>} : memref<1424xi32, #tpu.memory_space<vmem>>, vector<16xi32>,
          tpu.vector_store %arg15[%swap3A_192], %get3A_189 {strides = array<i32>} : memref<1424xi32, #tpu.memory_space<vmem>>, vector<16xi32>,
        }
        %while3A_174 = arith.constant 1 : i32
        scf.for %while3A_175 = %while3A_172 to %while3A_168 step %while3A_174  : i32 {
          %mul3A_176 = arith.constant 16 : i32
          %mul3A_177 = arith.muli %while3A_175, %mul3A_176 : i32
          %add3A_178 = arith.constant 64 : i32
          %add3A_179 = arith.addi %mul3A_177, %add3A_178 : i32
          %get3A = arith.index_cast %add3A_179 : i32 to index
          %get3A_180 = tpu.vector_load %arg14[%get3A] {strides = array<i32>} : memref<1424xi32, #tpu.memory_space<vmem>>, vector<16xi32>,
          %mul3A_181 = arith.constant 16 : i32
          %mul3A_182 = arith.muli %while3A_175, %mul3A_181 : i32
          %swap3A = arith.index_cast %mul3A_182 : i32 to index
          %swap3A_183 = tpu.vector_load %arg14[%swap3A] {strides = array<i32>} : memref<1424xi32, #tpu.memory_space<vmem>>, vector<16xi32>,
          tpu.vector_store %arg14[%swap3A], %get3A_180 {strides = array<i32>} : memref<1424xi32, #tpu.memory_space<vmem>>, vector<16xi32>,
          %mul3A_184 = arith.constant 16 : i32
          %mul3A_185 = arith.muli %while3A_175, %mul3A_184 : i32
          %add3A_186 = arith.constant 64 : i32
          %add3A_187 = arith.addi %mul3A_185, %add3A_186 : i32
          %get3A_188 = arith.index_cast %add3A_187 : i32 to index
          %get3A_189 = tpu.vector_load %arg15[%get3A_188] {strides = array<i32>} : memref<1424xi32, #tpu.memory_space<vmem>>, vector<16xi32>,
          %mul3A_190 = arith.constant 16 : i32
          %mul3A_191 = arith.muli %while3A_175, %mul3A_190 : i32
          %swap3A_192 = arith.index_cast %mul3A_191 : i32 to index
          %swap3A_193 = tpu.vector_load %arg15[%swap3A_192] {strides = array<i32>} : memref<1424xi32, #tpu.memory_space<vmem>>, vector<16xi32>,
          tpu.vector_store %arg15[%swap3A_192], %get3A_189 {strides = array<i32>} : memref<1424xi32, #tpu.memory_space<vmem>>, vector<16xi32>,
        }
      } else {
      }
      %mul3A_123 = arith.constant 64 : i32
      %mul3A_124 = arith.muli %convert_element_type3A_89, %mul3A_123 : i32
      %sub3A_125 = arith.subi %scan3A_116, %mul3A_124 : i32
      %while3A_126 = scf.while (%while3A_135 = %sub3A_125) : (i32) -> i32 {
        %ge3A_136 = arith.constant 128 : i32
        %ge3A_137 = arith.cmpi sge, %while3A_135, %ge3A_136 : i32
        scf.condition(%ge3A_137) %while3A_135 : i32
      } do {
      ^bb0(%while3A_135: i32):
        %dma_start3A_136 = arith.constant 0 : i32
        %dma_start3A_137 = tpu.memref_slice %arg14[%dma_start3A_136] : memref<1424xi32, #tpu.memory_space<vmem>> -> memref<64xi32, #tpu.memory_space<vmem>>
        %dma_start3A_138 = arith.constant 0 : i32
        %dma_start3A_139 = arith.constant 0 : i32
        %dma_start3A_140 = tpu.memref_slice %arg2[%dma_start3A_138, %dma_start3A_139] : memref<80000x256xf32, #tpu.memory_space<hbm>> -> memref<80000x256xf32, #tpu.memory_space<hbm>>
        tpu.enqueue_indirect_dma source(%dma_start3A_140 : memref<80000x256xf32, #tpu.memory_space<hbm>>) target(%arg17 : memref<64x256xf32, #tpu.memory_space<vmem>>) offsets(%dma_start3A_137 : memref<64xi32, #tpu.memory_space<vmem>>) semaphore(%arg19 : memref<!tpu.dma_semaphore, #tpu.memory_space<semaphore_mem>>)
        %dma_wait3A_141 = arith.constant 0 : i32
        %dma_wait3A_142 = tpu.memref_slice %arg14[%dma_wait3A_141] : memref<1424xi32, #tpu.memory_space<vmem>> -> memref<64xi32, #tpu.memory_space<vmem>>
        %dma_wait3A_143 = arith.constant 0 : i32
        %dma_wait3A_144 = arith.constant 0 : i32
        %dma_wait3A_145 = tpu.memref_slice %arg2[%dma_wait3A_143, %dma_wait3A_144] : memref<80000x256xf32, #tpu.memory_space<hbm>> -> memref<80000x256xf32, #tpu.memory_space<hbm>>
        tpu.wait_indirect_dma semaphore(%arg19 : memref<!tpu.dma_semaphore, #tpu.memory_space<semaphore_mem>>) src(%dma_wait3A_145 : memref<80000x256xf32, #tpu.memory_space<hbm>>) dst(%arg17 : memref<64x256xf32, #tpu.memory_space<vmem>>)
        %scan3A_146 = arith.constant 0 : i32
        %scan3A_147 = arith.constant 64 : i32
        %scan3A_148 = arith.addi %scan3A_146, %scan3A_147 : i32
        %scan3A_149 = arith.constant 1 : i32
        scf.for %scan3A_183 = %scan3A_146 to %scan3A_148 step %scan3A_149  : i32 {
          %add3A_184 = arith.constant 0 : i32
          %add3A_185 = arith.addi %add3A_184, %scan3A_183 : i32
          %get3A = arith.index_cast %add3A_185 : i32 to index
          %get3A_186 = tpu.vector_load %arg15[%get3A] {strides = array<i32>} : memref<1424xi32, #tpu.memory_space<vmem>>, vector<16xi32>,
          %slice3A = vector.extract_strided_slice %get3A_186 {offsets = [0], sizes = [1], strides = [1]} : vector<16xi32> to vector<1xi32>
          %squeeze3A = vector.extract %slice3A[0] : i32 from vector<1xi32>
          %get3A_187 = arith.index_cast %squeeze3A : i32 to index
          %get3A_188 = arith.constant 0 : index
          %get3A_189 = tpu.vector_load %arg22[%get3A_187, %get3A_188] {strides = array<i32>} : memref<328x256xf32, #tpu.memory_space<vmem>>, vector<16xf32>,
          %get3A_190 = arith.index_cast %scan3A_183 : i32 to index
          %get3A_191 = arith.constant 0 : index
          %get3A_192 = tpu.vector_load %arg17[%get3A_190, %get3A_191] {strides = array<i32>} : memref<64x256xf32, #tpu.memory_space<vmem>>, vector<16xf32>,
          %add3A_193 = arith.addf %get3A_189, %get3A_192 : vector<16xf32>
          %swap3A = arith.index_cast %squeeze3A : i32 to index
          %swap3A_194 = arith.constant 0 : index
          %swap3A_195 = tpu.vector_load %arg22[%swap3A, %swap3A_194] {strides = array<i32>} : memref<328x256xf32, #tpu.memory_space<vmem>>, vector<16xf32>,
          tpu.vector_store %arg22[%swap3A, %swap3A_194], %add3A_193 {strides = array<i32>} : memref<328x256xf32, #tpu.memory_space<vmem>>, vector<16xf32>,
          %get3A_196 = arith.index_cast %squeeze3A : i32 to index
          %get3A_197 = arith.constant 16 : index
          %get3A_198 = tpu.vector_load %arg22[%get3A_196, %get3A_197] {strides = array<i32>} : memref<328x256xf32, #tpu.memory_space<vmem>>, vector<16xf32>,
          %get3A_199 = arith.index_cast %scan3A_183 : i32 to index
          %get3A_200 = arith.constant 16 : index
          %get3A_201 = tpu.vector_load %arg17[%get3A_199, %get3A_200] {strides = array<i32>} : memref<64x256xf32, #tpu.memory_space<vmem>>, vector<16xf32>,
          %add3A_202 = arith.addf %get3A_198, %get3A_201 : vector<16xf32>
          %swap3A_203 = arith.index_cast %squeeze3A : i32 to index
          %swap3A_204 = arith.constant 16 : index
          %swap3A_205 = tpu.vector_load %arg22[%swap3A_203, %swap3A_204] {strides = array<i32>} : memref<328x256xf32, #tpu.memory_space<vmem>>, vector<16xf32>,
          tpu.vector_store %arg22[%swap3A_203, %swap3A_204], %add3A_202 {strides = array<i32>} : memref<328x256xf32, #tpu.memory_space<vmem>>, vector<16xf32>,
          %get3A_206 = arith.index_cast %squeeze3A : i32 to index
          %get3A_207 = arith.constant 32 : index
          %get3A_208 = tpu.vector_load %arg22[%get3A_206, %get3A_207] {strides = array<i32>} : memref<328x256xf32, #tpu.memory_space<vmem>>, vector<16xf32>,
          %get3A_209 = arith.index_cast %scan3A_183 : i32 to index
          %get3A_210 = arith.constant 32 : index
          %get3A_211 = tpu.vector_load %arg17[%get3A_209, %get3A_210] {strides = array<i32>} : memref<64x256xf32, #tpu.memory_space<vmem>>, vector<16xf32>,
          %add3A_212 = arith.addf %get3A_208, %get3A_211 : vector<16xf32>
          %swap3A_213 = arith.index_cast %squeeze3A : i32 to index
          %swap3A_214 = arith.constant 32 : index
          %swap3A_215 = tpu.vector_load %arg22[%swap3A_213, %swap3A_214] {strides = array<i32>} : memref<328x256xf32, #tpu.memory_space<vmem>>, vector<16xf32>,
          tpu.vector_store %arg22[%swap3A_213, %swap3A_214], %add3A_212 {strides = array<i32>} : memref<328x256xf32, #tpu.memory_space<vmem>>, vector<16xf32>,
          %get3A_216 = arith.index_cast %squeeze3A : i32 to index
          %get3A_217 = arith.constant 48 : index
          %get3A_218 = tpu.vector_load %arg22[%get3A_216, %get3A_217] {strides = array<i32>} : memref<328x256xf32, #tpu.memory_space<vmem>>, vector<16xf32>,
          %get3A_219 = arith.index_cast %scan3A_183 : i32 to index
          %get3A_220 = arith.constant 48 : index
          %get3A_221 = tpu.vector_load %arg17[%get3A_219, %get3A_220] {strides = array<i32>} : memref<64x256xf32, #tpu.memory_space<vmem>>, vector<16xf32>,
          %add3A_222 = arith.addf %get3A_218, %get3A_221 : vector<16xf32>
          %swap3A_223 = arith.index_cast %squeeze3A : i32 to index
          %swap3A_224 = arith.constant 48 : index
          %swap3A_225 = tpu.vector_load %arg22[%swap3A_223, %swap3A_224] {strides = array<i32>} : memref<328x256xf32, #tpu.memory_space<vmem>>, vector<16xf32>,
          tpu.vector_store %arg22[%swap3A_223, %swap3A_224], %add3A_222 {strides = array<i32>} : memref<328x256xf32, #tpu.memory_space<vmem>>, vector<16xf32>,
          %get3A_226 = arith.index_cast %squeeze3A : i32 to index
          %get3A_227 = arith.constant 64 : index
          %get3A_228 = tpu.vector_load %arg22[%get3A_226, %get3A_227] {strides = array<i32>} : memref<328x256xf32, #tpu.memory_space<vmem>>, vector<16xf32>,
          %get3A_229 = arith.index_cast %scan3A_183 : i32 to index
          %get3A_230 = arith.constant 64 : index
          %get3A_231 = tpu.vector_load %arg17[%get3A_229, %get3A_230] {strides = array<i32>} : memref<64x256xf32, #tpu.memory_space<vmem>>, vector<16xf32>,
          %add3A_232 = arith.addf %get3A_228, %get3A_231 : vector<16xf32>
          %swap3A_233 = arith.index_cast %squeeze3A : i32 to index
          %swap3A_234 = arith.constant 64 : index
          %swap3A_235 = tpu.vector_load %arg22[%swap3A_233, %swap3A_234] {strides = array<i32>} : memref<328x256xf32, #tpu.memory_space<vmem>>, vector<16xf32>,
          tpu.vector_store %arg22[%swap3A_233, %swap3A_234], %add3A_232 {strides = array<i32>} : memref<328x256xf32, #tpu.memory_space<vmem>>, vector<16xf32>,
          %get3A_236 = arith.index_cast %squeeze3A : i32 to index
          %get3A_237 = arith.constant 80 : index
          %get3A_238 = tpu.vector_load %arg22[%get3A_236, %get3A_237] {strides = array<i32>} : memref<328x256xf32, #tpu.memory_space<vmem>>, vector<16xf32>,
          %get3A_239 = arith.index_cast %scan3A_183 : i32 to index
          %get3A_240 = arith.constant 80 : index
          %get3A_241 = tpu.vector_load %arg17[%get3A_239, %get3A_240] {strides = array<i32>} : memref<64x256xf32, #tpu.memory_space<vmem>>, vector<16xf32>,
          %add3A_242 = arith.addf %get3A_238, %get3A_241 : vector<16xf32>
          %swap3A_243 = arith.index_cast %squeeze3A : i32 to index
          %swap3A_244 = arith.constant 80 : index
          %swap3A_245 = tpu.vector_load %arg22[%swap3A_243, %swap3A_244] {strides = array<i32>} : memref<328x256xf32, #tpu.memory_space<vmem>>, vector<16xf32>,
          tpu.vector_store %arg22[%swap3A_243, %swap3A_244], %add3A_242 {strides = array<i32>} : memref<328x256xf32, #tpu.memory_space<vmem>>, vector<16xf32>,
          %get3A_246 = arith.index_cast %squeeze3A : i32 to index
          %get3A_247 = arith.constant 96 : index
          %get3A_248 = tpu.vector_load %arg22[%get3A_246, %get3A_247] {strides = array<i32>} : memref<328x256xf32, #tpu.memory_space<vmem>>, vector<16xf32>,
          %get3A_249 = arith.index_cast %scan3A_183 : i32 to index
          %get3A_250 = arith.constant 96 : index
          %get3A_251 = tpu.vector_load %arg17[%get3A_249, %get3A_250] {strides = array<i32>} : memref<64x256xf32, #tpu.memory_space<vmem>>, vector<16xf32>,
          %add3A_252 = arith.addf %get3A_248, %get3A_251 : vector<16xf32>
          %swap3A_253 = arith.index_cast %squeeze3A : i32 to index
          %swap3A_254 = arith.constant 96 : index
          %swap3A_255 = tpu.vector_load %arg22[%swap3A_253, %swap3A_254] {strides = array<i32>} : memref<328x256xf32, #tpu.memory_space<vmem>>, vector<16xf32>,
          tpu.vector_store %arg22[%swap3A_253, %swap3A_254], %add3A_252 {strides = array<i32>} : memref<328x256xf32, #tpu.memory_space<vmem>>, vector<16xf32>,
          %get3A_256 = arith.index_cast %squeeze3A : i32 to index
          %get3A_257 = arith.constant 112 : index
          %get3A_258 = tpu.vector_load %arg22[%get3A_256, %get3A_257] {strides = array<i32>} : memref<328x256xf32, #tpu.memory_space<vmem>>, vector<16xf32>,
          %get3A_259 = arith.index_cast %scan3A_183 : i32 to index
          %get3A_260 = arith.constant 112 : index
          %get3A_261 = tpu.vector_load %arg17[%get3A_259, %get3A_260] {strides = array<i32>} : memref<64x256xf32, #tpu.memory_space<vmem>>, vector<16xf32>,
          %add3A_262 = arith.addf %get3A_258, %get3A_261 : vector<16xf32>
          %swap3A_263 = arith.index_cast %squeeze3A : i32 to index
          %swap3A_264 = arith.constant 112 : index
          %swap3A_265 = tpu.vector_load %arg22[%swap3A_263, %swap3A_264] {strides = array<i32>} : memref<328x256xf32, #tpu.memory_space<vmem>>, vector<16xf32>,
          tpu.vector_store %arg22[%swap3A_263, %swap3A_264], %add3A_262 {strides = array<i32>} : memref<328x256xf32, #tpu.memory_space<vmem>>, vector<16xf32>,
          %get3A_266 = arith.index_cast %squeeze3A : i32 to index
          %get3A_267 = arith.constant 128 : index
          %get3A_268 = tpu.vector_load %arg22[%get3A_266, %get3A_267] {strides = array<i32>} : memref<328x256xf32, #tpu.memory_space<vmem>>, vector<16xf32>,
          %get3A_269 = arith.index_cast %scan3A_183 : i32 to index
          %get3A_270 = arith.constant 128 : index
          %get3A_271 = tpu.vector_load %arg17[%get3A_269, %get3A_270] {strides = array<i32>} : memref<64x256xf32, #tpu.memory_space<vmem>>, vector<16xf32>,
          %add3A_272 = arith.addf %get3A_268, %get3A_271 : vector<16xf32>
          %swap3A_273 = arith.index_cast %squeeze3A : i32 to index
          %swap3A_274 = arith.constant 128 : index
          %swap3A_275 = tpu.vector_load %arg22[%swap3A_273, %swap3A_274] {strides = array<i32>} : memref<328x256xf32, #tpu.memory_space<vmem>>, vector<16xf32>,
          tpu.vector_store %arg22[%swap3A_273, %swap3A_274], %add3A_272 {strides = array<i32>} : memref<328x256xf32, #tpu.memory_space<vmem>>, vector<16xf32>,
          %get3A_276 = arith.index_cast %squeeze3A : i32 to index
          %get3A_277 = arith.constant 144 : index
          %get3A_278 = tpu.vector_load %arg22[%get3A_276, %get3A_277] {strides = array<i32>} : memref<328x256xf32, #tpu.memory_space<vmem>>, vector<16xf32>,
          %get3A_279 = arith.index_cast %scan3A_183 : i32 to index
          %get3A_280 = arith.constant 144 : index
          %get3A_281 = tpu.vector_load %arg17[%get3A_279, %get3A_280] {strides = array<i32>} : memref<64x256xf32, #tpu.memory_space<vmem>>, vector<16xf32>,
          %add3A_282 = arith.addf %get3A_278, %get3A_281 : vector<16xf32>
          %swap3A_283 = arith.index_cast %squeeze3A : i32 to index
          %swap3A_284 = arith.constant 144 : index
          %swap3A_285 = tpu.vector_load %arg22[%swap3A_283, %swap3A_284] {strides = array<i32>} : memref<328x256xf32, #tpu.memory_space<vmem>>, vector<16xf32>,
          tpu.vector_store %arg22[%swap3A_283, %swap3A_284], %add3A_282 {strides = array<i32>} : memref<328x256xf32, #tpu.memory_space<vmem>>, vector<16xf32>,
          %get3A_286 = arith.index_cast %squeeze3A : i32 to index
          %get3A_287 = arith.constant 160 : index
          %get3A_288 = tpu.vector_load %arg22[%get3A_286, %get3A_287] {strides = array<i32>} : memref<328x256xf32, #tpu.memory_space<vmem>>, vector<16xf32>,
          %get3A_289 = arith.index_cast %scan3A_183 : i32 to index
          %get3A_290 = arith.constant 160 : index
          %get3A_291 = tpu.vector_load %arg17[%get3A_289, %get3A_290] {strides = array<i32>} : memref<64x256xf32, #tpu.memory_space<vmem>>, vector<16xf32>,
          %add3A_292 = arith.addf %get3A_288, %get3A_291 : vector<16xf32>
          %swap3A_293 = arith.index_cast %squeeze3A : i32 to index
          %swap3A_294 = arith.constant 160 : index
          %swap3A_295 = tpu.vector_load %arg22[%swap3A_293, %swap3A_294] {strides = array<i32>} : memref<328x256xf32, #tpu.memory_space<vmem>>, vector<16xf32>,
          tpu.vector_store %arg22[%swap3A_293, %swap3A_294], %add3A_292 {strides = array<i32>} : memref<328x256xf32, #tpu.memory_space<vmem>>, vector<16xf32>,
          %get3A_296 = arith.index_cast %squeeze3A : i32 to index
          %get3A_297 = arith.constant 176 : index
          %get3A_298 = tpu.vector_load %arg22[%get3A_296, %get3A_297] {strides = array<i32>} : memref<328x256xf32, #tpu.memory_space<vmem>>, vector<16xf32>,
          %get3A_299 = arith.index_cast %scan3A_183 : i32 to index
          %get3A_300 = arith.constant 176 : index
          %get3A_301 = tpu.vector_load %arg17[%get3A_299, %get3A_300] {strides = array<i32>} : memref<64x256xf32, #tpu.memory_space<vmem>>, vector<16xf32>,
          %add3A_302 = arith.addf %get3A_298, %get3A_301 : vector<16xf32>
          %swap3A_303 = arith.index_cast %squeeze3A : i32 to index
          %swap3A_304 = arith.constant 176 : index
          %swap3A_305 = tpu.vector_load %arg22[%swap3A_303, %swap3A_304] {strides = array<i32>} : memref<328x256xf32, #tpu.memory_space<vmem>>, vector<16xf32>,
          tpu.vector_store %arg22[%swap3A_303, %swap3A_304], %add3A_302 {strides = array<i32>} : memref<328x256xf32, #tpu.memory_space<vmem>>, vector<16xf32>,
          %get3A_306 = arith.index_cast %squeeze3A : i32 to index
          %get3A_307 = arith.constant 192 : index
          %get3A_308 = tpu.vector_load %arg22[%get3A_306, %get3A_307] {strides = array<i32>} : memref<328x256xf32, #tpu.memory_space<vmem>>, vector<16xf32>,
          %get3A_309 = arith.index_cast %scan3A_183 : i32 to index
          %get3A_310 = arith.constant 192 : index
          %get3A_311 = tpu.vector_load %arg17[%get3A_309, %get3A_310] {strides = array<i32>} : memref<64x256xf32, #tpu.memory_space<vmem>>, vector<16xf32>,
          %add3A_312 = arith.addf %get3A_308, %get3A_311 : vector<16xf32>
          %swap3A_313 = arith.index_cast %squeeze3A : i32 to index
          %swap3A_314 = arith.constant 192 : index
          %swap3A_315 = tpu.vector_load %arg22[%swap3A_313, %swap3A_314] {strides = array<i32>} : memref<328x256xf32, #tpu.memory_space<vmem>>, vector<16xf32>,
          tpu.vector_store %arg22[%swap3A_313, %swap3A_314], %add3A_312 {strides = array<i32>} : memref<328x256xf32, #tpu.memory_space<vmem>>, vector<16xf32>,
          %get3A_316 = arith.index_cast %squeeze3A : i32 to index
          %get3A_317 = arith.constant 208 : index
          %get3A_318 = tpu.vector_load %arg22[%get3A_316, %get3A_317] {strides = array<i32>} : memref<328x256xf32, #tpu.memory_space<vmem>>, vector<16xf32>,
          %get3A_319 = arith.index_cast %scan3A_183 : i32 to index
          %get3A_320 = arith.constant 208 : index
          %get3A_321 = tpu.vector_load %arg17[%get3A_319, %get3A_320] {strides = array<i32>} : memref<64x256xf32, #tpu.memory_space<vmem>>, vector<16xf32>,
          %add3A_322 = arith.addf %get3A_318, %get3A_321 : vector<16xf32>
          %swap3A_323 = arith.index_cast %squeeze3A : i32 to index
          %swap3A_324 = arith.constant 208 : index
          %swap3A_325 = tpu.vector_load %arg22[%swap3A_323, %swap3A_324] {strides = array<i32>} : memref<328x256xf32, #tpu.memory_space<vmem>>, vector<16xf32>,
          tpu.vector_store %arg22[%swap3A_323, %swap3A_324], %add3A_322 {strides = array<i32>} : memref<328x256xf32, #tpu.memory_space<vmem>>, vector<16xf32>,
          %get3A_326 = arith.index_cast %squeeze3A : i32 to index
          %get3A_327 = arith.constant 224 : index
          %get3A_328 = tpu.vector_load %arg22[%get3A_326, %get3A_327] {strides = array<i32>} : memref<328x256xf32, #tpu.memory_space<vmem>>, vector<16xf32>,
          %get3A_329 = arith.index_cast %scan3A_183 : i32 to index
          %get3A_330 = arith.constant 224 : index
          %get3A_331 = tpu.vector_load %arg17[%get3A_329, %get3A_330] {strides = array<i32>} : memref<64x256xf32, #tpu.memory_space<vmem>>, vector<16xf32>,
          %add3A_332 = arith.addf %get3A_328, %get3A_331 : vector<16xf32>
          %swap3A_333 = arith.index_cast %squeeze3A : i32 to index
          %swap3A_334 = arith.constant 224 : index
          %swap3A_335 = tpu.vector_load %arg22[%swap3A_333, %swap3A_334] {strides = array<i32>} : memref<328x256xf32, #tpu.memory_space<vmem>>, vector<16xf32>,
          tpu.vector_store %arg22[%swap3A_333, %swap3A_334], %add3A_332 {strides = array<i32>} : memref<328x256xf32, #tpu.memory_space<vmem>>, vector<16xf32>,
          %get3A_336 = arith.index_cast %squeeze3A : i32 to index
          %get3A_337 = arith.constant 240 : index
          %get3A_338 = tpu.vector_load %arg22[%get3A_336, %get3A_337] {strides = array<i32>} : memref<328x256xf32, #tpu.memory_space<vmem>>, vector<16xf32>,
          %get3A_339 = arith.index_cast %scan3A_183 : i32 to index
          %get3A_340 = arith.constant 240 : index
          %get3A_341 = tpu.vector_load %arg17[%get3A_339, %get3A_340] {strides = array<i32>} : memref<64x256xf32, #tpu.memory_space<vmem>>, vector<16xf32>,
          %add3A_342 = arith.addf %get3A_338, %get3A_341 : vector<16xf32>
          %swap3A_343 = arith.index_cast %squeeze3A : i32 to index
          %swap3A_344 = arith.constant 240 : index
          %swap3A_345 = tpu.vector_load %arg22[%swap3A_343, %swap3A_344] {strides = array<i32>} : memref<328x256xf32, #tpu.memory_space<vmem>>, vector<16xf32>,
          tpu.vector_store %arg22[%swap3A_343, %swap3A_344], %add3A_342 {strides = array<i32>} : memref<328x256xf32, #tpu.memory_space<vmem>>, vector<16xf32>,
        }
        %scan3A_150 = arith.constant 64 : i32
        %sub3A_151 = arith.constant 64 : i32
        %sub3A_152 = arith.subi %while3A_135, %sub3A_151 : i32
        %add3A_153 = arith.constant 15 : i32
        %add3A_154 = arith.addi %sub3A_152, %add3A_153 : i32
        %jit3A = arith.constant 16 : i32
        %div3A = arith.divsi %add3A_154, %jit3A : i32
        %sign3A = arith.constant 0 : i32
        %sign3A_155 = arith.cmpi sgt, %add3A_154, %sign3A : i32
        %sign3A_156 = arith.extui %sign3A_155 : i1 to i32
        %sign3A_157 = arith.constant 0 : i32
        %sign3A_158 = arith.cmpi slt, %add3A_154, %sign3A_157 : i32
        %sign3A_159 = arith.extui %sign3A_158 : i1 to i32
        %sign3A_160 = arith.subi %sign3A_156, %sign3A_159 : i32
        %sign3A_161 = arith.constant 0 : i32
        %sign3A_162 = arith.cmpi sgt, %jit3A, %sign3A_161 : i32
        %sign3A_163 = arith.extui %sign3A_162 : i1 to i32
        %sign3A_164 = arith.constant 0 : i32
        %sign3A_165 = arith.cmpi slt, %jit3A, %sign3A_164 : i32
        %sign3A_166 = arith.extui %sign3A_165 : i1 to i32
        %sign3A_167 = arith.subi %sign3A_163, %sign3A_166 : i32
        %ne3A = arith.cmpi ne, %sign3A_160, %sign3A_167 : i32
        %rem3A = arith.remsi %add3A_154, %jit3A : i32
        %ne3A_168 = arith.constant 0 : i32
        %ne3A_169 = arith.cmpi ne, %rem3A, %ne3A_168 : i32
        %and3A = arith.andi %ne3A, %ne3A_169 : i1
        %sub3A_170 = arith.constant 1 : i32
        %sub3A_171 = arith.subi %div3A, %sub3A_170 : i32
        %select_n3A = arith.select %and3A, %sub3A_171, %div3A : i32
        %while3A_172 = arith.constant 0 : i32
        %while3A_173 = arith.subi %select_n3A, %while3A_172 : i32
        %while3A_174 = arith.addi %while3A_172, %while3A_173 : i32
        %while3A_175 = arith.constant 1 : i32
        %while3A_176 = arith.divsi %while3A_173, %while3A_175 : i32
        %while3A_177 = arith.muli %while3A_176, %while3A_175 : i32
        %while3A_178 = arith.addi %while3A_172, %while3A_177 : i32
        %while3A_179 = arith.constant 1 : i32
        scf.for %while3A_183 = %while3A_172 to %while3A_178 step %while3A_179  : i32 {
          %mul3A_184 = arith.constant 16 : i32
          %mul3A_185 = arith.muli %while3A_183, %mul3A_184 : i32
          %add3A_186 = arith.constant 64 : i32
          %add3A_187 = arith.addi %mul3A_185, %add3A_186 : i32
          %get3A = arith.index_cast %add3A_187 : i32 to index
          %get3A_188 = tpu.vector_load %arg14[%get3A] {strides = array<i32>} : memref<1424xi32, #tpu.memory_space<vmem>>, vector<16xi32>,
          %mul3A_189 = arith.constant 16 : i32
          %mul3A_190 = arith.muli %while3A_183, %mul3A_189 : i32
          %swap3A = arith.index_cast %mul3A_190 : i32 to index
          %swap3A_191 = tpu.vector_load %arg14[%swap3A] {strides = array<i32>} : memref<1424xi32, #tpu.memory_space<vmem>>, vector<16xi32>,
          tpu.vector_store %arg14[%swap3A], %get3A_188 {strides = array<i32>} : memref<1424xi32, #tpu.memory_space<vmem>>, vector<16xi32>,
          %mul3A_192 = arith.constant 16 : i32
          %mul3A_193 = arith.muli %while3A_183, %mul3A_192 : i32
          %add3A_194 = arith.constant 64 : i32
          %add3A_195 = arith.addi %mul3A_193, %add3A_194 : i32
          %get3A_196 = arith.index_cast %add3A_195 : i32 to index
          %get3A_197 = tpu.vector_load %arg15[%get3A_196] {strides = array<i32>} : memref<1424xi32, #tpu.memory_space<vmem>>, vector<16xi32>,
          %mul3A_198 = arith.constant 16 : i32
          %mul3A_199 = arith.muli %while3A_183, %mul3A_198 : i32
          %swap3A_200 = arith.index_cast %mul3A_199 : i32 to index
          %swap3A_201 = tpu.vector_load %arg15[%swap3A_200] {strides = array<i32>} : memref<1424xi32, #tpu.memory_space<vmem>>, vector<16xi32>,
          tpu.vector_store %arg15[%swap3A_200], %get3A_197 {strides = array<i32>} : memref<1424xi32, #tpu.memory_space<vmem>>, vector<16xi32>,
        }
        %while3A_180 = arith.constant 1 : i32
        scf.for %while3A_183 = %while3A_178 to %while3A_174 step %while3A_180  : i32 {
          %mul3A_184 = arith.constant 16 : i32
          %mul3A_185 = arith.muli %while3A_183, %mul3A_184 : i32
          %add3A_186 = arith.constant 64 : i32
          %add3A_187 = arith.addi %mul3A_185, %add3A_186 : i32
          %get3A = arith.index_cast %add3A_187 : i32 to index
          %get3A_188 = tpu.vector_load %arg14[%get3A] {strides = array<i32>} : memref<1424xi32, #tpu.memory_space<vmem>>, vector<16xi32>,
          %mul3A_189 = arith.constant 16 : i32
          %mul3A_190 = arith.muli %while3A_183, %mul3A_189 : i32
          %swap3A = arith.index_cast %mul3A_190 : i32 to index
          %swap3A_191 = tpu.vector_load %arg14[%swap3A] {strides = array<i32>} : memref<1424xi32, #tpu.memory_space<vmem>>, vector<16xi32>,
          tpu.vector_store %arg14[%swap3A], %get3A_188 {strides = array<i32>} : memref<1424xi32, #tpu.memory_space<vmem>>, vector<16xi32>,
          %mul3A_192 = arith.constant 16 : i32
          %mul3A_193 = arith.muli %while3A_183, %mul3A_192 : i32
          %add3A_194 = arith.constant 64 : i32
          %add3A_195 = arith.addi %mul3A_193, %add3A_194 : i32
          %get3A_196 = arith.index_cast %add3A_195 : i32 to index
          %get3A_197 = tpu.vector_load %arg15[%get3A_196] {strides = array<i32>} : memref<1424xi32, #tpu.memory_space<vmem>>, vector<16xi32>,
          %mul3A_198 = arith.constant 16 : i32
          %mul3A_199 = arith.muli %while3A_183, %mul3A_198 : i32
          %swap3A_200 = arith.index_cast %mul3A_199 : i32 to index
          %swap3A_201 = tpu.vector_load %arg15[%swap3A_200] {strides = array<i32>} : memref<1424xi32, #tpu.memory_space<vmem>>, vector<16xi32>,
          tpu.vector_store %arg15[%swap3A_200], %get3A_197 {strides = array<i32>} : memref<1424xi32, #tpu.memory_space<vmem>>, vector<16xi32>,
        }
        %sub3A_181 = arith.constant 64 : i32
        %sub3A_182 = arith.subi %while3A_135, %sub3A_181 : i32
        scf.yield %sub3A_182 : i32
      }
      %ge3A_127 = arith.constant 64 : i32
      %ge3A_128 = arith.cmpi sge, %while3A_126, %ge3A_127 : i32
      %convert_element_type3A_129 = arith.extui %ge3A_128 : i1 to i32
      %eq3A_130 = arith.constant 1 : i32
      %eq3A_131 = arith.cmpi eq, %convert_element_type3A_129, %eq3A_130 : i32
      %convert_element_type3A_132 = arith.extui %eq3A_131 : i1 to i32
      %cond3A_133 = arith.constant 0 : i32
      %cond3A_134 = arith.cmpi ne, %convert_element_type3A_132, %cond3A_133 : i32
      scf.if %cond3A_134 {
        %dma_start3A_135 = arith.constant 0 : i32
        %dma_start3A_136 = tpu.memref_slice %arg14[%dma_start3A_135] : memref<1424xi32, #tpu.memory_space<vmem>> -> memref<64xi32, #tpu.memory_space<vmem>>
        %dma_start3A_137 = arith.constant 0 : i32
        %dma_start3A_138 = arith.constant 0 : i32
        %dma_start3A_139 = tpu.memref_slice %arg2[%dma_start3A_137, %dma_start3A_138] : memref<80000x256xf32, #tpu.memory_space<hbm>> -> memref<80000x256xf32, #tpu.memory_space<hbm>>
        tpu.enqueue_indirect_dma source(%dma_start3A_139 : memref<80000x256xf32, #tpu.memory_space<hbm>>) target(%arg16 : memref<64x256xf32, #tpu.memory_space<vmem>>) offsets(%dma_start3A_136 : memref<64xi32, #tpu.memory_space<vmem>>) semaphore(%arg18 : memref<!tpu.dma_semaphore, #tpu.memory_space<semaphore_mem>>)
      } else {
      }
      scf.yield %while3A_126, %convert_element_type3A_129 : i32, i32
    }
    %scan3A_26 = arith.constant 64 : i32
    %eq3A_27 = arith.constant 1 : i32
    %eq3A_28 = arith.cmpi eq, %scan3A_25#1, %eq3A_27 : i32
    %convert_element_type3A_29 = arith.extui %eq3A_28 : i1 to i32
    %cond3A_30 = arith.constant 0 : i32
    %cond3A_31 = arith.cmpi ne, %convert_element_type3A_29, %cond3A_30 : i32
    scf.if %cond3A_31 {
      %dma_wait3A = arith.constant 0 : i32
      %dma_wait3A_48 = tpu.memref_slice %arg14[%dma_wait3A] : memref<1424xi32, #tpu.memory_space<vmem>> -> memref<64xi32, #tpu.memory_space<vmem>>
      %dma_wait3A_49 = arith.constant 0 : i32
      %dma_wait3A_50 = arith.constant 0 : i32
      %dma_wait3A_51 = tpu.memref_slice %arg2[%dma_wait3A_49, %dma_wait3A_50] : memref<80000x256xf32, #tpu.memory_space<hbm>> -> memref<80000x256xf32, #tpu.memory_space<hbm>>
      tpu.wait_indirect_dma semaphore(%arg18 : memref<!tpu.dma_semaphore, #tpu.memory_space<semaphore_mem>>) src(%dma_wait3A_51 : memref<80000x256xf32, #tpu.memory_space<hbm>>) dst(%arg16 : memref<64x256xf32, #tpu.memory_space<vmem>>)
      %scan3A_52 = arith.constant 0 : i32
      %scan3A_53 = arith.constant 64 : i32
      %scan3A_54 = arith.addi %scan3A_52, %scan3A_53 : i32
      %scan3A_55 = arith.constant 1 : i32
      scf.for %scan3A_86 = %scan3A_52 to %scan3A_54 step %scan3A_55  : i32 {
        %add3A_87 = arith.constant 0 : i32
        %add3A_88 = arith.addi %add3A_87, %scan3A_86 : i32
        %get3A = arith.index_cast %add3A_88 : i32 to index
        %get3A_89 = tpu.vector_load %arg15[%get3A] {strides = array<i32>} : memref<1424xi32, #tpu.memory_space<vmem>>, vector<16xi32>,
        %slice3A = vector.extract_strided_slice %get3A_89 {offsets = [0], sizes = [1], strides = [1]} : vector<16xi32> to vector<1xi32>
        %squeeze3A = vector.extract %slice3A[0] : i32 from vector<1xi32>
        %get3A_90 = arith.index_cast %squeeze3A : i32 to index
        %get3A_91 = arith.constant 0 : index
        %get3A_92 = tpu.vector_load %arg22[%get3A_90, %get3A_91] {strides = array<i32>} : memref<328x256xf32, #tpu.memory_space<vmem>>, vector<16xf32>,
        %get3A_93 = arith.index_cast %scan3A_86 : i32 to index
        %get3A_94 = arith.constant 0 : index
        %get3A_95 = tpu.vector_load %arg16[%get3A_93, %get3A_94] {strides = array<i32>} : memref<64x256xf32, #tpu.memory_space<vmem>>, vector<16xf32>,
        %add3A_96 = arith.addf %get3A_92, %get3A_95 : vector<16xf32>
        %swap3A = arith.index_cast %squeeze3A : i32 to index
        %swap3A_97 = arith.constant 0 : index
        %swap3A_98 = tpu.vector_load %arg22[%swap3A, %swap3A_97] {strides = array<i32>} : memref<328x256xf32, #tpu.memory_space<vmem>>, vector<16xf32>,
        tpu.vector_store %arg22[%swap3A, %swap3A_97], %add3A_96 {strides = array<i32>} : memref<328x256xf32, #tpu.memory_space<vmem>>, vector<16xf32>,
        %get3A_99 = arith.index_cast %squeeze3A : i32 to index
        %get3A_100 = arith.constant 16 : index
        %get3A_101 = tpu.vector_load %arg22[%get3A_99, %get3A_100] {strides = array<i32>} : memref<328x256xf32, #tpu.memory_space<vmem>>, vector<16xf32>,
        %get3A_102 = arith.index_cast %scan3A_86 : i32 to index
        %get3A_103 = arith.constant 16 : index
        %get3A_104 = tpu.vector_load %arg16[%get3A_102, %get3A_103] {strides = array<i32>} : memref<64x256xf32, #tpu.memory_space<vmem>>, vector<16xf32>,
        %add3A_105 = arith.addf %get3A_101, %get3A_104 : vector<16xf32>
        %swap3A_106 = arith.index_cast %squeeze3A : i32 to index
        %swap3A_107 = arith.constant 16 : index
        %swap3A_108 = tpu.vector_load %arg22[%swap3A_106, %swap3A_107] {strides = array<i32>} : memref<328x256xf32, #tpu.memory_space<vmem>>, vector<16xf32>,
        tpu.vector_store %arg22[%swap3A_106, %swap3A_107], %add3A_105 {strides = array<i32>} : memref<328x256xf32, #tpu.memory_space<vmem>>, vector<16xf32>,
        %get3A_109 = arith.index_cast %squeeze3A : i32 to index
        %get3A_110 = arith.constant 32 : index
        %get3A_111 = tpu.vector_load %arg22[%get3A_109, %get3A_110] {strides = array<i32>} : memref<328x256xf32, #tpu.memory_space<vmem>>, vector<16xf32>,
        %get3A_112 = arith.index_cast %scan3A_86 : i32 to index
        %get3A_113 = arith.constant 32 : index
        %get3A_114 = tpu.vector_load %arg16[%get3A_112, %get3A_113] {strides = array<i32>} : memref<64x256xf32, #tpu.memory_space<vmem>>, vector<16xf32>,
        %add3A_115 = arith.addf %get3A_111, %get3A_114 : vector<16xf32>
        %swap3A_116 = arith.index_cast %squeeze3A : i32 to index
        %swap3A_117 = arith.constant 32 : index
        %swap3A_118 = tpu.vector_load %arg22[%swap3A_116, %swap3A_117] {strides = array<i32>} : memref<328x256xf32, #tpu.memory_space<vmem>>, vector<16xf32>,
        tpu.vector_store %arg22[%swap3A_116, %swap3A_117], %add3A_115 {strides = array<i32>} : memref<328x256xf32, #tpu.memory_space<vmem>>, vector<16xf32>,
        %get3A_119 = arith.index_cast %squeeze3A : i32 to index
        %get3A_120 = arith.constant 48 : index
        %get3A_121 = tpu.vector_load %arg22[%get3A_119, %get3A_120] {strides = array<i32>} : memref<328x256xf32, #tpu.memory_space<vmem>>, vector<16xf32>,
        %get3A_122 = arith.index_cast %scan3A_86 : i32 to index
        %get3A_123 = arith.constant 48 : index
        %get3A_124 = tpu.vector_load %arg16[%get3A_122, %get3A_123] {strides = array<i32>} : memref<64x256xf32, #tpu.memory_space<vmem>>, vector<16xf32>,
        %add3A_125 = arith.addf %get3A_121, %get3A_124 : vector<16xf32>
        %swap3A_126 = arith.index_cast %squeeze3A : i32 to index
        %swap3A_127 = arith.constant 48 : index
        %swap3A_128 = tpu.vector_load %arg22[%swap3A_126, %swap3A_127] {strides = array<i32>} : memref<328x256xf32, #tpu.memory_space<vmem>>, vector<16xf32>,
        tpu.vector_store %arg22[%swap3A_126, %swap3A_127], %add3A_125 {strides = array<i32>} : memref<328x256xf32, #tpu.memory_space<vmem>>, vector<16xf32>,
        %get3A_129 = arith.index_cast %squeeze3A : i32 to index
        %get3A_130 = arith.constant 64 : index
        %get3A_131 = tpu.vector_load %arg22[%get3A_129, %get3A_130] {strides = array<i32>} : memref<328x256xf32, #tpu.memory_space<vmem>>, vector<16xf32>,
        %get3A_132 = arith.index_cast %scan3A_86 : i32 to index
        %get3A_133 = arith.constant 64 : index
        %get3A_134 = tpu.vector_load %arg16[%get3A_132, %get3A_133] {strides = array<i32>} : memref<64x256xf32, #tpu.memory_space<vmem>>, vector<16xf32>,
        %add3A_135 = arith.addf %get3A_131, %get3A_134 : vector<16xf32>
        %swap3A_136 = arith.index_cast %squeeze3A : i32 to index
        %swap3A_137 = arith.constant 64 : index
        %swap3A_138 = tpu.vector_load %arg22[%swap3A_136, %swap3A_137] {strides = array<i32>} : memref<328x256xf32, #tpu.memory_space<vmem>>, vector<16xf32>,
        tpu.vector_store %arg22[%swap3A_136, %swap3A_137], %add3A_135 {strides = array<i32>} : memref<328x256xf32, #tpu.memory_space<vmem>>, vector<16xf32>,
        %get3A_139 = arith.index_cast %squeeze3A : i32 to index
        %get3A_140 = arith.constant 80 : index
        %get3A_141 = tpu.vector_load %arg22[%get3A_139, %get3A_140] {strides = array<i32>} : memref<328x256xf32, #tpu.memory_space<vmem>>, vector<16xf32>,
        %get3A_142 = arith.index_cast %scan3A_86 : i32 to index
        %get3A_143 = arith.constant 80 : index
        %get3A_144 = tpu.vector_load %arg16[%get3A_142, %get3A_143] {strides = array<i32>} : memref<64x256xf32, #tpu.memory_space<vmem>>, vector<16xf32>,
        %add3A_145 = arith.addf %get3A_141, %get3A_144 : vector<16xf32>
        %swap3A_146 = arith.index_cast %squeeze3A : i32 to index
        %swap3A_147 = arith.constant 80 : index
        %swap3A_148 = tpu.vector_load %arg22[%swap3A_146, %swap3A_147] {strides = array<i32>} : memref<328x256xf32, #tpu.memory_space<vmem>>, vector<16xf32>,
        tpu.vector_store %arg22[%swap3A_146, %swap3A_147], %add3A_145 {strides = array<i32>} : memref<328x256xf32, #tpu.memory_space<vmem>>, vector<16xf32>,
        %get3A_149 = arith.index_cast %squeeze3A : i32 to index
        %get3A_150 = arith.constant 96 : index
        %get3A_151 = tpu.vector_load %arg22[%get3A_149, %get3A_150] {strides = array<i32>} : memref<328x256xf32, #tpu.memory_space<vmem>>, vector<16xf32>,
        %get3A_152 = arith.index_cast %scan3A_86 : i32 to index
        %get3A_153 = arith.constant 96 : index
        %get3A_154 = tpu.vector_load %arg16[%get3A_152, %get3A_153] {strides = array<i32>} : memref<64x256xf32, #tpu.memory_space<vmem>>, vector<16xf32>,
        %add3A_155 = arith.addf %get3A_151, %get3A_154 : vector<16xf32>
        %swap3A_156 = arith.index_cast %squeeze3A : i32 to index
        %swap3A_157 = arith.constant 96 : index
        %swap3A_158 = tpu.vector_load %arg22[%swap3A_156, %swap3A_157] {strides = array<i32>} : memref<328x256xf32, #tpu.memory_space<vmem>>, vector<16xf32>,
        tpu.vector_store %arg22[%swap3A_156, %swap3A_157], %add3A_155 {strides = array<i32>} : memref<328x256xf32, #tpu.memory_space<vmem>>, vector<16xf32>,
        %get3A_159 = arith.index_cast %squeeze3A : i32 to index
        %get3A_160 = arith.constant 112 : index
        %get3A_161 = tpu.vector_load %arg22[%get3A_159, %get3A_160] {strides = array<i32>} : memref<328x256xf32, #tpu.memory_space<vmem>>, vector<16xf32>,
        %get3A_162 = arith.index_cast %scan3A_86 : i32 to index
        %get3A_163 = arith.constant 112 : index
        %get3A_164 = tpu.vector_load %arg16[%get3A_162, %get3A_163] {strides = array<i32>} : memref<64x256xf32, #tpu.memory_space<vmem>>, vector<16xf32>,
        %add3A_165 = arith.addf %get3A_161, %get3A_164 : vector<16xf32>
        %swap3A_166 = arith.index_cast %squeeze3A : i32 to index
        %swap3A_167 = arith.constant 112 : index
        %swap3A_168 = tpu.vector_load %arg22[%swap3A_166, %swap3A_167] {strides = array<i32>} : memref<328x256xf32, #tpu.memory_space<vmem>>, vector<16xf32>,
        tpu.vector_store %arg22[%swap3A_166, %swap3A_167], %add3A_165 {strides = array<i32>} : memref<328x256xf32, #tpu.memory_space<vmem>>, vector<16xf32>,
        %get3A_169 = arith.index_cast %squeeze3A : i32 to index
        %get3A_170 = arith.constant 128 : index
        %get3A_171 = tpu.vector_load %arg22[%get3A_169, %get3A_170] {strides = array<i32>} : memref<328x256xf32, #tpu.memory_space<vmem>>, vector<16xf32>,
        %get3A_172 = arith.index_cast %scan3A_86 : i32 to index
        %get3A_173 = arith.constant 128 : index
        %get3A_174 = tpu.vector_load %arg16[%get3A_172, %get3A_173] {strides = array<i32>} : memref<64x256xf32, #tpu.memory_space<vmem>>, vector<16xf32>,
        %add3A_175 = arith.addf %get3A_171, %get3A_174 : vector<16xf32>
        %swap3A_176 = arith.index_cast %squeeze3A : i32 to index
        %swap3A_177 = arith.constant 128 : index
        %swap3A_178 = tpu.vector_load %arg22[%swap3A_176, %swap3A_177] {strides = array<i32>} : memref<328x256xf32, #tpu.memory_space<vmem>>, vector<16xf32>,
        tpu.vector_store %arg22[%swap3A_176, %swap3A_177], %add3A_175 {strides = array<i32>} : memref<328x256xf32, #tpu.memory_space<vmem>>, vector<16xf32>,
        %get3A_179 = arith.index_cast %squeeze3A : i32 to index
        %get3A_180 = arith.constant 144 : index
        %get3A_181 = tpu.vector_load %arg22[%get3A_179, %get3A_180] {strides = array<i32>} : memref<328x256xf32, #tpu.memory_space<vmem>>, vector<16xf32>,
        %get3A_182 = arith.index_cast %scan3A_86 : i32 to index
        %get3A_183 = arith.constant 144 : index
        %get3A_184 = tpu.vector_load %arg16[%get3A_182, %get3A_183] {strides = array<i32>} : memref<64x256xf32, #tpu.memory_space<vmem>>, vector<16xf32>,
        %add3A_185 = arith.addf %get3A_181, %get3A_184 : vector<16xf32>
        %swap3A_186 = arith.index_cast %squeeze3A : i32 to index
        %swap3A_187 = arith.constant 144 : index
        %swap3A_188 = tpu.vector_load %arg22[%swap3A_186, %swap3A_187] {strides = array<i32>} : memref<328x256xf32, #tpu.memory_space<vmem>>, vector<16xf32>,
        tpu.vector_store %arg22[%swap3A_186, %swap3A_187], %add3A_185 {strides = array<i32>} : memref<328x256xf32, #tpu.memory_space<vmem>>, vector<16xf32>,
        %get3A_189 = arith.index_cast %squeeze3A : i32 to index
        %get3A_190 = arith.constant 160 : index
        %get3A_191 = tpu.vector_load %arg22[%get3A_189, %get3A_190] {strides = array<i32>} : memref<328x256xf32, #tpu.memory_space<vmem>>, vector<16xf32>,
        %get3A_192 = arith.index_cast %scan3A_86 : i32 to index
        %get3A_193 = arith.constant 160 : index
        %get3A_194 = tpu.vector_load %arg16[%get3A_192, %get3A_193] {strides = array<i32>} : memref<64x256xf32, #tpu.memory_space<vmem>>, vector<16xf32>,
        %add3A_195 = arith.addf %get3A_191, %get3A_194 : vector<16xf32>
        %swap3A_196 = arith.index_cast %squeeze3A : i32 to index
        %swap3A_197 = arith.constant 160 : index
        %swap3A_198 = tpu.vector_load %arg22[%swap3A_196, %swap3A_197] {strides = array<i32>} : memref<328x256xf32, #tpu.memory_space<vmem>>, vector<16xf32>,
        tpu.vector_store %arg22[%swap3A_196, %swap3A_197], %add3A_195 {strides = array<i32>} : memref<328x256xf32, #tpu.memory_space<vmem>>, vector<16xf32>,
        %get3A_199 = arith.index_cast %squeeze3A : i32 to index
        %get3A_200 = arith.constant 176 : index
        %get3A_201 = tpu.vector_load %arg22[%get3A_199, %get3A_200] {strides = array<i32>} : memref<328x256xf32, #tpu.memory_space<vmem>>, vector<16xf32>,
        %get3A_202 = arith.index_cast %scan3A_86 : i32 to index
        %get3A_203 = arith.constant 176 : index
        %get3A_204 = tpu.vector_load %arg16[%get3A_202, %get3A_203] {strides = array<i32>} : memref<64x256xf32, #tpu.memory_space<vmem>>, vector<16xf32>,
        %add3A_205 = arith.addf %get3A_201, %get3A_204 : vector<16xf32>
        %swap3A_206 = arith.index_cast %squeeze3A : i32 to index
        %swap3A_207 = arith.constant 176 : index
        %swap3A_208 = tpu.vector_load %arg22[%swap3A_206, %swap3A_207] {strides = array<i32>} : memref<328x256xf32, #tpu.memory_space<vmem>>, vector<16xf32>,
        tpu.vector_store %arg22[%swap3A_206, %swap3A_207], %add3A_205 {strides = array<i32>} : memref<328x256xf32, #tpu.memory_space<vmem>>, vector<16xf32>,
        %get3A_209 = arith.index_cast %squeeze3A : i32 to index
        %get3A_210 = arith.constant 192 : index
        %get3A_211 = tpu.vector_load %arg22[%get3A_209, %get3A_210] {strides = array<i32>} : memref<328x256xf32, #tpu.memory_space<vmem>>, vector<16xf32>,
        %get3A_212 = arith.index_cast %scan3A_86 : i32 to index
        %get3A_213 = arith.constant 192 : index
        %get3A_214 = tpu.vector_load %arg16[%get3A_212, %get3A_213] {strides = array<i32>} : memref<64x256xf32, #tpu.memory_space<vmem>>, vector<16xf32>,
        %add3A_215 = arith.addf %get3A_211, %get3A_214 : vector<16xf32>
        %swap3A_216 = arith.index_cast %squeeze3A : i32 to index
        %swap3A_217 = arith.constant 192 : index
        %swap3A_218 = tpu.vector_load %arg22[%swap3A_216, %swap3A_217] {strides = array<i32>} : memref<328x256xf32, #tpu.memory_space<vmem>>, vector<16xf32>,
        tpu.vector_store %arg22[%swap3A_216, %swap3A_217], %add3A_215 {strides = array<i32>} : memref<328x256xf32, #tpu.memory_space<vmem>>, vector<16xf32>,
        %get3A_219 = arith.index_cast %squeeze3A : i32 to index
        %get3A_220 = arith.constant 208 : index
        %get3A_221 = tpu.vector_load %arg22[%get3A_219, %get3A_220] {strides = array<i32>} : memref<328x256xf32, #tpu.memory_space<vmem>>, vector<16xf32>,
        %get3A_222 = arith.index_cast %scan3A_86 : i32 to index
        %get3A_223 = arith.constant 208 : index
        %get3A_224 = tpu.vector_load %arg16[%get3A_222, %get3A_223] {strides = array<i32>} : memref<64x256xf32, #tpu.memory_space<vmem>>, vector<16xf32>,
        %add3A_225 = arith.addf %get3A_221, %get3A_224 : vector<16xf32>
        %swap3A_226 = arith.index_cast %squeeze3A : i32 to index
        %swap3A_227 = arith.constant 208 : index
        %swap3A_228 = tpu.vector_load %arg22[%swap3A_226, %swap3A_227] {strides = array<i32>} : memref<328x256xf32, #tpu.memory_space<vmem>>, vector<16xf32>,
        tpu.vector_store %arg22[%swap3A_226, %swap3A_227], %add3A_225 {strides = array<i32>} : memref<328x256xf32, #tpu.memory_space<vmem>>, vector<16xf32>,
        %get3A_229 = arith.index_cast %squeeze3A : i32 to index
        %get3A_230 = arith.constant 224 : index
        %get3A_231 = tpu.vector_load %arg22[%get3A_229, %get3A_230] {strides = array<i32>} : memref<328x256xf32, #tpu.memory_space<vmem>>, vector<16xf32>,
        %get3A_232 = arith.index_cast %scan3A_86 : i32 to index
        %get3A_233 = arith.constant 224 : index
        %get3A_234 = tpu.vector_load %arg16[%get3A_232, %get3A_233] {strides = array<i32>} : memref<64x256xf32, #tpu.memory_space<vmem>>, vector<16xf32>,
        %add3A_235 = arith.addf %get3A_231, %get3A_234 : vector<16xf32>
        %swap3A_236 = arith.index_cast %squeeze3A : i32 to index
        %swap3A_237 = arith.constant 224 : index
        %swap3A_238 = tpu.vector_load %arg22[%swap3A_236, %swap3A_237] {strides = array<i32>} : memref<328x256xf32, #tpu.memory_space<vmem>>, vector<16xf32>,
        tpu.vector_store %arg22[%swap3A_236, %swap3A_237], %add3A_235 {strides = array<i32>} : memref<328x256xf32, #tpu.memory_space<vmem>>, vector<16xf32>,
        %get3A_239 = arith.index_cast %squeeze3A : i32 to index
        %get3A_240 = arith.constant 240 : index
        %get3A_241 = tpu.vector_load %arg22[%get3A_239, %get3A_240] {strides = array<i32>} : memref<328x256xf32, #tpu.memory_space<vmem>>, vector<16xf32>,
        %get3A_242 = arith.index_cast %scan3A_86 : i32 to index
        %get3A_243 = arith.constant 240 : index
        %get3A_244 = tpu.vector_load %arg16[%get3A_242, %get3A_243] {strides = array<i32>} : memref<64x256xf32, #tpu.memory_space<vmem>>, vector<16xf32>,
        %add3A_245 = arith.addf %get3A_241, %get3A_244 : vector<16xf32>
        %swap3A_246 = arith.index_cast %squeeze3A : i32 to index
        %swap3A_247 = arith.constant 240 : index
        %swap3A_248 = tpu.vector_load %arg22[%swap3A_246, %swap3A_247] {strides = array<i32>} : memref<328x256xf32, #tpu.memory_space<vmem>>, vector<16xf32>,
        tpu.vector_store %arg22[%swap3A_246, %swap3A_247], %add3A_245 {strides = array<i32>} : memref<328x256xf32, #tpu.memory_space<vmem>>, vector<16xf32>,
      }
      %scan3A_56 = arith.constant 64 : i32
      %sub3A_57 = arith.constant 64 : i32
      %sub3A_58 = arith.subi %scan3A_25#0, %sub3A_57 : i32
      %add3A_59 = arith.constant 15 : i32
      %add3A_60 = arith.addi %sub3A_58, %add3A_59 : i32
      %jit3A = arith.constant 16 : i32
      %div3A = arith.divsi %add3A_60, %jit3A : i32
      %sign3A = arith.constant 0 : i32
      %sign3A_61 = arith.cmpi sgt, %add3A_60, %sign3A : i32
      %sign3A_62 = arith.extui %sign3A_61 : i1 to i32
      %sign3A_63 = arith.constant 0 : i32
      %sign3A_64 = arith.cmpi slt, %add3A_60, %sign3A_63 : i32
      %sign3A_65 = arith.extui %sign3A_64 : i1 to i32
      %sign3A_66 = arith.subi %sign3A_62, %sign3A_65 : i32
      %sign3A_67 = arith.constant 0 : i32
      %sign3A_68 = arith.cmpi sgt, %jit3A, %sign3A_67 : i32
      %sign3A_69 = arith.extui %sign3A_68 : i1 to i32
      %sign3A_70 = arith.constant 0 : i32
      %sign3A_71 = arith.cmpi slt, %jit3A, %sign3A_70 : i32
      %sign3A_72 = arith.extui %sign3A_71 : i1 to i32
      %sign3A_73 = arith.subi %sign3A_69, %sign3A_72 : i32
      %ne3A = arith.cmpi ne, %sign3A_66, %sign3A_73 : i32
      %rem3A = arith.remsi %add3A_60, %jit3A : i32
      %ne3A_74 = arith.constant 0 : i32
      %ne3A_75 = arith.cmpi ne, %rem3A, %ne3A_74 : i32
      %and3A = arith.andi %ne3A, %ne3A_75 : i1
      %sub3A_76 = arith.constant 1 : i32
      %sub3A_77 = arith.subi %div3A, %sub3A_76 : i32
      %select_n3A = arith.select %and3A, %sub3A_77, %div3A : i32
      %while3A = arith.constant 0 : i32
      %while3A_78 = arith.subi %select_n3A, %while3A : i32
      %while3A_79 = arith.addi %while3A, %while3A_78 : i32
      %while3A_80 = arith.constant 1 : i32
      %while3A_81 = arith.divsi %while3A_78, %while3A_80 : i32
      %while3A_82 = arith.muli %while3A_81, %while3A_80 : i32
      %while3A_83 = arith.addi %while3A, %while3A_82 : i32
      %while3A_84 = arith.constant 1 : i32
      scf.for %while3A_86 = %while3A to %while3A_83 step %while3A_84  : i32 {
        %mul3A_87 = arith.constant 16 : i32
        %mul3A_88 = arith.muli %while3A_86, %mul3A_87 : i32
        %add3A_89 = arith.constant 64 : i32
        %add3A_90 = arith.addi %mul3A_88, %add3A_89 : i32
        %get3A = arith.index_cast %add3A_90 : i32 to index
        %get3A_91 = tpu.vector_load %arg14[%get3A] {strides = array<i32>} : memref<1424xi32, #tpu.memory_space<vmem>>, vector<16xi32>,
        %mul3A_92 = arith.constant 16 : i32
        %mul3A_93 = arith.muli %while3A_86, %mul3A_92 : i32
        %swap3A = arith.index_cast %mul3A_93 : i32 to index
        %swap3A_94 = tpu.vector_load %arg14[%swap3A] {strides = array<i32>} : memref<1424xi32, #tpu.memory_space<vmem>>, vector<16xi32>,
        tpu.vector_store %arg14[%swap3A], %get3A_91 {strides = array<i32>} : memref<1424xi32, #tpu.memory_space<vmem>>, vector<16xi32>,
        %mul3A_95 = arith.constant 16 : i32
        %mul3A_96 = arith.muli %while3A_86, %mul3A_95 : i32
        %add3A_97 = arith.constant 64 : i32
        %add3A_98 = arith.addi %mul3A_96, %add3A_97 : i32
        %get3A_99 = arith.index_cast %add3A_98 : i32 to index
        %get3A_100 = tpu.vector_load %arg15[%get3A_99] {strides = array<i32>} : memref<1424xi32, #tpu.memory_space<vmem>>, vector<16xi32>,
        %mul3A_101 = arith.constant 16 : i32
        %mul3A_102 = arith.muli %while3A_86, %mul3A_101 : i32
        %swap3A_103 = arith.index_cast %mul3A_102 : i32 to index
        %swap3A_104 = tpu.vector_load %arg15[%swap3A_103] {strides = array<i32>} : memref<1424xi32, #tpu.memory_space<vmem>>, vector<16xi32>,
        tpu.vector_store %arg15[%swap3A_103], %get3A_100 {strides = array<i32>} : memref<1424xi32, #tpu.memory_space<vmem>>, vector<16xi32>,
      }
      %while3A_85 = arith.constant 1 : i32
      scf.for %while3A_86 = %while3A_83 to %while3A_79 step %while3A_85  : i32 {
        %mul3A_87 = arith.constant 16 : i32
        %mul3A_88 = arith.muli %while3A_86, %mul3A_87 : i32
        %add3A_89 = arith.constant 64 : i32
        %add3A_90 = arith.addi %mul3A_88, %add3A_89 : i32
        %get3A = arith.index_cast %add3A_90 : i32 to index
        %get3A_91 = tpu.vector_load %arg14[%get3A] {strides = array<i32>} : memref<1424xi32, #tpu.memory_space<vmem>>, vector<16xi32>,
        %mul3A_92 = arith.constant 16 : i32
        %mul3A_93 = arith.muli %while3A_86, %mul3A_92 : i32
        %swap3A = arith.index_cast %mul3A_93 : i32 to index
        %swap3A_94 = tpu.vector_load %arg14[%swap3A] {strides = array<i32>} : memref<1424xi32, #tpu.memory_space<vmem>>, vector<16xi32>,
        tpu.vector_store %arg14[%swap3A], %get3A_91 {strides = array<i32>} : memref<1424xi32, #tpu.memory_space<vmem>>, vector<16xi32>,
        %mul3A_95 = arith.constant 16 : i32
        %mul3A_96 = arith.muli %while3A_86, %mul3A_95 : i32
        %add3A_97 = arith.constant 64 : i32
        %add3A_98 = arith.addi %mul3A_96, %add3A_97 : i32
        %get3A_99 = arith.index_cast %add3A_98 : i32 to index
        %get3A_100 = tpu.vector_load %arg15[%get3A_99] {strides = array<i32>} : memref<1424xi32, #tpu.memory_space<vmem>>, vector<16xi32>,
        %mul3A_101 = arith.constant 16 : i32
        %mul3A_102 = arith.muli %while3A_86, %mul3A_101 : i32
        %swap3A_103 = arith.index_cast %mul3A_102 : i32 to index
        %swap3A_104 = tpu.vector_load %arg15[%swap3A_103] {strides = array<i32>} : memref<1424xi32, #tpu.memory_space<vmem>>, vector<16xi32>,
        tpu.vector_store %arg15[%swap3A_103], %get3A_100 {strides = array<i32>} : memref<1424xi32, #tpu.memory_space<vmem>>, vector<16xi32>,
      }
    } else {
    }
    %mul3A_32 = arith.constant 64 : i32
    %mul3A_33 = arith.muli %scan3A_25#1, %mul3A_32 : i32
    %sub3A = arith.subi %scan3A_25#0, %mul3A_33 : i32
    %gt3A = arith.constant 0 : i32
    %gt3A_34 = arith.cmpi sgt, %sub3A, %gt3A : i32
    %convert_element_type3A_35 = arith.extui %gt3A_34 : i1 to i32
    %cond3A_36 = arith.constant 0 : i32
    %cond3A_37 = arith.cmpi ne, %convert_element_type3A_35, %cond3A_36 : i32
    scf.if %cond3A_37 {
      %mul3A_48 = arith.constant 64 : i32
      %mul3A_49 = vector.broadcast %mul3A_48 : i32 to vector<16xi32>
      %mul3A_50 = arith.muli %iota3A, %mul3A_49 : vector<16xi32>
      %add3A_51 = arith.constant 0 : i32
      %add3A_52 = vector.broadcast %add3A_51 : i32 to vector<16xi32>
      %add3A_53 = arith.addi %mul3A_50, %add3A_52 : vector<16xi32>
      %add3A_54 = arith.constant 0 : i32
      %add3A_55 = arith.addi %sub3A, %add3A_54 : i32
      %swap3A = arith.index_cast %add3A_55 : i32 to index
      %swap3A_56 = tpu.vector_load %arg14[%swap3A] {strides = array<i32>} : memref<1424xi32, #tpu.memory_space<vmem>>, vector<16xi32>,
      tpu.vector_store %arg14[%swap3A], %add3A_53 {strides = array<i32>} : memref<1424xi32, #tpu.memory_space<vmem>>, vector<16xi32>,
      %mul3A_57 = arith.constant 64 : i32
      %mul3A_58 = vector.broadcast %mul3A_57 : i32 to vector<16xi32>
      %mul3A_59 = arith.muli %iota3A, %mul3A_58 : vector<16xi32>
      %add3A_60 = arith.constant 16 : i32
      %add3A_61 = vector.broadcast %add3A_60 : i32 to vector<16xi32>
      %add3A_62 = arith.addi %mul3A_59, %add3A_61 : vector<16xi32>
      %add3A_63 = arith.constant 16 : i32
      %add3A_64 = arith.addi %sub3A, %add3A_63 : i32
      %swap3A_65 = arith.index_cast %add3A_64 : i32 to index
      %swap3A_66 = tpu.vector_load %arg14[%swap3A_65] {strides = array<i32>} : memref<1424xi32, #tpu.memory_space<vmem>>, vector<16xi32>,
      tpu.vector_store %arg14[%swap3A_65], %add3A_62 {strides = array<i32>} : memref<1424xi32, #tpu.memory_space<vmem>>, vector<16xi32>,
      %mul3A_67 = arith.constant 64 : i32
      %mul3A_68 = vector.broadcast %mul3A_67 : i32 to vector<16xi32>
      %mul3A_69 = arith.muli %iota3A, %mul3A_68 : vector<16xi32>
      %add3A_70 = arith.constant 32 : i32
      %add3A_71 = vector.broadcast %add3A_70 : i32 to vector<16xi32>
      %add3A_72 = arith.addi %mul3A_69, %add3A_71 : vector<16xi32>
      %add3A_73 = arith.constant 32 : i32
      %add3A_74 = arith.addi %sub3A, %add3A_73 : i32
      %swap3A_75 = arith.index_cast %add3A_74 : i32 to index
      %swap3A_76 = tpu.vector_load %arg14[%swap3A_75] {strides = array<i32>} : memref<1424xi32, #tpu.memory_space<vmem>>, vector<16xi32>,
      tpu.vector_store %arg14[%swap3A_75], %add3A_72 {strides = array<i32>} : memref<1424xi32, #tpu.memory_space<vmem>>, vector<16xi32>,
      %mul3A_77 = arith.constant 64 : i32
      %mul3A_78 = vector.broadcast %mul3A_77 : i32 to vector<16xi32>
      %mul3A_79 = arith.muli %iota3A, %mul3A_78 : vector<16xi32>
      %add3A_80 = arith.constant 48 : i32
      %add3A_81 = vector.broadcast %add3A_80 : i32 to vector<16xi32>
      %add3A_82 = arith.addi %mul3A_79, %add3A_81 : vector<16xi32>
      %add3A_83 = arith.constant 48 : i32
      %add3A_84 = arith.addi %sub3A, %add3A_83 : i32
      %swap3A_85 = arith.index_cast %add3A_84 : i32 to index
      %swap3A_86 = tpu.vector_load %arg14[%swap3A_85] {strides = array<i32>} : memref<1424xi32, #tpu.memory_space<vmem>>, vector<16xi32>,
      tpu.vector_store %arg14[%swap3A_85], %add3A_82 {strides = array<i32>} : memref<1424xi32, #tpu.memory_space<vmem>>, vector<16xi32>,
      %dma_start3A_87 = arith.constant 0 : i32
      %dma_start3A_88 = tpu.memref_slice %arg14[%dma_start3A_87] : memref<1424xi32, #tpu.memory_space<vmem>> -> memref<64xi32, #tpu.memory_space<vmem>>
      %dma_start3A_89 = arith.constant 0 : i32
      %dma_start3A_90 = arith.constant 0 : i32
      %dma_start3A_91 = tpu.memref_slice %arg2[%dma_start3A_89, %dma_start3A_90] : memref<80000x256xf32, #tpu.memory_space<hbm>> -> memref<80000x256xf32, #tpu.memory_space<hbm>>
      tpu.enqueue_indirect_dma source(%dma_start3A_91 : memref<80000x256xf32, #tpu.memory_space<hbm>>) target(%arg16 : memref<64x256xf32, #tpu.memory_space<vmem>>) offsets(%dma_start3A_88 : memref<64xi32, #tpu.memory_space<vmem>>) semaphore(%arg18 : memref<!tpu.dma_semaphore, #tpu.memory_space<semaphore_mem>>)
      %dma_wait3A = arith.constant 0 : i32
      %dma_wait3A_92 = tpu.memref_slice %arg14[%dma_wait3A] : memref<1424xi32, #tpu.memory_space<vmem>> -> memref<64xi32, #tpu.memory_space<vmem>>
      %dma_wait3A_93 = arith.constant 0 : i32
      %dma_wait3A_94 = arith.constant 0 : i32
      %dma_wait3A_95 = tpu.memref_slice %arg2[%dma_wait3A_93, %dma_wait3A_94] : memref<80000x256xf32, #tpu.memory_space<hbm>> -> memref<80000x256xf32, #tpu.memory_space<hbm>>
      tpu.wait_indirect_dma semaphore(%arg18 : memref<!tpu.dma_semaphore, #tpu.memory_space<semaphore_mem>>) src(%dma_wait3A_95 : memref<80000x256xf32, #tpu.memory_space<hbm>>) dst(%arg16 : memref<64x256xf32, #tpu.memory_space<vmem>>)
      %while3A = arith.constant 0 : i32
      %while3A_96 = arith.subi %sub3A, %while3A : i32
      %while3A_97 = arith.addi %while3A, %while3A_96 : i32
      %while3A_98 = arith.constant 1 : i32
      %while3A_99 = arith.divsi %while3A_96, %while3A_98 : i32
      %while3A_100 = arith.muli %while3A_99, %while3A_98 : i32
      %while3A_101 = arith.addi %while3A, %while3A_100 : i32
      %while3A_102 = arith.constant 1 : i32
      scf.for %while3A_104 = %while3A to %while3A_101 step %while3A_102  : i32 {
        %add3A_105 = arith.constant 0 : i32
        %add3A_106 = arith.addi %add3A_105, %while3A_104 : i32
        %get3A = arith.index_cast %add3A_106 : i32 to index
        %get3A_107 = tpu.vector_load %arg15[%get3A] {strides = array<i32>} : memref<1424xi32, #tpu.memory_space<vmem>>, vector<16xi32>,
        %slice3A = vector.extract_strided_slice %get3A_107 {offsets = [0], sizes = [1], strides = [1]} : vector<16xi32> to vector<1xi32>
        %squeeze3A = vector.extract %slice3A[0] : i32 from vector<1xi32>
        %get3A_108 = arith.index_cast %squeeze3A : i32 to index
        %get3A_109 = arith.constant 0 : index
        %get3A_110 = tpu.vector_load %arg22[%get3A_108, %get3A_109] {strides = array<i32>} : memref<328x256xf32, #tpu.memory_space<vmem>>, vector<16xf32>,
        %get3A_111 = arith.index_cast %while3A_104 : i32 to index
        %get3A_112 = arith.constant 0 : index
        %get3A_113 = tpu.vector_load %arg16[%get3A_111, %get3A_112] {strides = array<i32>} : memref<64x256xf32, #tpu.memory_space<vmem>>, vector<16xf32>,
        %add3A_114 = arith.addf %get3A_110, %get3A_113 : vector<16xf32>
        %swap3A_115 = arith.index_cast %squeeze3A : i32 to index
        %swap3A_116 = arith.constant 0 : index
        %swap3A_117 = tpu.vector_load %arg22[%swap3A_115, %swap3A_116] {strides = array<i32>} : memref<328x256xf32, #tpu.memory_space<vmem>>, vector<16xf32>,
        tpu.vector_store %arg22[%swap3A_115, %swap3A_116], %add3A_114 {strides = array<i32>} : memref<328x256xf32, #tpu.memory_space<vmem>>, vector<16xf32>,
        %get3A_118 = arith.index_cast %squeeze3A : i32 to index
        %get3A_119 = arith.constant 16 : index
        %get3A_120 = tpu.vector_load %arg22[%get3A_118, %get3A_119] {strides = array<i32>} : memref<328x256xf32, #tpu.memory_space<vmem>>, vector<16xf32>,
        %get3A_121 = arith.index_cast %while3A_104 : i32 to index
        %get3A_122 = arith.constant 16 : index
        %get3A_123 = tpu.vector_load %arg16[%get3A_121, %get3A_122] {strides = array<i32>} : memref<64x256xf32, #tpu.memory_space<vmem>>, vector<16xf32>,
        %add3A_124 = arith.addf %get3A_120, %get3A_123 : vector<16xf32>
        %swap3A_125 = arith.index_cast %squeeze3A : i32 to index
        %swap3A_126 = arith.constant 16 : index
        %swap3A_127 = tpu.vector_load %arg22[%swap3A_125, %swap3A_126] {strides = array<i32>} : memref<328x256xf32, #tpu.memory_space<vmem>>, vector<16xf32>,
        tpu.vector_store %arg22[%swap3A_125, %swap3A_126], %add3A_124 {strides = array<i32>} : memref<328x256xf32, #tpu.memory_space<vmem>>, vector<16xf32>,
        %get3A_128 = arith.index_cast %squeeze3A : i32 to index
        %get3A_129 = arith.constant 32 : index
        %get3A_130 = tpu.vector_load %arg22[%get3A_128, %get3A_129] {strides = array<i32>} : memref<328x256xf32, #tpu.memory_space<vmem>>, vector<16xf32>,
        %get3A_131 = arith.index_cast %while3A_104 : i32 to index
        %get3A_132 = arith.constant 32 : index
        %get3A_133 = tpu.vector_load %arg16[%get3A_131, %get3A_132] {strides = array<i32>} : memref<64x256xf32, #tpu.memory_space<vmem>>, vector<16xf32>,
        %add3A_134 = arith.addf %get3A_130, %get3A_133 : vector<16xf32>
        %swap3A_135 = arith.index_cast %squeeze3A : i32 to index
        %swap3A_136 = arith.constant 32 : index
        %swap3A_137 = tpu.vector_load %arg22[%swap3A_135, %swap3A_136] {strides = array<i32>} : memref<328x256xf32, #tpu.memory_space<vmem>>, vector<16xf32>,
        tpu.vector_store %arg22[%swap3A_135, %swap3A_136], %add3A_134 {strides = array<i32>} : memref<328x256xf32, #tpu.memory_space<vmem>>, vector<16xf32>,
        %get3A_138 = arith.index_cast %squeeze3A : i32 to index
        %get3A_139 = arith.constant 48 : index
        %get3A_140 = tpu.vector_load %arg22[%get3A_138, %get3A_139] {strides = array<i32>} : memref<328x256xf32, #tpu.memory_space<vmem>>, vector<16xf32>,
        %get3A_141 = arith.index_cast %while3A_104 : i32 to index
        %get3A_142 = arith.constant 48 : index
        %get3A_143 = tpu.vector_load %arg16[%get3A_141, %get3A_142] {strides = array<i32>} : memref<64x256xf32, #tpu.memory_space<vmem>>, vector<16xf32>,
        %add3A_144 = arith.addf %get3A_140, %get3A_143 : vector<16xf32>
        %swap3A_145 = arith.index_cast %squeeze3A : i32 to index
        %swap3A_146 = arith.constant 48 : index
        %swap3A_147 = tpu.vector_load %arg22[%swap3A_145, %swap3A_146] {strides = array<i32>} : memref<328x256xf32, #tpu.memory_space<vmem>>, vector<16xf32>,
        tpu.vector_store %arg22[%swap3A_145, %swap3A_146], %add3A_144 {strides = array<i32>} : memref<328x256xf32, #tpu.memory_space<vmem>>, vector<16xf32>,
        %get3A_148 = arith.index_cast %squeeze3A : i32 to index
        %get3A_149 = arith.constant 64 : index
        %get3A_150 = tpu.vector_load %arg22[%get3A_148, %get3A_149] {strides = array<i32>} : memref<328x256xf32, #tpu.memory_space<vmem>>, vector<16xf32>,
        %get3A_151 = arith.index_cast %while3A_104 : i32 to index
        %get3A_152 = arith.constant 64 : index
        %get3A_153 = tpu.vector_load %arg16[%get3A_151, %get3A_152] {strides = array<i32>} : memref<64x256xf32, #tpu.memory_space<vmem>>, vector<16xf32>,
        %add3A_154 = arith.addf %get3A_150, %get3A_153 : vector<16xf32>
        %swap3A_155 = arith.index_cast %squeeze3A : i32 to index
        %swap3A_156 = arith.constant 64 : index
        %swap3A_157 = tpu.vector_load %arg22[%swap3A_155, %swap3A_156] {strides = array<i32>} : memref<328x256xf32, #tpu.memory_space<vmem>>, vector<16xf32>,
        tpu.vector_store %arg22[%swap3A_155, %swap3A_156], %add3A_154 {strides = array<i32>} : memref<328x256xf32, #tpu.memory_space<vmem>>, vector<16xf32>,
        %get3A_158 = arith.index_cast %squeeze3A : i32 to index
        %get3A_159 = arith.constant 80 : index
        %get3A_160 = tpu.vector_load %arg22[%get3A_158, %get3A_159] {strides = array<i32>} : memref<328x256xf32, #tpu.memory_space<vmem>>, vector<16xf32>,
        %get3A_161 = arith.index_cast %while3A_104 : i32 to index
        %get3A_162 = arith.constant 80 : index
        %get3A_163 = tpu.vector_load %arg16[%get3A_161, %get3A_162] {strides = array<i32>} : memref<64x256xf32, #tpu.memory_space<vmem>>, vector<16xf32>,
        %add3A_164 = arith.addf %get3A_160, %get3A_163 : vector<16xf32>
        %swap3A_165 = arith.index_cast %squeeze3A : i32 to index
        %swap3A_166 = arith.constant 80 : index
        %swap3A_167 = tpu.vector_load %arg22[%swap3A_165, %swap3A_166] {strides = array<i32>} : memref<328x256xf32, #tpu.memory_space<vmem>>, vector<16xf32>,
        tpu.vector_store %arg22[%swap3A_165, %swap3A_166], %add3A_164 {strides = array<i32>} : memref<328x256xf32, #tpu.memory_space<vmem>>, vector<16xf32>,
        %get3A_168 = arith.index_cast %squeeze3A : i32 to index
        %get3A_169 = arith.constant 96 : index
        %get3A_170 = tpu.vector_load %arg22[%get3A_168, %get3A_169] {strides = array<i32>} : memref<328x256xf32, #tpu.memory_space<vmem>>, vector<16xf32>,
        %get3A_171 = arith.index_cast %while3A_104 : i32 to index
        %get3A_172 = arith.constant 96 : index
        %get3A_173 = tpu.vector_load %arg16[%get3A_171, %get3A_172] {strides = array<i32>} : memref<64x256xf32, #tpu.memory_space<vmem>>, vector<16xf32>,
        %add3A_174 = arith.addf %get3A_170, %get3A_173 : vector<16xf32>
        %swap3A_175 = arith.index_cast %squeeze3A : i32 to index
        %swap3A_176 = arith.constant 96 : index
        %swap3A_177 = tpu.vector_load %arg22[%swap3A_175, %swap3A_176] {strides = array<i32>} : memref<328x256xf32, #tpu.memory_space<vmem>>, vector<16xf32>,
        tpu.vector_store %arg22[%swap3A_175, %swap3A_176], %add3A_174 {strides = array<i32>} : memref<328x256xf32, #tpu.memory_space<vmem>>, vector<16xf32>,
        %get3A_178 = arith.index_cast %squeeze3A : i32 to index
        %get3A_179 = arith.constant 112 : index
        %get3A_180 = tpu.vector_load %arg22[%get3A_178, %get3A_179] {strides = array<i32>} : memref<328x256xf32, #tpu.memory_space<vmem>>, vector<16xf32>,
        %get3A_181 = arith.index_cast %while3A_104 : i32 to index
        %get3A_182 = arith.constant 112 : index
        %get3A_183 = tpu.vector_load %arg16[%get3A_181, %get3A_182] {strides = array<i32>} : memref<64x256xf32, #tpu.memory_space<vmem>>, vector<16xf32>,
        %add3A_184 = arith.addf %get3A_180, %get3A_183 : vector<16xf32>
        %swap3A_185 = arith.index_cast %squeeze3A : i32 to index
        %swap3A_186 = arith.constant 112 : index
        %swap3A_187 = tpu.vector_load %arg22[%swap3A_185, %swap3A_186] {strides = array<i32>} : memref<328x256xf32, #tpu.memory_space<vmem>>, vector<16xf32>,
        tpu.vector_store %arg22[%swap3A_185, %swap3A_186], %add3A_184 {strides = array<i32>} : memref<328x256xf32, #tpu.memory_space<vmem>>, vector<16xf32>,
        %get3A_188 = arith.index_cast %squeeze3A : i32 to index
        %get3A_189 = arith.constant 128 : index
        %get3A_190 = tpu.vector_load %arg22[%get3A_188, %get3A_189] {strides = array<i32>} : memref<328x256xf32, #tpu.memory_space<vmem>>, vector<16xf32>,
        %get3A_191 = arith.index_cast %while3A_104 : i32 to index
        %get3A_192 = arith.constant 128 : index
        %get3A_193 = tpu.vector_load %arg16[%get3A_191, %get3A_192] {strides = array<i32>} : memref<64x256xf32, #tpu.memory_space<vmem>>, vector<16xf32>,
        %add3A_194 = arith.addf %get3A_190, %get3A_193 : vector<16xf32>
        %swap3A_195 = arith.index_cast %squeeze3A : i32 to index
        %swap3A_196 = arith.constant 128 : index
        %swap3A_197 = tpu.vector_load %arg22[%swap3A_195, %swap3A_196] {strides = array<i32>} : memref<328x256xf32, #tpu.memory_space<vmem>>, vector<16xf32>,
        tpu.vector_store %arg22[%swap3A_195, %swap3A_196], %add3A_194 {strides = array<i32>} : memref<328x256xf32, #tpu.memory_space<vmem>>, vector<16xf32>,
        %get3A_198 = arith.index_cast %squeeze3A : i32 to index
        %get3A_199 = arith.constant 144 : index
        %get3A_200 = tpu.vector_load %arg22[%get3A_198, %get3A_199] {strides = array<i32>} : memref<328x256xf32, #tpu.memory_space<vmem>>, vector<16xf32>,
        %get3A_201 = arith.index_cast %while3A_104 : i32 to index
        %get3A_202 = arith.constant 144 : index
        %get3A_203 = tpu.vector_load %arg16[%get3A_201, %get3A_202] {strides = array<i32>} : memref<64x256xf32, #tpu.memory_space<vmem>>, vector<16xf32>,
        %add3A_204 = arith.addf %get3A_200, %get3A_203 : vector<16xf32>
        %swap3A_205 = arith.index_cast %squeeze3A : i32 to index
        %swap3A_206 = arith.constant 144 : index
        %swap3A_207 = tpu.vector_load %arg22[%swap3A_205, %swap3A_206] {strides = array<i32>} : memref<328x256xf32, #tpu.memory_space<vmem>>, vector<16xf32>,
        tpu.vector_store %arg22[%swap3A_205, %swap3A_206], %add3A_204 {strides = array<i32>} : memref<328x256xf32, #tpu.memory_space<vmem>>, vector<16xf32>,
        %get3A_208 = arith.index_cast %squeeze3A : i32 to index
        %get3A_209 = arith.constant 160 : index
        %get3A_210 = tpu.vector_load %arg22[%get3A_208, %get3A_209] {strides = array<i32>} : memref<328x256xf32, #tpu.memory_space<vmem>>, vector<16xf32>,
        %get3A_211 = arith.index_cast %while3A_104 : i32 to index
        %get3A_212 = arith.constant 160 : index
        %get3A_213 = tpu.vector_load %arg16[%get3A_211, %get3A_212] {strides = array<i32>} : memref<64x256xf32, #tpu.memory_space<vmem>>, vector<16xf32>,
        %add3A_214 = arith.addf %get3A_210, %get3A_213 : vector<16xf32>
        %swap3A_215 = arith.index_cast %squeeze3A : i32 to index
        %swap3A_216 = arith.constant 160 : index
        %swap3A_217 = tpu.vector_load %arg22[%swap3A_215, %swap3A_216] {strides = array<i32>} : memref<328x256xf32, #tpu.memory_space<vmem>>, vector<16xf32>,
        tpu.vector_store %arg22[%swap3A_215, %swap3A_216], %add3A_214 {strides = array<i32>} : memref<328x256xf32, #tpu.memory_space<vmem>>, vector<16xf32>,
        %get3A_218 = arith.index_cast %squeeze3A : i32 to index
        %get3A_219 = arith.constant 176 : index
        %get3A_220 = tpu.vector_load %arg22[%get3A_218, %get3A_219] {strides = array<i32>} : memref<328x256xf32, #tpu.memory_space<vmem>>, vector<16xf32>,
        %get3A_221 = arith.index_cast %while3A_104 : i32 to index
        %get3A_222 = arith.constant 176 : index
        %get3A_223 = tpu.vector_load %arg16[%get3A_221, %get3A_222] {strides = array<i32>} : memref<64x256xf32, #tpu.memory_space<vmem>>, vector<16xf32>,
        %add3A_224 = arith.addf %get3A_220, %get3A_223 : vector<16xf32>
        %swap3A_225 = arith.index_cast %squeeze3A : i32 to index
        %swap3A_226 = arith.constant 176 : index
        %swap3A_227 = tpu.vector_load %arg22[%swap3A_225, %swap3A_226] {strides = array<i32>} : memref<328x256xf32, #tpu.memory_space<vmem>>, vector<16xf32>,
        tpu.vector_store %arg22[%swap3A_225, %swap3A_226], %add3A_224 {strides = array<i32>} : memref<328x256xf32, #tpu.memory_space<vmem>>, vector<16xf32>,
        %get3A_228 = arith.index_cast %squeeze3A : i32 to index
        %get3A_229 = arith.constant 192 : index
        %get3A_230 = tpu.vector_load %arg22[%get3A_228, %get3A_229] {strides = array<i32>} : memref<328x256xf32, #tpu.memory_space<vmem>>, vector<16xf32>,
        %get3A_231 = arith.index_cast %while3A_104 : i32 to index
        %get3A_232 = arith.constant 192 : index
        %get3A_233 = tpu.vector_load %arg16[%get3A_231, %get3A_232] {strides = array<i32>} : memref<64x256xf32, #tpu.memory_space<vmem>>, vector<16xf32>,
        %add3A_234 = arith.addf %get3A_230, %get3A_233 : vector<16xf32>
        %swap3A_235 = arith.index_cast %squeeze3A : i32 to index
        %swap3A_236 = arith.constant 192 : index
        %swap3A_237 = tpu.vector_load %arg22[%swap3A_235, %swap3A_236] {strides = array<i32>} : memref<328x256xf32, #tpu.memory_space<vmem>>, vector<16xf32>,
        tpu.vector_store %arg22[%swap3A_235, %swap3A_236], %add3A_234 {strides = array<i32>} : memref<328x256xf32, #tpu.memory_space<vmem>>, vector<16xf32>,
        %get3A_238 = arith.index_cast %squeeze3A : i32 to index
        %get3A_239 = arith.constant 208 : index
        %get3A_240 = tpu.vector_load %arg22[%get3A_238, %get3A_239] {strides = array<i32>} : memref<328x256xf32, #tpu.memory_space<vmem>>, vector<16xf32>,
        %get3A_241 = arith.index_cast %while3A_104 : i32 to index
        %get3A_242 = arith.constant 208 : index
        %get3A_243 = tpu.vector_load %arg16[%get3A_241, %get3A_242] {strides = array<i32>} : memref<64x256xf32, #tpu.memory_space<vmem>>, vector<16xf32>,
        %add3A_244 = arith.addf %get3A_240, %get3A_243 : vector<16xf32>
        %swap3A_245 = arith.index_cast %squeeze3A : i32 to index
        %swap3A_246 = arith.constant 208 : index
        %swap3A_247 = tpu.vector_load %arg22[%swap3A_245, %swap3A_246] {strides = array<i32>} : memref<328x256xf32, #tpu.memory_space<vmem>>, vector<16xf32>,
        tpu.vector_store %arg22[%swap3A_245, %swap3A_246], %add3A_244 {strides = array<i32>} : memref<328x256xf32, #tpu.memory_space<vmem>>, vector<16xf32>,
        %get3A_248 = arith.index_cast %squeeze3A : i32 to index
        %get3A_249 = arith.constant 224 : index
        %get3A_250 = tpu.vector_load %arg22[%get3A_248, %get3A_249] {strides = array<i32>} : memref<328x256xf32, #tpu.memory_space<vmem>>, vector<16xf32>,
        %get3A_251 = arith.index_cast %while3A_104 : i32 to index
        %get3A_252 = arith.constant 224 : index
        %get3A_253 = tpu.vector_load %arg16[%get3A_251, %get3A_252] {strides = array<i32>} : memref<64x256xf32, #tpu.memory_space<vmem>>, vector<16xf32>,
        %add3A_254 = arith.addf %get3A_250, %get3A_253 : vector<16xf32>
        %swap3A_255 = arith.index_cast %squeeze3A : i32 to index
        %swap3A_256 = arith.constant 224 : index
        %swap3A_257 = tpu.vector_load %arg22[%swap3A_255, %swap3A_256] {strides = array<i32>} : memref<328x256xf32, #tpu.memory_space<vmem>>, vector<16xf32>,
        tpu.vector_store %arg22[%swap3A_255, %swap3A_256], %add3A_254 {strides = array<i32>} : memref<328x256xf32, #tpu.memory_space<vmem>>, vector<16xf32>,
        %get3A_258 = arith.index_cast %squeeze3A : i32 to index
        %get3A_259 = arith.constant 240 : index
        %get3A_260 = tpu.vector_load %arg22[%get3A_258, %get3A_259] {strides = array<i32>} : memref<328x256xf32, #tpu.memory_space<vmem>>, vector<16xf32>,
        %get3A_261 = arith.index_cast %while3A_104 : i32 to index
        %get3A_262 = arith.constant 240 : index
        %get3A_263 = tpu.vector_load %arg16[%get3A_261, %get3A_262] {strides = array<i32>} : memref<64x256xf32, #tpu.memory_space<vmem>>, vector<16xf32>,
        %add3A_264 = arith.addf %get3A_260, %get3A_263 : vector<16xf32>
        %swap3A_265 = arith.index_cast %squeeze3A : i32 to index
        %swap3A_266 = arith.constant 240 : index
        %swap3A_267 = tpu.vector_load %arg22[%swap3A_265, %swap3A_266] {strides = array<i32>} : memref<328x256xf32, #tpu.memory_space<vmem>>, vector<16xf32>,
        tpu.vector_store %arg22[%swap3A_265, %swap3A_266], %add3A_264 {strides = array<i32>} : memref<328x256xf32, #tpu.memory_space<vmem>>, vector<16xf32>,
      }
      %while3A_103 = arith.constant 1 : i32
      scf.for %while3A_104 = %while3A_101 to %while3A_97 step %while3A_103  : i32 {
        %add3A_105 = arith.constant 0 : i32
        %add3A_106 = arith.addi %add3A_105, %while3A_104 : i32
        %get3A = arith.index_cast %add3A_106 : i32 to index
        %get3A_107 = tpu.vector_load %arg15[%get3A] {strides = array<i32>} : memref<1424xi32, #tpu.memory_space<vmem>>, vector<16xi32>,
        %slice3A = vector.extract_strided_slice %get3A_107 {offsets = [0], sizes = [1], strides = [1]} : vector<16xi32> to vector<1xi32>
        %squeeze3A = vector.extract %slice3A[0] : i32 from vector<1xi32>
        %get3A_108 = arith.index_cast %squeeze3A : i32 to index
        %get3A_109 = arith.constant 0 : index
        %get3A_110 = tpu.vector_load %arg22[%get3A_108, %get3A_109] {strides = array<i32>} : memref<328x256xf32, #tpu.memory_space<vmem>>, vector<16xf32>,
        %get3A_111 = arith.index_cast %while3A_104 : i32 to index
        %get3A_112 = arith.constant 0 : index
        %get3A_113 = tpu.vector_load %arg16[%get3A_111, %get3A_112] {strides = array<i32>} : memref<64x256xf32, #tpu.memory_space<vmem>>, vector<16xf32>,
        %add3A_114 = arith.addf %get3A_110, %get3A_113 : vector<16xf32>
        %swap3A_115 = arith.index_cast %squeeze3A : i32 to index
        %swap3A_116 = arith.constant 0 : index
        %swap3A_117 = tpu.vector_load %arg22[%swap3A_115, %swap3A_116] {strides = array<i32>} : memref<328x256xf32, #tpu.memory_space<vmem>>, vector<16xf32>,
        tpu.vector_store %arg22[%swap3A_115, %swap3A_116], %add3A_114 {strides = array<i32>} : memref<328x256xf32, #tpu.memory_space<vmem>>, vector<16xf32>,
        %get3A_118 = arith.index_cast %squeeze3A : i32 to index
        %get3A_119 = arith.constant 16 : index
        %get3A_120 = tpu.vector_load %arg22[%get3A_118, %get3A_119] {strides = array<i32>} : memref<328x256xf32, #tpu.memory_space<vmem>>, vector<16xf32>,
        %get3A_121 = arith.index_cast %while3A_104 : i32 to index
        %get3A_122 = arith.constant 16 : index
        %get3A_123 = tpu.vector_load %arg16[%get3A_121, %get3A_122] {strides = array<i32>} : memref<64x256xf32, #tpu.memory_space<vmem>>, vector<16xf32>,
        %add3A_124 = arith.addf %get3A_120, %get3A_123 : vector<16xf32>
        %swap3A_125 = arith.index_cast %squeeze3A : i32 to index
        %swap3A_126 = arith.constant 16 : index
        %swap3A_127 = tpu.vector_load %arg22[%swap3A_125, %swap3A_126] {strides = array<i32>} : memref<328x256xf32, #tpu.memory_space<vmem>>, vector<16xf32>,
        tpu.vector_store %arg22[%swap3A_125, %swap3A_126], %add3A_124 {strides = array<i32>} : memref<328x256xf32, #tpu.memory_space<vmem>>, vector<16xf32>,
        %get3A_128 = arith.index_cast %squeeze3A : i32 to index
        %get3A_129 = arith.constant 32 : index
        %get3A_130 = tpu.vector_load %arg22[%get3A_128, %get3A_129] {strides = array<i32>} : memref<328x256xf32, #tpu.memory_space<vmem>>, vector<16xf32>,
        %get3A_131 = arith.index_cast %while3A_104 : i32 to index
        %get3A_132 = arith.constant 32 : index
        %get3A_133 = tpu.vector_load %arg16[%get3A_131, %get3A_132] {strides = array<i32>} : memref<64x256xf32, #tpu.memory_space<vmem>>, vector<16xf32>,
        %add3A_134 = arith.addf %get3A_130, %get3A_133 : vector<16xf32>
        %swap3A_135 = arith.index_cast %squeeze3A : i32 to index
        %swap3A_136 = arith.constant 32 : index
        %swap3A_137 = tpu.vector_load %arg22[%swap3A_135, %swap3A_136] {strides = array<i32>} : memref<328x256xf32, #tpu.memory_space<vmem>>, vector<16xf32>,
        tpu.vector_store %arg22[%swap3A_135, %swap3A_136], %add3A_134 {strides = array<i32>} : memref<328x256xf32, #tpu.memory_space<vmem>>, vector<16xf32>,
        %get3A_138 = arith.index_cast %squeeze3A : i32 to index
        %get3A_139 = arith.constant 48 : index
        %get3A_140 = tpu.vector_load %arg22[%get3A_138, %get3A_139] {strides = array<i32>} : memref<328x256xf32, #tpu.memory_space<vmem>>, vector<16xf32>,
        %get3A_141 = arith.index_cast %while3A_104 : i32 to index
        %get3A_142 = arith.constant 48 : index
        %get3A_143 = tpu.vector_load %arg16[%get3A_141, %get3A_142] {strides = array<i32>} : memref<64x256xf32, #tpu.memory_space<vmem>>, vector<16xf32>,
        %add3A_144 = arith.addf %get3A_140, %get3A_143 : vector<16xf32>
        %swap3A_145 = arith.index_cast %squeeze3A : i32 to index
        %swap3A_146 = arith.constant 48 : index
        %swap3A_147 = tpu.vector_load %arg22[%swap3A_145, %swap3A_146] {strides = array<i32>} : memref<328x256xf32, #tpu.memory_space<vmem>>, vector<16xf32>,
        tpu.vector_store %arg22[%swap3A_145, %swap3A_146], %add3A_144 {strides = array<i32>} : memref<328x256xf32, #tpu.memory_space<vmem>>, vector<16xf32>,
        %get3A_148 = arith.index_cast %squeeze3A : i32 to index
        %get3A_149 = arith.constant 64 : index
        %get3A_150 = tpu.vector_load %arg22[%get3A_148, %get3A_149] {strides = array<i32>} : memref<328x256xf32, #tpu.memory_space<vmem>>, vector<16xf32>,
        %get3A_151 = arith.index_cast %while3A_104 : i32 to index
        %get3A_152 = arith.constant 64 : index
        %get3A_153 = tpu.vector_load %arg16[%get3A_151, %get3A_152] {strides = array<i32>} : memref<64x256xf32, #tpu.memory_space<vmem>>, vector<16xf32>,
        %add3A_154 = arith.addf %get3A_150, %get3A_153 : vector<16xf32>
        %swap3A_155 = arith.index_cast %squeeze3A : i32 to index
        %swap3A_156 = arith.constant 64 : index
        %swap3A_157 = tpu.vector_load %arg22[%swap3A_155, %swap3A_156] {strides = array<i32>} : memref<328x256xf32, #tpu.memory_space<vmem>>, vector<16xf32>,
        tpu.vector_store %arg22[%swap3A_155, %swap3A_156], %add3A_154 {strides = array<i32>} : memref<328x256xf32, #tpu.memory_space<vmem>>, vector<16xf32>,
        %get3A_158 = arith.index_cast %squeeze3A : i32 to index
        %get3A_159 = arith.constant 80 : index
        %get3A_160 = tpu.vector_load %arg22[%get3A_158, %get3A_159] {strides = array<i32>} : memref<328x256xf32, #tpu.memory_space<vmem>>, vector<16xf32>,
        %get3A_161 = arith.index_cast %while3A_104 : i32 to index
        %get3A_162 = arith.constant 80 : index
        %get3A_163 = tpu.vector_load %arg16[%get3A_161, %get3A_162] {strides = array<i32>} : memref<64x256xf32, #tpu.memory_space<vmem>>, vector<16xf32>,
        %add3A_164 = arith.addf %get3A_160, %get3A_163 : vector<16xf32>
        %swap3A_165 = arith.index_cast %squeeze3A : i32 to index
        %swap3A_166 = arith.constant 80 : index
        %swap3A_167 = tpu.vector_load %arg22[%swap3A_165, %swap3A_166] {strides = array<i32>} : memref<328x256xf32, #tpu.memory_space<vmem>>, vector<16xf32>,
        tpu.vector_store %arg22[%swap3A_165, %swap3A_166], %add3A_164 {strides = array<i32>} : memref<328x256xf32, #tpu.memory_space<vmem>>, vector<16xf32>,
        %get3A_168 = arith.index_cast %squeeze3A : i32 to index
        %get3A_169 = arith.constant 96 : index
        %get3A_170 = tpu.vector_load %arg22[%get3A_168, %get3A_169] {strides = array<i32>} : memref<328x256xf32, #tpu.memory_space<vmem>>, vector<16xf32>,
        %get3A_171 = arith.index_cast %while3A_104 : i32 to index
        %get3A_172 = arith.constant 96 : index
        %get3A_173 = tpu.vector_load %arg16[%get3A_171, %get3A_172] {strides = array<i32>} : memref<64x256xf32, #tpu.memory_space<vmem>>, vector<16xf32>,
        %add3A_174 = arith.addf %get3A_170, %get3A_173 : vector<16xf32>
        %swap3A_175 = arith.index_cast %squeeze3A : i32 to index
        %swap3A_176 = arith.constant 96 : index
        %swap3A_177 = tpu.vector_load %arg22[%swap3A_175, %swap3A_176] {strides = array<i32>} : memref<328x256xf32, #tpu.memory_space<vmem>>, vector<16xf32>,
        tpu.vector_store %arg22[%swap3A_175, %swap3A_176], %add3A_174 {strides = array<i32>} : memref<328x256xf32, #tpu.memory_space<vmem>>, vector<16xf32>,
        %get3A_178 = arith.index_cast %squeeze3A : i32 to index
        %get3A_179 = arith.constant 112 : index
        %get3A_180 = tpu.vector_load %arg22[%get3A_178, %get3A_179] {strides = array<i32>} : memref<328x256xf32, #tpu.memory_space<vmem>>, vector<16xf32>,
        %get3A_181 = arith.index_cast %while3A_104 : i32 to index
        %get3A_182 = arith.constant 112 : index
        %get3A_183 = tpu.vector_load %arg16[%get3A_181, %get3A_182] {strides = array<i32>} : memref<64x256xf32, #tpu.memory_space<vmem>>, vector<16xf32>,
        %add3A_184 = arith.addf %get3A_180, %get3A_183 : vector<16xf32>
        %swap3A_185 = arith.index_cast %squeeze3A : i32 to index
        %swap3A_186 = arith.constant 112 : index
        %swap3A_187 = tpu.vector_load %arg22[%swap3A_185, %swap3A_186] {strides = array<i32>} : memref<328x256xf32, #tpu.memory_space<vmem>>, vector<16xf32>,
        tpu.vector_store %arg22[%swap3A_185, %swap3A_186], %add3A_184 {strides = array<i32>} : memref<328x256xf32, #tpu.memory_space<vmem>>, vector<16xf32>,
        %get3A_188 = arith.index_cast %squeeze3A : i32 to index
        %get3A_189 = arith.constant 128 : index
        %get3A_190 = tpu.vector_load %arg22[%get3A_188, %get3A_189] {strides = array<i32>} : memref<328x256xf32, #tpu.memory_space<vmem>>, vector<16xf32>,
        %get3A_191 = arith.index_cast %while3A_104 : i32 to index
        %get3A_192 = arith.constant 128 : index
        %get3A_193 = tpu.vector_load %arg16[%get3A_191, %get3A_192] {strides = array<i32>} : memref<64x256xf32, #tpu.memory_space<vmem>>, vector<16xf32>,
        %add3A_194 = arith.addf %get3A_190, %get3A_193 : vector<16xf32>
        %swap3A_195 = arith.index_cast %squeeze3A : i32 to index
        %swap3A_196 = arith.constant 128 : index
        %swap3A_197 = tpu.vector_load %arg22[%swap3A_195, %swap3A_196] {strides = array<i32>} : memref<328x256xf32, #tpu.memory_space<vmem>>, vector<16xf32>,
        tpu.vector_store %arg22[%swap3A_195, %swap3A_196], %add3A_194 {strides = array<i32>} : memref<328x256xf32, #tpu.memory_space<vmem>>, vector<16xf32>,
        %get3A_198 = arith.index_cast %squeeze3A : i32 to index
        %get3A_199 = arith.constant 144 : index
        %get3A_200 = tpu.vector_load %arg22[%get3A_198, %get3A_199] {strides = array<i32>} : memref<328x256xf32, #tpu.memory_space<vmem>>, vector<16xf32>,
        %get3A_201 = arith.index_cast %while3A_104 : i32 to index
        %get3A_202 = arith.constant 144 : index
        %get3A_203 = tpu.vector_load %arg16[%get3A_201, %get3A_202] {strides = array<i32>} : memref<64x256xf32, #tpu.memory_space<vmem>>, vector<16xf32>,
        %add3A_204 = arith.addf %get3A_200, %get3A_203 : vector<16xf32>
        %swap3A_205 = arith.index_cast %squeeze3A : i32 to index
        %swap3A_206 = arith.constant 144 : index
        %swap3A_207 = tpu.vector_load %arg22[%swap3A_205, %swap3A_206] {strides = array<i32>} : memref<328x256xf32, #tpu.memory_space<vmem>>, vector<16xf32>,
        tpu.vector_store %arg22[%swap3A_205, %swap3A_206], %add3A_204 {strides = array<i32>} : memref<328x256xf32, #tpu.memory_space<vmem>>, vector<16xf32>,
        %get3A_208 = arith.index_cast %squeeze3A : i32 to index
        %get3A_209 = arith.constant 160 : index
        %get3A_210 = tpu.vector_load %arg22[%get3A_208, %get3A_209] {strides = array<i32>} : memref<328x256xf32, #tpu.memory_space<vmem>>, vector<16xf32>,
        %get3A_211 = arith.index_cast %while3A_104 : i32 to index
        %get3A_212 = arith.constant 160 : index
        %get3A_213 = tpu.vector_load %arg16[%get3A_211, %get3A_212] {strides = array<i32>} : memref<64x256xf32, #tpu.memory_space<vmem>>, vector<16xf32>,
        %add3A_214 = arith.addf %get3A_210, %get3A_213 : vector<16xf32>
        %swap3A_215 = arith.index_cast %squeeze3A : i32 to index
        %swap3A_216 = arith.constant 160 : index
        %swap3A_217 = tpu.vector_load %arg22[%swap3A_215, %swap3A_216] {strides = array<i32>} : memref<328x256xf32, #tpu.memory_space<vmem>>, vector<16xf32>,
        tpu.vector_store %arg22[%swap3A_215, %swap3A_216], %add3A_214 {strides = array<i32>} : memref<328x256xf32, #tpu.memory_space<vmem>>, vector<16xf32>,
        %get3A_218 = arith.index_cast %squeeze3A : i32 to index
        %get3A_219 = arith.constant 176 : index
        %get3A_220 = tpu.vector_load %arg22[%get3A_218, %get3A_219] {strides = array<i32>} : memref<328x256xf32, #tpu.memory_space<vmem>>, vector<16xf32>,
        %get3A_221 = arith.index_cast %while3A_104 : i32 to index
        %get3A_222 = arith.constant 176 : index
        %get3A_223 = tpu.vector_load %arg16[%get3A_221, %get3A_222] {strides = array<i32>} : memref<64x256xf32, #tpu.memory_space<vmem>>, vector<16xf32>,
        %add3A_224 = arith.addf %get3A_220, %get3A_223 : vector<16xf32>
        %swap3A_225 = arith.index_cast %squeeze3A : i32 to index
        %swap3A_226 = arith.constant 176 : index
        %swap3A_227 = tpu.vector_load %arg22[%swap3A_225, %swap3A_226] {strides = array<i32>} : memref<328x256xf32, #tpu.memory_space<vmem>>, vector<16xf32>,
        tpu.vector_store %arg22[%swap3A_225, %swap3A_226], %add3A_224 {strides = array<i32>} : memref<328x256xf32, #tpu.memory_space<vmem>>, vector<16xf32>,
        %get3A_228 = arith.index_cast %squeeze3A : i32 to index
        %get3A_229 = arith.constant 192 : index
        %get3A_230 = tpu.vector_load %arg22[%get3A_228, %get3A_229] {strides = array<i32>} : memref<328x256xf32, #tpu.memory_space<vmem>>, vector<16xf32>,
        %get3A_231 = arith.index_cast %while3A_104 : i32 to index
        %get3A_232 = arith.constant 192 : index
        %get3A_233 = tpu.vector_load %arg16[%get3A_231, %get3A_232] {strides = array<i32>} : memref<64x256xf32, #tpu.memory_space<vmem>>, vector<16xf32>,
        %add3A_234 = arith.addf %get3A_230, %get3A_233 : vector<16xf32>
        %swap3A_235 = arith.index_cast %squeeze3A : i32 to index
        %swap3A_236 = arith.constant 192 : index
        %swap3A_237 = tpu.vector_load %arg22[%swap3A_235, %swap3A_236] {strides = array<i32>} : memref<328x256xf32, #tpu.memory_space<vmem>>, vector<16xf32>,
        tpu.vector_store %arg22[%swap3A_235, %swap3A_236], %add3A_234 {strides = array<i32>} : memref<328x256xf32, #tpu.memory_space<vmem>>, vector<16xf32>,
        %get3A_238 = arith.index_cast %squeeze3A : i32 to index
        %get3A_239 = arith.constant 208 : index
        %get3A_240 = tpu.vector_load %arg22[%get3A_238, %get3A_239] {strides = array<i32>} : memref<328x256xf32, #tpu.memory_space<vmem>>, vector<16xf32>,
        %get3A_241 = arith.index_cast %while3A_104 : i32 to index
        %get3A_242 = arith.constant 208 : index
        %get3A_243 = tpu.vector_load %arg16[%get3A_241, %get3A_242] {strides = array<i32>} : memref<64x256xf32, #tpu.memory_space<vmem>>, vector<16xf32>,
        %add3A_244 = arith.addf %get3A_240, %get3A_243 : vector<16xf32>
        %swap3A_245 = arith.index_cast %squeeze3A : i32 to index
        %swap3A_246 = arith.constant 208 : index
        %swap3A_247 = tpu.vector_load %arg22[%swap3A_245, %swap3A_246] {strides = array<i32>} : memref<328x256xf32, #tpu.memory_space<vmem>>, vector<16xf32>,
        tpu.vector_store %arg22[%swap3A_245, %swap3A_246], %add3A_244 {strides = array<i32>} : memref<328x256xf32, #tpu.memory_space<vmem>>, vector<16xf32>,
        %get3A_248 = arith.index_cast %squeeze3A : i32 to index
        %get3A_249 = arith.constant 224 : index
        %get3A_250 = tpu.vector_load %arg22[%get3A_248, %get3A_249] {strides = array<i32>} : memref<328x256xf32, #tpu.memory_space<vmem>>, vector<16xf32>,
        %get3A_251 = arith.index_cast %while3A_104 : i32 to index
        %get3A_252 = arith.constant 224 : index
        %get3A_253 = tpu.vector_load %arg16[%get3A_251, %get3A_252] {strides = array<i32>} : memref<64x256xf32, #tpu.memory_space<vmem>>, vector<16xf32>,
        %add3A_254 = arith.addf %get3A_250, %get3A_253 : vector<16xf32>
        %swap3A_255 = arith.index_cast %squeeze3A : i32 to index
        %swap3A_256 = arith.constant 224 : index
        %swap3A_257 = tpu.vector_load %arg22[%swap3A_255, %swap3A_256] {strides = array<i32>} : memref<328x256xf32, #tpu.memory_space<vmem>>, vector<16xf32>,
        tpu.vector_store %arg22[%swap3A_255, %swap3A_256], %add3A_254 {strides = array<i32>} : memref<328x256xf32, #tpu.memory_space<vmem>>, vector<16xf32>,
        %get3A_258 = arith.index_cast %squeeze3A : i32 to index
        %get3A_259 = arith.constant 240 : index
        %get3A_260 = tpu.vector_load %arg22[%get3A_258, %get3A_259] {strides = array<i32>} : memref<328x256xf32, #tpu.memory_space<vmem>>, vector<16xf32>,
        %get3A_261 = arith.index_cast %while3A_104 : i32 to index
        %get3A_262 = arith.constant 240 : index
        %get3A_263 = tpu.vector_load %arg16[%get3A_261, %get3A_262] {strides = array<i32>} : memref<64x256xf32, #tpu.memory_space<vmem>>, vector<16xf32>,
        %add3A_264 = arith.addf %get3A_260, %get3A_263 : vector<16xf32>
        %swap3A_265 = arith.index_cast %squeeze3A : i32 to index
        %swap3A_266 = arith.constant 240 : index
        %swap3A_267 = tpu.vector_load %arg22[%swap3A_265, %swap3A_266] {strides = array<i32>} : memref<328x256xf32, #tpu.memory_space<vmem>>, vector<16xf32>,
        tpu.vector_store %arg22[%swap3A_265, %swap3A_266], %add3A_264 {strides = array<i32>} : memref<328x256xf32, #tpu.memory_space<vmem>>, vector<16xf32>,
      }
    } else {
    }
    %lt3A_38 = arith.constant 31 : i32
    %lt3A_39 = arith.cmpi slt, %add3A, %lt3A_38 : i32
    %convert_element_type3A_40 = arith.extui %lt3A_39 : i1 to i32
    %cond3A_41 = arith.constant 0 : i32
    %cond3A_42 = arith.cmpi ne, %convert_element_type3A_40, %cond3A_41 : i32
    scf.if %cond3A_42 {
      "tpu.region"() ({
        %run_scoped3A = tpu.sem_alloc : memref<!tpu.dma_semaphore, #tpu.memory_space<semaphore_mem>>
        %dma_start3A_48 = arith.constant 0 : i32
        %dma_start3A_49 = arith.constant 0 : i32
        %dma_start3A_50 = tpu.memref_slice %arg22[%dma_start3A_48, %dma_start3A_49] : memref<328x256xf32, #tpu.memory_space<vmem>> -> memref<320x256xf32, #tpu.memory_space<vmem>>
        %dma_start3A_51 = arith.constant 0 : i32
        %dma_start3A_52 = tpu.memref_slice %arg7[%mul3A_2, %dma_start3A_51] : memref<10000x256xf32, #tpu.memory_space<hbm>> -> memref<320x256xf32, #tpu.memory_space<hbm>>
        %dma_start3A_53 = arith.constant 0 : i32
        %dma_start3A_54 = tpu.memref_slice %arg7[%mul3A_2, %dma_start3A_53] : memref<10000x256xf32, #tpu.memory_space<hbm>> -> memref<320x256xf32, #tpu.memory_space<hbm>>
        %dma_start3A_55 = arith.constant 0 : i32
        %dma_start3A_56 = arith.constant 0 : i32
        %dma_start3A_57 = tpu.memref_slice %arg22[%dma_start3A_55, %dma_start3A_56] : memref<328x256xf32, #tpu.memory_space<vmem>> -> memref<320x256xf32, #tpu.memory_space<vmem>>
        tpu.enqueue_dma source(%dma_start3A_57 : memref<320x256xf32, #tpu.memory_space<vmem>>) target(%dma_start3A_54 : memref<320x256xf32, #tpu.memory_space<hbm>>) target_semaphore(%run_scoped3A : memref<!tpu.dma_semaphore, #tpu.memory_space<semaphore_mem>>)
        %dma_wait3A = arith.constant 0 : i32
        %dma_wait3A_58 = arith.constant 0 : i32
        %dma_wait3A_59 = tpu.memref_slice %arg22[%dma_wait3A, %dma_wait3A_58] : memref<328x256xf32, #tpu.memory_space<vmem>> -> memref<320x256xf32, #tpu.memory_space<vmem>>
        %dma_wait3A_60 = arith.constant 0 : i32
        %dma_wait3A_61 = tpu.memref_slice %arg7[%mul3A_2, %dma_wait3A_60] : memref<10000x256xf32, #tpu.memory_space<hbm>> -> memref<320x256xf32, #tpu.memory_space<hbm>>
        %dma_wait3A_62 = arith.constant 0 : i32
        %dma_wait3A_63 = tpu.memref_slice %arg7[%mul3A_2, %dma_wait3A_62] : memref<10000x256xf32, #tpu.memory_space<hbm>> -> memref<320x256xf32, #tpu.memory_space<hbm>>
        %dma_wait3A_64 = arith.constant 0 : i32
        %dma_wait3A_65 = arith.constant 0 : i32
        %dma_wait3A_66 = tpu.memref_slice %arg22[%dma_wait3A_64, %dma_wait3A_65] : memref<328x256xf32, #tpu.memory_space<vmem>> -> memref<320x256xf32, #tpu.memory_space<vmem>>
        tpu.wait_dma2 semaphore(%run_scoped3A : memref<!tpu.dma_semaphore, #tpu.memory_space<semaphore_mem>>) src(%dma_wait3A_66 : memref<320x256xf32, #tpu.memory_space<vmem>>) dst(%dma_wait3A_63 : memref<320x256xf32, #tpu.memory_space<hbm>>)
        tpu.yield
      }) : () -> ()
    } else {
    }
    %eq3A_43 = arith.constant 31 : i32
    %eq3A_44 = arith.cmpi eq, %add3A, %eq3A_43 : i32
    %convert_element_type3A_45 = arith.extui %eq3A_44 : i1 to i32
    %cond3A_46 = arith.constant 0 : i32
    %cond3A_47 = arith.cmpi ne, %convert_element_type3A_45, %cond3A_46 : i32
    scf.if %cond3A_47 {
      "tpu.region"() ({
        %run_scoped3A = tpu.sem_alloc : memref<!tpu.dma_semaphore, #tpu.memory_space<semaphore_mem>>
        %dma_start3A_48 = arith.constant 0 : i32
        %dma_start3A_49 = arith.constant 0 : i32
        %dma_start3A_50 = tpu.memref_slice %arg22[%dma_start3A_48, %dma_start3A_49] : memref<328x256xf32, #tpu.memory_space<vmem>> -> memref<80x256xf32, #tpu.memory_space<vmem>>
        %dma_start3A_51 = arith.constant 9920 : i32
        %dma_start3A_52 = arith.constant 0 : i32
        %dma_start3A_53 = tpu.memref_slice %arg7[%dma_start3A_51, %dma_start3A_52] : memref<10000x256xf32, #tpu.memory_space<hbm>> -> memref<80x256xf32, #tpu.memory_space<hbm>>
        %dma_start3A_54 = arith.constant 9920 : i32
        %dma_start3A_55 = arith.constant 0 : i32
        %dma_start3A_56 = tpu.memref_slice %arg7[%dma_start3A_54, %dma_start3A_55] : memref<10000x256xf32, #tpu.memory_space<hbm>> -> memref<80x256xf32, #tpu.memory_space<hbm>>
        %dma_start3A_57 = arith.constant 0 : i32
        %dma_start3A_58 = arith.constant 0 : i32
        %dma_start3A_59 = tpu.memref_slice %arg22[%dma_start3A_57, %dma_start3A_58] : memref<328x256xf32, #tpu.memory_space<vmem>> -> memref<80x256xf32, #tpu.memory_space<vmem>>
        tpu.enqueue_dma source(%dma_start3A_59 : memref<80x256xf32, #tpu.memory_space<vmem>>) target(%dma_start3A_56 : memref<80x256xf32, #tpu.memory_space<hbm>>) target_semaphore(%run_scoped3A : memref<!tpu.dma_semaphore, #tpu.memory_space<semaphore_mem>>)
        %dma_wait3A = arith.constant 0 : i32
        %dma_wait3A_60 = arith.constant 0 : i32
        %dma_wait3A_61 = tpu.memref_slice %arg22[%dma_wait3A, %dma_wait3A_60] : memref<328x256xf32, #tpu.memory_space<vmem>> -> memref<80x256xf32, #tpu.memory_space<vmem>>
        %dma_wait3A_62 = arith.constant 9920 : i32
        %dma_wait3A_63 = arith.constant 0 : i32
        %dma_wait3A_64 = tpu.memref_slice %arg7[%dma_wait3A_62, %dma_wait3A_63] : memref<10000x256xf32, #tpu.memory_space<hbm>> -> memref<80x256xf32, #tpu.memory_space<hbm>>
        %dma_wait3A_65 = arith.constant 9920 : i32
        %dma_wait3A_66 = arith.constant 0 : i32
        %dma_wait3A_67 = tpu.memref_slice %arg7[%dma_wait3A_65, %dma_wait3A_66] : memref<10000x256xf32, #tpu.memory_space<hbm>> -> memref<80x256xf32, #tpu.memory_space<hbm>>
        %dma_wait3A_68 = arith.constant 0 : i32
        %dma_wait3A_69 = arith.constant 0 : i32
        %dma_wait3A_70 = tpu.memref_slice %arg22[%dma_wait3A_68, %dma_wait3A_69] : memref<328x256xf32, #tpu.memory_space<vmem>> -> memref<80x256xf32, #tpu.memory_space<vmem>>
        tpu.wait_dma2 semaphore(%run_scoped3A : memref<!tpu.dma_semaphore, #tpu.memory_space<semaphore_mem>>) src(%dma_wait3A_70 : memref<80x256xf32, #tpu.memory_space<vmem>>) dst(%dma_wait3A_67 : memref<80x256xf32, #tpu.memory_space<hbm>>)
        tpu.yield
      }) : () -> ()
    } else {
    }
    return
  }
}

module attributes {stable_mosaic.version = 14 : i64} {
  func.func @_mm_kernel(%arg0: i32, %arg1: memref<1000x256xf32, #tpu.memory_space<vmem>>, %arg2: memref<256x256xf32, #tpu.memory_space<vmem>>, %arg3: memref<2x256x256xf32, #tpu.memory_space<vmem>>, %arg4: memref<8x2xf32, #tpu.memory_space<smem>>, %arg5: memref<1000x256xf32, #tpu.memory_space<vmem>>, %arg6: memref<1000x8x256xf32, #tpu.memory_space<vmem>>) attributes {dimension_semantics = [#tpu.dimension_semantics<arbitrary>], iteration_bounds = array<i64: 10>, scalar_prefetch = 0 : i64, scratch_operands = 0 : i64, tpu.core_type = #tpu.core_type<tc>, window_params = [{transform_indices = @transform_0, window_bounds = array<i64: 1000, 256>}, {pipeline_mode = #tpu.pipeline_mode<synchronous>, transform_indices = @transform_1, window_bounds = array<i64: 256, 256>}, {pipeline_mode = #tpu.pipeline_mode<synchronous>, transform_indices = @transform_2, window_bounds = array<i64: 2, 256, 256>}, {transform_indices = @transform_3, window_bounds = array<i64: 8, 2>}, {transform_indices = @transform_4, window_bounds = array<i64: 1000, 256>}, {transform_indices = @transform_5, window_bounds = array<i64: 1000, 8, 256>}]} {
    %get3A = arith.constant 0 : index
    %get3A_0 = arith.constant 0 : index
    %get3A_1 = vector.load %arg1[%get3A, %get3A_0] : memref<1000x256xf32, #tpu.memory_space<vmem>>, vector<1000x256xf32>
    %get3A_2 = arith.constant 0 : index
    %get3A_3 = arith.constant 0 : index
    %get3A_4 = vector.load %arg2[%get3A_2, %get3A_3] : memref<256x256xf32, #tpu.memory_space<vmem>>, vector<256x256xf32>
    %dot_general3A = arith.constant dense<0.000000e+00> : vector<1000x256xf32>
    %dot_general3A_5 = tpu.matmul %get3A_1, %get3A_4, %dot_general3A {dimension_numbers = #tpu.dot_dimension_numbers<[1], [0], [0], [1], [0, 0, 1, 1], [], []>, transpose_lhs_hint = false} : vector<1000x256xf32>, vector<256x256xf32>, vector<1000x256xf32> -> vector<1000x256xf32>
    %swap3A = arith.constant 0 : index
    %swap3A_6 = arith.constant 0 : index
    %swap3A_7 = vector.load %arg5[%swap3A, %swap3A_6] : memref<1000x256xf32, #tpu.memory_space<vmem>>, vector<1000x256xf32>
    tpu.vector_store %arg5[%swap3A, %swap3A_6], %dot_general3A_5 {strides = array<i32>} : memref<1000x256xf32, #tpu.memory_space<vmem>>, vector<1000x256xf32>,
    %get3A_8 = arith.constant 0 : index
    %get3A_9 = arith.constant 0 : index
    %get3A_10 = arith.constant 0 : index
    %get3A_11 = vector.load %arg3[%get3A_8, %get3A_9, %get3A_10] : memref<2x256x256xf32, #tpu.memory_space<vmem>>, vector<1x256x256xf32>
    %get3A_12 = vector.shape_cast %get3A_11 : vector<1x256x256xf32> to vector<256x256xf32>
    %get3A_13 = arith.constant 1 : index
    %get3A_14 = arith.constant 0 : index
    %get3A_15 = arith.constant 0 : index
    %get3A_16 = vector.load %arg3[%get3A_13, %get3A_14, %get3A_15] : memref<2x256x256xf32, #tpu.memory_space<vmem>>, vector<1x256x256xf32>
    %get3A_17 = vector.shape_cast %get3A_16 : vector<1x256x256xf32> to vector<256x256xf32>
    %get3A_18 = arith.constant 0 : index
    %get3A_19 = arith.constant 0 : index
    %get3A_20 = memref.load %arg4[%get3A_18, %get3A_19] : memref<8x2xf32, #tpu.memory_space<smem>>
    %mul3A = vector.broadcast %get3A_20 : f32 to vector<256x256xf32>
    %mul3A_21 = arith.mulf %mul3A, %get3A_12 : vector<256x256xf32>
    %get3A_22 = arith.constant 0 : index
    %get3A_23 = arith.constant 1 : index
    %get3A_24 = memref.load %arg4[%get3A_22, %get3A_23] : memref<8x2xf32, #tpu.memory_space<smem>>
    %mul3A_25 = vector.broadcast %get3A_24 : f32 to vector<256x256xf32>
    %mul3A_26 = arith.mulf %mul3A_25, %get3A_17 : vector<256x256xf32>
    %add3A = arith.addf %mul3A_21, %mul3A_26 : vector<256x256xf32>
    %dot_general3A_27 = arith.constant dense<0.000000e+00> : vector<1000x256xf32>
    %dot_general3A_28 = tpu.matmul %get3A_1, %add3A, %dot_general3A_27 {dimension_numbers = #tpu.dot_dimension_numbers<[1], [0], [0], [1], [0, 0, 1, 1], [], []>, transpose_lhs_hint = false} : vector<1000x256xf32>, vector<256x256xf32>, vector<1000x256xf32> -> vector<1000x256xf32>
    %swap3A_29 = arith.constant 0 : index
    %swap3A_30 = arith.constant 0 : index
    %swap3A_31 = arith.constant 0 : index
    %swap3A_32 = vector.load %arg6[%swap3A_29, %swap3A_30, %swap3A_31] : memref<1000x8x256xf32, #tpu.memory_space<vmem>>, vector<1000x1x256xf32>
    %swap3A_33 = vector.shape_cast %swap3A_32 : vector<1000x1x256xf32> to vector<1000x256xf32>
    %swap3A_34 = vector.shape_cast %dot_general3A_28 : vector<1000x256xf32> to vector<1000x1x256xf32>
    tpu.vector_store %arg6[%swap3A_29, %swap3A_30, %swap3A_31], %swap3A_34 {strides = array<i32>} : memref<1000x8x256xf32, #tpu.memory_space<vmem>>, vector<1000x1x256xf32>,
    %get3A_35 = arith.constant 1 : index
    %get3A_36 = arith.constant 0 : index
    %get3A_37 = memref.load %arg4[%get3A_35, %get3A_36] : memref<8x2xf32, #tpu.memory_space<smem>>
    %mul3A_38 = vector.broadcast %get3A_37 : f32 to vector<256x256xf32>
    %mul3A_39 = arith.mulf %mul3A_38, %get3A_12 : vector<256x256xf32>
    %get3A_40 = arith.constant 1 : index
    %get3A_41 = arith.constant 1 : index
    %get3A_42 = memref.load %arg4[%get3A_40, %get3A_41] : memref<8x2xf32, #tpu.memory_space<smem>>
    %mul3A_43 = vector.broadcast %get3A_42 : f32 to vector<256x256xf32>
    %mul3A_44 = arith.mulf %mul3A_43, %get3A_17 : vector<256x256xf32>
    %add3A_45 = arith.addf %mul3A_39, %mul3A_44 : vector<256x256xf32>
    %dot_general3A_46 = arith.constant dense<0.000000e+00> : vector<1000x256xf32>
    %dot_general3A_47 = tpu.matmul %get3A_1, %add3A_45, %dot_general3A_46 {dimension_numbers = #tpu.dot_dimension_numbers<[1], [0], [0], [1], [0, 0, 1, 1], [], []>, transpose_lhs_hint = false} : vector<1000x256xf32>, vector<256x256xf32>, vector<1000x256xf32> -> vector<1000x256xf32>
    %swap3A_48 = arith.constant 0 : index
    %swap3A_49 = arith.constant 1 : index
    %swap3A_50 = arith.constant 0 : index
    %swap3A_51 = vector.load %arg6[%swap3A_48, %swap3A_49, %swap3A_50] : memref<1000x8x256xf32, #tpu.memory_space<vmem>>, vector<1000x1x256xf32>
    %swap3A_52 = vector.shape_cast %swap3A_51 : vector<1000x1x256xf32> to vector<1000x256xf32>
    %swap3A_53 = vector.shape_cast %dot_general3A_47 : vector<1000x256xf32> to vector<1000x1x256xf32>
    tpu.vector_store %arg6[%swap3A_48, %swap3A_49, %swap3A_50], %swap3A_53 {strides = array<i32>} : memref<1000x8x256xf32, #tpu.memory_space<vmem>>, vector<1000x1x256xf32>,
    %get3A_54 = arith.constant 2 : index
    %get3A_55 = arith.constant 0 : index
    %get3A_56 = memref.load %arg4[%get3A_54, %get3A_55] : memref<8x2xf32, #tpu.memory_space<smem>>
    %mul3A_57 = vector.broadcast %get3A_56 : f32 to vector<256x256xf32>
    %mul3A_58 = arith.mulf %mul3A_57, %get3A_12 : vector<256x256xf32>
    %get3A_59 = arith.constant 2 : index
    %get3A_60 = arith.constant 1 : index
    %get3A_61 = memref.load %arg4[%get3A_59, %get3A_60] : memref<8x2xf32, #tpu.memory_space<smem>>
    %mul3A_62 = vector.broadcast %get3A_61 : f32 to vector<256x256xf32>
    %mul3A_63 = arith.mulf %mul3A_62, %get3A_17 : vector<256x256xf32>
    %add3A_64 = arith.addf %mul3A_58, %mul3A_63 : vector<256x256xf32>
    %dot_general3A_65 = arith.constant dense<0.000000e+00> : vector<1000x256xf32>
    %dot_general3A_66 = tpu.matmul %get3A_1, %add3A_64, %dot_general3A_65 {dimension_numbers = #tpu.dot_dimension_numbers<[1], [0], [0], [1], [0, 0, 1, 1], [], []>, transpose_lhs_hint = false} : vector<1000x256xf32>, vector<256x256xf32>, vector<1000x256xf32> -> vector<1000x256xf32>
    %swap3A_67 = arith.constant 0 : index
    %swap3A_68 = arith.constant 2 : index
    %swap3A_69 = arith.constant 0 : index
    %swap3A_70 = vector.load %arg6[%swap3A_67, %swap3A_68, %swap3A_69] : memref<1000x8x256xf32, #tpu.memory_space<vmem>>, vector<1000x1x256xf32>
    %swap3A_71 = vector.shape_cast %swap3A_70 : vector<1000x1x256xf32> to vector<1000x256xf32>
    %swap3A_72 = vector.shape_cast %dot_general3A_66 : vector<1000x256xf32> to vector<1000x1x256xf32>
    tpu.vector_store %arg6[%swap3A_67, %swap3A_68, %swap3A_69], %swap3A_72 {strides = array<i32>} : memref<1000x8x256xf32, #tpu.memory_space<vmem>>, vector<1000x1x256xf32>,
    %get3A_73 = arith.constant 3 : index
    %get3A_74 = arith.constant 0 : index
    %get3A_75 = memref.load %arg4[%get3A_73, %get3A_74] : memref<8x2xf32, #tpu.memory_space<smem>>
    %mul3A_76 = vector.broadcast %get3A_75 : f32 to vector<256x256xf32>
    %mul3A_77 = arith.mulf %mul3A_76, %get3A_12 : vector<256x256xf32>
    %get3A_78 = arith.constant 3 : index
    %get3A_79 = arith.constant 1 : index
    %get3A_80 = memref.load %arg4[%get3A_78, %get3A_79] : memref<8x2xf32, #tpu.memory_space<smem>>
    %mul3A_81 = vector.broadcast %get3A_80 : f32 to vector<256x256xf32>
    %mul3A_82 = arith.mulf %mul3A_81, %get3A_17 : vector<256x256xf32>
    %add3A_83 = arith.addf %mul3A_77, %mul3A_82 : vector<256x256xf32>
    %dot_general3A_84 = arith.constant dense<0.000000e+00> : vector<1000x256xf32>
    %dot_general3A_85 = tpu.matmul %get3A_1, %add3A_83, %dot_general3A_84 {dimension_numbers = #tpu.dot_dimension_numbers<[1], [0], [0], [1], [0, 0, 1, 1], [], []>, transpose_lhs_hint = false} : vector<1000x256xf32>, vector<256x256xf32>, vector<1000x256xf32> -> vector<1000x256xf32>
    %swap3A_86 = arith.constant 0 : index
    %swap3A_87 = arith.constant 3 : index
    %swap3A_88 = arith.constant 0 : index
    %swap3A_89 = vector.load %arg6[%swap3A_86, %swap3A_87, %swap3A_88] : memref<1000x8x256xf32, #tpu.memory_space<vmem>>, vector<1000x1x256xf32>
    %swap3A_90 = vector.shape_cast %swap3A_89 : vector<1000x1x256xf32> to vector<1000x256xf32>
    %swap3A_91 = vector.shape_cast %dot_general3A_85 : vector<1000x256xf32> to vector<1000x1x256xf32>
    tpu.vector_store %arg6[%swap3A_86, %swap3A_87, %swap3A_88], %swap3A_91 {strides = array<i32>} : memref<1000x8x256xf32, #tpu.memory_space<vmem>>, vector<1000x1x256xf32>,
    %get3A_92 = arith.constant 4 : index
    %get3A_93 = arith.constant 0 : index
    %get3A_94 = memref.load %arg4[%get3A_92, %get3A_93] : memref<8x2xf32, #tpu.memory_space<smem>>
    %mul3A_95 = vector.broadcast %get3A_94 : f32 to vector<256x256xf32>
    %mul3A_96 = arith.mulf %mul3A_95, %get3A_12 : vector<256x256xf32>
    %get3A_97 = arith.constant 4 : index
    %get3A_98 = arith.constant 1 : index
    %get3A_99 = memref.load %arg4[%get3A_97, %get3A_98] : memref<8x2xf32, #tpu.memory_space<smem>>
    %mul3A_100 = vector.broadcast %get3A_99 : f32 to vector<256x256xf32>
    %mul3A_101 = arith.mulf %mul3A_100, %get3A_17 : vector<256x256xf32>
    %add3A_102 = arith.addf %mul3A_96, %mul3A_101 : vector<256x256xf32>
    %dot_general3A_103 = arith.constant dense<0.000000e+00> : vector<1000x256xf32>
    %dot_general3A_104 = tpu.matmul %get3A_1, %add3A_102, %dot_general3A_103 {dimension_numbers = #tpu.dot_dimension_numbers<[1], [0], [0], [1], [0, 0, 1, 1], [], []>, transpose_lhs_hint = false} : vector<1000x256xf32>, vector<256x256xf32>, vector<1000x256xf32> -> vector<1000x256xf32>
    %swap3A_105 = arith.constant 0 : index
    %swap3A_106 = arith.constant 4 : index
    %swap3A_107 = arith.constant 0 : index
    %swap3A_108 = vector.load %arg6[%swap3A_105, %swap3A_106, %swap3A_107] : memref<1000x8x256xf32, #tpu.memory_space<vmem>>, vector<1000x1x256xf32>
    %swap3A_109 = vector.shape_cast %swap3A_108 : vector<1000x1x256xf32> to vector<1000x256xf32>
    %swap3A_110 = vector.shape_cast %dot_general3A_104 : vector<1000x256xf32> to vector<1000x1x256xf32>
    tpu.vector_store %arg6[%swap3A_105, %swap3A_106, %swap3A_107], %swap3A_110 {strides = array<i32>} : memref<1000x8x256xf32, #tpu.memory_space<vmem>>, vector<1000x1x256xf32>,
    %get3A_111 = arith.constant 5 : index
    %get3A_112 = arith.constant 0 : index
    %get3A_113 = memref.load %arg4[%get3A_111, %get3A_112] : memref<8x2xf32, #tpu.memory_space<smem>>
    %mul3A_114 = vector.broadcast %get3A_113 : f32 to vector<256x256xf32>
    %mul3A_115 = arith.mulf %mul3A_114, %get3A_12 : vector<256x256xf32>
    %get3A_116 = arith.constant 5 : index
    %get3A_117 = arith.constant 1 : index
    %get3A_118 = memref.load %arg4[%get3A_116, %get3A_117] : memref<8x2xf32, #tpu.memory_space<smem>>
    %mul3A_119 = vector.broadcast %get3A_118 : f32 to vector<256x256xf32>
    %mul3A_120 = arith.mulf %mul3A_119, %get3A_17 : vector<256x256xf32>
    %add3A_121 = arith.addf %mul3A_115, %mul3A_120 : vector<256x256xf32>
    %dot_general3A_122 = arith.constant dense<0.000000e+00> : vector<1000x256xf32>
    %dot_general3A_123 = tpu.matmul %get3A_1, %add3A_121, %dot_general3A_122 {dimension_numbers = #tpu.dot_dimension_numbers<[1], [0], [0], [1], [0, 0, 1, 1], [], []>, transpose_lhs_hint = false} : vector<1000x256xf32>, vector<256x256xf32>, vector<1000x256xf32> -> vector<1000x256xf32>
    %swap3A_124 = arith.constant 0 : index
    %swap3A_125 = arith.constant 5 : index
    %swap3A_126 = arith.constant 0 : index
    %swap3A_127 = vector.load %arg6[%swap3A_124, %swap3A_125, %swap3A_126] : memref<1000x8x256xf32, #tpu.memory_space<vmem>>, vector<1000x1x256xf32>
    %swap3A_128 = vector.shape_cast %swap3A_127 : vector<1000x1x256xf32> to vector<1000x256xf32>
    %swap3A_129 = vector.shape_cast %dot_general3A_123 : vector<1000x256xf32> to vector<1000x1x256xf32>
    tpu.vector_store %arg6[%swap3A_124, %swap3A_125, %swap3A_126], %swap3A_129 {strides = array<i32>} : memref<1000x8x256xf32, #tpu.memory_space<vmem>>, vector<1000x1x256xf32>,
    %get3A_130 = arith.constant 6 : index
    %get3A_131 = arith.constant 0 : index
    %get3A_132 = memref.load %arg4[%get3A_130, %get3A_131] : memref<8x2xf32, #tpu.memory_space<smem>>
    %mul3A_133 = vector.broadcast %get3A_132 : f32 to vector<256x256xf32>
    %mul3A_134 = arith.mulf %mul3A_133, %get3A_12 : vector<256x256xf32>
    %get3A_135 = arith.constant 6 : index
    %get3A_136 = arith.constant 1 : index
    %get3A_137 = memref.load %arg4[%get3A_135, %get3A_136] : memref<8x2xf32, #tpu.memory_space<smem>>
    %mul3A_138 = vector.broadcast %get3A_137 : f32 to vector<256x256xf32>
    %mul3A_139 = arith.mulf %mul3A_138, %get3A_17 : vector<256x256xf32>
    %add3A_140 = arith.addf %mul3A_134, %mul3A_139 : vector<256x256xf32>
    %dot_general3A_141 = arith.constant dense<0.000000e+00> : vector<1000x256xf32>
    %dot_general3A_142 = tpu.matmul %get3A_1, %add3A_140, %dot_general3A_141 {dimension_numbers = #tpu.dot_dimension_numbers<[1], [0], [0], [1], [0, 0, 1, 1], [], []>, transpose_lhs_hint = false} : vector<1000x256xf32>, vector<256x256xf32>, vector<1000x256xf32> -> vector<1000x256xf32>
    %swap3A_143 = arith.constant 0 : index
    %swap3A_144 = arith.constant 6 : index
    %swap3A_145 = arith.constant 0 : index
    %swap3A_146 = vector.load %arg6[%swap3A_143, %swap3A_144, %swap3A_145] : memref<1000x8x256xf32, #tpu.memory_space<vmem>>, vector<1000x1x256xf32>
    %swap3A_147 = vector.shape_cast %swap3A_146 : vector<1000x1x256xf32> to vector<1000x256xf32>
    %swap3A_148 = vector.shape_cast %dot_general3A_142 : vector<1000x256xf32> to vector<1000x1x256xf32>
    tpu.vector_store %arg6[%swap3A_143, %swap3A_144, %swap3A_145], %swap3A_148 {strides = array<i32>} : memref<1000x8x256xf32, #tpu.memory_space<vmem>>, vector<1000x1x256xf32>,
    %get3A_149 = arith.constant 7 : index
    %get3A_150 = arith.constant 0 : index
    %get3A_151 = memref.load %arg4[%get3A_149, %get3A_150] : memref<8x2xf32, #tpu.memory_space<smem>>
    %mul3A_152 = vector.broadcast %get3A_151 : f32 to vector<256x256xf32>
    %mul3A_153 = arith.mulf %mul3A_152, %get3A_12 : vector<256x256xf32>
    %get3A_154 = arith.constant 7 : index
    %get3A_155 = arith.constant 1 : index
    %get3A_156 = memref.load %arg4[%get3A_154, %get3A_155] : memref<8x2xf32, #tpu.memory_space<smem>>
    %mul3A_157 = vector.broadcast %get3A_156 : f32 to vector<256x256xf32>
    %mul3A_158 = arith.mulf %mul3A_157, %get3A_17 : vector<256x256xf32>
    %add3A_159 = arith.addf %mul3A_153, %mul3A_158 : vector<256x256xf32>
    %dot_general3A_160 = arith.constant dense<0.000000e+00> : vector<1000x256xf32>
    %dot_general3A_161 = tpu.matmul %get3A_1, %add3A_159, %dot_general3A_160 {dimension_numbers = #tpu.dot_dimension_numbers<[1], [0], [0], [1], [0, 0, 1, 1], [], []>, transpose_lhs_hint = false} : vector<1000x256xf32>, vector<256x256xf32>, vector<1000x256xf32> -> vector<1000x256xf32>
    %swap3A_162 = arith.constant 0 : index
    %swap3A_163 = arith.constant 7 : index
    %swap3A_164 = arith.constant 0 : index
    %swap3A_165 = vector.load %arg6[%swap3A_162, %swap3A_163, %swap3A_164] : memref<1000x8x256xf32, #tpu.memory_space<vmem>>, vector<1000x1x256xf32>
    %swap3A_166 = vector.shape_cast %swap3A_165 : vector<1000x1x256xf32> to vector<1000x256xf32>
    %swap3A_167 = vector.shape_cast %dot_general3A_161 : vector<1000x256xf32> to vector<1000x1x256xf32>
    tpu.vector_store %arg6[%swap3A_162, %swap3A_163, %swap3A_164], %swap3A_167 {strides = array<i32>} : memref<1000x8x256xf32, #tpu.memory_space<vmem>>, vector<1000x1x256xf32>,
    return
  }
  func.func @transform_0(%arg0: i32) -> (i32, i32) {
    %c0_i32 = arith.constant 0 : i32
    %c0_i32_0 = arith.constant 0 : i32
    return %arg0, %c0_i32 : i32, i32
  }
  func.func @transform_1(%arg0: i32) -> (i32, i32) {
    %c0_i32 = arith.constant 0 : i32
    %c0_i32_0 = arith.constant 0 : i32
    %c0_i32_1 = arith.constant 0 : i32
    return %c0_i32, %c0_i32_0 : i32, i32
  }
  func.func @transform_2(%arg0: i32) -> (i32, i32, i32) {
    %c0_i32 = arith.constant 0 : i32
    %c0_i32_0 = arith.constant 0 : i32
    %c0_i32_1 = arith.constant 0 : i32
    %c0_i32_2 = arith.constant 0 : i32
    return %c0_i32, %c0_i32_0, %c0_i32_1 : i32, i32, i32
  }
  func.func @transform_3(%arg0: i32) -> (i32, i32) {
    %c0_i32 = arith.constant 0 : i32
    %c0_i32_0 = arith.constant 0 : i32
    %c0_i32_1 = arith.constant 0 : i32
    return %c0_i32, %c0_i32_0 : i32, i32
  }
  func.func @transform_4(%arg0: i32) -> (i32, i32) {
    %c0_i32 = arith.constant 0 : i32
    %c0_i32_0 = arith.constant 0 : i32
    return %arg0, %c0_i32 : i32, i32
  }
  func.func @transform_5(%arg0: i32) -> (i32, i32, i32) {
    %c0_i32 = arith.constant 0 : i32
    %c0_i32_0 = arith.constant 0 : i32
    %c0_i32_1 = arith.constant 0 : i32
    return %arg0, %c0_i32, %c0_i32_0 : i32, i32, i32
  }
}

</mosaic_0001>

<sc_bundles>
// kernel: kernel.4.cloned.1.call-start
scs
__scs_entry_jumppad:
0x0: {  	(pc) =	sbr.rel $0x88, $3  }
0x1: {  	(tag) =	ssettag $0x0;
	lr =	simm.s32 $0x1  }
0x2: {  	[smem:$0x3F9B] =	sst lr;
	_ =	strace $0xD0000000  }
0x3: {  	_ = 	snop  }
0x4: {  	_ = 	snop  }
0x5: {  	_ = 	snop  }
0x6: {  	_ = 	snop  }
0x7: {  	_ = 	snop  }
__scs_overlays_trampoline_lowered:
0x8: {  	[smem:$0x3FAA] =	sst s0  }
0x9: {  	[smem:$0x3FAB] =	sst s1  }
0xa: {  	[smem:$0x3FAC] =	sst s2  }
0xb: {  	[smem:$0x3FAD] =	sst s3  }
0xc: {  	[smem:$0x3FAE] =	sst s4  }
0xd: {  	[smem:$0x3FAF] =	sst s5  }
0xe: {  	[smem:$0x3FB0] =	sst s6  }
0xf: {  	[smem:$0x3FB1] =	sst s7  }
0x10: {  	[smem:$0x3FB2] =	sst s8  }
0x11: {  	[smem:$0x3FB3] =	sst s9;
	s0 =	simm.s32 @!p0 $0x0  }
0x12: {  	s1 =	sld [smem:$0x3F99];
	s0 =	simm.s32 @p0 $0x1  }
0x13: {  	[smem:$0x3FB4] =	sst s0;
	s0 =	simm.s32 @!p1 $0x0  }
0x14: {  	s2 =	sld [smem:$0x3F98];
	s0 =	simm.s32 @p1 $0x1  }
0x15: {  	[smem:$0x3FB5] =	sst s0;
	s0 =	simm.s32 @!p2 $0x0  }
0x16: {  	s3 =	sld [smem:$0x3FDB];
	s0 =	simm.s32 @p2 $0x1  }
0x17: {  	s4 =	simm.s32 $0x1BF5;
	[smem:$0x3FB7] =	sst s0  }
0x18: {  	s0 =	sld [smem:$0x3F9A];
	_ =	swait.ge [sflag:s4], $0x0  }
0x19: {  	s7 =	sld [smem:$0x3F9B]  }
0x1a: {  	s8 =	sadd.s32 $0xFFFFE003, lr  }
0x1b: {  	s9 =	sadd.s32 $0xFFFFFEF7, lr;
	s5 =	simm.s32 $0xFFFFFFFF;
	p2 =	slt.u32 s8, $0xFFFFF086  }
0x1c: {  	p1 =	slt.u32 s9, $0xF7A;
	s5 =	simm.s32 @!p2 $0x0  }
0x1d: {  	s5 =	simm.s32 @p1 $0x1;
	p0 =	seq.s32 s7, s2  }
0x1e: {  	s7 =	smul.u32 @!p0 $0xF7A, s2;
	p2 =	seq.s32 @!p0 s5, $0x0  }
0x1f: {  	s9 =	smul.u32 $0xF7A, s1;
	s8 =	simm.s32 @!p0 $0x1BF5;
	p2 =	por !p2, p0  }
0x20: {  	[sflag:s8] =	ssyncset.s32 @!p0 $0xFFFFF086;
	s6 =	sadd.s32 @!p0 s3, s7;
	s7 =	simm.s32 @!p0 $0x108  }
0x21: {  	s3 =	sadd.s32 s3, s9;
	s6 =	sadd.s32 @!p0 $0x88, s6;
	s7 =	simm.s32 @p2 $0x1082  }
0x22: {  	[simem:s7], [sflag:s8] =	dma.local @!p0 [hbm:s6], $0xF7A  }
0x23: {  	s9 =	sor.u32 $0xD0000000, s2;
	s6 =	simm.s32 $0x108;
	_ =	swait.ge @!p0 [sflag:s8], $0x0  }
0x24: {  	s3 =	sadd.s32 $0x88, s3;
	s6 =	simm.s32 @!p1 $0x1082;
	[sflag:s4] =	ssyncset.s32 $0xFFFFF086  }
0x25: {  	[simem:s6], [sflag:s4] =	dma.local [hbm:s3], $0xF7A  }
0x26: {  	[smem:$0x3F9B] =	sst s1;
	(tag) =	ssettag s2;
	_ =	strace s9  }
0x27: {  	s1 =	sld [smem:$0x3FAB]  }
0x28: {  	s2 =	sld [smem:$0x3FAC]  }
0x29: {  	s4 =	sld [smem:$0x3FAE]  }
0x2a: {  	p0 =	seq.s32 s5, $0x0;
	s5 =	sld [smem:$0x3FAF]  }
0x2b: {  	s6 =	sld [smem:$0x3FB0]  }
0x2c: {  	s7 =	sld [smem:$0x3FB1]  }
0x2d: {  	s3 =	simm.s32 $0x108;
	s8 =	sld [smem:$0x3FB2]  }
0x2e: {  	s3 =	simm.s32 @!p0 $0x1082;
	s9 =	sld [smem:$0x3FB3]  }
0x2f: {  	lr =	sadd.s32 s0, s3;
	s0 =	sld [smem:$0x3FAA]  }
0x30: {  	s3 =	sld [smem:$0x3FAD]  }
0x31: {  	[smem:$0x3FB6] =	sst s10  }
0x32: {  	s10 =	sld [smem:$0x3FB4];
	_ =	sdelay $0x3  }
0x33: {  	p0 =	seq.s32 s10, $0x1;
	s10 =	sld [smem:$0x3FB6];
	_ =	sdelay $0x3  }
0x34: {  	[smem:$0x3FB6] =	sst s10  }
0x35: {  	s10 =	sld [smem:$0x3FB5];
	_ =	sdelay $0x3  }
0x36: {  	p1 =	seq.s32 s10, $0x1;
	s10 =	sld [smem:$0x3FB6];
	_ =	sdelay $0x3  }
0x37: {  	[smem:$0x3FB6] =	sst s10  }
0x38: {  	s10 =	sld [smem:$0x3FB7]  }
0x39: {  	_ = 	snop;
	(pc) =	sbr.ind lr, $3  }
0x3a: {  	_ = 	snop  }
0x3b: {  	_ = 	snop  }
0x3c: {  	p2 =	seq.s32 s10, $0x1;
	s10 =	sld [smem:$0x3FB6]  }
0x3d: {  	_ =	shalt  }
0x3e: {  	_ =	shalt  }
0x3f: {  	_ =	shalt  }
0x40: {  	_ =	shalt  }
0x41: {  	_ =	shalt  }
0x42: {  	_ =	shalt  }
0x43: {  	_ =	shalt  }
0x44: {  	_ =	shalt  }
0x45: {  	_ =	shalt  }
0x46: {  	_ =	shalt  }
0x47: {  	_ =	shalt  }
0x48: {  	_ =	shalt  }
0x49: {  	_ =	shalt  }
0x4a: {  	_ =	shalt  }
0x4b: {  	_ =	shalt  }
0x4c: {  	_ =	shalt  }
0x4d: {  	_ =	shalt  }
0x4e: {  	_ =	shalt  }
0x4f: {  	_ =	shalt  }
0x50: {  	_ =	shalt  }
0x51: {  	_ =	shalt  }
0x52: {  	_ =	shalt  }
0x53: {  	_ =	shalt  }
0x54: {  	_ =	shalt  }
0x55: {  	_ =	shalt  }
0x56: {  	_ =	shalt  }
0x57: {  	_ =	shalt  }
0x58: {  	_ =	shalt  }
0x59: {  	_ =	shalt  }
0x5a: {  	_ =	shalt  }
0x5b: {  	_ =	shalt  }
0x5c: {  	_ =	shalt  }
0x5d: {  	_ =	shalt  }
0x5e: {  	_ =	shalt  }
0x5f: {  	_ =	shalt  }
0x60: {  	_ =	shalt  }
0x61: {  	_ =	shalt  }
0x62: {  	_ =	shalt  }
0x63: {  	_ =	shalt  }
0x64: {  	_ =	shalt  }
0x65: {  	_ =	shalt  }
0x66: {  	_ =	shalt  }
0x67: {  	_ =	shalt  }
0x68: {  	_ =	shalt  }
0x69: {  	_ =	shalt  }
0x6a: {  	_ =	shalt  }
0x6b: {  	_ =	shalt  }
0x6c: {  	_ =	shalt  }
0x6d: {  	_ =	shalt  }
0x6e: {  	_ =	shalt  }
0x6f: {  	_ =	shalt  }
0x70: {  	_ =	shalt  }
0x71: {  	_ =	shalt  }
0x72: {  	_ =	shalt  }
0x73: {  	_ =	shalt  }
0x74: {  	_ =	shalt  }
0x75: {  	_ =	shalt  }
0x76: {  	_ =	shalt  }
0x77: {  	_ =	shalt  }
0x78: {  	_ =	shalt  }
0x79: {  	_ =	shalt  }
0x7a: {  	_ =	shalt  }
0x7b: {  	_ =	shalt  }
0x7c: {  	_ =	shalt  }
0x7d: {  	_ =	shalt  }
0x7e: {  	_ =	shalt  }
0x7f: {  	_ =	shalt  }
0x80: {  	_ =	shalt  }
0x81: {  	_ =	shalt  }
0x82: {  	_ =	shalt  }
0x83: {  	_ =	shalt  }
0x84: {  	_ =	shalt  }
0x85: {  	_ =	shalt  }
0x86: {  	_ =	shalt  }
0x87: {  	_ =	shalt  }
.Lfunc_end0:
.L_simem_size_0:
called_computation_lowered:
.L_overlay_start_0:
0x88: {  	s2 =	sld [smem:$0x3FD9]  }
0x89: {  	s3 =	sld [smem:$0x3FFE];
	_ =	sdelay $0x1  }
0x8a: {  	s1 =	srdreg.scid  }
0x8b: {  	s0 =	sand.u32 $0x1, s1  }
0x8c: {  	s17 =	sshll.u32 s0, $0xA;
	s2 =	sadd.s32 s3, s2  }
0x8d: {  	s2 =	sadd.s32 s2, s17  }
0x8e: {  	[smem:$0x3FC2] =	sst s2  }
0x8f: {  	_ = 	snop  }
0x90: {  	s2 =	sld [smem:$0x3FD0];
	(tm) =	ssettm $0x1  }
0x91: {  	s18 =	sld [smem:$0x3FFB];
	_ =	sdelay $0x3  }
0x92: {  	_ =	strace s18  }
0x93: {  	s3 =	sld [smem:$0x3FFC];
	_ =	sdelay $0x3  }
0x94: {  	_ =	strace s3  }
0x95: {  	s3 =	sld [smem:$0x3FFD];
	_ =	sdelay $0x3  }
0x96: {  	_ =	strace s3  }
0x97: {  	_ =	strace $0x8FFFFFFF  }
0x98: {  	s19 =	sld [smem:$0x3FDB];
	_ =	sdelay $0x1  }
0x99: {  	s4 =	simm.s32 $_scs_section_size  }
0x9a: {  	s5 =	simm.s32 $_size__tile_overlayer_lowered;
	s6 =	simm.s32 $_tile_overlayer_lowered  }
0x9b: {  	s22 =	simm.s32 $0x1BFF;
	s21 =	sshll.u32 s6, $0x1;
	s3 =	sadd.s32 s4, s19  }
0x9c: {  	s7 =	simm.s32 $0x0;
	s20 =	sshll.u32 s5, $0x1;
	s5 =	sadd.s32 s21, s3  }
0x9d: {  	[timem:s7], [sflag:s22] =	dma.local [hbm:s5], s20  }
0x9e: {  	_ =	swait.ge [sflag:s22], s20  }
0x9f: {  	s4 =	ssub.s32 $0x0, s20;
	[sflag:s22] =	ssyncset.done $0x0  }
0xa0: {  	[sflag:s22] =	ssyncadd.s32 s4;
	_ =	sdelay $0x1  }
0xa1: {  	s23 =	simm.s32 $0x1B8B  }
0xa2: {  	_ =	swait.ge [sflag:s23], $0x1  }
0xa3: {  	[sflag:s23] =	ssyncset.done $0x0  }
0xa4: {  	s25 =	simm.s32 $0x1B8E;
	s24 =	sld [smem:$0x3FFE];
	[sflag:s23] =	ssyncadd.s32 $0xFFFFFFFF  }
0xa5: {  	s26 =	simm.s32 $execute0_lowered;
	[smem:$0x3FD2] =	sst s25  }
0xa6: {  	s5 =	sshll.u32 s26, $0x1;
	_ =	strace $0x80000046;
	[dreg:$0x1] =	wrdreg $0xFFFFFFFF  }
0xa7: {  	s28 =	simm.s32 $_size_execute0_lowered;
	s3 =	sadd.s32 s3, s5;
	[dreg:$0x0] =	wrdreg $0x0  }
0xa8: {  	s5 =	sshll.u32 s28, $0x1;
	[dreg:$0x2] =	wrdreg s3  }
0xa9: {  	[dreg:$0x3] =	wrdreg s5  }
0xaa: {  	[dreg:$0x4] =	wrdreg $0xC0  }
0xab: {  	_ =	task [dreg:s7], $0x5FFFF  }
0xac: {  	[dreg:$0x1] =	wrdreg $0xFFFFFFFF  }
0xad: {  	[dreg:$0x0] =	wrdreg $0x60  }
0xae: {  	[dreg:$0x2] =	wrdreg s24  }
0xaf: {  	[dreg:$0x3] =	wrdreg s2  }
0xb0: {  	[dreg:$0x4] =	wrdreg $0x9  }
0xb1: {  	_ =	task.clear_ibuf [dreg:s7], $0x5FFFF;
	_ =	strace $0x90000046  }
0xb2: {  	s29 =	simm.s32 $0x9;
	_ =	strace $0x80000048  }
0xb3: {  	_ =	swait.ge [sflag:s29], $0x1  }
0xb4: {  	[sflag:s29] =	ssyncadd.s32 $0xFFFFFFFF  }
0xb5: {  	_ =	strace $0x90000048  }
0xb6: {  	_ =	sfence  }
0xb7: {  	s30 =	sld [smem:$0x0];
	_ =	sdelay $0x2  }
0xb8: {  	s31 =	sshll.u32 s1, $0xD;
	s1 =	sshrl.u32 s1, $0x2  }
0xb9: {  	s3 =	sand.u32 $0x4000, s31;
	s1 =	sadd.s32 s1, s30  }
0xba: {  	s0 =	sor.u32 s3, s0;
	s1 =	sshll.u32 s1, $0x11  }
0xbb: {  	s0 =	sor.u32 s1, s0  }
0xbc: {  	s0 =	sadd.s32 $0x8F2B, s0  }
0xbd: {  	[sflag:s0] =	ssyncadd.remote.s32 $0x1  }
0xbe: {  	_ =	sfence.sel $0xFFFF  }
0xbf: {  	[dreg:$0x0] =	wrdreg $0xFFFFFFFF;
	(pc) =	sbr.abs _section_cstart, $3  }
0xc0: {  	[dreg:$0x1] =	wrdreg $0xFFFFFFFF  }
0xc1: {  	_ =	task.clear_ibuf [dreg:s7], $0x2FFFF;
	_ =	strace $0x9FFFFFFF  }
0xc2: {  	(tm) =	ssettm $0x7FFFFFFF  }
0xc3: {  	_ =	shalt  }
tec
execute0_lowered:
.L_overlay_start_1:
0x0: {  	(tag) =	ssettag $0x1  }
0x1: {  	s0 =	srdreg.scid  }
0x2: {  	s1 =	rddreg [dreg:$0x0];
	s3 =	stileid.u32  }
0x3: {  	s7 =	rddreg [dreg:$0x1];
	s17 =	simm.s32 $0x3;
	s18 =	simm.s32 $0x6A00  }
0x4: {  	s19 =	simm.s32 $0x7200;
	s20 =	simm.s32 $0x7A00;
	s21 =	simm.s32 $0x8200  }
0x5: {  	s22 =	simm.s32 $0x8A00;
	s23 =	simm.s32 $0x9200;
	s24 =	simm.s32 $0x9A00  }
0x6: {  	s25 =	simm.s32 $0xA200;
	s26 =	simm.s32 $0x2;
	s28 =	simm.s32 $0x4  }
0x7: {  	s0 =	sand.u32 $0x1, s0;
	s4 =	sadd.s32 $0xA600, s1;
	s5 =	sadd.s32 $0x5600, s1  }
0x8: {  	s6 =	sadd.s32 $0x600, s1;
	s31 =	sadd.s32 $0x4D800, s7;
	s2 =	sshll.u32 s0, $0x4  }
0x9: {  	s0 =	ssub.s32 $0x2, s0;
	s8 =	sor.u32 s3, s2;
	s2 =	simm.s32 $0x0  }
0xa: {  	s3 =	sadd.s32 $0xF600, s1;
	s11 =	sshrl.u32 s0, $0x1;
	[smem:$0x7FF] =	sst s2  }
0xb: {  	s9 =	smul.u32 $0x2800, s8;
	s0 =	ssub.s32 s0, s11;
	_ =	strace $0x80000047  }
.Ltmp0:
0xc: {  	v4 =	vlaneseq.u32;
	[dreg:$0x6] =	wrdreg s31;
	s0 =	smax.u32 s0, $0x1;
	(pc) =	sbr.rel .LBB2_1-.Ltmp0, $4  }
0xd: {  	v2 =	vmul.u32 $0x40, v4;
	s10 =	sadd.s32 s9, s1;
	s1 =	sadd.s32 $0x2CDE00, s1;
	[dreg:$0x7] =	wrdreg s0  }
0xe: {  	vm0 =	vmmov $0xffff;
	v1 =	vand.u32 $0x7, v4;
	v3 =	vshrl.u32 v4, $0x3;
	s12 =	smul.u32 $0x140, s8;
	s30 =	sadd.s32 s7, s9;
	[dreg:$0x4] =	wrdreg s1  }
0xf: {  	s29 =	simm.s32 $0x1;
	v4 =	vor.u32 $0x8, v4;
	v3 =	vmul.u32 $0x8, v3;
	v5 =	vor.u32 $0x10, v2;
	s10 =	sadd.s32 $0x280600, s10;
	[dreg:$0x5] =	wrdreg s30  }
0x10: {  	v6 =	vor.u32 $0x20, v2;
	v7 =	vor.u32 $0x30, v2;
	p0 =	seq.s32 s8, $0x1F;
	v0 =	vmov s12;
	s9 =	simm.s32 $0x0;
	[dreg:$0x3] =	wrdreg s10  }
.LBB2_64:
0x11: {  	[tilespmem:s7+$0xAE70] =	vst v8;
	s9 =	rddreg [dreg:$0x8]  }
.LBB2_65:
0x12: {  	s0 =	simm.s32 @p0 $0x0;
	s1 =	simm.s32 @p0 $0xAA00;
	s7 =	rddreg [dreg:$0x6]  }
0x13: {  	[hbm4b:s7+s0] =	stream.linear.scatter @p0 [tilespmem:s1], [sflag:$0x5], $0x5000, $0x38;
	[tilespmem:$0x1F200] =	vst v63  }
0x14: {  	s0 =	simm.s32 @p0 $0x5  }
0x15: {  	_ =	swait.ge @p0 [sflag:s0], $0x5000  }
0x16: {  	s1 =	simm.s32 @!p0 $0xAA00;
	[sflag:s0] =	ssyncset.done @p0 $0x0  }
0x17: {  	s7 =	rddreg [dreg:$0x5];
	[sflag:s0] =	ssyncadd.s32 @p0 $0xFFFFB000;
	s0 =	simm.s32 @!p0 $0x0  }
0x18: {  	[hbm4b:s7+s0] =	stream.linear.scatter @!p0 [tilespmem:s1], [sflag:$0x5], $0x14000, $0x38;
	[tilespmem:$0x1F200] =	vst v63  }
0x19: {  	s0 =	simm.s32 @!p0 $0x5  }
0x1a: {  	_ =	swait.ge @!p0 [sflag:s0], $0x14000  }
0x1b: {  	s9 =	sadd.s32 $0x1, s9;
	s31 =	rddreg [dreg:$0x7]  }
0x1c: {  	p1 =	sne.s32 s9, s31  }
.Ltmp1:
0x1d: {  	_ = 	snop;
	(pc) =	sbr.rel @!p1 .LBB2_66-.Ltmp1, $3  }
0x1e: {  	_ =	sdelay $0x1  }
0x1f: {  	[sflag:s0] =	ssyncset.done @!p0 $0x0  }
0x20: {  	[sflag:s0] =	ssyncadd.s32 @!p0 $0xFFFEC000  }
.LBB2_1:
0x21: {  	s0 =	simm.s32 @p0 $0x0;
	s1 =	simm.s32 @p0 $0xAA00;
	s7 =	rddreg [dreg:$0x4]  }
0x22: {  	[tilespmem:s1], [sflag:$0x5] =	stream.linear.gather @p0 [hbm4b:s7+s0], $0x5000, $0x38;
	[tilespmem:$0x1F200] =	vst v63  }
0x23: {  	[dreg:$0x8] =	wrdreg s9;
	s0 =	simm.s32 @p0 $0x5  }
0x24: {  	_ =	swait.ge @p0 [sflag:s0], $0x5000  }
0x25: {  	s1 =	simm.s32 @!p0 $0xAA00;
	[sflag:s0] =	ssyncset.done @p0 $0x0  }
0x26: {  	s7 =	rddreg [dreg:$0x3];
	[sflag:s0] =	ssyncadd.s32 @p0 $0xFFFFB000;
	s0 =	simm.s32 @!p0 $0x0  }
0x27: {  	[tilespmem:s1], [sflag:$0x5] =	stream.linear.gather @!p0 [hbm4b:s7+s0], $0x14000, $0x38;
	[tilespmem:$0x1F200] =	vst v63  }
0x28: {  	s0 =	simm.s32 @!p0 $0x5  }
0x29: {  	_ =	swait.ge @!p0 [sflag:s0], $0x14000  }
0x2a: {  	[sflag:s0] =	ssyncset.done @!p0 $0x0  }
0x2b: {  	[sflag:s0] =	ssyncadd.s32 @!p0 $0xFFFEC000  }
0x2c: {  	[tilespmem:s2], [sflag:$0x3] =	stream.linear.gather [hbm4b:s4+s2], $0x500, $0x38;
	[tilespmem:$0x1F200] =	vst v63  }
.Ltmp2:
0x2d: {  	_ = 	snop;
	(pc) =	sbr.rel .LBB2_2-.Ltmp2, $4  }
0x2e: {  	s16 =	simm.s32 $0x500;
	s31 =	simm.s32 $0xA00  }
0x2f: {  	[tilespmem:s16], [sflag:$0x3] =	stream.linear.gather [hbm4b:s5+s2], $0x500, $0x38;
	[tilespmem:$0x1F200] =	vst v63  }
0x30: {  	s30 =	simm.s32 $0x0;
	s9 =	simm.s32 $0x0;
	s10 =	simm.s32 $0x0  }
0x31: {  	[tilespmem:s31], [sflag:$0x3] =	stream.linear.gather [hbm4b:s6+s2], $0x500, $0x38;
	[tilespmem:$0x1F200] =	vst v63  }
.LBB2_48:
0x32: {  	s0 =	smov.u32 s9  }
.LBB2_49:
0x33: {  	v8 =	vld [tilespmem:$0x1E00];
	_ =	sdelay $0x4  }
0x34: {  	v9 =	vshll.u32 v8, $0x1  }
0x35: {  	v8 =	vand.u32 $0x7, v8;
	v9 =	vand.u32 $0xFFFFFFF0, v9  }
0x36: {  	v8 =	vor.u32 v8, v9  }
0x37: {  	v9 =	vperm.xlane v8, v1;
	_ =	sdelay $0x1  }
0x38: {  	v8 =	vperm.xlane v8, v4;
	v9 =	vadd.s32 v3, v9;
	_ =	sdelay $0x1  }
0x39: {  	v8 =	vadd.s32 v3, v8;
	_ =	sdelay $0x1  }
0x3a: {  	s1 =	simm.s32 $0x2A00  }
0x3b: {  	[tilespmem:s1], [sflag:$0x1] =	stream.indirect_vreg.gather [hbm4b:s3+s2], $0x80, v9, vm0, $0xb8;
	[tilespmem:$0x1F200] =	vst v63  }
0x3c: {  	s11 =	simm.s32 $0x3200  }
0x3d: {  	[tilespmem:s11], [sflag:$0x1] =	stream.indirect_vreg.gather [hbm4b:s3+s2], $0x80, v8, vm0, $0xb8;
	[tilespmem:$0x1F200] =	vst v63  }
0x3e: {  	v8 =	vld [tilespmem:$0x1E10];
	_ =	sdelay $0x4  }
0x3f: {  	v61 =	vshll.u32 v8, $0x1  }
0x40: {  	v8 =	vand.u32 $0x7, v8;
	v9 =	vand.u32 $0xFFFFFFF0, v61  }
0x41: {  	v8 =	vor.u32 v8, v9  }
0x42: {  	v9 =	vperm.xlane v8, v1;
	_ =	sdelay $0x1  }
0x43: {  	v8 =	vperm.xlane v8, v4;
	v9 =	vadd.s32 v3, v9;
	_ =	sdelay $0x1  }
0x44: {  	v8 =	vadd.s32 v3, v8;
	_ =	sdelay $0x1  }
0x45: {  	s12 =	simm.s32 $0x3A00  }
0x46: {  	[tilespmem:s12], [sflag:$0x1] =	stream.indirect_vreg.gather [hbm4b:s3+s2], $0x80, v9, vm0, $0xb8;
	[tilespmem:$0x1F200] =	vst v63  }
0x47: {  	s13 =	simm.s32 $0x4200  }
0x48: {  	[tilespmem:s13], [sflag:$0x1] =	stream.indirect_vreg.gather [hbm4b:s3+s2], $0x80, v8, vm0, $0xb8;
	[tilespmem:$0x1F200] =	vst v63  }
0x49: {  	v8 =	vld [tilespmem:$0x1E20];
	_ =	sdelay $0x4  }
0x4a: {  	v62 =	vshll.u32 v8, $0x1  }
0x4b: {  	v8 =	vand.u32 $0x7, v8;
	v9 =	vand.u32 $0xFFFFFFF0, v62  }
0x4c: {  	v8 =	vor.u32 v8, v9  }
0x4d: {  	v9 =	vperm.xlane v8, v1;
	_ =	sdelay $0x1  }
0x4e: {  	v8 =	vperm.xlane v8, v4;
	v9 =	vadd.s32 v3, v9;
	_ =	sdelay $0x1  }
0x4f: {  	v8 =	vadd.s32 v3, v8;
	_ =	sdelay $0x1  }
0x50: {  	s14 =	simm.s32 $0x4A00  }
0x51: {  	[tilespmem:s14], [sflag:$0x1] =	stream.indirect_vreg.gather [hbm4b:s3+s2], $0x80, v9, vm0, $0xb8;
	[tilespmem:$0x1F200] =	vst v63  }
0x52: {  	s15 =	simm.s32 $0x5200  }
0x53: {  	[tilespmem:s15], [sflag:$0x1] =	stream.indirect_vreg.gather [hbm4b:s3+s2], $0x80, v8, vm0, $0xb8;
	[tilespmem:$0x1F200] =	vst v63  }
0x54: {  	v8 =	vld [tilespmem:$0x1E30];
	_ =	sdelay $0x4  }
0x55: {  	v63 =	vshll.u32 v8, $0x1  }
0x56: {  	v8 =	vand.u32 $0x7, v8;
	v9 =	vand.u32 $0xFFFFFFF0, v63  }
0x57: {  	v8 =	vor.u32 v8, v9  }
0x58: {  	v9 =	vperm.xlane v8, v1;
	_ =	sdelay $0x1  }
0x59: {  	v8 =	vperm.xlane v8, v4;
	v9 =	vadd.s32 v3, v9;
	_ =	sdelay $0x1  }
0x5a: {  	v8 =	vadd.s32 v3, v8;
	_ =	sdelay $0x1  }
0x5b: {  	s16 =	simm.s32 $0x5A00;
	s31 =	simm.s32 $0x6200  }
0x5c: {  	[tilespmem:s16], [sflag:$0x1] =	stream.indirect_vreg.gather [hbm4b:s3+s2], $0x80, v9, vm0, $0xb8;
	[tilespmem:$0x1F200] =	vst v63  }
0x5d: {  	p1 =	por $0x1, $0x1;
	s30 =	simm.s32 $0x1;
	s9 =	smov.u32 s0  }
0x5e: {  	[tilespmem:s31], [sflag:$0x1] =	stream.indirect_vreg.gather [hbm4b:s3+s2], $0x80, v8, vm0, $0xb8;
	[tilespmem:$0x1F200] =	vst v63  }
.LBB2_50:
0x5f: {  	s10 =	sadd.s32 $0x1, s10  }
0x60: {  	p2 =	sne.s32 s10, $0x40  }
.Ltmp3:
0x61: {  	_ = 	snop;
	(pc) =	sbr.rel @!p2 .LBB2_51-.Ltmp3, $1  }
0x62: {  	_ =	sdelay $0x3  }
.LBB2_2:
0x63: {  	s11 =	smul.u32 $0xA00, s10;
	_ =	sdelay $0x1  }
0x64: {  	s0 =	sshrl.u32 s11, $0x3  }
0x65: {  	s0 =	sadd.s32 $0xA0, s0  }
0x66: {  	s7 =	simm.s32 $0x0;
	s8 =	simm.s32 $0xF00;
	s1 =	sadd.s32 s4, s0  }
0x67: {  	[tilespmem:s8], [sflag:$0x4] =	stream.linear.gather [hbm4b:s1+s7], $0x500, $0x38;
	[tilespmem:$0x1F200] =	vst v63  }
0x68: {  	s14 =	simm.s32 $0x1400;
	s13 =	sadd.s32 s5, s0  }
0x69: {  	[tilespmem:s14], [sflag:$0x4] =	stream.linear.gather [hbm4b:s13+s7], $0x500, $0x38;
	[tilespmem:$0x1F200] =	vst v63  }
0x6a: {  	s15 =	simm.s32 $0x1900;
	s0 =	sadd.s32 s6, s0  }
0x6b: {  	[tilespmem:s15], [sflag:$0x4] =	stream.linear.gather [hbm4b:s0+s7], $0x500, $0x38;
	[tilespmem:$0x1F200] =	vst v63  }
0x6c: {  	_ =	swait.ge [sflag:s17], $0x500  }
0x6d: {  	[sflag:s17] =	ssyncset.done $0x0  }
0x6e: {  	[sflag:s17] =	ssyncadd.s32 $0xFFFFFB00  }
0x6f: {  	_ =	swait.ge [sflag:s17], $0x500  }
0x70: {  	[sflag:s17] =	ssyncset.done $0x0  }
0x71: {  	[sflag:s17] =	ssyncadd.s32 $0xFFFFFB00  }
0x72: {  	_ =	swait.ge [sflag:s17], $0x500  }
0x73: {  	[sflag:s17] =	ssyncset.done $0x0  }
0x74: {  	s16 =	simm.s32 $0x0;
	[sflag:s17] =	ssyncadd.s32 $0xFFFFFB00  }
0x75: {  	v8 =	vld [tilespmem:s16+$0x500];
	_ =	sdelay $0x4  }
0x76: {  	v8 =	vsub.s32 v8, v0  }
0x77: {  	vm1 =	vlt.u32 v8, $0x140  }
0x78: {  	v9 =	vmpcnt.ones.xlane vm1  }
0x79: {  	v10 =	vld [tilespmem:s16+$0x0]  }
0x7a: {  	(v2sf) =	vpush v9, $0x0;
	v9 =	vld [tilespmem:s16+$0xA00];
	_ =	sdelay $0x3  }
0x7b: {  	v10 =	vshll.u32 v10, $0x3  }
0x7c: {  	v9 =	vadd.s32 v9, v10  }
0x7d: {  	[tilespmem:s9+$0x1E00] =	vst.msk vm1, v9  }
0x7e: {  	[tilespmem:s9+$0x2400] =	vst.msk vm1, v8  }
0x7f: {  	v8 =	vld [tilespmem:s16+$0x510]  }
0x80: {  	v9 =	vld [tilespmem:s16+$0x10]  }
0x81: {  	v10 =	vld [tilespmem:s16+$0xA10];
	_ =	sdelay $0x2  }
0x82: {  	v8 =	vsub.s32 v8, v0  }
0x83: {  	v9 =	vshll.u32 v9, $0x3;
	vm1 =	vlt.u32 v8, $0x140  }
0x84: {  	v9 =	vadd.s32 v10, v9;
	v10 =	vmpcnt.ones.xlane vm1;
	_ =	sdelay $0x1  }
0x85: {  	s31 =	spop (v2sf);
	(v2sf) =	vpush v10, $0x0;
	_ =	sdelay $0x4  }
0x86: {  	s7 =	sadd.s32 s9, s31  }
0x87: {  	[tilespmem:s7+$0x1E00] =	vst.msk vm1, v9  }
0x88: {  	s0 =	simm.s32 $0x20;
	[tilespmem:s7+$0x2400] =	vst.msk vm1, v8  }
0x89: {  	v9 =	vld [tilespmem:s0+$0x500]  }
0x8a: {  	v8 =	vld [tilespmem:s0+$0xA00]  }
0x8b: {  	s1 =	simm.s32 $0x100;
	v10 =	vld [tilespmem:s0+$0x0]  }
.LBB2_3:
0x8c: {  	_ =	sdelay $0x1  }
0x8d: {  	p1 =	sne.s32 s1, $0x1380;
	s8 =	smov.u32 s1;
	s1 =	sadd.s32 $0x80, s1;
	v9 =	vsub.s32 v9, v0  }
0x8e: {  	vm1 =	vlt.u32 v9, $0x140  }
0x8f: {  	v10 =	vshll.u32 v10, $0x3;
	v11 =	vmpcnt.ones.xlane vm1;
	s9 =	spop (v2sf)  }
0x90: {  	v8 =	vadd.s32 v8, v10;
	s7 =	sadd.s32 s7, s9  }
0x91: {  	[tilespmem:s7+$0x1E00] =	vst.msk vm1, v8;
	(v2sf) =	vpush v11, $0x0  }
0x92: {  	[tilespmem:s7+$0x2400] =	vst.msk vm1, v9  }
0x93: {  	v8 =	vld [tilespmem:s0+$0x510]  }
0x94: {  	v9 =	vld [tilespmem:s0+$0x10];
	_ =	sdelay $0x3  }
0x95: {  	v8 =	vsub.s32 v8, v0  }
0x96: {  	vm1 =	vlt.u32 v8, $0x140;
	v9 =	vshll.u32 v9, $0x3  }
0x97: {  	v10 =	vmpcnt.ones.xlane vm1  }
0x98: {  	v11 =	vld [tilespmem:s0+$0xA10]  }
0x99: {  	(v2sf) =	vpush v10, $0x0;
	_ =	sdelay $0x3  }
0x9a: {  	v9 =	vadd.s32 v11, v9;
	s0 =	spop (v2sf)  }
0x9b: {  	s7 =	sadd.s32 s7, s0  }
.Ltmp4:
0x9c: {  	s0 =	sshra.s32 s8, $0x2;
	[tilespmem:s7+$0x1E00] =	vst.msk vm1, v9;
	(pc) =	sbr.rel @p1 .LBB2_3-.Ltmp4, $4  }
0x9d: {  	[tilespmem:s7+$0x2400] =	vst.msk vm1, v8  }
0x9e: {  	v9 =	vld [tilespmem:s0+$0x500]  }
0x9f: {  	v8 =	vld [tilespmem:s0+$0xA00]  }
0xa0: {  	v10 =	vld [tilespmem:s0+$0x0]  }
0xa1: {  	_ =	sdelay $0x3  }
0xa2: {  	v9 =	vsub.s32 v9, v0;
	v10 =	vshll.u32 v10, $0x3;
	s1 =	spop (v2sf)  }
0xa3: {  	vm1 =	vlt.u32 v9, $0x140;
	v8 =	vadd.s32 v8, v10;
	s31 =	sadd.s32 s7, s1  }
0xa4: {  	[tilespmem:s31+$0x1E00] =	vst.msk vm1, v8  }
0xa5: {  	[tilespmem:s31+$0x2400] =	vst.msk vm1, v9  }
0xa6: {  	v8 =	vld [tilespmem:s0+$0x510];
	_ =	sdelay $0x4  }
0xa7: {  	v60 =	vmpcnt.ones.xlane vm1;
	v8 =	vsub.s32 v8, v0  }
0xa8: {  	vm1 =	vlt.u32 v8, $0x140  }
0xa9: {  	(v2sf) =	vpush v60, $0x0;
	v61 =	vmpcnt.ones.xlane vm1;
	_ =	sdelay $0x1  }
0xaa: {  	(v2sf) =	vpush v61, $0x0;
	_ =	sdelay $0x7  }
0xab: {  	v62 =	vld [tilespmem:s0+$0x10]  }
0xac: {  	v63 =	vld [tilespmem:s0+$0xA10];
	_ =	sdelay $0x1  }
0xad: {  	p1 =	seq.s32 s30, $0x0  }
.Ltmp5:
0xae: {  	_ = 	snop;
	(pc) =	sbr.rel @p1 .LBB2_14-.Ltmp5, $4  }
0xaf: {  	v9 =	vshll.u32 v62, $0x3;
	s1 =	spop (v2sf)  }
0xb0: {  	v9 =	vadd.s32 v63, v9;
	s7 =	sadd.s32 s31, s1  }
0xb1: {  	[tilespmem:s7+$0x1E00] =	vst.msk vm1, v9;
	s0 =	spop (v2sf)  }
0xb2: {  	[tilespmem:s7+$0x2400] =	vst.msk vm1, v8;
	s9 =	sadd.s32 s7, s0  }
0xb3: {  	_ =	swait.ge [sflag:s29], $0x4000  }
0xb4: {  	[sflag:s29] =	ssyncset.done $0x0  }
0xb5: {  	s12 =	simm.s32 $0x2400;
	[sflag:s29] =	ssyncadd.s32 $0xFFFFC000  }
0xb6: {  	v8 =	vld [tilespmem:s12+$0x0];
	_ =	sdelay $0x4  }
0xb7: {  	(v2sf) =	vpush v8, $0x0;
	_ =	sdelay $0xd  }
0xb8: {  	s13 =	simm.s32 $0x0  }
0xb9: {  	s7 =	sand.u32 $0x380, s13;
	s8 =	spop (v2sf)  }
0xba: {  	s15 =	sand.u32 $0x3800, s13;
	s14 =	sshll.u32 s8, $0x8;
	s8 =	sshll.u32 s8, $0x7  }
0xbb: {  	s15 =	sor.u32 s7, s15;
	s14 =	sand.u32 $0xFFFFF800, s14;
	s16 =	sand.u32 $0x380, s8  }
0xbc: {  	v8 =	vld [tilespmem:s15+$0x2A00];
	s7 =	sor.u32 s16, s14  }
0xbd: {  	v9 =	vld [tilespmem:s7+$0xAA00];
	_ =	sdelay $0x4  }
0xbe: {  	v8 =	vadd.f32 v8, v9;
	_ =	sdelay $0x1  }
0xbf: {  	[tilespmem:s7+$0xAA00] =	vst v8;
	v8 =	vld [tilespmem:s7+$0xAA10]  }
0xc0: {  	v9 =	vld [tilespmem:s15+$0x2A10];
	_ =	sdelay $0x4  }
0xc1: {  	v8 =	vadd.f32 v9, v8;
	_ =	sdelay $0x1  }
0xc2: {  	[tilespmem:s7+$0xAA10] =	vst v8;
	v8 =	vld [tilespmem:s7+$0xAA20]  }
0xc3: {  	v9 =	vld [tilespmem:s15+$0x2A20];
	_ =	sdelay $0x4  }
0xc4: {  	v8 =	vadd.f32 v9, v8;
	_ =	sdelay $0x1  }
0xc5: {  	[tilespmem:s7+$0xAA20] =	vst v8;
	v8 =	vld [tilespmem:s7+$0xAA30]  }
0xc6: {  	v9 =	vld [tilespmem:s15+$0x2A30];
	_ =	sdelay $0x4  }
0xc7: {  	v8 =	vadd.f32 v9, v8;
	_ =	sdelay $0x1  }
0xc8: {  	[tilespmem:s7+$0xAA30] =	vst v8;
	v8 =	vld [tilespmem:s7+$0xAA40]  }
0xc9: {  	v9 =	vld [tilespmem:s15+$0x2A40];
	_ =	sdelay $0x4  }
0xca: {  	v8 =	vadd.f32 v9, v8;
	_ =	sdelay $0x1  }
0xcb: {  	[tilespmem:s7+$0xAA40] =	vst v8;
	v8 =	vld [tilespmem:s7+$0xAA50]  }
0xcc: {  	v9 =	vld [tilespmem:s15+$0x2A50];
	_ =	sdelay $0x4  }
0xcd: {  	v8 =	vadd.f32 v9, v8;
	_ =	sdelay $0x1  }
0xce: {  	[tilespmem:s7+$0xAA50] =	vst v8;
	v8 =	vld [tilespmem:s7+$0xAA60]  }
0xcf: {  	v9 =	vld [tilespmem:s15+$0x2A60];
	_ =	sdelay $0x4  }
0xd0: {  	v8 =	vadd.f32 v9, v8;
	_ =	sdelay $0x1  }
0xd1: {  	[tilespmem:s7+$0xAA60] =	vst v8;
	v8 =	vld [tilespmem:s7+$0xAA70]  }
0xd2: {  	v9 =	vld [tilespmem:s15+$0x2A70];
	_ =	sdelay $0x4  }
0xd3: {  	v8 =	vadd.f32 v9, v8;
	_ =	sdelay $0x1  }
0xd4: {  	[tilespmem:s7+$0xAA70] =	vst v8;
	v8 =	vld [tilespmem:s7+$0xAE00]  }
0xd5: {  	v9 =	vld [tilespmem:s15+$0x2E00];
	_ =	sdelay $0x4  }
0xd6: {  	v8 =	vadd.f32 v9, v8;
	_ =	sdelay $0x1  }
0xd7: {  	[tilespmem:s7+$0xAE00] =	vst v8;
	v8 =	vld [tilespmem:s7+$0xAE10]  }
0xd8: {  	v9 =	vld [tilespmem:s15+$0x2E10];
	_ =	sdelay $0x4  }
0xd9: {  	v8 =	vadd.f32 v9, v8;
	_ =	sdelay $0x1  }
0xda: {  	[tilespmem:s7+$0xAE10] =	vst v8;
	v8 =	vld [tilespmem:s7+$0xAE20]  }
0xdb: {  	v9 =	vld [tilespmem:s15+$0x2E20];
	_ =	sdelay $0x4  }
0xdc: {  	v8 =	vadd.f32 v9, v8;
	_ =	sdelay $0x1  }
0xdd: {  	[tilespmem:s7+$0xAE20] =	vst v8;
	v8 =	vld [tilespmem:s7+$0xAE30]  }
0xde: {  	v9 =	vld [tilespmem:s15+$0x2E30];
	_ =	sdelay $0x4  }
0xdf: {  	v8 =	vadd.f32 v9, v8;
	_ =	sdelay $0x1  }
0xe0: {  	[tilespmem:s7+$0xAE30] =	vst v8;
	v8 =	vld [tilespmem:s7+$0xAE40]  }
0xe1: {  	v9 =	vld [tilespmem:s15+$0x2E40];
	_ =	sdelay $0x4  }
0xe2: {  	v8 =	vadd.f32 v9, v8;
	_ =	sdelay $0x1  }
0xe3: {  	[tilespmem:s7+$0xAE40] =	vst v8;
	v8 =	vld [tilespmem:s7+$0xAE50]  }
0xe4: {  	v9 =	vld [tilespmem:s15+$0x2E50];
	_ =	sdelay $0x4  }
0xe5: {  	v8 =	vadd.f32 v9, v8;
	_ =	sdelay $0x1  }
0xe6: {  	[tilespmem:s7+$0xAE50] =	vst v8;
	v8 =	vld [tilespmem:s7+$0xAE60]  }
0xe7: {  	v9 =	vld [tilespmem:s15+$0x2E60];
	_ =	sdelay $0x4  }
0xe8: {  	v8 =	vadd.f32 v9, v8;
	_ =	sdelay $0x1  }
0xe9: {  	[tilespmem:s7+$0xAE60] =	vst v8;
	v8 =	vld [tilespmem:s7+$0xAE70]  }
0xea: {  	v9 =	vld [tilespmem:s15+$0x2E70];
	_ =	sdelay $0x4  }
0xeb: {  	s8 =	simm.s32 $0x100;
	v8 =	vadd.f32 v9, v8  }
.LBB2_6:
0xec: {  	p1 =	sne.s32 s8, $0x3F00;
	s13 =	sadd.s32 $0x80, s13;
	s12 =	sadd.s32 $0x1, s12  }
0xed: {  	[tilespmem:s7+$0xAE70] =	vst v8;
	s7 =	smov.u32 s8;
	s8 =	sadd.s32 $0x100, s8  }
0xee: {  	v8 =	vld [tilespmem:s12+$0x0];
	_ =	sdelay $0x4  }
0xef: {  	(v2sf) =	vpush v8, $0x0;
	_ =	sdelay $0xe  }
0xf0: {  	s14 =	sand.u32 $0x380, s13;
	s15 =	spop (v2sf)  }
0xf1: {  	s7 =	sand.u32 $0x3800, s7;
	s16 =	sshll.u32 s15, $0x8;
	s15 =	sshll.u32 s15, $0x7  }
0xf2: {  	s14 =	sor.u32 s14, s7;
	s16 =	sand.u32 $0xFFFFF800, s16;
	s15 =	sand.u32 $0x380, s15  }
0xf3: {  	s7 =	sor.u32 s15, s16;
	v8 =	vld [tilespmem:s14+$0x2A00]  }
0xf4: {  	v9 =	vld [tilespmem:s7+$0xAA00];
	_ =	sdelay $0x4  }
0xf5: {  	v8 =	vadd.f32 v8, v9;
	_ =	sdelay $0x1  }
0xf6: {  	[tilespmem:s7+$0xAA00] =	vst v8;
	v8 =	vld [tilespmem:s7+$0xAA10]  }
0xf7: {  	v9 =	vld [tilespmem:s14+$0x2A10];
	_ =	sdelay $0x4  }
0xf8: {  	v8 =	vadd.f32 v9, v8;
	_ =	sdelay $0x1  }
0xf9: {  	[tilespmem:s7+$0xAA10] =	vst v8;
	v8 =	vld [tilespmem:s7+$0xAA20]  }
0xfa: {  	v9 =	vld [tilespmem:s14+$0x2A20];
	_ =	sdelay $0x4  }
0xfb: {  	v8 =	vadd.f32 v9, v8;
	_ =	sdelay $0x1  }
0xfc: {  	[tilespmem:s7+$0xAA20] =	vst v8;
	v8 =	vld [tilespmem:s7+$0xAA30]  }
0xfd: {  	v9 =	vld [tilespmem:s14+$0x2A30];
	_ =	sdelay $0x4  }
0xfe: {  	v8 =	vadd.f32 v9, v8;
	_ =	sdelay $0x1  }
0xff: {  	[tilespmem:s7+$0xAA30] =	vst v8;
	v8 =	vld [tilespmem:s7+$0xAA40]  }
0x100: {  	v9 =	vld [tilespmem:s14+$0x2A40];
	_ =	sdelay $0x4  }
0x101: {  	v8 =	vadd.f32 v9, v8;
	_ =	sdelay $0x1  }
0x102: {  	[tilespmem:s7+$0xAA40] =	vst v8;
	v8 =	vld [tilespmem:s7+$0xAA50]  }
0x103: {  	v9 =	vld [tilespmem:s14+$0x2A50];
	_ =	sdelay $0x4  }
0x104: {  	v8 =	vadd.f32 v9, v8;
	_ =	sdelay $0x1  }
0x105: {  	[tilespmem:s7+$0xAA50] =	vst v8;
	v8 =	vld [tilespmem:s7+$0xAA60]  }
0x106: {  	v9 =	vld [tilespmem:s14+$0x2A60];
	_ =	sdelay $0x4  }
0x107: {  	v8 =	vadd.f32 v9, v8;
	_ =	sdelay $0x1  }
0x108: {  	[tilespmem:s7+$0xAA60] =	vst v8;
	v8 =	vld [tilespmem:s7+$0xAA70]  }
0x109: {  	v9 =	vld [tilespmem:s14+$0x2A70];
	_ =	sdelay $0x4  }
0x10a: {  	v8 =	vadd.f32 v9, v8;
	_ =	sdelay $0x1  }
0x10b: {  	[tilespmem:s7+$0xAA70] =	vst v8;
	v8 =	vld [tilespmem:s7+$0xAE00]  }
0x10c: {  	v9 =	vld [tilespmem:s14+$0x2E00];
	_ =	sdelay $0x4  }
0x10d: {  	v8 =	vadd.f32 v9, v8;
	_ =	sdelay $0x1  }
0x10e: {  	[tilespmem:s7+$0xAE00] =	vst v8;
	v8 =	vld [tilespmem:s7+$0xAE10]  }
0x10f: {  	v9 =	vld [tilespmem:s14+$0x2E10];
	_ =	sdelay $0x4  }
0x110: {  	v8 =	vadd.f32 v9, v8;
	_ =	sdelay $0x1  }
0x111: {  	[tilespmem:s7+$0xAE10] =	vst v8;
	v8 =	vld [tilespmem:s7+$0xAE20]  }
0x112: {  	v9 =	vld [tilespmem:s14+$0x2E20];
	_ =	sdelay $0x4  }
0x113: {  	v8 =	vadd.f32 v9, v8;
	_ =	sdelay $0x1  }
0x114: {  	[tilespmem:s7+$0xAE20] =	vst v8;
	v8 =	vld [tilespmem:s7+$0xAE30]  }
0x115: {  	v9 =	vld [tilespmem:s14+$0x2E30];
	_ =	sdelay $0x4  }
0x116: {  	v8 =	vadd.f32 v9, v8;
	_ =	sdelay $0x1  }
0x117: {  	[tilespmem:s7+$0xAE30] =	vst v8;
	v8 =	vld [tilespmem:s7+$0xAE40]  }
0x118: {  	v9 =	vld [tilespmem:s14+$0x2E40];
	_ =	sdelay $0x4  }
0x119: {  	v8 =	vadd.f32 v9, v8;
	_ =	sdelay $0x1  }
0x11a: {  	[tilespmem:s7+$0xAE40] =	vst v8;
	v8 =	vld [tilespmem:s7+$0xAE50]  }
0x11b: {  	v9 =	vld [tilespmem:s14+$0x2E50];
	_ =	sdelay $0x4  }
0x11c: {  	v8 =	vadd.f32 v9, v8;
	_ =	sdelay $0x1  }
0x11d: {  	[tilespmem:s7+$0xAE50] =	vst v8;
	v8 =	vld [tilespmem:s7+$0xAE60]  }
0x11e: {  	v9 =	vld [tilespmem:s14+$0x2E60];
	_ =	sdelay $0x4  }
0x11f: {  	v8 =	vadd.f32 v9, v8;
	_ =	sdelay $0x1  }
0x120: {  	[tilespmem:s7+$0xAE60] =	vst v8;
	v8 =	vld [tilespmem:s7+$0xAE70]  }
0x121: {  	v9 =	vld [tilespmem:s14+$0x2E70]  }
.Ltmp6:
0x122: {  	(pc) =	sbr.rel @p1 .LBB2_6-.Ltmp6, $2  }
0x123: {  	_ =	sdelay $0x2  }
0x124: {  	v8 =	vadd.f32 v9, v8  }
0x125: {  	s8 =	sadd.s32 $0xFFFFFFCF, s9  }
0x126: {  	s12 =	sand.u32 $0xF, s8  }
0x127: {  	s13 =	sshra.s32 s8, $0x1F;
	p1 =	slt.s32 s8, $0x1;
	p2 =	sne.s32 s12, $0x0  }
0x128: {  	s16 =	sshrl.u32 s13, $0x1C;
	p1 =	por !p1, !p2  }
0x129: {  	s12 =	simm.s32 $0x1;
	s8 =	sadd.s32 s16, s8;
	p1 =	por !p1, !p1  }
0x12a: {  	s8 =	sshra.s32 s8, $0x4;
	s12 =	simm.s32 @!p1 $0x0  }
0x12b: {  	s12 =	ssub.s32 s8, s12  }
0x12c: {  	p1 =	slt.s32 s12, $0x1  }
.Ltmp7:
0x12d: {  	_ = 	snop;
	(pc) =	sbr.rel @p1 .LBB2_14-.Ltmp7, $2  }
0x12e: {  	_ =	sdelay $0x2  }
0x12f: {  	[tilespmem:s7+$0xAE70] =	vst v8  }
0x130: {  	p2 =	sne.s32 s12, $0x1  }
.Ltmp8:
0x131: {  	_ = 	snop;
	(pc) =	sbr.rel @!p2 .LBB2_9-.Ltmp8, $3  }
0x132: {  	_ =	sdelay $0x1  }
0x133: {  	s8 =	simm.s32 $0x1E40  }
0x134: {  	s7 =	simm.s32 $0x2440;
	s12 =	sadd.s32 $0xFFFFFFFF, s12;
	p1 =	por $0x0, $0x0;
	v8 =	vld [tilespmem:s8+$0x0]  }
0x135: {  	_ =	sdelay $0x3  }
0x136: {  	[tilespmem:s8+$0xFFFFFFC0] =	vst v8  }
0x137: {  	v8 =	vld [tilespmem:s7+$0x0]  }
0x138: {  	p2 =	sne.s32 s12, $0x1  }
.Ltmp9:
0x139: {  	_ = 	snop;
	(pc) =	sbr.rel @!p2 .LBB2_11-.Ltmp9, $3  }
0x13a: {  	_ =	sdelay $0x1  }
0x13b: {  	s8 =	simm.s32 $0x1E50;
	[tilespmem:s7+$0xFFFFFFC0] =	vst v8  }
0x13c: {  	s13 =	sadd.s32 $0xFFFFFFFF, s12;
	p1 =	por $0x1, $0x1;
	s12 =	simm.s32 $0x2440;
	v8 =	vld [tilespmem:s8+$0x0]  }
.LBB2_12:
0x13d: {  	p2 =	sne.s32 s13, $0x1;
	_ =	sdelay $0x3  }
0x13e: {  	s12 =	sadd.s32 $0x10, s12;
	[tilespmem:s8+$0xFFFFFFC0] =	vst v8  }
0x13f: {  	v8 =	vld [tilespmem:s12+$0x0];
	_ =	sdelay $0x1  }
.Ltmp10:
0x140: {  	(pc) =	sbr.rel @p2 .LBB2_12-.Ltmp10, $3  }
0x141: {  	_ =	sdelay $0x1  }
0x142: {  	s8 =	sadd.s32 $0x10, s8;
	[tilespmem:s12+$0xFFFFFFC0] =	vst v8  }
0x143: {  	s13 =	sadd.s32 $0xFFFFFFFF, s13;
	v8 =	vld [tilespmem:s8+$0x0]  }
.LBB2_13:
0x144: {  	_ =	sdelay $0x2  }
0x145: {  	s12 =	sadd.s32 @p1 $0x10, s12  }
0x146: {  	s7 =	smov.u32 @p1 s12;
	[tilespmem:s8+$0xFFFFFFC0] =	vst v8  }
0x147: {  	v8 =	vld [tilespmem:s7+$0x0];
	_ =	sdelay $0x4  }
0x148: {  	[tilespmem:s7+$0xFFFFFFC0] =	vst v8  }
.LBB2_14:
0x149: {  	s7 =	sshll.u32 s30, $0x6  }
0x14a: {  	s9 =	ssub.s32 s9, s7  }
0x14b: {  	p1 =	slt.s32 s9, $0x80  }
.Ltmp11:
0x14c: {  	_ = 	snop;
	(pc) =	sbr.rel @p1 .LBB2_15-.Ltmp11, $1  }
0x14d: {  	_ =	sdelay $0x3  }
0x14e: {  	s1 =	ssub.s32 s1, s7  }
0x14f: {  	s0 =	sadd.s32 s0, s1  }
0x150: {  	s0 =	sadd.s32 s31, s0  }
0x151: {  	s30 =	sadd.s32 $0xFFFFFFCF, s0  }
.LBB2_17:
0x152: {  	v8 =	vld [tilespmem:$0x1E00];
	_ =	sdelay $0x4  }
0x153: {  	v9 =	vshll.u32 v8, $0x1  }
0x154: {  	v8 =	vand.u32 $0x7, v8;
	v9 =	vand.u32 $0xFFFFFFF0, v9  }
0x155: {  	v8 =	vor.u32 v8, v9  }
0x156: {  	v9 =	vperm.xlane v8, v1;
	_ =	sdelay $0x1  }
0x157: {  	v8 =	vperm.xlane v8, v4;
	v9 =	vadd.s32 v3, v9;
	_ =	sdelay $0x1  }
0x158: {  	v8 =	vadd.s32 v3, v8;
	_ =	sdelay $0x1  }
0x159: {  	s0 =	simm.s32 $0x0  }
0x15a: {  	[tilespmem:s18], [sflag:$0x2] =	stream.indirect_vreg.gather [hbm4b:s3+s0], $0x80, v9, vm0, $0xb8;
	[tilespmem:$0x1F200] =	vst v63  }
0x15b: {  	_ = 	snop  }
0x15c: {  	[tilespmem:s19], [sflag:$0x2] =	stream.indirect_vreg.gather [hbm4b:s3+s0], $0x80, v8, vm0, $0xb8;
	[tilespmem:$0x1F200] =	vst v63  }
0x15d: {  	v8 =	vld [tilespmem:$0x1E10];
	_ =	sdelay $0x4  }
0x15e: {  	v9 =	vshll.u32 v8, $0x1  }
0x15f: {  	v8 =	vand.u32 $0x7, v8;
	v9 =	vand.u32 $0xFFFFFFF0, v9  }
0x160: {  	v8 =	vor.u32 v8, v9  }
0x161: {  	v9 =	vperm.xlane v8, v1;
	_ =	sdelay $0x1  }
0x162: {  	v8 =	vperm.xlane v8, v4;
	v9 =	vadd.s32 v3, v9;
	_ =	sdelay $0x1  }
0x163: {  	v8 =	vadd.s32 v3, v8;
	_ =	sdelay $0x2  }
0x164: {  	[tilespmem:s20], [sflag:$0x2] =	stream.indirect_vreg.gather [hbm4b:s3+s0], $0x80, v9, vm0, $0xb8;
	[tilespmem:$0x1F200] =	vst v63  }
0x165: {  	_ = 	snop  }
0x166: {  	[tilespmem:s21], [sflag:$0x2] =	stream.indirect_vreg.gather [hbm4b:s3+s0], $0x80, v8, vm0, $0xb8;
	[tilespmem:$0x1F200] =	vst v63  }
0x167: {  	v8 =	vld [tilespmem:$0x1E20];
	_ =	sdelay $0x4  }
0x168: {  	v9 =	vshll.u32 v8, $0x1  }
0x169: {  	v8 =	vand.u32 $0x7, v8;
	v9 =	vand.u32 $0xFFFFFFF0, v9  }
0x16a: {  	v8 =	vor.u32 v8, v9  }
0x16b: {  	v9 =	vperm.xlane v8, v1;
	_ =	sdelay $0x1  }
0x16c: {  	v8 =	vperm.xlane v8, v4;
	v9 =	vadd.s32 v3, v9;
	_ =	sdelay $0x1  }
0x16d: {  	v8 =	vadd.s32 v3, v8;
	_ =	sdelay $0x2  }
0x16e: {  	[tilespmem:s22], [sflag:$0x2] =	stream.indirect_vreg.gather [hbm4b:s3+s0], $0x80, v9, vm0, $0xb8;
	[tilespmem:$0x1F200] =	vst v63  }
0x16f: {  	_ = 	snop  }
0x170: {  	[tilespmem:s23], [sflag:$0x2] =	stream.indirect_vreg.gather [hbm4b:s3+s0], $0x80, v8, vm0, $0xb8;
	[tilespmem:$0x1F200] =	vst v63  }
0x171: {  	v8 =	vld [tilespmem:$0x1E30];
	_ =	sdelay $0x4  }
0x172: {  	v9 =	vshll.u32 v8, $0x1  }
0x173: {  	v8 =	vand.u32 $0x7, v8;
	v9 =	vand.u32 $0xFFFFFFF0, v9  }
0x174: {  	v8 =	vor.u32 v8, v9  }
0x175: {  	v9 =	vperm.xlane v8, v1;
	_ =	sdelay $0x1  }
0x176: {  	v8 =	vperm.xlane v8, v4;
	v9 =	vadd.s32 v3, v9;
	_ =	sdelay $0x1  }
0x177: {  	v8 =	vadd.s32 v3, v8;
	_ =	sdelay $0x2  }
0x178: {  	[tilespmem:s24], [sflag:$0x2] =	stream.indirect_vreg.gather [hbm4b:s3+s0], $0x80, v9, vm0, $0xb8;
	[tilespmem:$0x1F200] =	vst v63  }
0x179: {  	_ = 	snop  }
0x17a: {  	[tilespmem:s25], [sflag:$0x2] =	stream.indirect_vreg.gather [hbm4b:s3+s0], $0x80, v8, vm0, $0xb8;
	[tilespmem:$0x1F200] =	vst v63  }
0x17b: {  	_ =	swait.ge [sflag:s26], $0x4000  }
0x17c: {  	[sflag:s26] =	ssyncset.done $0x0  }
0x17d: {  	s1 =	simm.s32 $0x2400;
	[sflag:s26] =	ssyncadd.s32 $0xFFFFC000  }
0x17e: {  	v8 =	vld [tilespmem:s1+$0x0];
	_ =	sdelay $0x4  }
0x17f: {  	(v2sf) =	vpush v8, $0x0;
	_ =	sdelay $0xe  }
0x180: {  	s7 =	sand.u32 $0x380, s0;
	s8 =	spop (v2sf)  }
0x181: {  	s13 =	sand.u32 $0x3800, s0;
	s12 =	sshll.u32 s8, $0x8;
	s8 =	sshll.u32 s8, $0x7  }
0x182: {  	s31 =	sor.u32 s7, s13;
	s12 =	sand.u32 $0xFFFFF800, s12;
	s14 =	sand.u32 $0x380, s8  }
0x183: {  	v8 =	vld [tilespmem:s31+$0x6A00];
	s7 =	sor.u32 s14, s12  }
0x184: {  	v9 =	vld [tilespmem:s7+$0xAA00];
	_ =	sdelay $0x4  }
0x185: {  	v8 =	vadd.f32 v8, v9;
	_ =	sdelay $0x1  }
0x186: {  	[tilespmem:s7+$0xAA00] =	vst v8;
	v8 =	vld [tilespmem:s7+$0xAA10]  }
0x187: {  	v9 =	vld [tilespmem:s31+$0x6A10];
	_ =	sdelay $0x4  }
0x188: {  	v8 =	vadd.f32 v9, v8;
	_ =	sdelay $0x1  }
0x189: {  	[tilespmem:s7+$0xAA10] =	vst v8;
	v8 =	vld [tilespmem:s7+$0xAA20]  }
0x18a: {  	v9 =	vld [tilespmem:s31+$0x6A20];
	_ =	sdelay $0x4  }
0x18b: {  	v8 =	vadd.f32 v9, v8;
	_ =	sdelay $0x1  }
0x18c: {  	[tilespmem:s7+$0xAA20] =	vst v8;
	v8 =	vld [tilespmem:s7+$0xAA30]  }
0x18d: {  	v9 =	vld [tilespmem:s31+$0x6A30];
	_ =	sdelay $0x4  }
0x18e: {  	v8 =	vadd.f32 v9, v8;
	_ =	sdelay $0x1  }
0x18f: {  	[tilespmem:s7+$0xAA30] =	vst v8;
	v8 =	vld [tilespmem:s7+$0xAA40]  }
0x190: {  	v9 =	vld [tilespmem:s31+$0x6A40];
	_ =	sdelay $0x4  }
0x191: {  	v8 =	vadd.f32 v9, v8;
	_ =	sdelay $0x1  }
0x192: {  	[tilespmem:s7+$0xAA40] =	vst v8;
	v8 =	vld [tilespmem:s7+$0xAA50]  }
0x193: {  	v9 =	vld [tilespmem:s31+$0x6A50];
	_ =	sdelay $0x4  }
0x194: {  	v8 =	vadd.f32 v9, v8;
	_ =	sdelay $0x1  }
0x195: {  	[tilespmem:s7+$0xAA50] =	vst v8;
	v8 =	vld [tilespmem:s7+$0xAA60]  }
0x196: {  	v9 =	vld [tilespmem:s31+$0x6A60];
	_ =	sdelay $0x4  }
0x197: {  	v8 =	vadd.f32 v9, v8;
	_ =	sdelay $0x1  }
0x198: {  	[tilespmem:s7+$0xAA60] =	vst v8;
	v8 =	vld [tilespmem:s7+$0xAA70]  }
0x199: {  	v9 =	vld [tilespmem:s31+$0x6A70];
	_ =	sdelay $0x4  }
0x19a: {  	v8 =	vadd.f32 v9, v8;
	_ =	sdelay $0x1  }
0x19b: {  	[tilespmem:s7+$0xAA70] =	vst v8;
	v8 =	vld [tilespmem:s7+$0xAE00]  }
0x19c: {  	v9 =	vld [tilespmem:s31+$0x6E00];
	_ =	sdelay $0x4  }
0x19d: {  	v8 =	vadd.f32 v9, v8;
	_ =	sdelay $0x1  }
0x19e: {  	[tilespmem:s7+$0xAE00] =	vst v8;
	v8 =	vld [tilespmem:s7+$0xAE10]  }
0x19f: {  	v9 =	vld [tilespmem:s31+$0x6E10];
	_ =	sdelay $0x4  }
0x1a0: {  	v8 =	vadd.f32 v9, v8;
	_ =	sdelay $0x1  }
0x1a1: {  	[tilespmem:s7+$0xAE10] =	vst v8;
	v8 =	vld [tilespmem:s7+$0xAE20]  }
0x1a2: {  	v9 =	vld [tilespmem:s31+$0x6E20];
	_ =	sdelay $0x4  }
0x1a3: {  	v8 =	vadd.f32 v9, v8;
	_ =	sdelay $0x1  }
0x1a4: {  	[tilespmem:s7+$0xAE20] =	vst v8;
	v8 =	vld [tilespmem:s7+$0xAE30]  }
0x1a5: {  	v9 =	vld [tilespmem:s31+$0x6E30];
	_ =	sdelay $0x4  }
0x1a6: {  	v8 =	vadd.f32 v9, v8;
	_ =	sdelay $0x1  }
0x1a7: {  	[tilespmem:s7+$0xAE30] =	vst v8;
	v8 =	vld [tilespmem:s7+$0xAE40]  }
0x1a8: {  	v9 =	vld [tilespmem:s31+$0x6E40];
	_ =	sdelay $0x4  }
0x1a9: {  	v8 =	vadd.f32 v9, v8;
	_ =	sdelay $0x1  }
0x1aa: {  	[tilespmem:s7+$0xAE40] =	vst v8;
	v8 =	vld [tilespmem:s7+$0xAE50]  }
0x1ab: {  	v9 =	vld [tilespmem:s31+$0x6E50];
	_ =	sdelay $0x4  }
0x1ac: {  	v8 =	vadd.f32 v9, v8;
	_ =	sdelay $0x1  }
0x1ad: {  	[tilespmem:s7+$0xAE50] =	vst v8;
	v8 =	vld [tilespmem:s7+$0xAE60]  }
0x1ae: {  	v9 =	vld [tilespmem:s31+$0x6E60];
	_ =	sdelay $0x4  }
0x1af: {  	v8 =	vadd.f32 v9, v8;
	_ =	sdelay $0x1  }
0x1b0: {  	[tilespmem:s7+$0xAE60] =	vst v8;
	v8 =	vld [tilespmem:s7+$0xAE70]  }
0x1b1: {  	v9 =	vld [tilespmem:s31+$0x6E70];
	_ =	sdelay $0x4  }
0x1b2: {  	s8 =	simm.s32 $0x100;
	s12 =	sshrl.u32 s30, $0x4;
	v8 =	vadd.f32 v9, v8  }
.LBB2_18:
0x1b3: {  	p1 =	sne.s32 s8, $0x3F00;
	s0 =	sadd.s32 $0x80, s0;
	s1 =	sadd.s32 $0x1, s1  }
0x1b4: {  	[tilespmem:s7+$0xAE70] =	vst v8;
	s7 =	smov.u32 s8;
	s8 =	sadd.s32 $0x100, s8  }
0x1b5: {  	v8 =	vld [tilespmem:s1+$0x0];
	_ =	sdelay $0x4  }
0x1b6: {  	(v2sf) =	vpush v8, $0x0;
	_ =	sdelay $0xe  }
0x1b7: {  	s13 =	sand.u32 $0x380, s0;
	s14 =	spop (v2sf)  }
0x1b8: {  	s7 =	sand.u32 $0x3800, s7;
	s15 =	sshll.u32 s14, $0x8;
	s14 =	sshll.u32 s14, $0x7  }
0x1b9: {  	s13 =	sor.u32 s13, s7;
	s15 =	sand.u32 $0xFFFFF800, s15;
	s14 =	sand.u32 $0x380, s14  }
0x1ba: {  	s7 =	sor.u32 s14, s15;
	v8 =	vld [tilespmem:s13+$0x6A00]  }
0x1bb: {  	v9 =	vld [tilespmem:s7+$0xAA00];
	_ =	sdelay $0x4  }
0x1bc: {  	v8 =	vadd.f32 v8, v9;
	_ =	sdelay $0x1  }
0x1bd: {  	[tilespmem:s7+$0xAA00] =	vst v8;
	v8 =	vld [tilespmem:s7+$0xAA10]  }
0x1be: {  	v9 =	vld [tilespmem:s13+$0x6A10];
	_ =	sdelay $0x4  }
0x1bf: {  	v8 =	vadd.f32 v9, v8;
	_ =	sdelay $0x1  }
0x1c0: {  	[tilespmem:s7+$0xAA10] =	vst v8;
	v8 =	vld [tilespmem:s7+$0xAA20]  }
0x1c1: {  	v9 =	vld [tilespmem:s13+$0x6A20];
	_ =	sdelay $0x4  }
0x1c2: {  	v8 =	vadd.f32 v9, v8;
	_ =	sdelay $0x1  }
0x1c3: {  	[tilespmem:s7+$0xAA20] =	vst v8;
	v8 =	vld [tilespmem:s7+$0xAA30]  }
0x1c4: {  	v9 =	vld [tilespmem:s13+$0x6A30];
	_ =	sdelay $0x4  }
0x1c5: {  	v8 =	vadd.f32 v9, v8;
	_ =	sdelay $0x1  }
0x1c6: {  	[tilespmem:s7+$0xAA30] =	vst v8;
	v8 =	vld [tilespmem:s7+$0xAA40]  }
0x1c7: {  	v9 =	vld [tilespmem:s13+$0x6A40];
	_ =	sdelay $0x4  }
0x1c8: {  	v8 =	vadd.f32 v9, v8;
	_ =	sdelay $0x1  }
0x1c9: {  	[tilespmem:s7+$0xAA40] =	vst v8;
	v8 =	vld [tilespmem:s7+$0xAA50]  }
0x1ca: {  	v9 =	vld [tilespmem:s13+$0x6A50];
	_ =	sdelay $0x4  }
0x1cb: {  	v8 =	vadd.f32 v9, v8;
	_ =	sdelay $0x1  }
0x1cc: {  	[tilespmem:s7+$0xAA50] =	vst v8;
	v8 =	vld [tilespmem:s7+$0xAA60]  }
0x1cd: {  	v9 =	vld [tilespmem:s13+$0x6A60];
	_ =	sdelay $0x4  }
0x1ce: {  	v8 =	vadd.f32 v9, v8;
	_ =	sdelay $0x1  }
0x1cf: {  	[tilespmem:s7+$0xAA60] =	vst v8;
	v8 =	vld [tilespmem:s7+$0xAA70]  }
0x1d0: {  	v9 =	vld [tilespmem:s13+$0x6A70];
	_ =	sdelay $0x4  }
0x1d1: {  	v8 =	vadd.f32 v9, v8;
	_ =	sdelay $0x1  }
0x1d2: {  	[tilespmem:s7+$0xAA70] =	vst v8;
	v8 =	vld [tilespmem:s7+$0xAE00]  }
0x1d3: {  	v9 =	vld [tilespmem:s13+$0x6E00];
	_ =	sdelay $0x4  }
0x1d4: {  	v8 =	vadd.f32 v9, v8;
	_ =	sdelay $0x1  }
0x1d5: {  	[tilespmem:s7+$0xAE00] =	vst v8;
	v8 =	vld [tilespmem:s7+$0xAE10]  }
0x1d6: {  	v9 =	vld [tilespmem:s13+$0x6E10];
	_ =	sdelay $0x4  }
0x1d7: {  	v8 =	vadd.f32 v9, v8;
	_ =	sdelay $0x1  }
0x1d8: {  	[tilespmem:s7+$0xAE10] =	vst v8;
	v8 =	vld [tilespmem:s7+$0xAE20]  }
0x1d9: {  	v9 =	vld [tilespmem:s13+$0x6E20];
	_ =	sdelay $0x4  }
0x1da: {  	v8 =	vadd.f32 v9, v8;
	_ =	sdelay $0x1  }
0x1db: {  	[tilespmem:s7+$0xAE20] =	vst v8;
	v8 =	vld [tilespmem:s7+$0xAE30]  }
0x1dc: {  	v9 =	vld [tilespmem:s13+$0x6E30];
	_ =	sdelay $0x4  }
0x1dd: {  	v8 =	vadd.f32 v9, v8;
	_ =	sdelay $0x1  }
0x1de: {  	[tilespmem:s7+$0xAE30] =	vst v8;
	v8 =	vld [tilespmem:s7+$0xAE40]  }
0x1df: {  	v9 =	vld [tilespmem:s13+$0x6E40];
	_ =	sdelay $0x4  }
0x1e0: {  	v8 =	vadd.f32 v9, v8;
	_ =	sdelay $0x1  }
0x1e1: {  	[tilespmem:s7+$0xAE40] =	vst v8;
	v8 =	vld [tilespmem:s7+$0xAE50]  }
0x1e2: {  	v9 =	vld [tilespmem:s13+$0x6E50];
	_ =	sdelay $0x4  }
0x1e3: {  	v8 =	vadd.f32 v9, v8;
	_ =	sdelay $0x1  }
0x1e4: {  	[tilespmem:s7+$0xAE50] =	vst v8;
	v8 =	vld [tilespmem:s7+$0xAE60]  }
0x1e5: {  	v9 =	vld [tilespmem:s13+$0x6E60];
	_ =	sdelay $0x4  }
0x1e6: {  	v8 =	vadd.f32 v9, v8;
	_ =	sdelay $0x1  }
0x1e7: {  	[tilespmem:s7+$0xAE60] =	vst v8;
	v8 =	vld [tilespmem:s7+$0xAE70]  }
0x1e8: {  	v9 =	vld [tilespmem:s13+$0x6E70]  }
.Ltmp12:
0x1e9: {  	(pc) =	sbr.rel @p1 .LBB2_18-.Ltmp12, $2  }
0x1ea: {  	_ =	sdelay $0x2  }
0x1eb: {  	v8 =	vadd.f32 v9, v8  }
0x1ec: {  	p2 =	sne.s32 s12, $0x1  }
.Ltmp13:
0x1ed: {  	_ = 	snop;
	(pc) =	sbr.rel @!p2 .LBB2_20-.Ltmp13, $3  }
0x1ee: {  	_ =	sdelay $0x1  }
0x1ef: {  	s0 =	simm.s32 $0x1E40;
	[tilespmem:s7+$0xAE70] =	vst v8  }
0x1f0: {  	s1 =	simm.s32 $0x2440;
	p1 =	por $0x0, $0x0;
	s7 =	sadd.s32 $0xFFFFFFFF, s12;
	v8 =	vld [tilespmem:s0+$0x0]  }
0x1f1: {  	_ =	sdelay $0x3  }
0x1f2: {  	[tilespmem:s0+$0xFFFFFFC0] =	vst v8  }
0x1f3: {  	v8 =	vld [tilespmem:s1+$0x0]  }
0x1f4: {  	p2 =	sne.s32 s7, $0x1  }
.Ltmp14:
0x1f5: {  	_ = 	snop;
	(pc) =	sbr.rel @!p2 .LBB2_22-.Ltmp14, $3  }
0x1f6: {  	_ =	sdelay $0x1  }
0x1f7: {  	s0 =	simm.s32 $0x1E50;
	[tilespmem:s1+$0xFFFFFFC0] =	vst v8  }
0x1f8: {  	s8 =	sadd.s32 $0xFFFFFFFF, s7;
	p1 =	por $0x1, $0x1;
	s7 =	simm.s32 $0x2440;
	v8 =	vld [tilespmem:s0+$0x0]  }
.LBB2_23:
0x1f9: {  	p2 =	sne.s32 s8, $0x1;
	_ =	sdelay $0x3  }
0x1fa: {  	s7 =	sadd.s32 $0x10, s7;
	[tilespmem:s0+$0xFFFFFFC0] =	vst v8  }
0x1fb: {  	v8 =	vld [tilespmem:s7+$0x0];
	_ =	sdelay $0x1  }
.Ltmp15:
0x1fc: {  	(pc) =	sbr.rel @p2 .LBB2_23-.Ltmp15, $3  }
0x1fd: {  	_ =	sdelay $0x1  }
0x1fe: {  	s0 =	sadd.s32 $0x10, s0;
	[tilespmem:s7+$0xFFFFFFC0] =	vst v8  }
0x1ff: {  	s8 =	sadd.s32 $0xFFFFFFFF, s8;
	v8 =	vld [tilespmem:s0+$0x0]  }
.LBB2_24:
0x200: {  	_ =	sdelay $0x2  }
0x201: {  	s7 =	sadd.s32 @p1 $0x10, s7  }
0x202: {  	s1 =	smov.u32 @p1 s7;
	[tilespmem:s0+$0xFFFFFFC0] =	vst v8  }
0x203: {  	p1 =	sgt.s32 s9, $0xBF;
	v8 =	vld [tilespmem:s1+$0x0]  }
.Ltmp16:
0x204: {  	_ = 	snop;
	(pc) =	sbr.rel @p1 .LBB2_17-.Ltmp16, $4  }
.Ltmp17:
0x205: {  	_ = 	snop;
	(pc) =	sbr.rel @!p1 .LBB2_25-.Ltmp17, $4  }
0x206: {  	_ = 	snop  }
0x207: {  	s0 =	sadd.s32 $0xFFFFFFC0, s9  }
0x208: {  	s30 =	sadd.s32 $0xFFFFFFC0, s30;
	s9 =	smov.u32 s0;
	[tilespmem:s1+$0xFFFFFFC0] =	vst v8  }
0x209: {  	_ = 	snop  }
.LBB2_20:
.Ltmp18:
0x20a: {  	(pc) =	sbr.rel .LBB2_24-.Ltmp18, $2  }
0x20b: {  	_ =	sdelay $0x2  }
0x20c: {  	s7 =	simm.s32 $0x2440  }
.LBB2_22:
.Ltmp19:
0x20d: {  	(pc) =	sbr.rel .LBB2_24-.Ltmp19, $2  }
0x20e: {  	_ =	sdelay $0x2  }
0x20f: {  	s7 =	simm.s32 $0x2440  }
.LBB2_15:
0x210: {  	s0 =	smov.u32 s9  }
.LBB2_25:
0x211: {  	p1 =	slt.s32 s0, $0x40  }
0x212: {  	v8 =	vld @!p1 [tilespmem:$0x1E00];
	_ =	sdelay $0x4  }
0x213: {  	v9 =	vshll.u32 @!p1 v8, $0x1  }
0x214: {  	v10 =	vlaneseq.u32 @!p1;
	v8 =	vand.u32 @!p1 $0x7, v8;
	v9 =	vand.u32 @!p1 $0xFFFFFFF0, v9  }
0x215: {  	v11 =	vshrl.u32 @!p1 v10, $0x3;
	v8 =	vor.u32 @!p1 v8, v9;
	v9 =	vand.u32 @!p1 $0x7, v10  }
0x216: {  	v11 =	vmul.u32 @!p1 $0x8, v11;
	v12 =	vperm.xlane @!p1 v8, v9  }
0x217: {  	v10 =	vor.u32 @!p1 $0x8, v10  }
0x218: {  	v8 =	vperm.xlane @!p1 v8, v10;
	v12 =	vadd.s32 @!p1 v11, v12;
	_ =	sdelay $0x1  }
0x219: {  	v8 =	vadd.s32 @!p1 v11, v8;
	_ =	sdelay $0x1  }
0x21a: {  	vm1 =	vmmov @!p1 $0xffff;
	s1 =	simm.s32 @!p1 $0x0;
	s7 =	simm.s32 @!p1 $0x2A00  }
0x21b: {  	[tilespmem:s7], [sflag:$0x1] =	stream.indirect_vreg.gather @!p1 [hbm4b:s3+s1], $0x80, v12, vm1, $0xb8;
	[tilespmem:$0x1F200] =	vst v63  }
0x21c: {  	s7 =	simm.s32 @!p1 $0x3200  }
0x21d: {  	[tilespmem:s7], [sflag:$0x1] =	stream.indirect_vreg.gather @!p1 [hbm4b:s3+s1], $0x80, v8, vm1, $0xb8;
	[tilespmem:$0x1F200] =	vst v63  }
0x21e: {  	v8 =	vld @!p1 [tilespmem:$0x1E10];
	_ =	sdelay $0x4  }
0x21f: {  	v12 =	vshll.u32 @!p1 v8, $0x1  }
0x220: {  	v8 =	vand.u32 @!p1 $0x7, v8;
	v12 =	vand.u32 @!p1 $0xFFFFFFF0, v12  }
0x221: {  	v8 =	vor.u32 @!p1 v8, v12  }
0x222: {  	v12 =	vperm.xlane @!p1 v8, v9;
	_ =	sdelay $0x1  }
0x223: {  	v8 =	vperm.xlane @!p1 v8, v10;
	v12 =	vadd.s32 @!p1 v11, v12;
	_ =	sdelay $0x1  }
0x224: {  	v8 =	vadd.s32 @!p1 v11, v8;
	_ =	sdelay $0x1  }
0x225: {  	s7 =	simm.s32 @!p1 $0x3A00  }
0x226: {  	[tilespmem:s7], [sflag:$0x1] =	stream.indirect_vreg.gather @!p1 [hbm4b:s3+s1], $0x80, v12, vm1, $0xb8;
	[tilespmem:$0x1F200] =	vst v63  }
0x227: {  	s7 =	simm.s32 @!p1 $0x4200  }
0x228: {  	[tilespmem:s7], [sflag:$0x1] =	stream.indirect_vreg.gather @!p1 [hbm4b:s3+s1], $0x80, v8, vm1, $0xb8;
	[tilespmem:$0x1F200] =	vst v63  }
0x229: {  	v8 =	vld @!p1 [tilespmem:$0x1E20];
	_ =	sdelay $0x4  }
0x22a: {  	v12 =	vshll.u32 @!p1 v8, $0x1  }
0x22b: {  	v8 =	vand.u32 @!p1 $0x7, v8;
	v12 =	vand.u32 @!p1 $0xFFFFFFF0, v12  }
0x22c: {  	v8 =	vor.u32 @!p1 v8, v12  }
0x22d: {  	v12 =	vperm.xlane @!p1 v8, v9;
	_ =	sdelay $0x1  }
0x22e: {  	v8 =	vperm.xlane @!p1 v8, v10;
	v12 =	vadd.s32 @!p1 v11, v12;
	_ =	sdelay $0x1  }
0x22f: {  	v8 =	vadd.s32 @!p1 v11, v8;
	_ =	sdelay $0x1  }
0x230: {  	s7 =	simm.s32 @!p1 $0x4A00  }
0x231: {  	[tilespmem:s7], [sflag:$0x1] =	stream.indirect_vreg.gather @!p1 [hbm4b:s3+s1], $0x80, v12, vm1, $0xb8;
	[tilespmem:$0x1F200] =	vst v63  }
0x232: {  	s7 =	simm.s32 @!p1 $0x5200  }
0x233: {  	[tilespmem:s7], [sflag:$0x1] =	stream.indirect_vreg.gather @!p1 [hbm4b:s3+s1], $0x80, v8, vm1, $0xb8;
	[tilespmem:$0x1F200] =	vst v63  }
0x234: {  	v8 =	vld @!p1 [tilespmem:$0x1E30];
	_ =	sdelay $0x4  }
0x235: {  	v12 =	vshll.u32 @!p1 v8, $0x1  }
0x236: {  	v8 =	vand.u32 @!p1 $0x7, v8;
	v12 =	vand.u32 @!p1 $0xFFFFFFF0, v12  }
0x237: {  	v8 =	vor.u32 @!p1 v8, v12  }
0x238: {  	v9 =	vperm.xlane @!p1 v8, v9;
	_ =	sdelay $0x1  }
0x239: {  	v8 =	vperm.xlane @!p1 v8, v10;
	v9 =	vadd.s32 @!p1 v11, v9;
	_ =	sdelay $0x1  }
0x23a: {  	v8 =	vadd.s32 @!p1 v11, v8;
	_ =	sdelay $0x1  }
0x23b: {  	s7 =	simm.s32 @!p1 $0x5A00  }
0x23c: {  	[tilespmem:s7], [sflag:$0x1] =	stream.indirect_vreg.gather @!p1 [hbm4b:s3+s1], $0x80, v9, vm1, $0xb8;
	[tilespmem:$0x1F200] =	vst v63  }
0x23d: {  	p2 =	seq.s32 s10, $0x3F;
	s7 =	simm.s32 @!p1 $0x6200  }
0x23e: {  	[tilespmem:s7], [sflag:$0x1] =	stream.indirect_vreg.gather @!p1 [hbm4b:s3+s1], $0x80, v8, vm1, $0xb8;
	[tilespmem:$0x1F200] =	vst v63  }
0x23f: {  	s1 =	sshrl.u32 @!p2 s11, $0x3  }
0x240: {  	s1 =	sadd.s32 @!p2 $0x140, s1  }
0x241: {  	s8 =	simm.s32 @!p2 $0x0;
	s7 =	sadd.s32 @!p2 s4, s1  }
0x242: {  	[tilespmem:s8], [sflag:$0x3] =	stream.linear.gather @!p2 [hbm4b:s7+s8], $0x500, $0x38;
	[tilespmem:$0x1F200] =	vst v63  }
0x243: {  	s9 =	simm.s32 @!p2 $0x500;
	s7 =	sadd.s32 @!p2 s5, s1  }
0x244: {  	[tilespmem:s9], [sflag:$0x3] =	stream.linear.gather @!p2 [hbm4b:s7+s8], $0x500, $0x38;
	[tilespmem:$0x1F200] =	vst v63  }
0x245: {  	s1 =	sadd.s32 @!p2 s6, s1;
	s7 =	simm.s32 @!p2 $0xA00  }
0x246: {  	[tilespmem:s7], [sflag:$0x3] =	stream.linear.gather @!p2 [hbm4b:s1+s8], $0x500, $0x38;
	[tilespmem:$0x1F200] =	vst v63  }
0x247: {  	_ =	swait.ge [sflag:s28], $0x500  }
0x248: {  	[sflag:s28] =	ssyncset.done $0x0  }
0x249: {  	[sflag:s28] =	ssyncadd.s32 $0xFFFFFB00  }
0x24a: {  	_ =	swait.ge [sflag:s28], $0x500  }
0x24b: {  	[sflag:s28] =	ssyncset.done $0x0  }
0x24c: {  	[sflag:s28] =	ssyncadd.s32 $0xFFFFFB00  }
0x24d: {  	_ =	swait.ge [sflag:s28], $0x500  }
0x24e: {  	[sflag:s28] =	ssyncset.done $0x0  }
0x24f: {  	s30 =	simm.s32 $0x0;
	[sflag:s28] =	ssyncadd.s32 $0xFFFFFB00  }
0x250: {  	v8 =	vld [tilespmem:s30+$0x1400];
	_ =	sdelay $0x4  }
0x251: {  	v8 =	vsub.s32 v8, v0  }
0x252: {  	vm1 =	vlt.u32 v8, $0x140  }
0x253: {  	v9 =	vmpcnt.ones.xlane vm1  }
0x254: {  	v10 =	vld [tilespmem:s30+$0xF00]  }
0x255: {  	(v2sf) =	vpush v9, $0x0;
	v9 =	vld [tilespmem:s30+$0x1900];
	_ =	sdelay $0x3  }
0x256: {  	v10 =	vshll.u32 v10, $0x3  }
0x257: {  	v9 =	vadd.s32 v9, v10  }
0x258: {  	[tilespmem:s0+$0x1E00] =	vst.msk vm1, v9  }
0x259: {  	[tilespmem:s0+$0x2400] =	vst.msk vm1, v8  }
0x25a: {  	v8 =	vld [tilespmem:s30+$0x1410]  }
0x25b: {  	v9 =	vld [tilespmem:s30+$0xF10]  }
0x25c: {  	v10 =	vld [tilespmem:s30+$0x1910];
	_ =	sdelay $0x2  }
0x25d: {  	v8 =	vsub.s32 v8, v0  }
0x25e: {  	v9 =	vshll.u32 v9, $0x3;
	vm1 =	vlt.u32 v8, $0x140  }
0x25f: {  	v9 =	vadd.s32 v10, v9;
	v10 =	vmpcnt.ones.xlane vm1;
	_ =	sdelay $0x1  }
0x260: {  	s31 =	spop (v2sf);
	(v2sf) =	vpush v10, $0x0;
	_ =	sdelay $0x4  }
0x261: {  	s7 =	sadd.s32 s0, s31  }
0x262: {  	[tilespmem:s7+$0x1E00] =	vst.msk vm1, v9  }
0x263: {  	s0 =	simm.s32 $0x20;
	[tilespmem:s7+$0x2400] =	vst.msk vm1, v8  }
0x264: {  	v9 =	vld [tilespmem:s0+$0x1400]  }
0x265: {  	v8 =	vld [tilespmem:s0+$0x1900]  }
0x266: {  	s1 =	simm.s32 $0x100;
	v10 =	vld [tilespmem:s0+$0xF00]  }
.LBB2_26:
0x267: {  	_ =	sdelay $0x1  }
0x268: {  	p2 =	sne.s32 s1, $0x1380;
	s8 =	smov.u32 s1;
	s1 =	sadd.s32 $0x80, s1;
	v9 =	vsub.s32 v9, v0  }
0x269: {  	vm1 =	vlt.u32 v9, $0x140  }
0x26a: {  	v10 =	vshll.u32 v10, $0x3;
	v11 =	vmpcnt.ones.xlane vm1;
	s9 =	spop (v2sf)  }
0x26b: {  	v8 =	vadd.s32 v8, v10;
	s7 =	sadd.s32 s7, s9  }
0x26c: {  	[tilespmem:s7+$0x1E00] =	vst.msk vm1, v8;
	(v2sf) =	vpush v11, $0x0  }
0x26d: {  	[tilespmem:s7+$0x2400] =	vst.msk vm1, v9  }
0x26e: {  	v8 =	vld [tilespmem:s0+$0x1410]  }
0x26f: {  	v9 =	vld [tilespmem:s0+$0xF10];
	_ =	sdelay $0x3  }
0x270: {  	v8 =	vsub.s32 v8, v0  }
0x271: {  	vm1 =	vlt.u32 v8, $0x140;
	v9 =	vshll.u32 v9, $0x3  }
0x272: {  	v10 =	vmpcnt.ones.xlane vm1  }
0x273: {  	v11 =	vld [tilespmem:s0+$0x1910]  }
0x274: {  	(v2sf) =	vpush v10, $0x0;
	_ =	sdelay $0x3  }
0x275: {  	v9 =	vadd.s32 v11, v9;
	s0 =	spop (v2sf)  }
0x276: {  	s7 =	sadd.s32 s7, s0  }
.Ltmp20:
0x277: {  	s0 =	sshra.s32 s8, $0x2;
	[tilespmem:s7+$0x1E00] =	vst.msk vm1, v9;
	(pc) =	sbr.rel @p2 .LBB2_26-.Ltmp20, $4  }
0x278: {  	[tilespmem:s7+$0x2400] =	vst.msk vm1, v8  }
0x279: {  	v9 =	vld [tilespmem:s0+$0x1400]  }
0x27a: {  	v8 =	vld [tilespmem:s0+$0x1900]  }
0x27b: {  	v10 =	vld [tilespmem:s0+$0xF00]  }
0x27c: {  	_ =	sdelay $0x3  }
0x27d: {  	v9 =	vsub.s32 v9, v0;
	v10 =	vshll.u32 v10, $0x3;
	s1 =	spop (v2sf)  }
0x27e: {  	vm1 =	vlt.u32 v9, $0x140;
	v8 =	vadd.s32 v8, v10;
	s11 =	sadd.s32 s7, s1  }
0x27f: {  	[tilespmem:s11+$0x1E00] =	vst.msk vm1, v8  }
0x280: {  	[tilespmem:s11+$0x2400] =	vst.msk vm1, v9  }
0x281: {  	v8 =	vld [tilespmem:s0+$0x1410];
	_ =	sdelay $0x4  }
0x282: {  	v60 =	vmpcnt.ones.xlane vm1;
	v8 =	vsub.s32 v8, v0  }
0x283: {  	vm1 =	vlt.u32 v8, $0x140  }
0x284: {  	(v2sf) =	vpush v60, $0x0;
	v61 =	vmpcnt.ones.xlane vm1;
	_ =	sdelay $0x1  }
0x285: {  	(v2sf) =	vpush v61, $0x0;
	_ =	sdelay $0x7  }
0x286: {  	v62 =	vld [tilespmem:s0+$0xF10]  }
0x287: {  	v63 =	vld [tilespmem:s0+$0x1910];
	_ =	sdelay $0x2  }
.Ltmp21:
0x288: {  	_ = 	snop;
	(pc) =	sbr.rel @p1 .LBB2_37-.Ltmp21, $4  }
0x289: {  	v9 =	vshll.u32 v62, $0x3;
	s30 =	spop (v2sf)  }
0x28a: {  	v9 =	vadd.s32 v63, v9;
	s31 =	sadd.s32 s11, s30  }
0x28b: {  	[tilespmem:s31+$0x1E00] =	vst.msk vm1, v9;
	s1 =	spop (v2sf)  }
0x28c: {  	s7 =	simm.s32 $0x0;
	[tilespmem:s31+$0x2400] =	vst.msk vm1, v8;
	s0 =	sadd.s32 s31, s1  }
0x28d: {  	_ =	swait.ge [sflag:s29], $0x4000  }
0x28e: {  	[sflag:s29] =	ssyncset.done $0x0  }
0x28f: {  	s9 =	simm.s32 $0x2400;
	[sflag:s29] =	ssyncadd.s32 $0xFFFFC000  }
0x290: {  	v8 =	vld [tilespmem:s9+$0x0];
	_ =	sdelay $0x4  }
0x291: {  	(v2sf) =	vpush v8, $0x0;
	_ =	sdelay $0xd  }
0x292: {  	s12 =	simm.s32 $0x0  }
0x293: {  	s7 =	sand.u32 $0x380, s12;
	s8 =	spop (v2sf)  }
0x294: {  	s14 =	sand.u32 $0x3800, s12;
	s13 =	sshll.u32 s8, $0x8;
	s8 =	sshll.u32 s8, $0x7  }
0x295: {  	s31 =	sor.u32 s7, s14;
	s13 =	sand.u32 $0xFFFFF800, s13;
	s15 =	sand.u32 $0x380, s8  }
0x296: {  	v8 =	vld [tilespmem:s31+$0x2A00];
	s7 =	sor.u32 s15, s13  }
0x297: {  	v9 =	vld [tilespmem:s7+$0xAA00];
	_ =	sdelay $0x4  }
0x298: {  	v8 =	vadd.f32 v8, v9;
	_ =	sdelay $0x1  }
0x299: {  	[tilespmem:s7+$0xAA00] =	vst v8;
	v8 =	vld [tilespmem:s7+$0xAA10]  }
0x29a: {  	v9 =	vld [tilespmem:s31+$0x2A10];
	_ =	sdelay $0x4  }
0x29b: {  	v8 =	vadd.f32 v9, v8;
	_ =	sdelay $0x1  }
0x29c: {  	[tilespmem:s7+$0xAA10] =	vst v8;
	v8 =	vld [tilespmem:s7+$0xAA20]  }
0x29d: {  	v9 =	vld [tilespmem:s31+$0x2A20];
	_ =	sdelay $0x4  }
0x29e: {  	v8 =	vadd.f32 v9, v8;
	_ =	sdelay $0x1  }
0x29f: {  	[tilespmem:s7+$0xAA20] =	vst v8;
	v8 =	vld [tilespmem:s7+$0xAA30]  }
0x2a0: {  	v9 =	vld [tilespmem:s31+$0x2A30];
	_ =	sdelay $0x4  }
0x2a1: {  	v8 =	vadd.f32 v9, v8;
	_ =	sdelay $0x1  }
0x2a2: {  	[tilespmem:s7+$0xAA30] =	vst v8;
	v8 =	vld [tilespmem:s7+$0xAA40]  }
0x2a3: {  	v9 =	vld [tilespmem:s31+$0x2A40];
	_ =	sdelay $0x4  }
0x2a4: {  	v8 =	vadd.f32 v9, v8;
	_ =	sdelay $0x1  }
0x2a5: {  	[tilespmem:s7+$0xAA40] =	vst v8;
	v8 =	vld [tilespmem:s7+$0xAA50]  }
0x2a6: {  	v9 =	vld [tilespmem:s31+$0x2A50];
	_ =	sdelay $0x4  }
0x2a7: {  	v8 =	vadd.f32 v9, v8;
	_ =	sdelay $0x1  }
0x2a8: {  	[tilespmem:s7+$0xAA50] =	vst v8;
	v8 =	vld [tilespmem:s7+$0xAA60]  }
0x2a9: {  	v9 =	vld [tilespmem:s31+$0x2A60];
	_ =	sdelay $0x4  }
0x2aa: {  	v8 =	vadd.f32 v9, v8;
	_ =	sdelay $0x1  }
0x2ab: {  	[tilespmem:s7+$0xAA60] =	vst v8;
	v8 =	vld [tilespmem:s7+$0xAA70]  }
0x2ac: {  	v9 =	vld [tilespmem:s31+$0x2A70];
	_ =	sdelay $0x4  }
0x2ad: {  	v8 =	vadd.f32 v9, v8;
	_ =	sdelay $0x1  }
0x2ae: {  	[tilespmem:s7+$0xAA70] =	vst v8;
	v8 =	vld [tilespmem:s7+$0xAE00]  }
0x2af: {  	v9 =	vld [tilespmem:s31+$0x2E00];
	_ =	sdelay $0x4  }
0x2b0: {  	v8 =	vadd.f32 v9, v8;
	_ =	sdelay $0x1  }
0x2b1: {  	[tilespmem:s7+$0xAE00] =	vst v8;
	v8 =	vld [tilespmem:s7+$0xAE10]  }
0x2b2: {  	v9 =	vld [tilespmem:s31+$0x2E10];
	_ =	sdelay $0x4  }
0x2b3: {  	v8 =	vadd.f32 v9, v8;
	_ =	sdelay $0x1  }
0x2b4: {  	[tilespmem:s7+$0xAE10] =	vst v8;
	v8 =	vld [tilespmem:s7+$0xAE20]  }
0x2b5: {  	v9 =	vld [tilespmem:s31+$0x2E20];
	_ =	sdelay $0x4  }
0x2b6: {  	v8 =	vadd.f32 v9, v8;
	_ =	sdelay $0x1  }
0x2b7: {  	[tilespmem:s7+$0xAE20] =	vst v8;
	v8 =	vld [tilespmem:s7+$0xAE30]  }
0x2b8: {  	v9 =	vld [tilespmem:s31+$0x2E30];
	_ =	sdelay $0x4  }
0x2b9: {  	v8 =	vadd.f32 v9, v8;
	_ =	sdelay $0x1  }
0x2ba: {  	[tilespmem:s7+$0xAE30] =	vst v8;
	v8 =	vld [tilespmem:s7+$0xAE40]  }
0x2bb: {  	v9 =	vld [tilespmem:s31+$0x2E40];
	_ =	sdelay $0x4  }
0x2bc: {  	v8 =	vadd.f32 v9, v8;
	_ =	sdelay $0x1  }
0x2bd: {  	[tilespmem:s7+$0xAE40] =	vst v8;
	v8 =	vld [tilespmem:s7+$0xAE50]  }
0x2be: {  	v9 =	vld [tilespmem:s31+$0x2E50];
	_ =	sdelay $0x4  }
0x2bf: {  	v8 =	vadd.f32 v9, v8;
	_ =	sdelay $0x1  }
0x2c0: {  	[tilespmem:s7+$0xAE50] =	vst v8;
	v8 =	vld [tilespmem:s7+$0xAE60]  }
0x2c1: {  	v9 =	vld [tilespmem:s31+$0x2E60];
	_ =	sdelay $0x4  }
0x2c2: {  	v8 =	vadd.f32 v9, v8;
	_ =	sdelay $0x1  }
0x2c3: {  	[tilespmem:s7+$0xAE60] =	vst v8;
	v8 =	vld [tilespmem:s7+$0xAE70]  }
0x2c4: {  	v9 =	vld [tilespmem:s31+$0x2E70];
	_ =	sdelay $0x4  }
0x2c5: {  	s8 =	simm.s32 $0x100;
	v8 =	vadd.f32 v9, v8  }
.LBB2_29:
0x2c6: {  	p1 =	sne.s32 s8, $0x3F00;
	s12 =	sadd.s32 $0x80, s12;
	s9 =	sadd.s32 $0x1, s9  }
0x2c7: {  	[tilespmem:s7+$0xAE70] =	vst v8;
	s7 =	smov.u32 s8;
	s8 =	sadd.s32 $0x100, s8  }
0x2c8: {  	v8 =	vld [tilespmem:s9+$0x0];
	_ =	sdelay $0x4  }
0x2c9: {  	(v2sf) =	vpush v8, $0x0;
	_ =	sdelay $0xe  }
0x2ca: {  	s13 =	sand.u32 $0x380, s12;
	s14 =	spop (v2sf)  }
0x2cb: {  	s7 =	sand.u32 $0x3800, s7;
	s15 =	sshll.u32 s14, $0x8;
	s14 =	sshll.u32 s14, $0x7  }
0x2cc: {  	s13 =	sor.u32 s13, s7;
	s15 =	sand.u32 $0xFFFFF800, s15;
	s14 =	sand.u32 $0x380, s14  }
0x2cd: {  	s7 =	sor.u32 s14, s15;
	v8 =	vld [tilespmem:s13+$0x2A00]  }
0x2ce: {  	v9 =	vld [tilespmem:s7+$0xAA00];
	_ =	sdelay $0x4  }
0x2cf: {  	v8 =	vadd.f32 v8, v9;
	_ =	sdelay $0x1  }
0x2d0: {  	[tilespmem:s7+$0xAA00] =	vst v8;
	v8 =	vld [tilespmem:s7+$0xAA10]  }
0x2d1: {  	v9 =	vld [tilespmem:s13+$0x2A10];
	_ =	sdelay $0x4  }
0x2d2: {  	v8 =	vadd.f32 v9, v8;
	_ =	sdelay $0x1  }
0x2d3: {  	[tilespmem:s7+$0xAA10] =	vst v8;
	v8 =	vld [tilespmem:s7+$0xAA20]  }
0x2d4: {  	v9 =	vld [tilespmem:s13+$0x2A20];
	_ =	sdelay $0x4  }
0x2d5: {  	v8 =	vadd.f32 v9, v8;
	_ =	sdelay $0x1  }
0x2d6: {  	[tilespmem:s7+$0xAA20] =	vst v8;
	v8 =	vld [tilespmem:s7+$0xAA30]  }
0x2d7: {  	v9 =	vld [tilespmem:s13+$0x2A30];
	_ =	sdelay $0x4  }
0x2d8: {  	v8 =	vadd.f32 v9, v8;
	_ =	sdelay $0x1  }
0x2d9: {  	[tilespmem:s7+$0xAA30] =	vst v8;
	v8 =	vld [tilespmem:s7+$0xAA40]  }
0x2da: {  	v9 =	vld [tilespmem:s13+$0x2A40];
	_ =	sdelay $0x4  }
0x2db: {  	v8 =	vadd.f32 v9, v8;
	_ =	sdelay $0x1  }
0x2dc: {  	[tilespmem:s7+$0xAA40] =	vst v8;
	v8 =	vld [tilespmem:s7+$0xAA50]  }
0x2dd: {  	v9 =	vld [tilespmem:s13+$0x2A50];
	_ =	sdelay $0x4  }
0x2de: {  	v8 =	vadd.f32 v9, v8;
	_ =	sdelay $0x1  }
0x2df: {  	[tilespmem:s7+$0xAA50] =	vst v8;
	v8 =	vld [tilespmem:s7+$0xAA60]  }
0x2e0: {  	v9 =	vld [tilespmem:s13+$0x2A60];
	_ =	sdelay $0x4  }
0x2e1: {  	v8 =	vadd.f32 v9, v8;
	_ =	sdelay $0x1  }
0x2e2: {  	[tilespmem:s7+$0xAA60] =	vst v8;
	v8 =	vld [tilespmem:s7+$0xAA70]  }
0x2e3: {  	v9 =	vld [tilespmem:s13+$0x2A70];
	_ =	sdelay $0x4  }
0x2e4: {  	v8 =	vadd.f32 v9, v8;
	_ =	sdelay $0x1  }
0x2e5: {  	[tilespmem:s7+$0xAA70] =	vst v8;
	v8 =	vld [tilespmem:s7+$0xAE00]  }
0x2e6: {  	v9 =	vld [tilespmem:s13+$0x2E00];
	_ =	sdelay $0x4  }
0x2e7: {  	v8 =	vadd.f32 v9, v8;
	_ =	sdelay $0x1  }
0x2e8: {  	[tilespmem:s7+$0xAE00] =	vst v8;
	v8 =	vld [tilespmem:s7+$0xAE10]  }
0x2e9: {  	v9 =	vld [tilespmem:s13+$0x2E10];
	_ =	sdelay $0x4  }
0x2ea: {  	v8 =	vadd.f32 v9, v8;
	_ =	sdelay $0x1  }
0x2eb: {  	[tilespmem:s7+$0xAE10] =	vst v8;
	v8 =	vld [tilespmem:s7+$0xAE20]  }
0x2ec: {  	v9 =	vld [tilespmem:s13+$0x2E20];
	_ =	sdelay $0x4  }
0x2ed: {  	v8 =	vadd.f32 v9, v8;
	_ =	sdelay $0x1  }
0x2ee: {  	[tilespmem:s7+$0xAE20] =	vst v8;
	v8 =	vld [tilespmem:s7+$0xAE30]  }
0x2ef: {  	v9 =	vld [tilespmem:s13+$0x2E30];
	_ =	sdelay $0x4  }
0x2f0: {  	v8 =	vadd.f32 v9, v8;
	_ =	sdelay $0x1  }
0x2f1: {  	[tilespmem:s7+$0xAE30] =	vst v8;
	v8 =	vld [tilespmem:s7+$0xAE40]  }
0x2f2: {  	v9 =	vld [tilespmem:s13+$0x2E40];
	_ =	sdelay $0x4  }
0x2f3: {  	v8 =	vadd.f32 v9, v8;
	_ =	sdelay $0x1  }
0x2f4: {  	[tilespmem:s7+$0xAE40] =	vst v8;
	v8 =	vld [tilespmem:s7+$0xAE50]  }
0x2f5: {  	v9 =	vld [tilespmem:s13+$0x2E50];
	_ =	sdelay $0x4  }
0x2f6: {  	v8 =	vadd.f32 v9, v8;
	_ =	sdelay $0x1  }
0x2f7: {  	[tilespmem:s7+$0xAE50] =	vst v8;
	v8 =	vld [tilespmem:s7+$0xAE60]  }
0x2f8: {  	v9 =	vld [tilespmem:s13+$0x2E60];
	_ =	sdelay $0x4  }
0x2f9: {  	v8 =	vadd.f32 v9, v8;
	_ =	sdelay $0x1  }
0x2fa: {  	[tilespmem:s7+$0xAE60] =	vst v8;
	v8 =	vld [tilespmem:s7+$0xAE70]  }
0x2fb: {  	v9 =	vld [tilespmem:s13+$0x2E70]  }
.Ltmp22:
0x2fc: {  	(pc) =	sbr.rel @p1 .LBB2_29-.Ltmp22, $2  }
0x2fd: {  	_ =	sdelay $0x2  }
0x2fe: {  	v8 =	vadd.f32 v9, v8  }
0x2ff: {  	s8 =	sadd.s32 $0xFFFFFFCF, s0  }
0x300: {  	s9 =	sand.u32 $0xF, s8  }
0x301: {  	s31 =	sshra.s32 s8, $0x1F;
	p2 =	slt.s32 s8, $0x1;
	p1 =	sne.s32 s9, $0x0  }
0x302: {  	s9 =	sshrl.u32 s31, $0x1C;
	p1 =	por !p2, !p1  }
0x303: {  	s8 =	sadd.s32 s9, s8;
	s9 =	simm.s32 $0x1;
	p1 =	por !p1, !p1  }
0x304: {  	s8 =	sshra.s32 s8, $0x4;
	s9 =	simm.s32 @!p1 $0x0  }
0x305: {  	s12 =	ssub.s32 s8, s9  }
0x306: {  	p1 =	slt.s32 s12, $0x1  }
.Ltmp23:
0x307: {  	_ = 	snop;
	(pc) =	sbr.rel @p1 .LBB2_37-.Ltmp23, $2  }
0x308: {  	_ =	sdelay $0x2  }
0x309: {  	[tilespmem:s7+$0xAE70] =	vst v8;
	s7 =	simm.s32 $0xFFFFFFC0  }
0x30a: {  	p2 =	sne.s32 s12, $0x1  }
.Ltmp24:
0x30b: {  	_ = 	snop;
	(pc) =	sbr.rel @!p2 .LBB2_32-.Ltmp24, $3  }
0x30c: {  	_ =	sdelay $0x1  }
0x30d: {  	s9 =	simm.s32 $0x1E40  }
0x30e: {  	s8 =	simm.s32 $0x2440;
	s12 =	sadd.s32 $0xFFFFFFFF, s12;
	p1 =	por $0x0, $0x0;
	v8 =	vld [tilespmem:s9+$0x0]  }
0x30f: {  	_ =	sdelay $0x3  }
0x310: {  	[tilespmem:s9+$0xFFFFFFC0] =	vst v8  }
0x311: {  	v8 =	vld [tilespmem:s8+$0x0]  }
0x312: {  	p2 =	sne.s32 s12, $0x1  }
.Ltmp25:
0x313: {  	_ = 	snop;
	(pc) =	sbr.rel @!p2 .LBB2_34-.Ltmp25, $3  }
0x314: {  	_ =	sdelay $0x1  }
0x315: {  	s9 =	simm.s32 $0x1E50;
	[tilespmem:s8+$0xFFFFFFC0] =	vst v8  }
0x316: {  	s13 =	sadd.s32 $0xFFFFFFFF, s12;
	p1 =	por $0x1, $0x1;
	s12 =	simm.s32 $0x2440;
	v8 =	vld [tilespmem:s9+$0x0]  }
.LBB2_35:
0x317: {  	p2 =	sne.s32 s13, $0x1;
	_ =	sdelay $0x3  }
0x318: {  	s12 =	sadd.s32 $0x10, s12;
	[tilespmem:s9+$0xFFFFFFC0] =	vst v8  }
0x319: {  	v8 =	vld [tilespmem:s12+$0x0];
	_ =	sdelay $0x1  }
.Ltmp26:
0x31a: {  	(pc) =	sbr.rel @p2 .LBB2_35-.Ltmp26, $3  }
0x31b: {  	_ =	sdelay $0x1  }
0x31c: {  	s9 =	sadd.s32 $0x10, s9;
	[tilespmem:s12+$0xFFFFFFC0] =	vst v8  }
0x31d: {  	s13 =	sadd.s32 $0xFFFFFFFF, s13;
	v8 =	vld [tilespmem:s9+$0x0]  }
.LBB2_36:
0x31e: {  	_ =	sdelay $0x2  }
0x31f: {  	s12 =	sadd.s32 @p1 $0x10, s12  }
0x320: {  	s8 =	smov.u32 @p1 s12;
	[tilespmem:s9+$0xFFFFFFC0] =	vst v8  }
0x321: {  	v8 =	vld [tilespmem:s8+$0x0];
	_ =	sdelay $0x4  }
0x322: {  	[tilespmem:s8+$0xFFFFFFC0] =	vst v8  }
.LBB2_37:
0x323: {  	s9 =	sadd.s32 s0, s7  }
0x324: {  	p1 =	slt.s32 s9, $0x80  }
.Ltmp27:
0x325: {  	_ = 	snop;
	(pc) =	sbr.rel @p1 .LBB2_47-.Ltmp27, $1  }
0x326: {  	_ =	sdelay $0x3  }
0x327: {  	s0 =	sadd.s32 s30, s7  }
0x328: {  	s0 =	sadd.s32 s1, s0  }
0x329: {  	s0 =	sadd.s32 s11, s0  }
0x32a: {  	s11 =	sadd.s32 $0xFFFFFFCF, s0  }
.LBB2_39:
0x32b: {  	v8 =	vld [tilespmem:$0x1E00];
	_ =	sdelay $0x4  }
0x32c: {  	v9 =	vshll.u32 v8, $0x1  }
0x32d: {  	v8 =	vand.u32 $0x7, v8;
	v9 =	vand.u32 $0xFFFFFFF0, v9  }
0x32e: {  	v8 =	vor.u32 v8, v9  }
0x32f: {  	v9 =	vperm.xlane v8, v1;
	_ =	sdelay $0x1  }
0x330: {  	v8 =	vperm.xlane v8, v4;
	v9 =	vadd.s32 v3, v9;
	_ =	sdelay $0x1  }
0x331: {  	v8 =	vadd.s32 v3, v8;
	_ =	sdelay $0x1  }
0x332: {  	s0 =	simm.s32 $0x0  }
0x333: {  	[tilespmem:s18], [sflag:$0x2] =	stream.indirect_vreg.gather [hbm4b:s3+s0], $0x80, v9, vm0, $0xb8;
	[tilespmem:$0x1F200] =	vst v63  }
0x334: {  	_ = 	snop  }
0x335: {  	[tilespmem:s19], [sflag:$0x2] =	stream.indirect_vreg.gather [hbm4b:s3+s0], $0x80, v8, vm0, $0xb8;
	[tilespmem:$0x1F200] =	vst v63  }
0x336: {  	v8 =	vld [tilespmem:$0x1E10];
	_ =	sdelay $0x4  }
0x337: {  	v9 =	vshll.u32 v8, $0x1  }
0x338: {  	v8 =	vand.u32 $0x7, v8;
	v9 =	vand.u32 $0xFFFFFFF0, v9  }
0x339: {  	v8 =	vor.u32 v8, v9  }
0x33a: {  	v9 =	vperm.xlane v8, v1;
	_ =	sdelay $0x1  }
0x33b: {  	v8 =	vperm.xlane v8, v4;
	v9 =	vadd.s32 v3, v9;
	_ =	sdelay $0x1  }
0x33c: {  	v8 =	vadd.s32 v3, v8;
	_ =	sdelay $0x2  }
0x33d: {  	[tilespmem:s20], [sflag:$0x2] =	stream.indirect_vreg.gather [hbm4b:s3+s0], $0x80, v9, vm0, $0xb8;
	[tilespmem:$0x1F200] =	vst v63  }
0x33e: {  	_ = 	snop  }
0x33f: {  	[tilespmem:s21], [sflag:$0x2] =	stream.indirect_vreg.gather [hbm4b:s3+s0], $0x80, v8, vm0, $0xb8;
	[tilespmem:$0x1F200] =	vst v63  }
0x340: {  	v8 =	vld [tilespmem:$0x1E20];
	_ =	sdelay $0x4  }
0x341: {  	v9 =	vshll.u32 v8, $0x1  }
0x342: {  	v8 =	vand.u32 $0x7, v8;
	v9 =	vand.u32 $0xFFFFFFF0, v9  }
0x343: {  	v8 =	vor.u32 v8, v9  }
0x344: {  	v9 =	vperm.xlane v8, v1;
	_ =	sdelay $0x1  }
0x345: {  	v8 =	vperm.xlane v8, v4;
	v9 =	vadd.s32 v3, v9;
	_ =	sdelay $0x1  }
0x346: {  	v8 =	vadd.s32 v3, v8;
	_ =	sdelay $0x2  }
0x347: {  	[tilespmem:s22], [sflag:$0x2] =	stream.indirect_vreg.gather [hbm4b:s3+s0], $0x80, v9, vm0, $0xb8;
	[tilespmem:$0x1F200] =	vst v63  }
0x348: {  	_ = 	snop  }
0x349: {  	[tilespmem:s23], [sflag:$0x2] =	stream.indirect_vreg.gather [hbm4b:s3+s0], $0x80, v8, vm0, $0xb8;
	[tilespmem:$0x1F200] =	vst v63  }
0x34a: {  	v8 =	vld [tilespmem:$0x1E30];
	_ =	sdelay $0x4  }
0x34b: {  	v9 =	vshll.u32 v8, $0x1  }
0x34c: {  	v8 =	vand.u32 $0x7, v8;
	v9 =	vand.u32 $0xFFFFFFF0, v9  }
0x34d: {  	v8 =	vor.u32 v8, v9  }
0x34e: {  	v9 =	vperm.xlane v8, v1;
	_ =	sdelay $0x1  }
0x34f: {  	v8 =	vperm.xlane v8, v4;
	v9 =	vadd.s32 v3, v9;
	_ =	sdelay $0x1  }
0x350: {  	v8 =	vadd.s32 v3, v8;
	_ =	sdelay $0x2  }
0x351: {  	[tilespmem:s24], [sflag:$0x2] =	stream.indirect_vreg.gather [hbm4b:s3+s0], $0x80, v9, vm0, $0xb8;
	[tilespmem:$0x1F200] =	vst v63  }
0x352: {  	_ = 	snop  }
0x353: {  	[tilespmem:s25], [sflag:$0x2] =	stream.indirect_vreg.gather [hbm4b:s3+s0], $0x80, v8, vm0, $0xb8;
	[tilespmem:$0x1F200] =	vst v63  }
0x354: {  	_ =	swait.ge [sflag:s26], $0x4000  }
0x355: {  	[sflag:s26] =	ssyncset.done $0x0  }
0x356: {  	s1 =	simm.s32 $0x2400;
	[sflag:s26] =	ssyncadd.s32 $0xFFFFC000  }
0x357: {  	v8 =	vld [tilespmem:s1+$0x0];
	_ =	sdelay $0x4  }
0x358: {  	(v2sf) =	vpush v8, $0x0;
	_ =	sdelay $0xe  }
0x359: {  	s7 =	sand.u32 $0x380, s0;
	s8 =	spop (v2sf)  }
0x35a: {  	s13 =	sand.u32 $0x3800, s0;
	s12 =	sshll.u32 s8, $0x8;
	s8 =	sshll.u32 s8, $0x7  }
0x35b: {  	s31 =	sor.u32 s7, s13;
	s12 =	sand.u32 $0xFFFFF800, s12;
	s14 =	sand.u32 $0x380, s8  }
0x35c: {  	v8 =	vld [tilespmem:s31+$0x6A00];
	s7 =	sor.u32 s14, s12  }
0x35d: {  	v9 =	vld [tilespmem:s7+$0xAA00];
	_ =	sdelay $0x4  }
0x35e: {  	v8 =	vadd.f32 v8, v9;
	_ =	sdelay $0x1  }
0x35f: {  	[tilespmem:s7+$0xAA00] =	vst v8;
	v8 =	vld [tilespmem:s7+$0xAA10]  }
0x360: {  	v9 =	vld [tilespmem:s31+$0x6A10];
	_ =	sdelay $0x4  }
0x361: {  	v8 =	vadd.f32 v9, v8;
	_ =	sdelay $0x1  }
0x362: {  	[tilespmem:s7+$0xAA10] =	vst v8;
	v8 =	vld [tilespmem:s7+$0xAA20]  }
0x363: {  	v9 =	vld [tilespmem:s31+$0x6A20];
	_ =	sdelay $0x4  }
0x364: {  	v8 =	vadd.f32 v9, v8;
	_ =	sdelay $0x1  }
0x365: {  	[tilespmem:s7+$0xAA20] =	vst v8;
	v8 =	vld [tilespmem:s7+$0xAA30]  }
0x366: {  	v9 =	vld [tilespmem:s31+$0x6A30];
	_ =	sdelay $0x4  }
0x367: {  	v8 =	vadd.f32 v9, v8;
	_ =	sdelay $0x1  }
0x368: {  	[tilespmem:s7+$0xAA30] =	vst v8;
	v8 =	vld [tilespmem:s7+$0xAA40]  }
0x369: {  	v9 =	vld [tilespmem:s31+$0x6A40];
	_ =	sdelay $0x4  }
0x36a: {  	v8 =	vadd.f32 v9, v8;
	_ =	sdelay $0x1  }
0x36b: {  	[tilespmem:s7+$0xAA40] =	vst v8;
	v8 =	vld [tilespmem:s7+$0xAA50]  }
0x36c: {  	v9 =	vld [tilespmem:s31+$0x6A50];
	_ =	sdelay $0x4  }
0x36d: {  	v8 =	vadd.f32 v9, v8;
	_ =	sdelay $0x1  }
0x36e: {  	[tilespmem:s7+$0xAA50] =	vst v8;
	v8 =	vld [tilespmem:s7+$0xAA60]  }
0x36f: {  	v9 =	vld [tilespmem:s31+$0x6A60];
	_ =	sdelay $0x4  }
0x370: {  	v8 =	vadd.f32 v9, v8;
	_ =	sdelay $0x1  }
0x371: {  	[tilespmem:s7+$0xAA60] =	vst v8;
	v8 =	vld [tilespmem:s7+$0xAA70]  }
0x372: {  	v9 =	vld [tilespmem:s31+$0x6A70];
	_ =	sdelay $0x4  }
0x373: {  	v8 =	vadd.f32 v9, v8;
	_ =	sdelay $0x1  }
0x374: {  	[tilespmem:s7+$0xAA70] =	vst v8;
	v8 =	vld [tilespmem:s7+$0xAE00]  }
0x375: {  	v9 =	vld [tilespmem:s31+$0x6E00];
	_ =	sdelay $0x4  }
0x376: {  	v8 =	vadd.f32 v9, v8;
	_ =	sdelay $0x1  }
0x377: {  	[tilespmem:s7+$0xAE00] =	vst v8;
	v8 =	vld [tilespmem:s7+$0xAE10]  }
0x378: {  	v9 =	vld [tilespmem:s31+$0x6E10];
	_ =	sdelay $0x4  }
0x379: {  	v8 =	vadd.f32 v9, v8;
	_ =	sdelay $0x1  }
0x37a: {  	[tilespmem:s7+$0xAE10] =	vst v8;
	v8 =	vld [tilespmem:s7+$0xAE20]  }
0x37b: {  	v9 =	vld [tilespmem:s31+$0x6E20];
	_ =	sdelay $0x4  }
0x37c: {  	v8 =	vadd.f32 v9, v8;
	_ =	sdelay $0x1  }
0x37d: {  	[tilespmem:s7+$0xAE20] =	vst v8;
	v8 =	vld [tilespmem:s7+$0xAE30]  }
0x37e: {  	v9 =	vld [tilespmem:s31+$0x6E30];
	_ =	sdelay $0x4  }
0x37f: {  	v8 =	vadd.f32 v9, v8;
	_ =	sdelay $0x1  }
0x380: {  	[tilespmem:s7+$0xAE30] =	vst v8;
	v8 =	vld [tilespmem:s7+$0xAE40]  }
0x381: {  	v9 =	vld [tilespmem:s31+$0x6E40];
	_ =	sdelay $0x4  }
0x382: {  	v8 =	vadd.f32 v9, v8;
	_ =	sdelay $0x1  }
0x383: {  	[tilespmem:s7+$0xAE40] =	vst v8;
	v8 =	vld [tilespmem:s7+$0xAE50]  }
0x384: {  	v9 =	vld [tilespmem:s31+$0x6E50];
	_ =	sdelay $0x4  }
0x385: {  	v8 =	vadd.f32 v9, v8;
	_ =	sdelay $0x1  }
0x386: {  	[tilespmem:s7+$0xAE50] =	vst v8;
	v8 =	vld [tilespmem:s7+$0xAE60]  }
0x387: {  	v9 =	vld [tilespmem:s31+$0x6E60];
	_ =	sdelay $0x4  }
0x388: {  	v8 =	vadd.f32 v9, v8;
	_ =	sdelay $0x1  }
0x389: {  	[tilespmem:s7+$0xAE60] =	vst v8;
	v8 =	vld [tilespmem:s7+$0xAE70]  }
0x38a: {  	v9 =	vld [tilespmem:s31+$0x6E70];
	_ =	sdelay $0x4  }
0x38b: {  	s8 =	simm.s32 $0x100;
	s12 =	sshrl.u32 s11, $0x4;
	v8 =	vadd.f32 v9, v8  }
.LBB2_40:
0x38c: {  	p1 =	sne.s32 s8, $0x3F00;
	s0 =	sadd.s32 $0x80, s0;
	s1 =	sadd.s32 $0x1, s1  }
0x38d: {  	[tilespmem:s7+$0xAE70] =	vst v8;
	s7 =	smov.u32 s8;
	s8 =	sadd.s32 $0x100, s8  }
0x38e: {  	v8 =	vld [tilespmem:s1+$0x0];
	_ =	sdelay $0x4  }
0x38f: {  	(v2sf) =	vpush v8, $0x0;
	_ =	sdelay $0xe  }
0x390: {  	s13 =	sand.u32 $0x380, s0;
	s14 =	spop (v2sf)  }
0x391: {  	s7 =	sand.u32 $0x3800, s7;
	s15 =	sshll.u32 s14, $0x8;
	s14 =	sshll.u32 s14, $0x7  }
0x392: {  	s13 =	sor.u32 s13, s7;
	s15 =	sand.u32 $0xFFFFF800, s15;
	s14 =	sand.u32 $0x380, s14  }
0x393: {  	s7 =	sor.u32 s14, s15;
	v8 =	vld [tilespmem:s13+$0x6A00]  }
0x394: {  	v9 =	vld [tilespmem:s7+$0xAA00];
	_ =	sdelay $0x4  }
0x395: {  	v8 =	vadd.f32 v8, v9;
	_ =	sdelay $0x1  }
0x396: {  	[tilespmem:s7+$0xAA00] =	vst v8;
	v8 =	vld [tilespmem:s7+$0xAA10]  }
0x397: {  	v9 =	vld [tilespmem:s13+$0x6A10];
	_ =	sdelay $0x4  }
0x398: {  	v8 =	vadd.f32 v9, v8;
	_ =	sdelay $0x1  }
0x399: {  	[tilespmem:s7+$0xAA10] =	vst v8;
	v8 =	vld [tilespmem:s7+$0xAA20]  }
0x39a: {  	v9 =	vld [tilespmem:s13+$0x6A20];
	_ =	sdelay $0x4  }
0x39b: {  	v8 =	vadd.f32 v9, v8;
	_ =	sdelay $0x1  }
0x39c: {  	[tilespmem:s7+$0xAA20] =	vst v8;
	v8 =	vld [tilespmem:s7+$0xAA30]  }
0x39d: {  	v9 =	vld [tilespmem:s13+$0x6A30];
	_ =	sdelay $0x4  }
0x39e: {  	v8 =	vadd.f32 v9, v8;
	_ =	sdelay $0x1  }
0x39f: {  	[tilespmem:s7+$0xAA30] =	vst v8;
	v8 =	vld [tilespmem:s7+$0xAA40]  }
0x3a0: {  	v9 =	vld [tilespmem:s13+$0x6A40];
	_ =	sdelay $0x4  }
0x3a1: {  	v8 =	vadd.f32 v9, v8;
	_ =	sdelay $0x1  }
0x3a2: {  	[tilespmem:s7+$0xAA40] =	vst v8;
	v8 =	vld [tilespmem:s7+$0xAA50]  }
0x3a3: {  	v9 =	vld [tilespmem:s13+$0x6A50];
	_ =	sdelay $0x4  }
0x3a4: {  	v8 =	vadd.f32 v9, v8;
	_ =	sdelay $0x1  }
0x3a5: {  	[tilespmem:s7+$0xAA50] =	vst v8;
	v8 =	vld [tilespmem:s7+$0xAA60]  }
0x3a6: {  	v9 =	vld [tilespmem:s13+$0x6A60];
	_ =	sdelay $0x4  }
0x3a7: {  	v8 =	vadd.f32 v9, v8;
	_ =	sdelay $0x1  }
0x3a8: {  	[tilespmem:s7+$0xAA60] =	vst v8;
	v8 =	vld [tilespmem:s7+$0xAA70]  }
0x3a9: {  	v9 =	vld [tilespmem:s13+$0x6A70];
	_ =	sdelay $0x4  }
0x3aa: {  	v8 =	vadd.f32 v9, v8;
	_ =	sdelay $0x1  }
0x3ab: {  	[tilespmem:s7+$0xAA70] =	vst v8;
	v8 =	vld [tilespmem:s7+$0xAE00]  }
0x3ac: {  	v9 =	vld [tilespmem:s13+$0x6E00];
	_ =	sdelay $0x4  }
0x3ad: {  	v8 =	vadd.f32 v9, v8;
	_ =	sdelay $0x1  }
0x3ae: {  	[tilespmem:s7+$0xAE00] =	vst v8;
	v8 =	vld [tilespmem:s7+$0xAE10]  }
0x3af: {  	v9 =	vld [tilespmem:s13+$0x6E10];
	_ =	sdelay $0x4  }
0x3b0: {  	v8 =	vadd.f32 v9, v8;
	_ =	sdelay $0x1  }
0x3b1: {  	[tilespmem:s7+$0xAE10] =	vst v8;
	v8 =	vld [tilespmem:s7+$0xAE20]  }
0x3b2: {  	v9 =	vld [tilespmem:s13+$0x6E20];
	_ =	sdelay $0x4  }
0x3b3: {  	v8 =	vadd.f32 v9, v8;
	_ =	sdelay $0x1  }
0x3b4: {  	[tilespmem:s7+$0xAE20] =	vst v8;
	v8 =	vld [tilespmem:s7+$0xAE30]  }
0x3b5: {  	v9 =	vld [tilespmem:s13+$0x6E30];
	_ =	sdelay $0x4  }
0x3b6: {  	v8 =	vadd.f32 v9, v8;
	_ =	sdelay $0x1  }
0x3b7: {  	[tilespmem:s7+$0xAE30] =	vst v8;
	v8 =	vld [tilespmem:s7+$0xAE40]  }
0x3b8: {  	v9 =	vld [tilespmem:s13+$0x6E40];
	_ =	sdelay $0x4  }
0x3b9: {  	v8 =	vadd.f32 v9, v8;
	_ =	sdelay $0x1  }
0x3ba: {  	[tilespmem:s7+$0xAE40] =	vst v8;
	v8 =	vld [tilespmem:s7+$0xAE50]  }
0x3bb: {  	v9 =	vld [tilespmem:s13+$0x6E50];
	_ =	sdelay $0x4  }
0x3bc: {  	v8 =	vadd.f32 v9, v8;
	_ =	sdelay $0x1  }
0x3bd: {  	[tilespmem:s7+$0xAE50] =	vst v8;
	v8 =	vld [tilespmem:s7+$0xAE60]  }
0x3be: {  	v9 =	vld [tilespmem:s13+$0x6E60];
	_ =	sdelay $0x4  }
0x3bf: {  	v8 =	vadd.f32 v9, v8;
	_ =	sdelay $0x1  }
0x3c0: {  	[tilespmem:s7+$0xAE60] =	vst v8;
	v8 =	vld [tilespmem:s7+$0xAE70]  }
0x3c1: {  	v9 =	vld [tilespmem:s13+$0x6E70]  }
.Ltmp28:
0x3c2: {  	(pc) =	sbr.rel @p1 .LBB2_40-.Ltmp28, $2  }
0x3c3: {  	_ =	sdelay $0x2  }
0x3c4: {  	v8 =	vadd.f32 v9, v8  }
0x3c5: {  	p2 =	sne.s32 s12, $0x1  }
.Ltmp29:
0x3c6: {  	_ = 	snop;
	(pc) =	sbr.rel @!p2 .LBB2_42-.Ltmp29, $3  }
0x3c7: {  	_ =	sdelay $0x1  }
0x3c8: {  	s0 =	simm.s32 $0x1E40;
	[tilespmem:s7+$0xAE70] =	vst v8  }
0x3c9: {  	s1 =	simm.s32 $0x2440;
	p1 =	por $0x0, $0x0;
	s7 =	sadd.s32 $0xFFFFFFFF, s12;
	v8 =	vld [tilespmem:s0+$0x0]  }
0x3ca: {  	_ =	sdelay $0x3  }
0x3cb: {  	[tilespmem:s0+$0xFFFFFFC0] =	vst v8  }
0x3cc: {  	v8 =	vld [tilespmem:s1+$0x0]  }
0x3cd: {  	p2 =	sne.s32 s7, $0x1  }
.Ltmp30:
0x3ce: {  	_ = 	snop;
	(pc) =	sbr.rel @!p2 .LBB2_44-.Ltmp30, $3  }
0x3cf: {  	_ =	sdelay $0x1  }
0x3d0: {  	s0 =	simm.s32 $0x1E50;
	[tilespmem:s1+$0xFFFFFFC0] =	vst v8  }
0x3d1: {  	s8 =	sadd.s32 $0xFFFFFFFF, s7;
	p1 =	por $0x1, $0x1;
	s7 =	simm.s32 $0x2440;
	v8 =	vld [tilespmem:s0+$0x0]  }
.LBB2_45:
0x3d2: {  	p2 =	sne.s32 s8, $0x1;
	_ =	sdelay $0x3  }
0x3d3: {  	s7 =	sadd.s32 $0x10, s7;
	[tilespmem:s0+$0xFFFFFFC0] =	vst v8  }
0x3d4: {  	v8 =	vld [tilespmem:s7+$0x0];
	_ =	sdelay $0x1  }
.Ltmp31:
0x3d5: {  	(pc) =	sbr.rel @p2 .LBB2_45-.Ltmp31, $3  }
0x3d6: {  	_ =	sdelay $0x1  }
0x3d7: {  	s0 =	sadd.s32 $0x10, s0;
	[tilespmem:s7+$0xFFFFFFC0] =	vst v8  }
0x3d8: {  	s8 =	sadd.s32 $0xFFFFFFFF, s8;
	v8 =	vld [tilespmem:s0+$0x0]  }
.LBB2_46:
0x3d9: {  	_ =	sdelay $0x2  }
0x3da: {  	s7 =	sadd.s32 @p1 $0x10, s7  }
0x3db: {  	s1 =	smov.u32 @p1 s7;
	[tilespmem:s0+$0xFFFFFFC0] =	vst v8  }
0x3dc: {  	p1 =	sgt.u32 s9, $0xBF;
	v8 =	vld [tilespmem:s1+$0x0]  }
.Ltmp32:
0x3dd: {  	_ = 	snop;
	(pc) =	sbr.rel @p1 .LBB2_39-.Ltmp32, $4  }
.Ltmp33:
0x3de: {  	_ = 	snop;
	(pc) =	sbr.rel @!p1 .LBB2_49-.Ltmp33, $4  }
0x3df: {  	_ = 	snop  }
0x3e0: {  	s0 =	sadd.s32 $0xFFFFFFC0, s9  }
0x3e1: {  	s11 =	sadd.s32 $0xFFFFFFC0, s11;
	s9 =	smov.u32 s0;
	[tilespmem:s1+$0xFFFFFFC0] =	vst v8  }
0x3e2: {  	_ = 	snop  }
.LBB2_42:
.Ltmp34:
0x3e3: {  	(pc) =	sbr.rel .LBB2_46-.Ltmp34, $2  }
0x3e4: {  	_ =	sdelay $0x2  }
0x3e5: {  	s7 =	simm.s32 $0x2440  }
.LBB2_44:
.Ltmp35:
0x3e6: {  	(pc) =	sbr.rel .LBB2_46-.Ltmp35, $2  }
0x3e7: {  	_ =	sdelay $0x2  }
0x3e8: {  	s7 =	simm.s32 $0x2440  }
.LBB2_47:
0x3e9: {  	p1 =	slt.s32 s9, $0x40  }
.Ltmp36:
0x3ea: {  	_ = 	snop;
	(pc) =	sbr.rel @!p1 .LBB2_48-.Ltmp36, $1  }
0x3eb: {  	_ =	sdelay $0x3  }
.Ltmp37:
0x3ec: {  	(pc) =	sbr.rel .LBB2_50-.Ltmp37, $2  }
0x3ed: {  	_ =	sdelay $0x2  }
0x3ee: {  	p1 =	por $0x0, $0x0;
	s30 =	simm.s32 $0x0  }
.LBB2_9:
.Ltmp38:
0x3ef: {  	(pc) =	sbr.rel .LBB2_13-.Ltmp38, $2  }
0x3f0: {  	_ =	sdelay $0x2  }
0x3f1: {  	s12 =	simm.s32 $0x2440  }
.LBB2_11:
.Ltmp39:
0x3f2: {  	(pc) =	sbr.rel .LBB2_13-.Ltmp39, $2  }
0x3f3: {  	_ =	sdelay $0x2  }
0x3f4: {  	s12 =	simm.s32 $0x2440  }
.LBB2_32:
.Ltmp40:
0x3f5: {  	(pc) =	sbr.rel .LBB2_36-.Ltmp40, $2  }
0x3f6: {  	_ =	sdelay $0x2  }
0x3f7: {  	s12 =	simm.s32 $0x2440  }
.LBB2_34:
.Ltmp41:
0x3f8: {  	(pc) =	sbr.rel .LBB2_36-.Ltmp41, $2  }
0x3f9: {  	_ =	sdelay $0x2  }
0x3fa: {  	s12 =	simm.s32 $0x2440  }
.LBB2_51:
.Ltmp42:
0x3fb: {  	(pc) =	sbr.rel @!p1 .LBB2_61-.Ltmp42, $2  }
0x3fc: {  	_ =	sdelay $0x2  }
0x3fd: {  	s0 =	simm.s32 $0x0  }
0x3fe: {  	_ =	swait.ge [sflag:s29], $0x4000  }
0x3ff: {  	[sflag:s29] =	ssyncset.done $0x0  }
0x400: {  	s0 =	simm.s32 $0x2400;
	[sflag:s29] =	ssyncadd.s32 $0xFFFFC000  }
0x401: {  	v8 =	vld [tilespmem:s0+$0x0];
	_ =	sdelay $0x4  }
0x402: {  	(v2sf) =	vpush v8, $0x0;
	_ =	sdelay $0xd  }
0x403: {  	s1 =	simm.s32 $0x0  }
0x404: {  	s7 =	sand.u32 $0x380, s1;
	s8 =	spop (v2sf)  }
0x405: {  	s11 =	sand.u32 $0x3800, s1;
	s10 =	sshll.u32 s8, $0x8;
	s8 =	sshll.u32 s8, $0x7  }
0x406: {  	s31 =	sor.u32 s7, s11;
	s10 =	sand.u32 $0xFFFFF800, s10;
	s12 =	sand.u32 $0x380, s8  }
0x407: {  	v8 =	vld [tilespmem:s31+$0x2A00];
	s7 =	sor.u32 s12, s10  }
0x408: {  	v9 =	vld [tilespmem:s7+$0xAA00];
	_ =	sdelay $0x4  }
0x409: {  	v8 =	vadd.f32 v8, v9;
	_ =	sdelay $0x1  }
0x40a: {  	[tilespmem:s7+$0xAA00] =	vst v8;
	v8 =	vld [tilespmem:s7+$0xAA10]  }
0x40b: {  	v9 =	vld [tilespmem:s31+$0x2A10];
	_ =	sdelay $0x4  }
0x40c: {  	v8 =	vadd.f32 v9, v8;
	_ =	sdelay $0x1  }
0x40d: {  	[tilespmem:s7+$0xAA10] =	vst v8;
	v8 =	vld [tilespmem:s7+$0xAA20]  }
0x40e: {  	v9 =	vld [tilespmem:s31+$0x2A20];
	_ =	sdelay $0x4  }
0x40f: {  	v8 =	vadd.f32 v9, v8;
	_ =	sdelay $0x1  }
0x410: {  	[tilespmem:s7+$0xAA20] =	vst v8;
	v8 =	vld [tilespmem:s7+$0xAA30]  }
0x411: {  	v9 =	vld [tilespmem:s31+$0x2A30];
	_ =	sdelay $0x4  }
0x412: {  	v8 =	vadd.f32 v9, v8;
	_ =	sdelay $0x1  }
0x413: {  	[tilespmem:s7+$0xAA30] =	vst v8;
	v8 =	vld [tilespmem:s7+$0xAA40]  }
0x414: {  	v9 =	vld [tilespmem:s31+$0x2A40];
	_ =	sdelay $0x4  }
0x415: {  	v8 =	vadd.f32 v9, v8;
	_ =	sdelay $0x1  }
0x416: {  	[tilespmem:s7+$0xAA40] =	vst v8;
	v8 =	vld [tilespmem:s7+$0xAA50]  }
0x417: {  	v9 =	vld [tilespmem:s31+$0x2A50];
	_ =	sdelay $0x4  }
0x418: {  	v8 =	vadd.f32 v9, v8;
	_ =	sdelay $0x1  }
0x419: {  	[tilespmem:s7+$0xAA50] =	vst v8;
	v8 =	vld [tilespmem:s7+$0xAA60]  }
0x41a: {  	v9 =	vld [tilespmem:s31+$0x2A60];
	_ =	sdelay $0x4  }
0x41b: {  	v8 =	vadd.f32 v9, v8;
	_ =	sdelay $0x1  }
0x41c: {  	[tilespmem:s7+$0xAA60] =	vst v8;
	v8 =	vld [tilespmem:s7+$0xAA70]  }
0x41d: {  	v9 =	vld [tilespmem:s31+$0x2A70];
	_ =	sdelay $0x4  }
0x41e: {  	v8 =	vadd.f32 v9, v8;
	_ =	sdelay $0x1  }
0x41f: {  	[tilespmem:s7+$0xAA70] =	vst v8;
	v8 =	vld [tilespmem:s7+$0xAE00]  }
0x420: {  	v9 =	vld [tilespmem:s31+$0x2E00];
	_ =	sdelay $0x4  }
0x421: {  	v8 =	vadd.f32 v9, v8;
	_ =	sdelay $0x1  }
0x422: {  	[tilespmem:s7+$0xAE00] =	vst v8;
	v8 =	vld [tilespmem:s7+$0xAE10]  }
0x423: {  	v9 =	vld [tilespmem:s31+$0x2E10];
	_ =	sdelay $0x4  }
0x424: {  	v8 =	vadd.f32 v9, v8;
	_ =	sdelay $0x1  }
0x425: {  	[tilespmem:s7+$0xAE10] =	vst v8;
	v8 =	vld [tilespmem:s7+$0xAE20]  }
0x426: {  	v9 =	vld [tilespmem:s31+$0x2E20];
	_ =	sdelay $0x4  }
0x427: {  	v8 =	vadd.f32 v9, v8;
	_ =	sdelay $0x1  }
0x428: {  	[tilespmem:s7+$0xAE20] =	vst v8;
	v8 =	vld [tilespmem:s7+$0xAE30]  }
0x429: {  	v9 =	vld [tilespmem:s31+$0x2E30];
	_ =	sdelay $0x4  }
0x42a: {  	v8 =	vadd.f32 v9, v8;
	_ =	sdelay $0x1  }
0x42b: {  	[tilespmem:s7+$0xAE30] =	vst v8;
	v8 =	vld [tilespmem:s7+$0xAE40]  }
0x42c: {  	v9 =	vld [tilespmem:s31+$0x2E40];
	_ =	sdelay $0x4  }
0x42d: {  	v8 =	vadd.f32 v9, v8;
	_ =	sdelay $0x1  }
0x42e: {  	[tilespmem:s7+$0xAE40] =	vst v8;
	v8 =	vld [tilespmem:s7+$0xAE50]  }
0x42f: {  	v9 =	vld [tilespmem:s31+$0x2E50];
	_ =	sdelay $0x4  }
0x430: {  	v8 =	vadd.f32 v9, v8;
	_ =	sdelay $0x1  }
0x431: {  	[tilespmem:s7+$0xAE50] =	vst v8;
	v8 =	vld [tilespmem:s7+$0xAE60]  }
0x432: {  	v9 =	vld [tilespmem:s31+$0x2E60];
	_ =	sdelay $0x4  }
0x433: {  	v8 =	vadd.f32 v9, v8;
	_ =	sdelay $0x1  }
0x434: {  	[tilespmem:s7+$0xAE60] =	vst v8;
	v8 =	vld [tilespmem:s7+$0xAE70]  }
0x435: {  	v9 =	vld [tilespmem:s31+$0x2E70];
	_ =	sdelay $0x4  }
0x436: {  	s8 =	simm.s32 $0x100;
	v8 =	vadd.f32 v9, v8  }
.LBB2_53:
0x437: {  	p1 =	sne.s32 s8, $0x3F00;
	s1 =	sadd.s32 $0x80, s1;
	s0 =	sadd.s32 $0x1, s0  }
0x438: {  	[tilespmem:s7+$0xAE70] =	vst v8;
	s7 =	smov.u32 s8;
	s8 =	sadd.s32 $0x100, s8  }
0x439: {  	v8 =	vld [tilespmem:s0+$0x0];
	_ =	sdelay $0x4  }
0x43a: {  	(v2sf) =	vpush v8, $0x0;
	_ =	sdelay $0xe  }
0x43b: {  	s10 =	sand.u32 $0x380, s1;
	s11 =	spop (v2sf)  }
0x43c: {  	s7 =	sand.u32 $0x3800, s7;
	s12 =	sshll.u32 s11, $0x8;
	s11 =	sshll.u32 s11, $0x7  }
0x43d: {  	s10 =	sor.u32 s10, s7;
	s12 =	sand.u32 $0xFFFFF800, s12;
	s11 =	sand.u32 $0x380, s11  }
0x43e: {  	s7 =	sor.u32 s11, s12;
	v8 =	vld [tilespmem:s10+$0x2A00]  }
0x43f: {  	v9 =	vld [tilespmem:s7+$0xAA00];
	_ =	sdelay $0x4  }
0x440: {  	v8 =	vadd.f32 v8, v9;
	_ =	sdelay $0x1  }
0x441: {  	[tilespmem:s7+$0xAA00] =	vst v8;
	v8 =	vld [tilespmem:s7+$0xAA10]  }
0x442: {  	v9 =	vld [tilespmem:s10+$0x2A10];
	_ =	sdelay $0x4  }
0x443: {  	v8 =	vadd.f32 v9, v8;
	_ =	sdelay $0x1  }
0x444: {  	[tilespmem:s7+$0xAA10] =	vst v8;
	v8 =	vld [tilespmem:s7+$0xAA20]  }
0x445: {  	v9 =	vld [tilespmem:s10+$0x2A20];
	_ =	sdelay $0x4  }
0x446: {  	v8 =	vadd.f32 v9, v8;
	_ =	sdelay $0x1  }
0x447: {  	[tilespmem:s7+$0xAA20] =	vst v8;
	v8 =	vld [tilespmem:s7+$0xAA30]  }
0x448: {  	v9 =	vld [tilespmem:s10+$0x2A30];
	_ =	sdelay $0x4  }
0x449: {  	v8 =	vadd.f32 v9, v8;
	_ =	sdelay $0x1  }
0x44a: {  	[tilespmem:s7+$0xAA30] =	vst v8;
	v8 =	vld [tilespmem:s7+$0xAA40]  }
0x44b: {  	v9 =	vld [tilespmem:s10+$0x2A40];
	_ =	sdelay $0x4  }
0x44c: {  	v8 =	vadd.f32 v9, v8;
	_ =	sdelay $0x1  }
0x44d: {  	[tilespmem:s7+$0xAA40] =	vst v8;
	v8 =	vld [tilespmem:s7+$0xAA50]  }
0x44e: {  	v9 =	vld [tilespmem:s10+$0x2A50];
	_ =	sdelay $0x4  }
0x44f: {  	v8 =	vadd.f32 v9, v8;
	_ =	sdelay $0x1  }
0x450: {  	[tilespmem:s7+$0xAA50] =	vst v8;
	v8 =	vld [tilespmem:s7+$0xAA60]  }
0x451: {  	v9 =	vld [tilespmem:s10+$0x2A60];
	_ =	sdelay $0x4  }
0x452: {  	v8 =	vadd.f32 v9, v8;
	_ =	sdelay $0x1  }
0x453: {  	[tilespmem:s7+$0xAA60] =	vst v8;
	v8 =	vld [tilespmem:s7+$0xAA70]  }
0x454: {  	v9 =	vld [tilespmem:s10+$0x2A70];
	_ =	sdelay $0x4  }
0x455: {  	v8 =	vadd.f32 v9, v8;
	_ =	sdelay $0x1  }
0x456: {  	[tilespmem:s7+$0xAA70] =	vst v8;
	v8 =	vld [tilespmem:s7+$0xAE00]  }
0x457: {  	v9 =	vld [tilespmem:s10+$0x2E00];
	_ =	sdelay $0x4  }
0x458: {  	v8 =	vadd.f32 v9, v8;
	_ =	sdelay $0x1  }
0x459: {  	[tilespmem:s7+$0xAE00] =	vst v8;
	v8 =	vld [tilespmem:s7+$0xAE10]  }
0x45a: {  	v9 =	vld [tilespmem:s10+$0x2E10];
	_ =	sdelay $0x4  }
0x45b: {  	v8 =	vadd.f32 v9, v8;
	_ =	sdelay $0x1  }
0x45c: {  	[tilespmem:s7+$0xAE10] =	vst v8;
	v8 =	vld [tilespmem:s7+$0xAE20]  }
0x45d: {  	v9 =	vld [tilespmem:s10+$0x2E20];
	_ =	sdelay $0x4  }
0x45e: {  	v8 =	vadd.f32 v9, v8;
	_ =	sdelay $0x1  }
0x45f: {  	[tilespmem:s7+$0xAE20] =	vst v8;
	v8 =	vld [tilespmem:s7+$0xAE30]  }
0x460: {  	v9 =	vld [tilespmem:s10+$0x2E30];
	_ =	sdelay $0x4  }
0x461: {  	v8 =	vadd.f32 v9, v8;
	_ =	sdelay $0x1  }
0x462: {  	[tilespmem:s7+$0xAE30] =	vst v8;
	v8 =	vld [tilespmem:s7+$0xAE40]  }
0x463: {  	v9 =	vld [tilespmem:s10+$0x2E40];
	_ =	sdelay $0x4  }
0x464: {  	v8 =	vadd.f32 v9, v8;
	_ =	sdelay $0x1  }
0x465: {  	[tilespmem:s7+$0xAE40] =	vst v8;
	v8 =	vld [tilespmem:s7+$0xAE50]  }
0x466: {  	v9 =	vld [tilespmem:s10+$0x2E50];
	_ =	sdelay $0x4  }
0x467: {  	v8 =	vadd.f32 v9, v8;
	_ =	sdelay $0x1  }
0x468: {  	[tilespmem:s7+$0xAE50] =	vst v8;
	v8 =	vld [tilespmem:s7+$0xAE60]  }
0x469: {  	v9 =	vld [tilespmem:s10+$0x2E60];
	_ =	sdelay $0x4  }
0x46a: {  	v8 =	vadd.f32 v9, v8;
	_ =	sdelay $0x1  }
0x46b: {  	[tilespmem:s7+$0xAE60] =	vst v8;
	v8 =	vld [tilespmem:s7+$0xAE70]  }
0x46c: {  	v9 =	vld [tilespmem:s10+$0x2E70]  }
.Ltmp43:
0x46d: {  	(pc) =	sbr.rel @p1 .LBB2_53-.Ltmp43, $2  }
0x46e: {  	_ =	sdelay $0x2  }
0x46f: {  	v8 =	vadd.f32 v9, v8  }
0x470: {  	p1 =	seq.s32 s9, $0x40  }
.Ltmp44:
0x471: {  	_ = 	snop;
	(pc) =	sbr.rel @p1 .LBB2_61-.Ltmp44, $2  }
0x472: {  	_ =	sdelay $0x2  }
0x473: {  	s0 =	simm.s32 $0xFFFFFFC0;
	[tilespmem:s7+$0xAE70] =	vst v8  }
0x474: {  	s1 =	sadd.s32 $0xFFFFFFCF, s9  }
0x475: {  	s1 =	sshrl.u32 s1, $0x4  }
0x476: {  	s8 =	smax.u32 s1, $0x1  }
0x477: {  	p2 =	sne.s32 s8, $0x1  }
.Ltmp45:
0x478: {  	_ = 	snop;
	(pc) =	sbr.rel @!p2 .LBB2_56-.Ltmp45, $3  }
0x479: {  	_ =	sdelay $0x1  }
0x47a: {  	s7 =	simm.s32 $0x1E40  }
0x47b: {  	p1 =	por $0x0, $0x0;
	v8 =	vld [tilespmem:s7+$0x0];
	s1 =	simm.s32 $0x2440;
	s8 =	sadd.s32 $0xFFFFFFFF, s8  }
0x47c: {  	_ =	sdelay $0x3  }
0x47d: {  	[tilespmem:s7+$0xFFFFFFC0] =	vst v8  }
0x47e: {  	v8 =	vld [tilespmem:s1+$0x0]  }
0x47f: {  	p2 =	sne.s32 s8, $0x1  }
.Ltmp46:
0x480: {  	_ = 	snop;
	(pc) =	sbr.rel @!p2 .LBB2_58-.Ltmp46, $3  }
0x481: {  	_ =	sdelay $0x1  }
0x482: {  	s7 =	simm.s32 $0x1E50;
	[tilespmem:s1+$0xFFFFFFC0] =	vst v8  }
0x483: {  	s10 =	sadd.s32 $0xFFFFFFFF, s8;
	p1 =	por $0x1, $0x1;
	s8 =	simm.s32 $0x2440;
	v8 =	vld [tilespmem:s7+$0x0]  }
.LBB2_59:
0x484: {  	p2 =	sne.s32 s10, $0x1;
	_ =	sdelay $0x3  }
0x485: {  	s8 =	sadd.s32 $0x10, s8;
	[tilespmem:s7+$0xFFFFFFC0] =	vst v8  }
0x486: {  	v8 =	vld [tilespmem:s8+$0x0];
	_ =	sdelay $0x1  }
.Ltmp47:
0x487: {  	(pc) =	sbr.rel @p2 .LBB2_59-.Ltmp47, $3  }
0x488: {  	_ =	sdelay $0x1  }
0x489: {  	s7 =	sadd.s32 $0x10, s7;
	[tilespmem:s8+$0xFFFFFFC0] =	vst v8  }
0x48a: {  	s10 =	sadd.s32 $0xFFFFFFFF, s10;
	v8 =	vld [tilespmem:s7+$0x0]  }
.LBB2_60:
0x48b: {  	_ =	sdelay $0x2  }
0x48c: {  	s8 =	sadd.s32 @p1 $0x10, s8  }
0x48d: {  	s1 =	smov.u32 @p1 s8;
	[tilespmem:s7+$0xFFFFFFC0] =	vst v8  }
0x48e: {  	v8 =	vld [tilespmem:s1+$0x0];
	_ =	sdelay $0x4  }
0x48f: {  	[tilespmem:s1+$0xFFFFFFC0] =	vst v8  }
.LBB2_61:
0x490: {  	s8 =	sadd.s32 s9, s0  }
0x491: {  	p1 =	slt.s32 s8, $0x1  }
.Ltmp48:
0x492: {  	_ = 	snop;
	(pc) =	sbr.rel @p1 .LBB2_65-.Ltmp48, $2  }
0x493: {  	_ =	sdelay $0x2  }
0x494: {  	s9 =	rddreg [dreg:$0x8]  }
0x495: {  	[tilespmem:s8+$0x1E00] =	vst v2  }
0x496: {  	[tilespmem:s8+$0x1E10] =	vst v5  }
0x497: {  	[tilespmem:s8+$0x1E20] =	vst v6  }
0x498: {  	[tilespmem:s8+$0x1E30] =	vst v7  }
0x499: {  	v8 =	vld [tilespmem:$0x1E00];
	_ =	sdelay $0x4  }
0x49a: {  	v9 =	vshll.u32 v8, $0x1  }
0x49b: {  	v8 =	vand.u32 $0x7, v8;
	v9 =	vand.u32 $0xFFFFFFF0, v9  }
0x49c: {  	v8 =	vor.u32 v8, v9  }
0x49d: {  	v9 =	vperm.xlane v8, v1;
	_ =	sdelay $0x1  }
0x49e: {  	v8 =	vperm.xlane v8, v4;
	v9 =	vadd.s32 v3, v9;
	_ =	sdelay $0x1  }
0x49f: {  	v8 =	vadd.s32 v3, v8;
	_ =	sdelay $0x1  }
0x4a0: {  	s0 =	simm.s32 $0x0;
	s1 =	simm.s32 $0x2A00  }
0x4a1: {  	[tilespmem:s1], [sflag:$0x1] =	stream.indirect_vreg.gather [hbm4b:s3+s0], $0x80, v9, vm0, $0xb8;
	[tilespmem:$0x1F200] =	vst v63  }
0x4a2: {  	s11 =	simm.s32 $0x3200  }
0x4a3: {  	[tilespmem:s11], [sflag:$0x1] =	stream.indirect_vreg.gather [hbm4b:s3+s0], $0x80, v8, vm0, $0xb8;
	[tilespmem:$0x1F200] =	vst v63  }
0x4a4: {  	v8 =	vld [tilespmem:$0x1E10];
	_ =	sdelay $0x4  }
0x4a5: {  	v9 =	vshll.u32 v8, $0x1  }
0x4a6: {  	v8 =	vand.u32 $0x7, v8;
	v9 =	vand.u32 $0xFFFFFFF0, v9  }
0x4a7: {  	v8 =	vor.u32 v8, v9  }
0x4a8: {  	v9 =	vperm.xlane v8, v1;
	_ =	sdelay $0x1  }
0x4a9: {  	v8 =	vperm.xlane v8, v4;
	v9 =	vadd.s32 v3, v9;
	_ =	sdelay $0x1  }
0x4aa: {  	v8 =	vadd.s32 v3, v8;
	_ =	sdelay $0x1  }
0x4ab: {  	s12 =	simm.s32 $0x3A00  }
0x4ac: {  	[tilespmem:s12], [sflag:$0x1] =	stream.indirect_vreg.gather [hbm4b:s3+s0], $0x80, v9, vm0, $0xb8;
	[tilespmem:$0x1F200] =	vst v63  }
0x4ad: {  	s13 =	simm.s32 $0x4200  }
0x4ae: {  	[tilespmem:s13], [sflag:$0x1] =	stream.indirect_vreg.gather [hbm4b:s3+s0], $0x80, v8, vm0, $0xb8;
	[tilespmem:$0x1F200] =	vst v63  }
0x4af: {  	v8 =	vld [tilespmem:$0x1E20];
	_ =	sdelay $0x4  }
0x4b0: {  	v9 =	vshll.u32 v8, $0x1  }
0x4b1: {  	v8 =	vand.u32 $0x7, v8;
	v9 =	vand.u32 $0xFFFFFFF0, v9  }
0x4b2: {  	v8 =	vor.u32 v8, v9  }
0x4b3: {  	v9 =	vperm.xlane v8, v1;
	_ =	sdelay $0x1  }
0x4b4: {  	v8 =	vperm.xlane v8, v4;
	v9 =	vadd.s32 v3, v9;
	_ =	sdelay $0x1  }
0x4b5: {  	v8 =	vadd.s32 v3, v8;
	_ =	sdelay $0x1  }
0x4b6: {  	s14 =	simm.s32 $0x4A00  }
0x4b7: {  	[tilespmem:s14], [sflag:$0x1] =	stream.indirect_vreg.gather [hbm4b:s3+s0], $0x80, v9, vm0, $0xb8;
	[tilespmem:$0x1F200] =	vst v63  }
0x4b8: {  	s15 =	simm.s32 $0x5200  }
0x4b9: {  	[tilespmem:s15], [sflag:$0x1] =	stream.indirect_vreg.gather [hbm4b:s3+s0], $0x80, v8, vm0, $0xb8;
	[tilespmem:$0x1F200] =	vst v63  }
0x4ba: {  	v8 =	vld [tilespmem:$0x1E30];
	_ =	sdelay $0x4  }
0x4bb: {  	v9 =	vshll.u32 v8, $0x1  }
0x4bc: {  	v8 =	vand.u32 $0x7, v8;
	v9 =	vand.u32 $0xFFFFFFF0, v9  }
0x4bd: {  	v8 =	vor.u32 v8, v9  }
0x4be: {  	v9 =	vperm.xlane v8, v1;
	_ =	sdelay $0x1  }
0x4bf: {  	v8 =	vperm.xlane v8, v4;
	v9 =	vadd.s32 v3, v9;
	_ =	sdelay $0x1  }
0x4c0: {  	v8 =	vadd.s32 v3, v8;
	_ =	sdelay $0x1  }
0x4c1: {  	s16 =	simm.s32 $0x5A00  }
0x4c2: {  	[tilespmem:s16], [sflag:$0x1] =	stream.indirect_vreg.gather [hbm4b:s3+s0], $0x80, v9, vm0, $0xb8;
	[tilespmem:$0x1F200] =	vst v63  }
0x4c3: {  	s30 =	simm.s32 $0x6200  }
0x4c4: {  	[tilespmem:s30], [sflag:$0x1] =	stream.indirect_vreg.gather [hbm4b:s3+s0], $0x80, v8, vm0, $0xb8;
	[tilespmem:$0x1F200] =	vst v63  }
0x4c5: {  	_ =	swait.ge [sflag:s29], $0x4000  }
0x4c6: {  	[sflag:s29] =	ssyncset.done $0x0  }
0x4c7: {  	s1 =	simm.s32 $0x2400;
	[sflag:s29] =	ssyncadd.s32 $0xFFFFC000  }
0x4c8: {  	v8 =	vld [tilespmem:s1+$0x0];
	_ =	sdelay $0x4  }
0x4c9: {  	(v2sf) =	vpush v8, $0x0;
	_ =	sdelay $0xe  }
0x4ca: {  	s7 =	sand.u32 $0x380, s0;
	s9 =	spop (v2sf)  }
0x4cb: {  	s11 =	sand.u32 $0xFFFFF800, s0;
	s10 =	sshll.u32 s9, $0x8;
	s9 =	sshll.u32 s9, $0x7  }
0x4cc: {  	s31 =	sor.u32 s7, s11;
	s10 =	sand.u32 $0xFFFFF800, s10;
	s12 =	sand.u32 $0x380, s9  }
0x4cd: {  	v8 =	vld [tilespmem:s31+$0x2A00];
	s7 =	sor.u32 s12, s10  }
0x4ce: {  	v9 =	vld [tilespmem:s7+$0xAA00];
	_ =	sdelay $0x4  }
0x4cf: {  	v8 =	vadd.f32 v8, v9;
	_ =	sdelay $0x1  }
0x4d0: {  	[tilespmem:s7+$0xAA00] =	vst v8;
	v8 =	vld [tilespmem:s7+$0xAA10]  }
0x4d1: {  	v9 =	vld [tilespmem:s31+$0x2A10];
	_ =	sdelay $0x4  }
0x4d2: {  	v8 =	vadd.f32 v9, v8;
	_ =	sdelay $0x1  }
0x4d3: {  	[tilespmem:s7+$0xAA10] =	vst v8;
	v8 =	vld [tilespmem:s7+$0xAA20]  }
0x4d4: {  	v9 =	vld [tilespmem:s31+$0x2A20];
	_ =	sdelay $0x4  }
0x4d5: {  	v8 =	vadd.f32 v9, v8;
	_ =	sdelay $0x1  }
0x4d6: {  	[tilespmem:s7+$0xAA20] =	vst v8;
	v8 =	vld [tilespmem:s7+$0xAA30]  }
0x4d7: {  	v9 =	vld [tilespmem:s31+$0x2A30];
	_ =	sdelay $0x4  }
0x4d8: {  	v8 =	vadd.f32 v9, v8;
	_ =	sdelay $0x1  }
0x4d9: {  	[tilespmem:s7+$0xAA30] =	vst v8;
	v8 =	vld [tilespmem:s7+$0xAA40]  }
0x4da: {  	v9 =	vld [tilespmem:s31+$0x2A40];
	_ =	sdelay $0x4  }
0x4db: {  	v8 =	vadd.f32 v9, v8;
	_ =	sdelay $0x1  }
0x4dc: {  	[tilespmem:s7+$0xAA40] =	vst v8;
	v8 =	vld [tilespmem:s7+$0xAA50]  }
0x4dd: {  	v9 =	vld [tilespmem:s31+$0x2A50];
	_ =	sdelay $0x4  }
0x4de: {  	v8 =	vadd.f32 v9, v8;
	_ =	sdelay $0x1  }
0x4df: {  	[tilespmem:s7+$0xAA50] =	vst v8;
	v8 =	vld [tilespmem:s7+$0xAA60]  }
0x4e0: {  	v9 =	vld [tilespmem:s31+$0x2A60];
	_ =	sdelay $0x4  }
0x4e1: {  	v8 =	vadd.f32 v9, v8;
	_ =	sdelay $0x1  }
0x4e2: {  	[tilespmem:s7+$0xAA60] =	vst v8;
	v8 =	vld [tilespmem:s7+$0xAA70]  }
0x4e3: {  	v9 =	vld [tilespmem:s31+$0x2A70];
	_ =	sdelay $0x4  }
0x4e4: {  	v8 =	vadd.f32 v9, v8;
	_ =	sdelay $0x1  }
0x4e5: {  	[tilespmem:s7+$0xAA70] =	vst v8;
	v8 =	vld [tilespmem:s7+$0xAE00]  }
0x4e6: {  	v9 =	vld [tilespmem:s31+$0x2E00];
	_ =	sdelay $0x4  }
0x4e7: {  	v8 =	vadd.f32 v9, v8;
	_ =	sdelay $0x1  }
0x4e8: {  	[tilespmem:s7+$0xAE00] =	vst v8;
	v8 =	vld [tilespmem:s7+$0xAE10]  }
0x4e9: {  	v9 =	vld [tilespmem:s31+$0x2E10];
	_ =	sdelay $0x4  }
0x4ea: {  	v8 =	vadd.f32 v9, v8;
	_ =	sdelay $0x1  }
0x4eb: {  	[tilespmem:s7+$0xAE10] =	vst v8;
	v8 =	vld [tilespmem:s7+$0xAE20]  }
0x4ec: {  	v9 =	vld [tilespmem:s31+$0x2E20];
	_ =	sdelay $0x4  }
0x4ed: {  	v8 =	vadd.f32 v9, v8;
	_ =	sdelay $0x1  }
0x4ee: {  	[tilespmem:s7+$0xAE20] =	vst v8;
	v8 =	vld [tilespmem:s7+$0xAE30]  }
0x4ef: {  	v9 =	vld [tilespmem:s31+$0x2E30];
	_ =	sdelay $0x4  }
0x4f0: {  	v8 =	vadd.f32 v9, v8;
	_ =	sdelay $0x1  }
0x4f1: {  	[tilespmem:s7+$0xAE30] =	vst v8;
	v8 =	vld [tilespmem:s7+$0xAE40]  }
0x4f2: {  	v9 =	vld [tilespmem:s31+$0x2E40];
	_ =	sdelay $0x4  }
0x4f3: {  	v8 =	vadd.f32 v9, v8;
	_ =	sdelay $0x1  }
0x4f4: {  	[tilespmem:s7+$0xAE40] =	vst v8;
	v8 =	vld [tilespmem:s7+$0xAE50]  }
0x4f5: {  	v9 =	vld [tilespmem:s31+$0x2E50];
	_ =	sdelay $0x4  }
0x4f6: {  	v8 =	vadd.f32 v9, v8;
	_ =	sdelay $0x1  }
0x4f7: {  	[tilespmem:s7+$0xAE50] =	vst v8;
	v8 =	vld [tilespmem:s7+$0xAE60]  }
0x4f8: {  	v9 =	vld [tilespmem:s31+$0x2E60];
	_ =	sdelay $0x4  }
0x4f9: {  	v8 =	vadd.f32 v9, v8;
	_ =	sdelay $0x1  }
0x4fa: {  	[tilespmem:s7+$0xAE60] =	vst v8;
	v8 =	vld [tilespmem:s7+$0xAE70]  }
0x4fb: {  	v9 =	vld [tilespmem:s31+$0x2E70]  }
0x4fc: {  	p1 =	sne.s32 s8, $0x1  }
.Ltmp49:
0x4fd: {  	_ = 	snop;
	(pc) =	sbr.rel @!p1 .LBB2_64-.Ltmp49, $3  }
0x4fe: {  	_ =	sdelay $0x1  }
0x4ff: {  	v8 =	vadd.f32 v9, v8  }
0x500: {  	s9 =	sadd.s32 $0xFFFFFFFF, s8;
	s10 =	simm.s32 $0x0  }
.LBB2_63:
0x501: {  	s0 =	sadd.s32 $0x80, s0;
	s10 =	sadd.s32 $0x100, s10;
	s1 =	sadd.s32 $0x1, s1  }
0x502: {  	p1 =	sne.s32 s9, $0x1;
	s9 =	sadd.s32 $0xFFFFFFFF, s9;
	[tilespmem:s7+$0xAE70] =	vst v8  }
0x503: {  	v8 =	vld [tilespmem:s1+$0x0];
	_ =	sdelay $0x4  }
0x504: {  	(v2sf) =	vpush v8, $0x0;
	_ =	sdelay $0xe  }
0x505: {  	s7 =	sand.u32 $0x380, s0;
	s8 =	spop (v2sf)  }
0x506: {  	s12 =	sand.u32 $0xFFFFF800, s10;
	s11 =	sshll.u32 s8, $0x8;
	s8 =	sshll.u32 s8, $0x7  }
0x507: {  	s11 =	sand.u32 $0xFFFFF800, s11;
	s13 =	sand.u32 $0x380, s8;
	s8 =	sor.u32 s7, s12  }
0x508: {  	s7 =	sor.u32 s13, s11;
	v8 =	vld [tilespmem:s8+$0x2A00]  }
0x509: {  	v9 =	vld [tilespmem:s7+$0xAA00];
	_ =	sdelay $0x4  }
0x50a: {  	v8 =	vadd.f32 v8, v9;
	_ =	sdelay $0x1  }
0x50b: {  	[tilespmem:s7+$0xAA00] =	vst v8;
	v8 =	vld [tilespmem:s7+$0xAA10]  }
0x50c: {  	v9 =	vld [tilespmem:s8+$0x2A10];
	_ =	sdelay $0x4  }
0x50d: {  	v8 =	vadd.f32 v9, v8;
	_ =	sdelay $0x1  }
0x50e: {  	[tilespmem:s7+$0xAA10] =	vst v8;
	v8 =	vld [tilespmem:s7+$0xAA20]  }
0x50f: {  	v9 =	vld [tilespmem:s8+$0x2A20];
	_ =	sdelay $0x4  }
0x510: {  	v8 =	vadd.f32 v9, v8;
	_ =	sdelay $0x1  }
0x511: {  	[tilespmem:s7+$0xAA20] =	vst v8;
	v8 =	vld [tilespmem:s7+$0xAA30]  }
0x512: {  	v9 =	vld [tilespmem:s8+$0x2A30];
	_ =	sdelay $0x4  }
0x513: {  	v8 =	vadd.f32 v9, v8;
	_ =	sdelay $0x1  }
0x514: {  	[tilespmem:s7+$0xAA30] =	vst v8;
	v8 =	vld [tilespmem:s7+$0xAA40]  }
0x515: {  	v9 =	vld [tilespmem:s8+$0x2A40];
	_ =	sdelay $0x4  }
0x516: {  	v8 =	vadd.f32 v9, v8;
	_ =	sdelay $0x1  }
0x517: {  	[tilespmem:s7+$0xAA40] =	vst v8;
	v8 =	vld [tilespmem:s7+$0xAA50]  }
0x518: {  	v9 =	vld [tilespmem:s8+$0x2A50];
	_ =	sdelay $0x4  }
0x519: {  	v8 =	vadd.f32 v9, v8;
	_ =	sdelay $0x1  }
0x51a: {  	[tilespmem:s7+$0xAA50] =	vst v8;
	v8 =	vld [tilespmem:s7+$0xAA60]  }
0x51b: {  	v9 =	vld [tilespmem:s8+$0x2A60];
	_ =	sdelay $0x4  }
0x51c: {  	v8 =	vadd.f32 v9, v8;
	_ =	sdelay $0x1  }
0x51d: {  	[tilespmem:s7+$0xAA60] =	vst v8;
	v8 =	vld [tilespmem:s7+$0xAA70]  }
0x51e: {  	v9 =	vld [tilespmem:s8+$0x2A70];
	_ =	sdelay $0x4  }
0x51f: {  	v8 =	vadd.f32 v9, v8;
	_ =	sdelay $0x1  }
0x520: {  	[tilespmem:s7+$0xAA70] =	vst v8;
	v8 =	vld [tilespmem:s7+$0xAE00]  }
0x521: {  	v9 =	vld [tilespmem:s8+$0x2E00];
	_ =	sdelay $0x4  }
0x522: {  	v8 =	vadd.f32 v9, v8;
	_ =	sdelay $0x1  }
0x523: {  	[tilespmem:s7+$0xAE00] =	vst v8;
	v8 =	vld [tilespmem:s7+$0xAE10]  }
0x524: {  	v9 =	vld [tilespmem:s8+$0x2E10];
	_ =	sdelay $0x4  }
0x525: {  	v8 =	vadd.f32 v9, v8;
	_ =	sdelay $0x1  }
0x526: {  	[tilespmem:s7+$0xAE10] =	vst v8;
	v8 =	vld [tilespmem:s7+$0xAE20]  }
0x527: {  	v9 =	vld [tilespmem:s8+$0x2E20];
	_ =	sdelay $0x4  }
0x528: {  	v8 =	vadd.f32 v9, v8;
	_ =	sdelay $0x1  }
0x529: {  	[tilespmem:s7+$0xAE20] =	vst v8;
	v8 =	vld [tilespmem:s7+$0xAE30]  }
0x52a: {  	v9 =	vld [tilespmem:s8+$0x2E30];
	_ =	sdelay $0x4  }
0x52b: {  	v8 =	vadd.f32 v9, v8;
	_ =	sdelay $0x1  }
0x52c: {  	[tilespmem:s7+$0xAE30] =	vst v8;
	v8 =	vld [tilespmem:s7+$0xAE40]  }
0x52d: {  	v9 =	vld [tilespmem:s8+$0x2E40];
	_ =	sdelay $0x4  }
0x52e: {  	v8 =	vadd.f32 v9, v8;
	_ =	sdelay $0x1  }
0x52f: {  	[tilespmem:s7+$0xAE40] =	vst v8;
	v8 =	vld [tilespmem:s7+$0xAE50]  }
0x530: {  	v9 =	vld [tilespmem:s8+$0x2E50];
	_ =	sdelay $0x4  }
0x531: {  	v8 =	vadd.f32 v9, v8;
	_ =	sdelay $0x1  }
0x532: {  	[tilespmem:s7+$0xAE50] =	vst v8;
	v8 =	vld [tilespmem:s7+$0xAE60]  }
0x533: {  	v9 =	vld [tilespmem:s8+$0x2E60];
	_ =	sdelay $0x4  }
0x534: {  	v8 =	vadd.f32 v9, v8;
	_ =	sdelay $0x1  }
0x535: {  	[tilespmem:s7+$0xAE60] =	vst v8;
	v8 =	vld [tilespmem:s7+$0xAE70]  }
0x536: {  	v9 =	vld [tilespmem:s8+$0x2E70]  }
.Ltmp50:
0x537: {  	(pc) =	sbr.rel @p1 .LBB2_63-.Ltmp50, $2  }
0x538: {  	_ =	sdelay $0x2  }
0x539: {  	v8 =	vadd.f32 v9, v8  }
.Ltmp51:
0x53a: {  	_ = 	snop;
	(pc) =	sbr.rel .LBB2_64-.Ltmp51, $1  }
0x53b: {  	_ =	sdelay $0x3  }
.LBB2_56:
.Ltmp52:
0x53c: {  	(pc) =	sbr.rel .LBB2_60-.Ltmp52, $2  }
0x53d: {  	_ =	sdelay $0x2  }
0x53e: {  	s8 =	simm.s32 $0x2440  }
.LBB2_58:
.Ltmp53:
0x53f: {  	(pc) =	sbr.rel .LBB2_60-.Ltmp53, $2  }
0x540: {  	_ =	sdelay $0x2  }
0x541: {  	s8 =	simm.s32 $0x2440  }
.LBB2_66:
0x542: {  	_ =	sfence.sel $0x180000  }
0x543: {  	[bflag:$0x0] =	sbarrier.arrive $0xFFFF  }
0x544: {  	_ =	strace $0x90000047  }
0x545: {  	s0 =	stileid.u32;
	[bflag:$0x2] =	sbarrier.arrive $0xFFFF  }
0x546: {  	p0 =	sne.s32 s0, $0x0;
	s0 =	rddreg [dreg:$0x2]  }
0x547: {  	s0 =	sadd.s32 @!p0 $0x100000, s0  }
0x548: {  	[sflag:s0] =	ssyncadd.tile.s32 @!p0 $0x1;
	_ =	shalt  }
.Lfunc_end2:
_tile_overlayer_lowered:
.L_overlay_start_2:
0x549: {  	(tag) =	ssettag $0x2  }
0x54a: {  	s0 =	rddreg [dreg:$0x0];
	s2 =	stileid.u32  }
0x54b: {  	s1 =	rddreg [dreg:$0x1];
	p0 =	sne.s32 s2, $0x0  }
0x54c: {  	s3 =	rddreg [dreg:$0x2];
	[bflag:$0x3] =	sbarrier.arrive $0xFFFF;
	s2 =	simm.s32 @!p0 $0x1C05  }
0x54d: {  	[timem:s3], [sflag:s2] =	dma.local @!p0 [hbm:s0], s1  }
0x54e: {  	s0 =	simm.s32 @!p0 $0x5  }
0x54f: {  	_ =	swait.ge @!p0 [sflag:s0], s1  }
0x550: {  	s1 =	ssub.s32 @!p0 $0x0, s1;
	[sflag:s0] =	ssyncset.done @!p0 $0x0  }
0x551: {  	[sflag:s0] =	ssyncadd.s32 @!p0 s1  }
0x552: {  	[bflag:$0x3] =	sbarrier.arrive $0xFFFF  }
0x553: {  	_ =	shalt  }

</sc_bundles>
